<compile_context>
chip_gen: v7x
topology: tpu7x:2x2x1
jax: 0.10.2.dev20260603
libtpu: 0.0.44.dev20260713+nightly
codegen_flags: <defaults>
</compile_context>

<pallas_src>
import functools

import jax
import jax.numpy as jnp
from jax import lax
from jax.experimental import pallas as pl
from jax.experimental.pallas import tpu as pltpu
from jax.experimental.pallas import tpu_sc as plsc

_N = 10000
_E = 320000
_IN_C = 128
_HID = 8
_H1 = 8
_OUT_C = 40

_NC = 2
_NS = 16
_L = 16
_NW = _NC * _NS

_RW1 = 80
_RW2 = 48
_ADW = 16

_CHUNK = 80
_EW = _E // _NW
_NCHUNK = _EW // _CHUNK
_NP = 10240
_RPS = _NP // _NS


def _make_edge_kernel(rw, nj, layer):
  mesh = plsc.VectorSubcoreMesh(core_axis_name="c", subcore_axis_name="s")

  @functools.partial(
      pl.kernel,
      mesh=mesh,
      out_type=jax.ShapeDtypeStruct((_NC, _NP, rw), jnp.float32),
      compiler_params=pltpu.CompilerParams(needs_layout_passes=False,
                                           use_tc_tiling_on_sc=False),
      scratch_types=[
          [pltpu.VMEM((_CHUNK,), jnp.int32)] * 2,
          [pltpu.VMEM((_CHUNK,), jnp.int32)] * 2,
          [pltpu.VMEM((_CHUNK, rw), jnp.float32)] * 2,
          [pltpu.VMEM((_CHUNK, _ADW), jnp.float32)] * 2,
          [pltpu.VMEM((_CHUNK,), jnp.int32)] * 2,
          pltpu.VMEM((_RPS // 5, rw), jnp.float32),
          pltpu.VMEM((_CHUNK * _L,), jnp.float32),
          pltpu.VMEM_SHARED((_NP, rw), jnp.float32),
          [pltpu.SemaphoreType.DMA] * 2,
          [pltpu.SemaphoreType.DMA] * 2,
          [pltpu.SemaphoreType.DMA] * 2,
          [pltpu.SemaphoreType.DMA] * 2,
      ],
  )
  def edge_kernel(table_hbm, ad_hbm, src_hbm, dst_hbm, acc_out,
                  sidx, didx, rows, adrows, sdidx, zslab, expab, acc,
                  isem, gsem, asem, ssem):
    cid = lax.axis_index("c")
    sid = lax.axis_index("s")
    wid = cid * _NS + sid

    lane = lax.iota(jnp.int32, _L)
    zero16 = jnp.zeros((_L,), jnp.float32)
    if layer == 1:
      hmask = lane < 8
    else:
      hmask = lane == 8

    zrows = _RPS // 5
    def zbody(r, _):
      for j in range(rw // _L):
        zslab[r, pl.ds(j * _L, _L)] = zero16
      return 0
    lax.fori_loop(0, zrows, zbody, 0)
    for k in range(5):
      pltpu.async_copy(zslab, acc.at[pl.ds(sid * _RPS + k * zrows, zrows)],
                       gsem[0])
    for k in range(5):
      pltpu.make_async_copy(
          zslab, acc.at[pl.ds(sid * _RPS + k * zrows, zrows)],
          gsem[0]).wait()
    plsc.subcore_barrier()

    ebase = wid * _EW

    def issue_idx(i, b):
      off = ebase + i * _CHUNK
      pltpu.async_copy(src_hbm.at[pl.ds(off, _CHUNK)], sidx[b], isem[b])
      pltpu.async_copy(dst_hbm.at[pl.ds(off, _CHUNK)], didx[b], isem[b])

    def wait_idx(i, b):
      off = ebase + i * _CHUNK
      pltpu.make_async_copy(src_hbm.at[pl.ds(off, _CHUNK)], sidx[b],
                            isem[b]).wait()
      pltpu.make_async_copy(dst_hbm.at[pl.ds(off, _CHUNK)], didx[b],
                            isem[b]).wait()

    def issue_gather(b):
      pltpu.async_copy(table_hbm.at[sidx[b]], rows[b], gsem[b])
      pltpu.async_copy(ad_hbm.at[didx[b]], adrows[b], asem[b])

    def wait_gather(b):
      pltpu.make_async_copy(table_hbm.at[sidx[b]], rows[b], gsem[b]).wait()
      pltpu.make_async_copy(ad_hbm.at[didx[b]], adrows[b], asem[b]).wait()

    def issue_scatter(b):
      pltpu.async_copy(rows[b], acc.at[sdidx[b]], ssem[b], add=True)

    def wait_scatter(b):
      pltpu.make_async_copy(rows[b], acc.at[sdidx[b]], ssem[b]).wait()

    def compute(b):
      @plsc.parallel_loop(0, _CHUNK, unroll=4)
      def edge_body(e):
        rb = rows[b]
        tail = rb[e, pl.ds(rw - _L, _L)]
        adv = adrows[b][e, pl.ds(0, _L)]
        al = tail + adv
        expa = jnp.exp(jnp.maximum(al, 0.2 * al))
        expa_m = jnp.where(hmask, expa, 0.0)
        e16 = e * _L
        expab[pl.ds(e16, _L)] = expa_m
        if layer == 1:
          rb[e, pl.ds(rw - _L, _L)] = expa_m
          for j in range(nj):
            idx_j = e16 + 2 * j + lax.shift_right_logical(lane, 3)
            bex = plsc.load_gather(expab, [idx_j])
            mj = rb[e, pl.ds(j * _L, _L)]
            rb[e, pl.ds(j * _L, _L)] = mj * bex
        else:
          idx_b = jnp.full((_L,), e16 + 8, jnp.int32)
          bex = plsc.load_gather(expab, [idx_b])
          for j in range(nj):
            mj = rb[e, pl.ds(j * _L, _L)]
            rb[e, pl.ds(j * _L, _L)] = mj * bex
          tail_final = jnp.where(hmask, expa_m, jnp.where(lane < 8,
                                                          tail * bex, 0.0))
          rb[e, pl.ds(rw - _L, _L)] = tail_final

    def do_chunk(i, b):
      nb = 1 - b
      @pl.when(jnp.logical_and(i + 1 < _NCHUNK, i >= 1))
      def _():
        wait_scatter(nb)
      @pl.when(i + 1 < _NCHUNK)
      def _():
        wait_idx(i + 1, nb)
        issue_gather(nb)
      wait_gather(b)
      for k in range(_CHUNK // _L):
        sdidx[b][pl.ds(k * _L, _L)] = didx[b][pl.ds(k * _L, _L)]
      @pl.when(i + 2 < _NCHUNK)
      def _():
        issue_idx(i + 2, b)
      compute(b)
      issue_scatter(b)

    issue_idx(0, 0)
    issue_idx(1, 1)
    wait_idx(0, 0)
    issue_gather(0)

    def loop_body(g, _):
      do_chunk(2 * g, 0)
      do_chunk(2 * g + 1, 1)
      return 0

    lax.fori_loop(0, _NCHUNK // 2, loop_body, 0)
    if _NCHUNK % 2:
      do_chunk(jnp.int32(_NCHUNK - 1), 0)

    wait_scatter(0)
    wait_scatter(1)
    plsc.subcore_barrier()

    pltpu.sync_copy(acc.at[pl.ds(sid * _RPS, _RPS)],
                    acc_out.at[cid, pl.ds(sid * _RPS, _RPS)])

  return edge_kernel


def _leaky(x):
  return jnp.maximum(x, 0.2 * x)


def _stage_a(x, w1, a1s_m, a1d_m):
  blk = 1000

  def body(x_ref, w_ref, as_ref, ad_ref, st_ref, adt_ref):
    xp = jnp.dot(x_ref[...], w_ref[...], preferred_element_type=jnp.float32)
    a_s = jnp.dot(xp, as_ref[...], preferred_element_type=jnp.float32)
    a_d = jnp.dot(xp, ad_ref[...], preferred_element_type=jnp.float32)
    z8 = jnp.zeros((blk, 8), jnp.float32)
    st_ref[...] = jnp.concatenate([xp, a_s, z8], axis=1)
    adt_ref[...] = jnp.concatenate([a_d, z8], axis=1)

  return pl.pallas_call(
      body,
      grid=(_N // blk,),
      in_specs=[
          pl.BlockSpec((blk, _IN_C), lambda i: (i, 0)),
          pl.BlockSpec((_IN_C, _H1 * _HID), lambda i: (0, 0)),
          pl.BlockSpec((_H1 * _HID, _H1), lambda i: (0, 0)),
          pl.BlockSpec((_H1 * _HID, _H1), lambda i: (0, 0)),
      ],
      out_specs=[
          pl.BlockSpec((blk, _RW1), lambda i: (i, 0)),
          pl.BlockSpec((blk, _ADW), lambda i: (i, 0)),
      ],
      out_shape=[
          jax.ShapeDtypeStruct((_N, _RW1), jnp.float32),
          jax.ShapeDtypeStruct((_N, _ADW), jnp.float32),
      ],
  )(x, w1, a1s_m, a1d_m)


def _stage_c(acc1, st1, adt1, b1, w2, a2_m, bexp):
  blk = 1000

  def body(acc_ref, st_ref, adt_ref, b1_ref, w2_ref, a2_ref, be_ref,
           st2_ref, adt2_ref):
    acc = acc_ref[0] + acc_ref[1]
    xp = st_ref[:, :64]
    a_s = st_ref[:, 64:72]
    a_d = adt_ref[:, 0:8]
    es = jnp.exp(_leaky(a_s + a_d))
    es64 = jnp.dot(es, be_ref[...], preferred_element_type=jnp.float32)
    num = acc[:, :64] + es64 * xp
    den = jnp.dot(acc[:, 64:72] + es, be_ref[...],
                  preferred_element_type=jnp.float32)
    h = num / den + b1_ref[...]
    h = jnp.where(h > 0, h, jnp.exp(h) - 1.0)
    xp2 = jnp.dot(h, w2_ref[...], preferred_element_type=jnp.float32)
    ss = jnp.dot(xp2, a2_ref[...], preferred_element_type=jnp.float32)
    z7 = jnp.zeros((blk, 7), jnp.float32)
    st2_ref[...] = jnp.concatenate([xp2, ss[:, 0:1], z7], axis=1)
    adt2_ref[...] = jnp.concatenate([jnp.zeros((blk, 8), jnp.float32),
                                     ss[:, 1:2], z7], axis=1)

  return pl.pallas_call(
      body,
      grid=(_N // blk,),
      in_specs=[
          pl.BlockSpec((2, blk, _RW1), lambda i: (0, i, 0)),
          pl.BlockSpec((blk, _RW1), lambda i: (i, 0)),
          pl.BlockSpec((blk, _ADW), lambda i: (i, 0)),
          pl.BlockSpec((1, 64), lambda i: (0, 0)),
          pl.BlockSpec((64, _OUT_C), lambda i: (0, 0)),
          pl.BlockSpec((_OUT_C, 2), lambda i: (0, 0)),
          pl.BlockSpec((8, 64), lambda i: (0, 0)),
      ],
      out_specs=[
          pl.BlockSpec((blk, _RW2), lambda i: (i, 0)),
          pl.BlockSpec((blk, _ADW), lambda i: (i, 0)),
      ],
      out_shape=[
          jax.ShapeDtypeStruct((_N, _RW2), jnp.float32),
          jax.ShapeDtypeStruct((_N, _ADW), jnp.float32),
      ],
  )(acc1, st1, adt1, b1, w2, a2_m, bexp)


def _stage_e(acc2, st2, adt2, b2):
  blk = 1000

  def body(acc_ref, st_ref, adt_ref, b2_ref, out_ref):
    acc = acc_ref[0] + acc_ref[1]
    xp2 = st_ref[:, :_OUT_C]
    a_s = st_ref[:, _OUT_C:_OUT_C + 1]
    a_d = adt_ref[:, 8:9]
    es = jnp.exp(_leaky(a_s + a_d))
    num = acc[:, :_OUT_C] + es * xp2
    den = acc[:, _OUT_C:_OUT_C + 1] + es
    o = num / den + b2_ref[...]
    m = jnp.max(o, axis=1, keepdims=True)
    lse = jnp.log(jnp.sum(jnp.exp(o - m), axis=1, keepdims=True))
    out_ref[...] = o - m - lse

  return pl.pallas_call(
      body,
      grid=(_N // blk,),
      in_specs=[
          pl.BlockSpec((2, blk, _RW2), lambda i: (0, i, 0)),
          pl.BlockSpec((blk, _RW2), lambda i: (i, 0)),
          pl.BlockSpec((blk, _ADW), lambda i: (i, 0)),
          pl.BlockSpec((1, _OUT_C), lambda i: (0, 0)),
      ],
      out_specs=pl.BlockSpec((blk, _OUT_C), lambda i: (i, 0)),
      out_shape=jax.ShapeDtypeStruct((_N, _OUT_C), jnp.float32),
  )(acc2, st2, adt2, b2)


def kernel(x, edge_index, W1, att_src1, att_dst1, b1, W2, att_src2,
           att_dst2, b2):
  f32 = jnp.float32
  src = edge_index[0]
  dst = edge_index[1]

  fidx = jnp.arange(_H1 * _HID) // _HID
  head_mask1 = (fidx[:, None] == jnp.arange(_H1)[None, :]).astype(f32)
  a1 = att_src1.reshape(_H1 * _HID)
  d1 = att_dst1.reshape(_H1 * _HID)
  a1s_m = head_mask1 * a1[:, None]
  a1d_m = head_mask1 * d1[:, None]
  a2_m = jnp.stack([att_src2.reshape(_OUT_C),
                    att_dst2.reshape(_OUT_C)], axis=1)
  bexp = head_mask1.T
  b1r = b1.reshape(1, _H1 * _HID)
  b2r = b2.reshape(1, _OUT_C)

  st1, adt1 = _stage_a(x, W1, a1s_m, a1d_m)
  acc1 = _make_edge_kernel(_RW1, 4, 1)(st1, adt1, src, dst)
  st2, adt2 = _stage_c(acc1, st1, adt1, b1r, W2, a2_m, bexp)
  acc2 = _make_edge_kernel(_RW2, 2, 2)(st2, adt2, src, dst)
  return _stage_e(acc2, st2, adt2, b2r)

# --- scband reference (transcript-rebuilt; emitter-appended) ---
"""Pipeline reference for scband-gatnet-65094524338520 (READ-ONLY COPY).

The authoritative reference and input builder live on the scoring server;
editing this copy changes nothing except your own understanding.
"""

import jax, jax.numpy as jnp
import numpy as np

N = 10000
E = 320000
IN_C = 128
HID = 8
OUT_C = 40
H1 = 8
H2 = 1


def setup_inputs(seed: int = 0) -> dict:
    key = jax.random.key(seed)
    ks = jax.random.split(key, 10)
    x = jax.random.normal(ks[0], (N, IN_C), dtype=jnp.float32)
    edge_index = jax.random.randint(ks[1], (2, E), 0, N, dtype=jnp.int32)
    W1 = jax.random.normal(ks[2], (IN_C, H1 * HID), dtype=jnp.float32) * (1.0 / np.sqrt(IN_C))
    att_src1 = jax.random.normal(ks[3], (1, H1, HID), dtype=jnp.float32) * 0.1
    att_dst1 = jax.random.normal(ks[4], (1, H1, HID), dtype=jnp.float32) * 0.1
    b1 = jnp.zeros((H1 * HID,), dtype=jnp.float32)
    W2 = jax.random.normal(ks[5], (H1 * HID, H2 * OUT_C), dtype=jnp.float32) * (1.0 / np.sqrt(H1 * HID))
    att_src2 = jax.random.normal(ks[6], (1, H2, OUT_C), dtype=jnp.float32) * 0.1
    att_dst2 = jax.random.normal(ks[7], (1, H2, OUT_C), dtype=jnp.float32) * 0.1
    b2 = jnp.zeros((OUT_C,), dtype=jnp.float32)
    return {"x": x, "edge_index": edge_index, "W1": W1, "att_src1": att_src1,
            "att_dst1": att_dst1, "b1": b1, "W2": W2, "att_src2": att_src2,
            "att_dst2": att_dst2, "b2": b2}


def _gat_conv(x, edge_index, W, att_src, att_dst, bias, heads, out_c, concat):
    n = x.shape[0]
    loop = jnp.arange(n, dtype=edge_index.dtype)
    src = jnp.concatenate([edge_index[0], loop])
    dst = jnp.concatenate([edge_index[1], loop])
    xp = (x @ W).reshape(n, heads, out_c)
    a_s = jnp.sum(xp * att_src, axis=-1)  # [n, heads]
    a_d = jnp.sum(xp * att_dst, axis=-1)
    alpha = jax.nn.leaky_relu(a_s[src] + a_d[dst], negative_slope=0.2)  # [e, heads]
    amax = jax.ops.segment_max(alpha, dst, num_segments=n)
    amax = jax.lax.stop_gradient(jnp.where(jnp.isfinite(amax), amax, 0.0))
    expa = jnp.exp(alpha - amax[dst])
    denom = jax.ops.segment_sum(expa, dst, num_segments=n)
    attn = expa / (denom[dst] + 1e-16)
    out = jax.ops.segment_sum(xp[src] * attn[:, :, None], dst, num_segments=n)
    if concat:
        out = out.reshape(n, heads * out_c)
    else:
        out = out.mean(axis=1)
    return out + bias


def reference(x, edge_index, W1, att_src1, att_dst1, b1, W2, att_src2, att_dst2, b2):
    # eval mode: all dropouts are identity
    h = _gat_conv(x, edge_index, W1, att_src1, att_dst1, b1, H1, HID, True)
    h = jax.nn.elu(h)
    o = _gat_conv(h, edge_index, W2, att_src2, att_dst2, b2, H2, OUT_C, False)
    return jax.nn.log_softmax(o, axis=1)

if __name__ == "__main__":
    import jax
    _d = setup_inputs()
    print(jax.jit(kernel)(*tuple(_d.values())))

</pallas_src>

<mosaic_0001>
#map = affine_map<(d0, d1) -> (0, 0)>
#map1 = affine_map<(d0, d1) -> (0)>
#map2 = affine_map<(d0, d1) -> (0, 0, 0)>
module attributes {stable_mosaic.version = 14 : i64} {
  func.func @edge_kernel(%arg0: i32, %arg1: i32, %arg2: memref<10000x48xf32, #tpu.memory_space<hbm>>, %arg3: memref<10000x16xf32, #tpu.memory_space<hbm>>, %arg4: memref<320000xi32, #tpu.memory_space<hbm>>, %arg5: memref<320000xi32, #tpu.memory_space<hbm>>, %arg6: memref<2x10240x48xf32, #tpu.memory_space<hbm>>, %arg7: memref<80xi32, #tpu.memory_space<vmem>>, %arg8: memref<80xi32, #tpu.memory_space<vmem>>, %arg9: memref<80xi32, #tpu.memory_space<vmem>>, %arg10: memref<80xi32, #tpu.memory_space<vmem>>, %arg11: memref<80x48xf32, #tpu.memory_space<vmem>>, %arg12: memref<80x48xf32, #tpu.memory_space<vmem>>, %arg13: memref<80x16xf32, #tpu.memory_space<vmem>>, %arg14: memref<80x16xf32, #tpu.memory_space<vmem>>, %arg15: memref<80xi32, #tpu.memory_space<vmem>>, %arg16: memref<80xi32, #tpu.memory_space<vmem>>, %arg17: memref<128x48xf32, #tpu.memory_space<vmem>>, %arg18: memref<1280xf32, #tpu.memory_space<vmem>>, %arg19: memref<10240x48xf32, #tpu.memory_space<vmem_shared>>, %arg20: memref<!tpu.dma_semaphore, #tpu.memory_space<semaphore_mem>>, %arg21: memref<!tpu.dma_semaphore, #tpu.memory_space<semaphore_mem>>, %arg22: memref<!tpu.dma_semaphore, #tpu.memory_space<semaphore_mem>>, %arg23: memref<!tpu.dma_semaphore, #tpu.memory_space<semaphore_mem>>, %arg24: memref<!tpu.dma_semaphore, #tpu.memory_space<semaphore_mem>>, %arg25: memref<!tpu.dma_semaphore, #tpu.memory_space<semaphore_mem>>, %arg26: memref<!tpu.dma_semaphore, #tpu.memory_space<semaphore_mem>>, %arg27: memref<!tpu.dma_semaphore, #tpu.memory_space<semaphore_mem>>) attributes {dimension_semantics = [#tpu.dimension_semantics<core_parallel>, #tpu.dimension_semantics<subcore_parallel>], iteration_bounds = array<i64: 2, 16>, scalar_prefetch = 0 : i64, scratch_operands = 21 : i64, tpu.core_type = #tpu.core_type<sc_vector_subcore>, window_params = [{transform_indices = #map}, {transform_indices = #map}, {transform_indices = #map1}, {transform_indices = #map1}, {transform_indices = #map2}]} {
    %mul3A = arith.constant 16 : i32
    %mul3A_0 = arith.muli %arg0, %mul3A : i32
    %add3A = arith.addi %mul3A_0, %arg1 : i32
    %iota3A = tpu.iota {dimensions = array<i32: 0>} : vector<16xi32>
    %broadcast_in_dim3A = arith.constant 0.000000e+00 : f32
    %broadcast_in_dim3A_1 = vector.broadcast %broadcast_in_dim3A : f32 to vector<16xf32>
    %eq3A = arith.constant 8 : i32
    %eq3A_2 = vector.broadcast %eq3A : i32 to vector<16xi32>
    %eq3A_3 = arith.cmpi eq, %iota3A, %eq3A_2 : vector<16xi32>
    %scan3A = arith.constant 0 : i32
    %scan3A_4 = arith.constant 0 : i32
    %scan3A_5 = arith.constant 128 : i32
    %scan3A_6 = arith.addi %scan3A_4, %scan3A_5 : i32
    %scan3A_7 = arith.constant 1 : i32
    %scan3A_8 = scf.for %scan3A_186 = %scan3A_4 to %scan3A_6 step %scan3A_7 iter_args(%scan3A_187 = %scan3A) -> (i32)  : i32 {
      %swap3A_188 = arith.index_cast %scan3A_186 : i32 to index
      %swap3A_189 = arith.constant 0 : index
      %swap3A_190 = tpu.vector_load %arg17[%swap3A_188, %swap3A_189] {strides = array<i32>} : memref<128x48xf32, #tpu.memory_space<vmem>>, vector<16xf32>,
      tpu.vector_store %arg17[%swap3A_188, %swap3A_189], %broadcast_in_dim3A_1 {strides = array<i32>} : memref<128x48xf32, #tpu.memory_space<vmem>>, vector<16xf32>,
      %swap3A_191 = arith.index_cast %scan3A_186 : i32 to index
      %swap3A_192 = arith.constant 16 : index
      %swap3A_193 = tpu.vector_load %arg17[%swap3A_191, %swap3A_192] {strides = array<i32>} : memref<128x48xf32, #tpu.memory_space<vmem>>, vector<16xf32>,
      tpu.vector_store %arg17[%swap3A_191, %swap3A_192], %broadcast_in_dim3A_1 {strides = array<i32>} : memref<128x48xf32, #tpu.memory_space<vmem>>, vector<16xf32>,
      %swap3A_194 = arith.index_cast %scan3A_186 : i32 to index
      %swap3A_195 = arith.constant 32 : index
      %swap3A_196 = tpu.vector_load %arg17[%swap3A_194, %swap3A_195] {strides = array<i32>} : memref<128x48xf32, #tpu.memory_space<vmem>>, vector<16xf32>,
      tpu.vector_store %arg17[%swap3A_194, %swap3A_195], %broadcast_in_dim3A_1 {strides = array<i32>} : memref<128x48xf32, #tpu.memory_space<vmem>>, vector<16xf32>,
      %scan3A_197 = arith.constant 0 : i32
      scf.yield %scan3A_197 : i32
    }
    %scan3A_9 = arith.constant 128 : i32
    %mul3A_10 = arith.constant 640 : i32
    %mul3A_11 = arith.muli %arg1, %mul3A_10 : i32
    %add3A_12 = arith.constant 0 : i32
    %add3A_13 = arith.addi %mul3A_11, %add3A_12 : i32
    %dma_start3A = arith.constant 0 : i32
    %dma_start3A_14 = tpu.memref_slice %arg19[%add3A_13, %dma_start3A] : memref<10240x48xf32, #tpu.memory_space<vmem_shared>> -> memref<128x48xf32, #tpu.memory_space<vmem_shared>>
    %dma_start3A_15 = arith.constant 0 : i32
    %dma_start3A_16 = tpu.memref_slice %arg19[%add3A_13, %dma_start3A_15] : memref<10240x48xf32, #tpu.memory_space<vmem_shared>> -> memref<128x48xf32, #tpu.memory_space<vmem_shared>>
    tpu.enqueue_dma source(%arg17 : memref<128x48xf32, #tpu.memory_space<vmem>>) target(%dma_start3A_16 : memref<128x48xf32, #tpu.memory_space<vmem_shared>>) target_semaphore(%arg22 : memref<!tpu.dma_semaphore, #tpu.memory_space<semaphore_mem>>)
    %mul3A_17 = arith.constant 640 : i32
    %mul3A_18 = arith.muli %arg1, %mul3A_17 : i32
    %add3A_19 = arith.constant 128 : i32
    %add3A_20 = arith.addi %mul3A_18, %add3A_19 : i32
    %dma_start3A_21 = arith.constant 0 : i32
    %dma_start3A_22 = tpu.memref_slice %arg19[%add3A_20, %dma_start3A_21] : memref<10240x48xf32, #tpu.memory_space<vmem_shared>> -> memref<128x48xf32, #tpu.memory_space<vmem_shared>>
    %dma_start3A_23 = arith.constant 0 : i32
    %dma_start3A_24 = tpu.memref_slice %arg19[%add3A_20, %dma_start3A_23] : memref<10240x48xf32, #tpu.memory_space<vmem_shared>> -> memref<128x48xf32, #tpu.memory_space<vmem_shared>>
    tpu.enqueue_dma source(%arg17 : memref<128x48xf32, #tpu.memory_space<vmem>>) target(%dma_start3A_24 : memref<128x48xf32, #tpu.memory_space<vmem_shared>>) target_semaphore(%arg22 : memref<!tpu.dma_semaphore, #tpu.memory_space<semaphore_mem>>)
    %mul3A_25 = arith.constant 640 : i32
    %mul3A_26 = arith.muli %arg1, %mul3A_25 : i32
    %add3A_27 = arith.constant 256 : i32
    %add3A_28 = arith.addi %mul3A_26, %add3A_27 : i32
    %dma_start3A_29 = arith.constant 0 : i32
    %dma_start3A_30 = tpu.memref_slice %arg19[%add3A_28, %dma_start3A_29] : memref<10240x48xf32, #tpu.memory_space<vmem_shared>> -> memref<128x48xf32, #tpu.memory_space<vmem_shared>>
    %dma_start3A_31 = arith.constant 0 : i32
    %dma_start3A_32 = tpu.memref_slice %arg19[%add3A_28, %dma_start3A_31] : memref<10240x48xf32, #tpu.memory_space<vmem_shared>> -> memref<128x48xf32, #tpu.memory_space<vmem_shared>>
    tpu.enqueue_dma source(%arg17 : memref<128x48xf32, #tpu.memory_space<vmem>>) target(%dma_start3A_32 : memref<128x48xf32, #tpu.memory_space<vmem_shared>>) target_semaphore(%arg22 : memref<!tpu.dma_semaphore, #tpu.memory_space<semaphore_mem>>)
    %mul3A_33 = arith.constant 640 : i32
    %mul3A_34 = arith.muli %arg1, %mul3A_33 : i32
    %add3A_35 = arith.constant 384 : i32
    %add3A_36 = arith.addi %mul3A_34, %add3A_35 : i32
    %dma_start3A_37 = arith.constant 0 : i32
    %dma_start3A_38 = tpu.memref_slice %arg19[%add3A_36, %dma_start3A_37] : memref<10240x48xf32, #tpu.memory_space<vmem_shared>> -> memref<128x48xf32, #tpu.memory_space<vmem_shared>>
    %dma_start3A_39 = arith.constant 0 : i32
    %dma_start3A_40 = tpu.memref_slice %arg19[%add3A_36, %dma_start3A_39] : memref<10240x48xf32, #tpu.memory_space<vmem_shared>> -> memref<128x48xf32, #tpu.memory_space<vmem_shared>>
    tpu.enqueue_dma source(%arg17 : memref<128x48xf32, #tpu.memory_space<vmem>>) target(%dma_start3A_40 : memref<128x48xf32, #tpu.memory_space<vmem_shared>>) target_semaphore(%arg22 : memref<!tpu.dma_semaphore, #tpu.memory_space<semaphore_mem>>)
    %mul3A_41 = arith.constant 640 : i32
    %mul3A_42 = arith.muli %arg1, %mul3A_41 : i32
    %add3A_43 = arith.constant 512 : i32
    %add3A_44 = arith.addi %mul3A_42, %add3A_43 : i32
    %dma_start3A_45 = arith.constant 0 : i32
    %dma_start3A_46 = tpu.memref_slice %arg19[%add3A_44, %dma_start3A_45] : memref<10240x48xf32, #tpu.memory_space<vmem_shared>> -> memref<128x48xf32, #tpu.memory_space<vmem_shared>>
    %dma_start3A_47 = arith.constant 0 : i32
    %dma_start3A_48 = tpu.memref_slice %arg19[%add3A_44, %dma_start3A_47] : memref<10240x48xf32, #tpu.memory_space<vmem_shared>> -> memref<128x48xf32, #tpu.memory_space<vmem_shared>>
    tpu.enqueue_dma source(%arg17 : memref<128x48xf32, #tpu.memory_space<vmem>>) target(%dma_start3A_48 : memref<128x48xf32, #tpu.memory_space<vmem_shared>>) target_semaphore(%arg22 : memref<!tpu.dma_semaphore, #tpu.memory_space<semaphore_mem>>)
    %mul3A_49 = arith.constant 640 : i32
    %mul3A_50 = arith.muli %arg1, %mul3A_49 : i32
    %add3A_51 = arith.constant 0 : i32
    %add3A_52 = arith.addi %mul3A_50, %add3A_51 : i32
    %dma_wait3A = arith.constant 0 : i32
    %dma_wait3A_53 = tpu.memref_slice %arg19[%add3A_52, %dma_wait3A] : memref<10240x48xf32, #tpu.memory_space<vmem_shared>> -> memref<128x48xf32, #tpu.memory_space<vmem_shared>>
    %dma_wait3A_54 = arith.constant 0 : i32
    %dma_wait3A_55 = tpu.memref_slice %arg19[%add3A_52, %dma_wait3A_54] : memref<10240x48xf32, #tpu.memory_space<vmem_shared>> -> memref<128x48xf32, #tpu.memory_space<vmem_shared>>
    tpu.wait_dma2 semaphore(%arg22 : memref<!tpu.dma_semaphore, #tpu.memory_space<semaphore_mem>>) src(%arg17 : memref<128x48xf32, #tpu.memory_space<vmem>>) dst(%dma_wait3A_55 : memref<128x48xf32, #tpu.memory_space<vmem_shared>>)
    %mul3A_56 = arith.constant 640 : i32
    %mul3A_57 = arith.muli %arg1, %mul3A_56 : i32
    %add3A_58 = arith.constant 128 : i32
    %add3A_59 = arith.addi %mul3A_57, %add3A_58 : i32
    %dma_wait3A_60 = arith.constant 0 : i32
    %dma_wait3A_61 = tpu.memref_slice %arg19[%add3A_59, %dma_wait3A_60] : memref<10240x48xf32, #tpu.memory_space<vmem_shared>> -> memref<128x48xf32, #tpu.memory_space<vmem_shared>>
    %dma_wait3A_62 = arith.constant 0 : i32
    %dma_wait3A_63 = tpu.memref_slice %arg19[%add3A_59, %dma_wait3A_62] : memref<10240x48xf32, #tpu.memory_space<vmem_shared>> -> memref<128x48xf32, #tpu.memory_space<vmem_shared>>
    tpu.wait_dma2 semaphore(%arg22 : memref<!tpu.dma_semaphore, #tpu.memory_space<semaphore_mem>>) src(%arg17 : memref<128x48xf32, #tpu.memory_space<vmem>>) dst(%dma_wait3A_63 : memref<128x48xf32, #tpu.memory_space<vmem_shared>>)
    %mul3A_64 = arith.constant 640 : i32
    %mul3A_65 = arith.muli %arg1, %mul3A_64 : i32
    %add3A_66 = arith.constant 256 : i32
    %add3A_67 = arith.addi %mul3A_65, %add3A_66 : i32
    %dma_wait3A_68 = arith.constant 0 : i32
    %dma_wait3A_69 = tpu.memref_slice %arg19[%add3A_67, %dma_wait3A_68] : memref<10240x48xf32, #tpu.memory_space<vmem_shared>> -> memref<128x48xf32, #tpu.memory_space<vmem_shared>>
    %dma_wait3A_70 = arith.constant 0 : i32
    %dma_wait3A_71 = tpu.memref_slice %arg19[%add3A_67, %dma_wait3A_70] : memref<10240x48xf32, #tpu.memory_space<vmem_shared>> -> memref<128x48xf32, #tpu.memory_space<vmem_shared>>
    tpu.wait_dma2 semaphore(%arg22 : memref<!tpu.dma_semaphore, #tpu.memory_space<semaphore_mem>>) src(%arg17 : memref<128x48xf32, #tpu.memory_space<vmem>>) dst(%dma_wait3A_71 : memref<128x48xf32, #tpu.memory_space<vmem_shared>>)
    %mul3A_72 = arith.constant 640 : i32
    %mul3A_73 = arith.muli %arg1, %mul3A_72 : i32
    %add3A_74 = arith.constant 384 : i32
    %add3A_75 = arith.addi %mul3A_73, %add3A_74 : i32
    %dma_wait3A_76 = arith.constant 0 : i32
    %dma_wait3A_77 = tpu.memref_slice %arg19[%add3A_75, %dma_wait3A_76] : memref<10240x48xf32, #tpu.memory_space<vmem_shared>> -> memref<128x48xf32, #tpu.memory_space<vmem_shared>>
    %dma_wait3A_78 = arith.constant 0 : i32
    %dma_wait3A_79 = tpu.memref_slice %arg19[%add3A_75, %dma_wait3A_78] : memref<10240x48xf32, #tpu.memory_space<vmem_shared>> -> memref<128x48xf32, #tpu.memory_space<vmem_shared>>
    tpu.wait_dma2 semaphore(%arg22 : memref<!tpu.dma_semaphore, #tpu.memory_space<semaphore_mem>>) src(%arg17 : memref<128x48xf32, #tpu.memory_space<vmem>>) dst(%dma_wait3A_79 : memref<128x48xf32, #tpu.memory_space<vmem_shared>>)
    %mul3A_80 = arith.constant 640 : i32
    %mul3A_81 = arith.muli %arg1, %mul3A_80 : i32
    %add3A_82 = arith.constant 512 : i32
    %add3A_83 = arith.addi %mul3A_81, %add3A_82 : i32
    %dma_wait3A_84 = arith.constant 0 : i32
    %dma_wait3A_85 = tpu.memref_slice %arg19[%add3A_83, %dma_wait3A_84] : memref<10240x48xf32, #tpu.memory_space<vmem_shared>> -> memref<128x48xf32, #tpu.memory_space<vmem_shared>>
    %dma_wait3A_86 = arith.constant 0 : i32
    %dma_wait3A_87 = tpu.memref_slice %arg19[%add3A_83, %dma_wait3A_86] : memref<10240x48xf32, #tpu.memory_space<vmem_shared>> -> memref<128x48xf32, #tpu.memory_space<vmem_shared>>
    tpu.wait_dma2 semaphore(%arg22 : memref<!tpu.dma_semaphore, #tpu.memory_space<semaphore_mem>>) src(%arg17 : memref<128x48xf32, #tpu.memory_space<vmem>>) dst(%dma_wait3A_87 : memref<128x48xf32, #tpu.memory_space<vmem_shared>>)
    %barrier3A = arith.constant 0 : index
    tpu.barrier barrier_id(%barrier3A)
    %mul3A_88 = arith.constant 10000 : i32
    %mul3A_89 = arith.muli %add3A, %mul3A_88 : i32
    %add3A_90 = arith.constant 0 : i32
    %add3A_91 = arith.addi %mul3A_89, %add3A_90 : i32
    %dma_start3A_92 = tpu.memref_slice %arg4[%add3A_91] : memref<320000xi32, #tpu.memory_space<hbm>> -> memref<80xi32, #tpu.memory_space<hbm>>
    %dma_start3A_93 = tpu.memref_slice %arg4[%add3A_91] : memref<320000xi32, #tpu.memory_space<hbm>> -> memref<80xi32, #tpu.memory_space<hbm>>
    tpu.enqueue_dma source(%dma_start3A_93 : memref<80xi32, #tpu.memory_space<hbm>>) target(%arg7 : memref<80xi32, #tpu.memory_space<vmem>>) target_semaphore(%arg20 : memref<!tpu.dma_semaphore, #tpu.memory_space<semaphore_mem>>)
    %dma_start3A_94 = tpu.memref_slice %arg5[%add3A_91] : memref<320000xi32, #tpu.memory_space<hbm>> -> memref<80xi32, #tpu.memory_space<hbm>>
    %dma_start3A_95 = tpu.memref_slice %arg5[%add3A_91] : memref<320000xi32, #tpu.memory_space<hbm>> -> memref<80xi32, #tpu.memory_space<hbm>>
    tpu.enqueue_dma source(%dma_start3A_95 : memref<80xi32, #tpu.memory_space<hbm>>) target(%arg9 : memref<80xi32, #tpu.memory_space<vmem>>) target_semaphore(%arg20 : memref<!tpu.dma_semaphore, #tpu.memory_space<semaphore_mem>>)
    %add3A_96 = arith.constant 80 : i32
    %add3A_97 = arith.addi %mul3A_89, %add3A_96 : i32
    %dma_start3A_98 = tpu.memref_slice %arg4[%add3A_97] : memref<320000xi32, #tpu.memory_space<hbm>> -> memref<80xi32, #tpu.memory_space<hbm>>
    %dma_start3A_99 = tpu.memref_slice %arg4[%add3A_97] : memref<320000xi32, #tpu.memory_space<hbm>> -> memref<80xi32, #tpu.memory_space<hbm>>
    tpu.enqueue_dma source(%dma_start3A_99 : memref<80xi32, #tpu.memory_space<hbm>>) target(%arg8 : memref<80xi32, #tpu.memory_space<vmem>>) target_semaphore(%arg21 : memref<!tpu.dma_semaphore, #tpu.memory_space<semaphore_mem>>)
    %dma_start3A_100 = tpu.memref_slice %arg5[%add3A_97] : memref<320000xi32, #tpu.memory_space<hbm>> -> memref<80xi32, #tpu.memory_space<hbm>>
    %dma_start3A_101 = tpu.memref_slice %arg5[%add3A_97] : memref<320000xi32, #tpu.memory_space<hbm>> -> memref<80xi32, #tpu.memory_space<hbm>>
    tpu.enqueue_dma source(%dma_start3A_101 : memref<80xi32, #tpu.memory_space<hbm>>) target(%arg10 : memref<80xi32, #tpu.memory_space<vmem>>) target_semaphore(%arg21 : memref<!tpu.dma_semaphore, #tpu.memory_space<semaphore_mem>>)
    %add3A_102 = arith.constant 0 : i32
    %add3A_103 = arith.addi %mul3A_89, %add3A_102 : i32
    %dma_wait3A_104 = tpu.memref_slice %arg4[%add3A_103] : memref<320000xi32, #tpu.memory_space<hbm>> -> memref<80xi32, #tpu.memory_space<hbm>>
    %dma_wait3A_105 = tpu.memref_slice %arg4[%add3A_103] : memref<320000xi32, #tpu.memory_space<hbm>> -> memref<80xi32, #tpu.memory_space<hbm>>
    tpu.wait_dma2 semaphore(%arg20 : memref<!tpu.dma_semaphore, #tpu.memory_space<semaphore_mem>>) src(%dma_wait3A_105 : memref<80xi32, #tpu.memory_space<hbm>>) dst(%arg7 : memref<80xi32, #tpu.memory_space<vmem>>)
    %dma_wait3A_106 = tpu.memref_slice %arg5[%add3A_103] : memref<320000xi32, #tpu.memory_space<hbm>> -> memref<80xi32, #tpu.memory_space<hbm>>
    %dma_wait3A_107 = tpu.memref_slice %arg5[%add3A_103] : memref<320000xi32, #tpu.memory_space<hbm>> -> memref<80xi32, #tpu.memory_space<hbm>>
    tpu.wait_dma2 semaphore(%arg20 : memref<!tpu.dma_semaphore, #tpu.memory_space<semaphore_mem>>) src(%dma_wait3A_107 : memref<80xi32, #tpu.memory_space<hbm>>) dst(%arg9 : memref<80xi32, #tpu.memory_space<vmem>>)
    %dma_start3A_108 = arith.constant 0 : i32
    %dma_start3A_109 = arith.constant 0 : i32
    %dma_start3A_110 = tpu.memref_slice %arg2[%dma_start3A_108, %dma_start3A_109] : memref<10000x48xf32, #tpu.memory_space<hbm>> -> memref<10000x48xf32, #tpu.memory_space<hbm>>
    tpu.enqueue_indirect_dma source(%dma_start3A_110 : memref<10000x48xf32, #tpu.memory_space<hbm>>) target(%arg11 : memref<80x48xf32, #tpu.memory_space<vmem>>) offsets(%arg7 : memref<80xi32, #tpu.memory_space<vmem>>) semaphore(%arg22 : memref<!tpu.dma_semaphore, #tpu.memory_space<semaphore_mem>>)
    %dma_start3A_111 = arith.constant 0 : i32
    %dma_start3A_112 = arith.constant 0 : i32
    %dma_start3A_113 = tpu.memref_slice %arg3[%dma_start3A_111, %dma_start3A_112] : memref<10000x16xf32, #tpu.memory_space<hbm>> -> memref<10000x16xf32, #tpu.memory_space<hbm>>
    tpu.enqueue_indirect_dma source(%dma_start3A_113 : memref<10000x16xf32, #tpu.memory_space<hbm>>) target(%arg13 : memref<80x16xf32, #tpu.memory_space<vmem>>) offsets(%arg9 : memref<80xi32, #tpu.memory_space<vmem>>) semaphore(%arg24 : memref<!tpu.dma_semaphore, #tpu.memory_space<semaphore_mem>>)
    %scan3A_114 = arith.constant 0 : i32
    %scan3A_115 = arith.constant 0 : i32
    %scan3A_116 = arith.constant 62 : i32
    %scan3A_117 = arith.addi %scan3A_115, %scan3A_116 : i32
    %scan3A_118 = arith.constant 1 : i32
    %scan3A_119 = scf.for %scan3A_186 = %scan3A_115 to %scan3A_117 step %scan3A_118 iter_args(%scan3A_187 = %scan3A_114) -> (i32)  : i32 {
      %mul3A_188 = arith.constant 2 : i32
      %mul3A_189 = arith.muli %mul3A_188, %scan3A_186 : i32
      %add3A_190 = arith.constant 1 : i32
      %add3A_191 = arith.addi %mul3A_189, %add3A_190 : i32
      %lt3A_192 = arith.constant 125 : i32
      %lt3A_193 = arith.cmpi slt, %add3A_191, %lt3A_192 : i32
      %ge3A_194 = arith.constant 1 : i32
      %ge3A_195 = arith.cmpi sge, %mul3A_189, %ge3A_194 : i32
      %and3A_196 = arith.andi %lt3A_193, %ge3A_195 : i1
      %convert_element_type3A_197 = arith.extui %and3A_196 : i1 to i32
      %cond3A_198 = arith.constant 0 : i32
      %cond3A_199 = arith.cmpi ne, %convert_element_type3A_197, %cond3A_198 : i32
      scf.if %cond3A_199 {
        %dma_wait3A_307 = arith.constant 0 : i32
        %dma_wait3A_308 = arith.constant 0 : i32
        %dma_wait3A_309 = tpu.memref_slice %arg19[%dma_wait3A_307, %dma_wait3A_308] : memref<10240x48xf32, #tpu.memory_space<vmem_shared>> -> memref<10240x48xf32, #tpu.memory_space<vmem_shared>>
        tpu.wait_indirect_dma semaphore(%arg27 : memref<!tpu.dma_semaphore, #tpu.memory_space<semaphore_mem>>) src(%arg12 : memref<80x48xf32, #tpu.memory_space<vmem>>) dst(%dma_wait3A_309 : memref<10240x48xf32, #tpu.memory_space<vmem_shared>>)
      } else {
      }
      %add3A_200 = arith.constant 1 : i32
      %add3A_201 = arith.addi %mul3A_189, %add3A_200 : i32
      %lt3A_202 = arith.constant 125 : i32
      %lt3A_203 = arith.cmpi slt, %add3A_201, %lt3A_202 : i32
      %convert_element_type3A_204 = arith.extui %lt3A_203 : i1 to i32
      %cond3A_205 = arith.constant 0 : i32
      %cond3A_206 = arith.cmpi ne, %convert_element_type3A_204, %cond3A_205 : i32
      scf.if %cond3A_206 {
        %add3A_307 = arith.constant 1 : i32
        %add3A_308 = arith.addi %mul3A_189, %add3A_307 : i32
        %mul3A_309 = arith.constant 80 : i32
        %mul3A_310 = arith.muli %add3A_308, %mul3A_309 : i32
        %add3A_311 = arith.addi %mul3A_89, %mul3A_310 : i32
        %dma_wait3A_312 = tpu.memref_slice %arg4[%add3A_311] : memref<320000xi32, #tpu.memory_space<hbm>> -> memref<80xi32, #tpu.memory_space<hbm>>
        %dma_wait3A_313 = tpu.memref_slice %arg4[%add3A_311] : memref<320000xi32, #tpu.memory_space<hbm>> -> memref<80xi32, #tpu.memory_space<hbm>>
        tpu.wait_dma2 semaphore(%arg21 : memref<!tpu.dma_semaphore, #tpu.memory_space<semaphore_mem>>) src(%dma_wait3A_313 : memref<80xi32, #tpu.memory_space<hbm>>) dst(%arg8 : memref<80xi32, #tpu.memory_space<vmem>>)
        %dma_wait3A_314 = tpu.memref_slice %arg5[%add3A_311] : memref<320000xi32, #tpu.memory_space<hbm>> -> memref<80xi32, #tpu.memory_space<hbm>>
        %dma_wait3A_315 = tpu.memref_slice %arg5[%add3A_311] : memref<320000xi32, #tpu.memory_space<hbm>> -> memref<80xi32, #tpu.memory_space<hbm>>
        tpu.wait_dma2 semaphore(%arg21 : memref<!tpu.dma_semaphore, #tpu.memory_space<semaphore_mem>>) src(%dma_wait3A_315 : memref<80xi32, #tpu.memory_space<hbm>>) dst(%arg10 : memref<80xi32, #tpu.memory_space<vmem>>)
        %dma_start3A_316 = arith.constant 0 : i32
        %dma_start3A_317 = arith.constant 0 : i32
        %dma_start3A_318 = tpu.memref_slice %arg2[%dma_start3A_316, %dma_start3A_317] : memref<10000x48xf32, #tpu.memory_space<hbm>> -> memref<10000x48xf32, #tpu.memory_space<hbm>>
        tpu.enqueue_indirect_dma source(%dma_start3A_318 : memref<10000x48xf32, #tpu.memory_space<hbm>>) target(%arg12 : memref<80x48xf32, #tpu.memory_space<vmem>>) offsets(%arg8 : memref<80xi32, #tpu.memory_space<vmem>>) semaphore(%arg23 : memref<!tpu.dma_semaphore, #tpu.memory_space<semaphore_mem>>)
        %dma_start3A_319 = arith.constant 0 : i32
        %dma_start3A_320 = arith.constant 0 : i32
        %dma_start3A_321 = tpu.memref_slice %arg3[%dma_start3A_319, %dma_start3A_320] : memref<10000x16xf32, #tpu.memory_space<hbm>> -> memref<10000x16xf32, #tpu.memory_space<hbm>>
        tpu.enqueue_indirect_dma source(%dma_start3A_321 : memref<10000x16xf32, #tpu.memory_space<hbm>>) target(%arg14 : memref<80x16xf32, #tpu.memory_space<vmem>>) offsets(%arg10 : memref<80xi32, #tpu.memory_space<vmem>>) semaphore(%arg25 : memref<!tpu.dma_semaphore, #tpu.memory_space<semaphore_mem>>)
      } else {
      }
      %dma_wait3A_207 = arith.constant 0 : i32
      %dma_wait3A_208 = arith.constant 0 : i32
      %dma_wait3A_209 = tpu.memref_slice %arg2[%dma_wait3A_207, %dma_wait3A_208] : memref<10000x48xf32, #tpu.memory_space<hbm>> -> memref<10000x48xf32, #tpu.memory_space<hbm>>
      tpu.wait_indirect_dma semaphore(%arg22 : memref<!tpu.dma_semaphore, #tpu.memory_space<semaphore_mem>>) src(%dma_wait3A_209 : memref<10000x48xf32, #tpu.memory_space<hbm>>) dst(%arg11 : memref<80x48xf32, #tpu.memory_space<vmem>>)
      %dma_wait3A_210 = arith.constant 0 : i32
      %dma_wait3A_211 = arith.constant 0 : i32
      %dma_wait3A_212 = tpu.memref_slice %arg3[%dma_wait3A_210, %dma_wait3A_211] : memref<10000x16xf32, #tpu.memory_space<hbm>> -> memref<10000x16xf32, #tpu.memory_space<hbm>>
      tpu.wait_indirect_dma semaphore(%arg24 : memref<!tpu.dma_semaphore, #tpu.memory_space<semaphore_mem>>) src(%dma_wait3A_212 : memref<10000x16xf32, #tpu.memory_space<hbm>>) dst(%arg13 : memref<80x16xf32, #tpu.memory_space<vmem>>)
      %get3A_213 = arith.constant 0 : index
      %get3A_214 = tpu.vector_load %arg9[%get3A_213] {strides = array<i32>} : memref<80xi32, #tpu.memory_space<vmem>>, vector<16xi32>,
      %swap3A_215 = arith.constant 0 : index
      %swap3A_216 = tpu.vector_load %arg15[%swap3A_215] {strides = array<i32>} : memref<80xi32, #tpu.memory_space<vmem>>, vector<16xi32>,
      tpu.vector_store %arg15[%swap3A_215], %get3A_214 {strides = array<i32>} : memref<80xi32, #tpu.memory_space<vmem>>, vector<16xi32>,
      %get3A_217 = arith.constant 16 : index
      %get3A_218 = tpu.vector_load %arg9[%get3A_217] {strides = array<i32>} : memref<80xi32, #tpu.memory_space<vmem>>, vector<16xi32>,
      %swap3A_219 = arith.constant 16 : index
      %swap3A_220 = tpu.vector_load %arg15[%swap3A_219] {strides = array<i32>} : memref<80xi32, #tpu.memory_space<vmem>>, vector<16xi32>,
      tpu.vector_store %arg15[%swap3A_219], %get3A_218 {strides = array<i32>} : memref<80xi32, #tpu.memory_space<vmem>>, vector<16xi32>,
      %get3A_221 = arith.constant 32 : index
      %get3A_222 = tpu.vector_load %arg9[%get3A_221] {strides = array<i32>} : memref<80xi32, #tpu.memory_space<vmem>>, vector<16xi32>,
      %swap3A_223 = arith.constant 32 : index
      %swap3A_224 = tpu.vector_load %arg15[%swap3A_223] {strides = array<i32>} : memref<80xi32, #tpu.memory_space<vmem>>, vector<16xi32>,
      tpu.vector_store %arg15[%swap3A_223], %get3A_222 {strides = array<i32>} : memref<80xi32, #tpu.memory_space<vmem>>, vector<16xi32>,
      %get3A_225 = arith.constant 48 : index
      %get3A_226 = tpu.vector_load %arg9[%get3A_225] {strides = array<i32>} : memref<80xi32, #tpu.memory_space<vmem>>, vector<16xi32>,
      %swap3A_227 = arith.constant 48 : index
      %swap3A_228 = tpu.vector_load %arg15[%swap3A_227] {strides = array<i32>} : memref<80xi32, #tpu.memory_space<vmem>>, vector<16xi32>,
      tpu.vector_store %arg15[%swap3A_227], %get3A_226 {strides = array<i32>} : memref<80xi32, #tpu.memory_space<vmem>>, vector<16xi32>,
      %get3A_229 = arith.constant 64 : index
      %get3A_230 = tpu.vector_load %arg9[%get3A_229] {strides = array<i32>} : memref<80xi32, #tpu.memory_space<vmem>>, vector<16xi32>,
      %swap3A_231 = arith.constant 64 : index
      %swap3A_232 = tpu.vector_load %arg15[%swap3A_231] {strides = array<i32>} : memref<80xi32, #tpu.memory_space<vmem>>, vector<16xi32>,
      tpu.vector_store %arg15[%swap3A_231], %get3A_230 {strides = array<i32>} : memref<80xi32, #tpu.memory_space<vmem>>, vector<16xi32>,
      %add3A_233 = arith.constant 2 : i32
      %add3A_234 = arith.addi %mul3A_189, %add3A_233 : i32
      %lt3A_235 = arith.constant 125 : i32
      %lt3A_236 = arith.cmpi slt, %add3A_234, %lt3A_235 : i32
      %convert_element_type3A_237 = arith.extui %lt3A_236 : i1 to i32
      %cond3A_238 = arith.constant 0 : i32
      %cond3A_239 = arith.cmpi ne, %convert_element_type3A_237, %cond3A_238 : i32
      scf.if %cond3A_239 {
        %add3A_307 = arith.constant 2 : i32
        %add3A_308 = arith.addi %mul3A_189, %add3A_307 : i32
        %mul3A_309 = arith.constant 80 : i32
        %mul3A_310 = arith.muli %add3A_308, %mul3A_309 : i32
        %add3A_311 = arith.addi %mul3A_89, %mul3A_310 : i32
        %dma_start3A_312 = tpu.memref_slice %arg4[%add3A_311] : memref<320000xi32, #tpu.memory_space<hbm>> -> memref<80xi32, #tpu.memory_space<hbm>>
        %dma_start3A_313 = tpu.memref_slice %arg4[%add3A_311] : memref<320000xi32, #tpu.memory_space<hbm>> -> memref<80xi32, #tpu.memory_space<hbm>>
        tpu.enqueue_dma source(%dma_start3A_313 : memref<80xi32, #tpu.memory_space<hbm>>) target(%arg7 : memref<80xi32, #tpu.memory_space<vmem>>) target_semaphore(%arg20 : memref<!tpu.dma_semaphore, #tpu.memory_space<semaphore_mem>>)
        %dma_start3A_314 = tpu.memref_slice %arg5[%add3A_311] : memref<320000xi32, #tpu.memory_space<hbm>> -> memref<80xi32, #tpu.memory_space<hbm>>
        %dma_start3A_315 = tpu.memref_slice %arg5[%add3A_311] : memref<320000xi32, #tpu.memory_space<hbm>> -> memref<80xi32, #tpu.memory_space<hbm>>
        tpu.enqueue_dma source(%dma_start3A_315 : memref<80xi32, #tpu.memory_space<hbm>>) target(%arg9 : memref<80xi32, #tpu.memory_space<vmem>>) target_semaphore(%arg20 : memref<!tpu.dma_semaphore, #tpu.memory_space<semaphore_mem>>)
      } else {
      }
      %parallel_loop3A_240 = arith.constant 0 : i32
      %parallel_loop3A_241 = arith.constant 80 : i32
      %parallel_loop3A_242 = arith.constant 1 : i32
      scf.for %parallel_loop3A_307 = %parallel_loop3A_240 to %parallel_loop3A_241 step %parallel_loop3A_242  : i32 {
        %parallel_loop3A_308 = arith.index_cast %parallel_loop3A_307 : i32 to index
        %parallel_loop3A_309 = arith.constant 32 : index
        %parallel_loop3A_310 = tpu.vector_load %arg11[%parallel_loop3A_308, %parallel_loop3A_309] {strides = array<i32>} : memref<80x48xf32, #tpu.memory_space<vmem>>, vector<16xf32>,
        %parallel_loop3A_311 = arith.index_cast %parallel_loop3A_307 : i32 to index
        %parallel_loop3A_312 = arith.constant 0 : index
        %parallel_loop3A_313 = tpu.vector_load %arg13[%parallel_loop3A_311, %parallel_loop3A_312] {strides = array<i32>} : memref<80x16xf32, #tpu.memory_space<vmem>>, vector<16xf32>,
        %parallel_loop3A_314 = arith.addf %parallel_loop3A_310, %parallel_loop3A_313 : vector<16xf32>
        %parallel_loop3A_315 = arith.constant 2.000000e-01 : f32
        %parallel_loop3A_316 = vector.broadcast %parallel_loop3A_315 : f32 to vector<16xf32>
        %parallel_loop3A_317 = arith.mulf %parallel_loop3A_316, %parallel_loop3A_314 : vector<16xf32>
        %parallel_loop3A_318 = arith.maximumf %parallel_loop3A_314, %parallel_loop3A_317 : vector<16xf32>
        %parallel_loop3A_319 = math.exp %parallel_loop3A_318 : vector<16xf32>
        %parallel_loop3A_320 = arith.constant 0.000000e+00 : f32
        %parallel_loop3A_321 = vector.broadcast %parallel_loop3A_320 : f32 to vector<16xf32>
        %parallel_loop3A_322 = arith.select %eq3A_3, %parallel_loop3A_319, %parallel_loop3A_321 : vector<16xi1>, vector<16xf32>
        %parallel_loop3A_323 = arith.constant 16 : i32
        %parallel_loop3A_324 = arith.muli %parallel_loop3A_307, %parallel_loop3A_323 : i32
        %parallel_loop3A_325 = arith.index_cast %parallel_loop3A_324 : i32 to index
        %parallel_loop3A_326 = tpu.vector_load %arg18[%parallel_loop3A_325] {strides = array<i32>} : memref<1280xf32, #tpu.memory_space<vmem>>, vector<16xf32>,
        tpu.vector_store %arg18[%parallel_loop3A_325], %parallel_loop3A_322 {strides = array<i32>} : memref<1280xf32, #tpu.memory_space<vmem>>, vector<16xf32>,
        %parallel_loop3A_327 = arith.constant 8 : i32
        %parallel_loop3A_328 = arith.addi %parallel_loop3A_324, %parallel_loop3A_327 : i32
        %parallel_loop3A_329 = vector.broadcast %parallel_loop3A_328 : i32 to vector<16xi32>
        %parallel_loop3A_330 = tpu.vector_load_idx %arg18[%parallel_loop3A_329] : memref<1280xf32, #tpu.memory_space<vmem>>[vector<16xi32>], vector<16xf32>,
        %parallel_loop3A_331 = arith.index_cast %parallel_loop3A_307 : i32 to index
        %parallel_loop3A_332 = arith.constant 0 : index
        %parallel_loop3A_333 = tpu.vector_load %arg11[%parallel_loop3A_331, %parallel_loop3A_332] {strides = array<i32>} : memref<80x48xf32, #tpu.memory_space<vmem>>, vector<16xf32>,
        %parallel_loop3A_334 = arith.mulf %parallel_loop3A_333, %parallel_loop3A_330 : vector<16xf32>
        %parallel_loop3A_335 = arith.index_cast %parallel_loop3A_307 : i32 to index
        %parallel_loop3A_336 = arith.constant 0 : index
        %parallel_loop3A_337 = tpu.vector_load %arg11[%parallel_loop3A_335, %parallel_loop3A_336] {strides = array<i32>} : memref<80x48xf32, #tpu.memory_space<vmem>>, vector<16xf32>,
        tpu.vector_store %arg11[%parallel_loop3A_335, %parallel_loop3A_336], %parallel_loop3A_334 {strides = array<i32>} : memref<80x48xf32, #tpu.memory_space<vmem>>, vector<16xf32>,
        %parallel_loop3A_338 = arith.index_cast %parallel_loop3A_307 : i32 to index
        %parallel_loop3A_339 = arith.constant 16 : index
        %parallel_loop3A_340 = tpu.vector_load %arg11[%parallel_loop3A_338, %parallel_loop3A_339] {strides = array<i32>} : memref<80x48xf32, #tpu.memory_space<vmem>>, vector<16xf32>,
        %parallel_loop3A_341 = arith.mulf %parallel_loop3A_340, %parallel_loop3A_330 : vector<16xf32>
        %parallel_loop3A_342 = arith.index_cast %parallel_loop3A_307 : i32 to index
        %parallel_loop3A_343 = arith.constant 16 : index
        %parallel_loop3A_344 = tpu.vector_load %arg11[%parallel_loop3A_342, %parallel_loop3A_343] {strides = array<i32>} : memref<80x48xf32, #tpu.memory_space<vmem>>, vector<16xf32>,
        tpu.vector_store %arg11[%parallel_loop3A_342, %parallel_loop3A_343], %parallel_loop3A_341 {strides = array<i32>} : memref<80x48xf32, #tpu.memory_space<vmem>>, vector<16xf32>,
        %parallel_loop3A_345 = arith.constant 8 : i32
        %parallel_loop3A_346 = vector.broadcast %parallel_loop3A_345 : i32 to vector<16xi32>
        %parallel_loop3A_347 = arith.cmpi slt, %iota3A, %parallel_loop3A_346 : vector<16xi32>
        %parallel_loop3A_348 = arith.mulf %parallel_loop3A_310, %parallel_loop3A_330 : vector<16xf32>
        %parallel_loop3A_349 = arith.constant 0.000000e+00 : f32
        %parallel_loop3A_350 = vector.broadcast %parallel_loop3A_349 : f32 to vector<16xf32>
        %parallel_loop3A_351 = arith.select %parallel_loop3A_347, %parallel_loop3A_348, %parallel_loop3A_350 : vector<16xi1>, vector<16xf32>
        %parallel_loop3A_352 = arith.select %eq3A_3, %parallel_loop3A_322, %parallel_loop3A_351 : vector<16xi1>, vector<16xf32>
        %parallel_loop3A_353 = arith.index_cast %parallel_loop3A_307 : i32 to index
        %parallel_loop3A_354 = arith.constant 32 : index
        %parallel_loop3A_355 = tpu.vector_load %arg11[%parallel_loop3A_353, %parallel_loop3A_354] {strides = array<i32>} : memref<80x48xf32, #tpu.memory_space<vmem>>, vector<16xf32>,
        tpu.vector_store %arg11[%parallel_loop3A_353, %parallel_loop3A_354], %parallel_loop3A_352 {strides = array<i32>} : memref<80x48xf32, #tpu.memory_space<vmem>>, vector<16xf32>,
      } {sc.loop_unroll_factor = 4 : i64, sc.parallel_access}
      %dma_start3A_243 = arith.constant 0 : i32
      %dma_start3A_244 = arith.constant 0 : i32
      %dma_start3A_245 = tpu.memref_slice %arg19[%dma_start3A_243, %dma_start3A_244] : memref<10240x48xf32, #tpu.memory_space<vmem_shared>> -> memref<10240x48xf32, #tpu.memory_space<vmem_shared>>
      tpu.enqueue_indirect_dma source(%arg11 : memref<80x48xf32, #tpu.memory_space<vmem>>) target(%dma_start3A_245 : memref<10240x48xf32, #tpu.memory_space<vmem_shared>>) offsets(%arg15 : memref<80xi32, #tpu.memory_space<vmem>>) semaphore(%arg26 : memref<!tpu.dma_semaphore, #tpu.memory_space<semaphore_mem>>) {add = true}
      %mul3A_246 = arith.constant 2 : i32
      %mul3A_247 = arith.muli %mul3A_246, %scan3A_186 : i32
      %add3A_248 = arith.constant 1 : i32
      %add3A_249 = arith.addi %mul3A_247, %add3A_248 : i32
      %add3A_250 = arith.constant 1 : i32
      %add3A_251 = arith.addi %add3A_249, %add3A_250 : i32
      %lt3A_252 = arith.constant 125 : i32
      %lt3A_253 = arith.cmpi slt, %add3A_251, %lt3A_252 : i32
      %ge3A_254 = arith.constant 1 : i32
      %ge3A_255 = arith.cmpi sge, %add3A_249, %ge3A_254 : i32
      %and3A_256 = arith.andi %lt3A_253, %ge3A_255 : i1
      %convert_element_type3A_257 = arith.extui %and3A_256 : i1 to i32
      %cond3A_258 = arith.constant 0 : i32
      %cond3A_259 = arith.cmpi ne, %convert_element_type3A_257, %cond3A_258 : i32
      scf.if %cond3A_259 {
        %dma_wait3A_307 = arith.constant 0 : i32
        %dma_wait3A_308 = arith.constant 0 : i32
        %dma_wait3A_309 = tpu.memref_slice %arg19[%dma_wait3A_307, %dma_wait3A_308] : memref<10240x48xf32, #tpu.memory_space<vmem_shared>> -> memref<10240x48xf32, #tpu.memory_space<vmem_shared>>
        tpu.wait_indirect_dma semaphore(%arg26 : memref<!tpu.dma_semaphore, #tpu.memory_space<semaphore_mem>>) src(%arg11 : memref<80x48xf32, #tpu.memory_space<vmem>>) dst(%dma_wait3A_309 : memref<10240x48xf32, #tpu.memory_space<vmem_shared>>)
      } else {
      }
      %add3A_260 = arith.constant 1 : i32
      %add3A_261 = arith.addi %add3A_249, %add3A_260 : i32
      %lt3A_262 = arith.constant 125 : i32
      %lt3A_263 = arith.cmpi slt, %add3A_261, %lt3A_262 : i32
      %convert_element_type3A_264 = arith.extui %lt3A_263 : i1 to i32
      %cond3A_265 = arith.constant 0 : i32
      %cond3A_266 = arith.cmpi ne, %convert_element_type3A_264, %cond3A_265 : i32
      scf.if %cond3A_266 {
        %add3A_307 = arith.constant 1 : i32
        %add3A_308 = arith.addi %add3A_249, %add3A_307 : i32
        %mul3A_309 = arith.constant 80 : i32
        %mul3A_310 = arith.muli %add3A_308, %mul3A_309 : i32
        %add3A_311 = arith.addi %mul3A_89, %mul3A_310 : i32
        %dma_wait3A_312 = tpu.memref_slice %arg4[%add3A_311] : memref<320000xi32, #tpu.memory_space<hbm>> -> memref<80xi32, #tpu.memory_space<hbm>>
        %dma_wait3A_313 = tpu.memref_slice %arg4[%add3A_311] : memref<320000xi32, #tpu.memory_space<hbm>> -> memref<80xi32, #tpu.memory_space<hbm>>
        tpu.wait_dma2 semaphore(%arg20 : memref<!tpu.dma_semaphore, #tpu.memory_space<semaphore_mem>>) src(%dma_wait3A_313 : memref<80xi32, #tpu.memory_space<hbm>>) dst(%arg7 : memref<80xi32, #tpu.memory_space<vmem>>)
        %dma_wait3A_314 = tpu.memref_slice %arg5[%add3A_311] : memref<320000xi32, #tpu.memory_space<hbm>> -> memref<80xi32, #tpu.memory_space<hbm>>
        %dma_wait3A_315 = tpu.memref_slice %arg5[%add3A_311] : memref<320000xi32, #tpu.memory_space<hbm>> -> memref<80xi32, #tpu.memory_space<hbm>>
        tpu.wait_dma2 semaphore(%arg20 : memref<!tpu.dma_semaphore, #tpu.memory_space<semaphore_mem>>) src(%dma_wait3A_315 : memref<80xi32, #tpu.memory_space<hbm>>) dst(%arg9 : memref<80xi32, #tpu.memory_space<vmem>>)
        %dma_start3A_316 = arith.constant 0 : i32
        %dma_start3A_317 = arith.constant 0 : i32
        %dma_start3A_318 = tpu.memref_slice %arg2[%dma_start3A_316, %dma_start3A_317] : memref<10000x48xf32, #tpu.memory_space<hbm>> -> memref<10000x48xf32, #tpu.memory_space<hbm>>
        tpu.enqueue_indirect_dma source(%dma_start3A_318 : memref<10000x48xf32, #tpu.memory_space<hbm>>) target(%arg11 : memref<80x48xf32, #tpu.memory_space<vmem>>) offsets(%arg7 : memref<80xi32, #tpu.memory_space<vmem>>) semaphore(%arg22 : memref<!tpu.dma_semaphore, #tpu.memory_space<semaphore_mem>>)
        %dma_start3A_319 = arith.constant 0 : i32
        %dma_start3A_320 = arith.constant 0 : i32
        %dma_start3A_321 = tpu.memref_slice %arg3[%dma_start3A_319, %dma_start3A_320] : memref<10000x16xf32, #tpu.memory_space<hbm>> -> memref<10000x16xf32, #tpu.memory_space<hbm>>
        tpu.enqueue_indirect_dma source(%dma_start3A_321 : memref<10000x16xf32, #tpu.memory_space<hbm>>) target(%arg13 : memref<80x16xf32, #tpu.memory_space<vmem>>) offsets(%arg9 : memref<80xi32, #tpu.memory_space<vmem>>) semaphore(%arg24 : memref<!tpu.dma_semaphore, #tpu.memory_space<semaphore_mem>>)
      } else {
      }
      %dma_wait3A_267 = arith.constant 0 : i32
      %dma_wait3A_268 = arith.constant 0 : i32
      %dma_wait3A_269 = tpu.memref_slice %arg2[%dma_wait3A_267, %dma_wait3A_268] : memref<10000x48xf32, #tpu.memory_space<hbm>> -> memref<10000x48xf32, #tpu.memory_space<hbm>>
      tpu.wait_indirect_dma semaphore(%arg23 : memref<!tpu.dma_semaphore, #tpu.memory_space<semaphore_mem>>) src(%dma_wait3A_269 : memref<10000x48xf32, #tpu.memory_space<hbm>>) dst(%arg12 : memref<80x48xf32, #tpu.memory_space<vmem>>)
      %dma_wait3A_270 = arith.constant 0 : i32
      %dma_wait3A_271 = arith.constant 0 : i32
      %dma_wait3A_272 = tpu.memref_slice %arg3[%dma_wait3A_270, %dma_wait3A_271] : memref<10000x16xf32, #tpu.memory_space<hbm>> -> memref<10000x16xf32, #tpu.memory_space<hbm>>
      tpu.wait_indirect_dma semaphore(%arg25 : memref<!tpu.dma_semaphore, #tpu.memory_space<semaphore_mem>>) src(%dma_wait3A_272 : memref<10000x16xf32, #tpu.memory_space<hbm>>) dst(%arg14 : memref<80x16xf32, #tpu.memory_space<vmem>>)
      %get3A_273 = arith.constant 0 : index
      %get3A_274 = tpu.vector_load %arg10[%get3A_273] {strides = array<i32>} : memref<80xi32, #tpu.memory_space<vmem>>, vector<16xi32>,
      %swap3A_275 = arith.constant 0 : index
      %swap3A_276 = tpu.vector_load %arg16[%swap3A_275] {strides = array<i32>} : memref<80xi32, #tpu.memory_space<vmem>>, vector<16xi32>,
      tpu.vector_store %arg16[%swap3A_275], %get3A_274 {strides = array<i32>} : memref<80xi32, #tpu.memory_space<vmem>>, vector<16xi32>,
      %get3A_277 = arith.constant 16 : index
      %get3A_278 = tpu.vector_load %arg10[%get3A_277] {strides = array<i32>} : memref<80xi32, #tpu.memory_space<vmem>>, vector<16xi32>,
      %swap3A_279 = arith.constant 16 : index
      %swap3A_280 = tpu.vector_load %arg16[%swap3A_279] {strides = array<i32>} : memref<80xi32, #tpu.memory_space<vmem>>, vector<16xi32>,
      tpu.vector_store %arg16[%swap3A_279], %get3A_278 {strides = array<i32>} : memref<80xi32, #tpu.memory_space<vmem>>, vector<16xi32>,
      %get3A_281 = arith.constant 32 : index
      %get3A_282 = tpu.vector_load %arg10[%get3A_281] {strides = array<i32>} : memref<80xi32, #tpu.memory_space<vmem>>, vector<16xi32>,
      %swap3A_283 = arith.constant 32 : index
      %swap3A_284 = tpu.vector_load %arg16[%swap3A_283] {strides = array<i32>} : memref<80xi32, #tpu.memory_space<vmem>>, vector<16xi32>,
      tpu.vector_store %arg16[%swap3A_283], %get3A_282 {strides = array<i32>} : memref<80xi32, #tpu.memory_space<vmem>>, vector<16xi32>,
      %get3A_285 = arith.constant 48 : index
      %get3A_286 = tpu.vector_load %arg10[%get3A_285] {strides = array<i32>} : memref<80xi32, #tpu.memory_space<vmem>>, vector<16xi32>,
      %swap3A_287 = arith.constant 48 : index
      %swap3A_288 = tpu.vector_load %arg16[%swap3A_287] {strides = array<i32>} : memref<80xi32, #tpu.memory_space<vmem>>, vector<16xi32>,
      tpu.vector_store %arg16[%swap3A_287], %get3A_286 {strides = array<i32>} : memref<80xi32, #tpu.memory_space<vmem>>, vector<16xi32>,
      %get3A_289 = arith.constant 64 : index
      %get3A_290 = tpu.vector_load %arg10[%get3A_289] {strides = array<i32>} : memref<80xi32, #tpu.memory_space<vmem>>, vector<16xi32>,
      %swap3A_291 = arith.constant 64 : index
      %swap3A_292 = tpu.vector_load %arg16[%swap3A_291] {strides = array<i32>} : memref<80xi32, #tpu.memory_space<vmem>>, vector<16xi32>,
      tpu.vector_store %arg16[%swap3A_291], %get3A_290 {strides = array<i32>} : memref<80xi32, #tpu.memory_space<vmem>>, vector<16xi32>,
      %add3A_293 = arith.constant 2 : i32
      %add3A_294 = arith.addi %add3A_249, %add3A_293 : i32
      %lt3A_295 = arith.constant 125 : i32
      %lt3A_296 = arith.cmpi slt, %add3A_294, %lt3A_295 : i32
      %convert_element_type3A_297 = arith.extui %lt3A_296 : i1 to i32
      %cond3A_298 = arith.constant 0 : i32
      %cond3A_299 = arith.cmpi ne, %convert_element_type3A_297, %cond3A_298 : i32
      scf.if %cond3A_299 {
        %add3A_307 = arith.constant 2 : i32
        %add3A_308 = arith.addi %add3A_249, %add3A_307 : i32
        %mul3A_309 = arith.constant 80 : i32
        %mul3A_310 = arith.muli %add3A_308, %mul3A_309 : i32
        %add3A_311 = arith.addi %mul3A_89, %mul3A_310 : i32
        %dma_start3A_312 = tpu.memref_slice %arg4[%add3A_311] : memref<320000xi32, #tpu.memory_space<hbm>> -> memref<80xi32, #tpu.memory_space<hbm>>
        %dma_start3A_313 = tpu.memref_slice %arg4[%add3A_311] : memref<320000xi32, #tpu.memory_space<hbm>> -> memref<80xi32, #tpu.memory_space<hbm>>
        tpu.enqueue_dma source(%dma_start3A_313 : memref<80xi32, #tpu.memory_space<hbm>>) target(%arg8 : memref<80xi32, #tpu.memory_space<vmem>>) target_semaphore(%arg21 : memref<!tpu.dma_semaphore, #tpu.memory_space<semaphore_mem>>)
        %dma_start3A_314 = tpu.memref_slice %arg5[%add3A_311] : memref<320000xi32, #tpu.memory_space<hbm>> -> memref<80xi32, #tpu.memory_space<hbm>>
        %dma_start3A_315 = tpu.memref_slice %arg5[%add3A_311] : memref<320000xi32, #tpu.memory_space<hbm>> -> memref<80xi32, #tpu.memory_space<hbm>>
        tpu.enqueue_dma source(%dma_start3A_315 : memref<80xi32, #tpu.memory_space<hbm>>) target(%arg10 : memref<80xi32, #tpu.memory_space<vmem>>) target_semaphore(%arg21 : memref<!tpu.dma_semaphore, #tpu.memory_space<semaphore_mem>>)
      } else {
      }
      %parallel_loop3A_300 = arith.constant 0 : i32
      %parallel_loop3A_301 = arith.constant 80 : i32
      %parallel_loop3A_302 = arith.constant 1 : i32
      scf.for %parallel_loop3A_307 = %parallel_loop3A_300 to %parallel_loop3A_301 step %parallel_loop3A_302  : i32 {
        %parallel_loop3A_308 = arith.index_cast %parallel_loop3A_307 : i32 to index
        %parallel_loop3A_309 = arith.constant 32 : index
        %parallel_loop3A_310 = tpu.vector_load %arg12[%parallel_loop3A_308, %parallel_loop3A_309] {strides = array<i32>} : memref<80x48xf32, #tpu.memory_space<vmem>>, vector<16xf32>,
        %parallel_loop3A_311 = arith.index_cast %parallel_loop3A_307 : i32 to index
        %parallel_loop3A_312 = arith.constant 0 : index
        %parallel_loop3A_313 = tpu.vector_load %arg14[%parallel_loop3A_311, %parallel_loop3A_312] {strides = array<i32>} : memref<80x16xf32, #tpu.memory_space<vmem>>, vector<16xf32>,
        %parallel_loop3A_314 = arith.addf %parallel_loop3A_310, %parallel_loop3A_313 : vector<16xf32>
        %parallel_loop3A_315 = arith.constant 2.000000e-01 : f32
        %parallel_loop3A_316 = vector.broadcast %parallel_loop3A_315 : f32 to vector<16xf32>
        %parallel_loop3A_317 = arith.mulf %parallel_loop3A_316, %parallel_loop3A_314 : vector<16xf32>
        %parallel_loop3A_318 = arith.maximumf %parallel_loop3A_314, %parallel_loop3A_317 : vector<16xf32>
        %parallel_loop3A_319 = math.exp %parallel_loop3A_318 : vector<16xf32>
        %parallel_loop3A_320 = arith.constant 0.000000e+00 : f32
        %parallel_loop3A_321 = vector.broadcast %parallel_loop3A_320 : f32 to vector<16xf32>
        %parallel_loop3A_322 = arith.select %eq3A_3, %parallel_loop3A_319, %parallel_loop3A_321 : vector<16xi1>, vector<16xf32>
        %parallel_loop3A_323 = arith.constant 16 : i32
        %parallel_loop3A_324 = arith.muli %parallel_loop3A_307, %parallel_loop3A_323 : i32
        %parallel_loop3A_325 = arith.index_cast %parallel_loop3A_324 : i32 to index
        %parallel_loop3A_326 = tpu.vector_load %arg18[%parallel_loop3A_325] {strides = array<i32>} : memref<1280xf32, #tpu.memory_space<vmem>>, vector<16xf32>,
        tpu.vector_store %arg18[%parallel_loop3A_325], %parallel_loop3A_322 {strides = array<i32>} : memref<1280xf32, #tpu.memory_space<vmem>>, vector<16xf32>,
        %parallel_loop3A_327 = arith.constant 8 : i32
        %parallel_loop3A_328 = arith.addi %parallel_loop3A_324, %parallel_loop3A_327 : i32
        %parallel_loop3A_329 = vector.broadcast %parallel_loop3A_328 : i32 to vector<16xi32>
        %parallel_loop3A_330 = tpu.vector_load_idx %arg18[%parallel_loop3A_329] : memref<1280xf32, #tpu.memory_space<vmem>>[vector<16xi32>], vector<16xf32>,
        %parallel_loop3A_331 = arith.index_cast %parallel_loop3A_307 : i32 to index
        %parallel_loop3A_332 = arith.constant 0 : index
        %parallel_loop3A_333 = tpu.vector_load %arg12[%parallel_loop3A_331, %parallel_loop3A_332] {strides = array<i32>} : memref<80x48xf32, #tpu.memory_space<vmem>>, vector<16xf32>,
        %parallel_loop3A_334 = arith.mulf %parallel_loop3A_333, %parallel_loop3A_330 : vector<16xf32>
        %parallel_loop3A_335 = arith.index_cast %parallel_loop3A_307 : i32 to index
        %parallel_loop3A_336 = arith.constant 0 : index
        %parallel_loop3A_337 = tpu.vector_load %arg12[%parallel_loop3A_335, %parallel_loop3A_336] {strides = array<i32>} : memref<80x48xf32, #tpu.memory_space<vmem>>, vector<16xf32>,
        tpu.vector_store %arg12[%parallel_loop3A_335, %parallel_loop3A_336], %parallel_loop3A_334 {strides = array<i32>} : memref<80x48xf32, #tpu.memory_space<vmem>>, vector<16xf32>,
        %parallel_loop3A_338 = arith.index_cast %parallel_loop3A_307 : i32 to index
        %parallel_loop3A_339 = arith.constant 16 : index
        %parallel_loop3A_340 = tpu.vector_load %arg12[%parallel_loop3A_338, %parallel_loop3A_339] {strides = array<i32>} : memref<80x48xf32, #tpu.memory_space<vmem>>, vector<16xf32>,
        %parallel_loop3A_341 = arith.mulf %parallel_loop3A_340, %parallel_loop3A_330 : vector<16xf32>
        %parallel_loop3A_342 = arith.index_cast %parallel_loop3A_307 : i32 to index
        %parallel_loop3A_343 = arith.constant 16 : index
        %parallel_loop3A_344 = tpu.vector_load %arg12[%parallel_loop3A_342, %parallel_loop3A_343] {strides = array<i32>} : memref<80x48xf32, #tpu.memory_space<vmem>>, vector<16xf32>,
        tpu.vector_store %arg12[%parallel_loop3A_342, %parallel_loop3A_343], %parallel_loop3A_341 {strides = array<i32>} : memref<80x48xf32, #tpu.memory_space<vmem>>, vector<16xf32>,
        %parallel_loop3A_345 = arith.constant 8 : i32
        %parallel_loop3A_346 = vector.broadcast %parallel_loop3A_345 : i32 to vector<16xi32>
        %parallel_loop3A_347 = arith.cmpi slt, %iota3A, %parallel_loop3A_346 : vector<16xi32>
        %parallel_loop3A_348 = arith.mulf %parallel_loop3A_310, %parallel_loop3A_330 : vector<16xf32>
        %parallel_loop3A_349 = arith.constant 0.000000e+00 : f32
        %parallel_loop3A_350 = vector.broadcast %parallel_loop3A_349 : f32 to vector<16xf32>
        %parallel_loop3A_351 = arith.select %parallel_loop3A_347, %parallel_loop3A_348, %parallel_loop3A_350 : vector<16xi1>, vector<16xf32>
        %parallel_loop3A_352 = arith.select %eq3A_3, %parallel_loop3A_322, %parallel_loop3A_351 : vector<16xi1>, vector<16xf32>
        %parallel_loop3A_353 = arith.index_cast %parallel_loop3A_307 : i32 to index
        %parallel_loop3A_354 = arith.constant 32 : index
        %parallel_loop3A_355 = tpu.vector_load %arg12[%parallel_loop3A_353, %parallel_loop3A_354] {strides = array<i32>} : memref<80x48xf32, #tpu.memory_space<vmem>>, vector<16xf32>,
        tpu.vector_store %arg12[%parallel_loop3A_353, %parallel_loop3A_354], %parallel_loop3A_352 {strides = array<i32>} : memref<80x48xf32, #tpu.memory_space<vmem>>, vector<16xf32>,
      } {sc.loop_unroll_factor = 4 : i64, sc.parallel_access}
      %dma_start3A_303 = arith.constant 0 : i32
      %dma_start3A_304 = arith.constant 0 : i32
      %dma_start3A_305 = tpu.memref_slice %arg19[%dma_start3A_303, %dma_start3A_304] : memref<10240x48xf32, #tpu.memory_space<vmem_shared>> -> memref<10240x48xf32, #tpu.memory_space<vmem_shared>>
      tpu.enqueue_indirect_dma source(%arg12 : memref<80x48xf32, #tpu.memory_space<vmem>>) target(%dma_start3A_305 : memref<10240x48xf32, #tpu.memory_space<vmem_shared>>) offsets(%arg16 : memref<80xi32, #tpu.memory_space<vmem>>) semaphore(%arg27 : memref<!tpu.dma_semaphore, #tpu.memory_space<semaphore_mem>>) {add = true}
      %scan3A_306 = arith.constant 0 : i32
      scf.yield %scan3A_306 : i32
    }
    %scan3A_120 = arith.constant 62 : i32
    %add3A_121 = arith.constant 124 : i32
    %add3A_122 = arith.constant 1 : i32
    %add3A_123 = arith.addi %add3A_121, %add3A_122 : i32
    %lt3A = arith.constant 125 : i32
    %lt3A_124 = arith.cmpi slt, %add3A_123, %lt3A : i32
    %ge3A = arith.constant 124 : i32
    %ge3A_125 = arith.constant 1 : i32
    %ge3A_126 = arith.cmpi sge, %ge3A, %ge3A_125 : i32
    %and3A = arith.andi %lt3A_124, %ge3A_126 : i1
    %convert_element_type3A = arith.extui %and3A : i1 to i32
    %cond3A = arith.constant 0 : i32
    %cond3A_127 = arith.cmpi ne, %convert_element_type3A, %cond3A : i32
    scf.if %cond3A_127 {
      %dma_wait3A_186 = arith.constant 0 : i32
      %dma_wait3A_187 = arith.constant 0 : i32
      %dma_wait3A_188 = tpu.memref_slice %arg19[%dma_wait3A_186, %dma_wait3A_187] : memref<10240x48xf32, #tpu.memory_space<vmem_shared>> -> memref<10240x48xf32, #tpu.memory_space<vmem_shared>>
      tpu.wait_indirect_dma semaphore(%arg27 : memref<!tpu.dma_semaphore, #tpu.memory_space<semaphore_mem>>) src(%arg12 : memref<80x48xf32, #tpu.memory_space<vmem>>) dst(%dma_wait3A_188 : memref<10240x48xf32, #tpu.memory_space<vmem_shared>>)
    } else {
    }
    %add3A_128 = arith.constant 124 : i32
    %add3A_129 = arith.constant 1 : i32
    %add3A_130 = arith.addi %add3A_128, %add3A_129 : i32
    %lt3A_131 = arith.constant 125 : i32
    %lt3A_132 = arith.cmpi slt, %add3A_130, %lt3A_131 : i32
    %convert_element_type3A_133 = arith.extui %lt3A_132 : i1 to i32
    %cond3A_134 = arith.constant 124 : i32
    %cond3A_135 = arith.constant 0 : i32
    %cond3A_136 = arith.cmpi ne, %convert_element_type3A_133, %cond3A_135 : i32
    scf.if %cond3A_136 {
      %add3A_186 = arith.constant 1 : i32
      %add3A_187 = arith.addi %cond3A_134, %add3A_186 : i32
      %mul3A_188 = arith.constant 80 : i32
      %mul3A_189 = arith.muli %add3A_187, %mul3A_188 : i32
      %add3A_190 = arith.addi %mul3A_89, %mul3A_189 : i32
      %dma_wait3A_191 = tpu.memref_slice %arg4[%add3A_190] : memref<320000xi32, #tpu.memory_space<hbm>> -> memref<80xi32, #tpu.memory_space<hbm>>
      %dma_wait3A_192 = tpu.memref_slice %arg4[%add3A_190] : memref<320000xi32, #tpu.memory_space<hbm>> -> memref<80xi32, #tpu.memory_space<hbm>>
      tpu.wait_dma2 semaphore(%arg21 : memref<!tpu.dma_semaphore, #tpu.memory_space<semaphore_mem>>) src(%dma_wait3A_192 : memref<80xi32, #tpu.memory_space<hbm>>) dst(%arg8 : memref<80xi32, #tpu.memory_space<vmem>>)
      %dma_wait3A_193 = tpu.memref_slice %arg5[%add3A_190] : memref<320000xi32, #tpu.memory_space<hbm>> -> memref<80xi32, #tpu.memory_space<hbm>>
      %dma_wait3A_194 = tpu.memref_slice %arg5[%add3A_190] : memref<320000xi32, #tpu.memory_space<hbm>> -> memref<80xi32, #tpu.memory_space<hbm>>
      tpu.wait_dma2 semaphore(%arg21 : memref<!tpu.dma_semaphore, #tpu.memory_space<semaphore_mem>>) src(%dma_wait3A_194 : memref<80xi32, #tpu.memory_space<hbm>>) dst(%arg10 : memref<80xi32, #tpu.memory_space<vmem>>)
      %dma_start3A_195 = arith.constant 0 : i32
      %dma_start3A_196 = arith.constant 0 : i32
      %dma_start3A_197 = tpu.memref_slice %arg2[%dma_start3A_195, %dma_start3A_196] : memref<10000x48xf32, #tpu.memory_space<hbm>> -> memref<10000x48xf32, #tpu.memory_space<hbm>>
      tpu.enqueue_indirect_dma source(%dma_start3A_197 : memref<10000x48xf32, #tpu.memory_space<hbm>>) target(%arg12 : memref<80x48xf32, #tpu.memory_space<vmem>>) offsets(%arg8 : memref<80xi32, #tpu.memory_space<vmem>>) semaphore(%arg23 : memref<!tpu.dma_semaphore, #tpu.memory_space<semaphore_mem>>)
      %dma_start3A_198 = arith.constant 0 : i32
      %dma_start3A_199 = arith.constant 0 : i32
      %dma_start3A_200 = tpu.memref_slice %arg3[%dma_start3A_198, %dma_start3A_199] : memref<10000x16xf32, #tpu.memory_space<hbm>> -> memref<10000x16xf32, #tpu.memory_space<hbm>>
      tpu.enqueue_indirect_dma source(%dma_start3A_200 : memref<10000x16xf32, #tpu.memory_space<hbm>>) target(%arg14 : memref<80x16xf32, #tpu.memory_space<vmem>>) offsets(%arg10 : memref<80xi32, #tpu.memory_space<vmem>>) semaphore(%arg25 : memref<!tpu.dma_semaphore, #tpu.memory_space<semaphore_mem>>)
    } else {
    }
    %dma_wait3A_137 = arith.constant 0 : i32
    %dma_wait3A_138 = arith.constant 0 : i32
    %dma_wait3A_139 = tpu.memref_slice %arg2[%dma_wait3A_137, %dma_wait3A_138] : memref<10000x48xf32, #tpu.memory_space<hbm>> -> memref<10000x48xf32, #tpu.memory_space<hbm>>
    tpu.wait_indirect_dma semaphore(%arg22 : memref<!tpu.dma_semaphore, #tpu.memory_space<semaphore_mem>>) src(%dma_wait3A_139 : memref<10000x48xf32, #tpu.memory_space<hbm>>) dst(%arg11 : memref<80x48xf32, #tpu.memory_space<vmem>>)
    %dma_wait3A_140 = arith.constant 0 : i32
    %dma_wait3A_141 = arith.constant 0 : i32
    %dma_wait3A_142 = tpu.memref_slice %arg3[%dma_wait3A_140, %dma_wait3A_141] : memref<10000x16xf32, #tpu.memory_space<hbm>> -> memref<10000x16xf32, #tpu.memory_space<hbm>>
    tpu.wait_indirect_dma semaphore(%arg24 : memref<!tpu.dma_semaphore, #tpu.memory_space<semaphore_mem>>) src(%dma_wait3A_142 : memref<10000x16xf32, #tpu.memory_space<hbm>>) dst(%arg13 : memref<80x16xf32, #tpu.memory_space<vmem>>)
    %get3A = arith.constant 0 : index
    %get3A_143 = tpu.vector_load %arg9[%get3A] {strides = array<i32>} : memref<80xi32, #tpu.memory_space<vmem>>, vector<16xi32>,
    %swap3A = arith.constant 0 : index
    %swap3A_144 = tpu.vector_load %arg15[%swap3A] {strides = array<i32>} : memref<80xi32, #tpu.memory_space<vmem>>, vector<16xi32>,
    tpu.vector_store %arg15[%swap3A], %get3A_143 {strides = array<i32>} : memref<80xi32, #tpu.memory_space<vmem>>, vector<16xi32>,
    %get3A_145 = arith.constant 16 : index
    %get3A_146 = tpu.vector_load %arg9[%get3A_145] {strides = array<i32>} : memref<80xi32, #tpu.memory_space<vmem>>, vector<16xi32>,
    %swap3A_147 = arith.constant 16 : index
    %swap3A_148 = tpu.vector_load %arg15[%swap3A_147] {strides = array<i32>} : memref<80xi32, #tpu.memory_space<vmem>>, vector<16xi32>,
    tpu.vector_store %arg15[%swap3A_147], %get3A_146 {strides = array<i32>} : memref<80xi32, #tpu.memory_space<vmem>>, vector<16xi32>,
    %get3A_149 = arith.constant 32 : index
    %get3A_150 = tpu.vector_load %arg9[%get3A_149] {strides = array<i32>} : memref<80xi32, #tpu.memory_space<vmem>>, vector<16xi32>,
    %swap3A_151 = arith.constant 32 : index
    %swap3A_152 = tpu.vector_load %arg15[%swap3A_151] {strides = array<i32>} : memref<80xi32, #tpu.memory_space<vmem>>, vector<16xi32>,
    tpu.vector_store %arg15[%swap3A_151], %get3A_150 {strides = array<i32>} : memref<80xi32, #tpu.memory_space<vmem>>, vector<16xi32>,
    %get3A_153 = arith.constant 48 : index
    %get3A_154 = tpu.vector_load %arg9[%get3A_153] {strides = array<i32>} : memref<80xi32, #tpu.memory_space<vmem>>, vector<16xi32>,
    %swap3A_155 = arith.constant 48 : index
    %swap3A_156 = tpu.vector_load %arg15[%swap3A_155] {strides = array<i32>} : memref<80xi32, #tpu.memory_space<vmem>>, vector<16xi32>,
    tpu.vector_store %arg15[%swap3A_155], %get3A_154 {strides = array<i32>} : memref<80xi32, #tpu.memory_space<vmem>>, vector<16xi32>,
    %get3A_157 = arith.constant 64 : index
    %get3A_158 = tpu.vector_load %arg9[%get3A_157] {strides = array<i32>} : memref<80xi32, #tpu.memory_space<vmem>>, vector<16xi32>,
    %swap3A_159 = arith.constant 64 : index
    %swap3A_160 = tpu.vector_load %arg15[%swap3A_159] {strides = array<i32>} : memref<80xi32, #tpu.memory_space<vmem>>, vector<16xi32>,
    tpu.vector_store %arg15[%swap3A_159], %get3A_158 {strides = array<i32>} : memref<80xi32, #tpu.memory_space<vmem>>, vector<16xi32>,
    %add3A_161 = arith.constant 124 : i32
    %add3A_162 = arith.constant 2 : i32
    %add3A_163 = arith.addi %add3A_161, %add3A_162 : i32
    %lt3A_164 = arith.constant 125 : i32
    %lt3A_165 = arith.cmpi slt, %add3A_163, %lt3A_164 : i32
    %convert_element_type3A_166 = arith.extui %lt3A_165 : i1 to i32
    %cond3A_167 = arith.constant 124 : i32
    %cond3A_168 = arith.constant 0 : i32
    %cond3A_169 = arith.cmpi ne, %convert_element_type3A_166, %cond3A_168 : i32
    scf.if %cond3A_169 {
      %add3A_186 = arith.constant 2 : i32
      %add3A_187 = arith.addi %cond3A_167, %add3A_186 : i32
      %mul3A_188 = arith.constant 80 : i32
      %mul3A_189 = arith.muli %add3A_187, %mul3A_188 : i32
      %add3A_190 = arith.addi %mul3A_89, %mul3A_189 : i32
      %dma_start3A_191 = tpu.memref_slice %arg4[%add3A_190] : memref<320000xi32, #tpu.memory_space<hbm>> -> memref<80xi32, #tpu.memory_space<hbm>>
      %dma_start3A_192 = tpu.memref_slice %arg4[%add3A_190] : memref<320000xi32, #tpu.memory_space<hbm>> -> memref<80xi32, #tpu.memory_space<hbm>>
      tpu.enqueue_dma source(%dma_start3A_192 : memref<80xi32, #tpu.memory_space<hbm>>) target(%arg7 : memref<80xi32, #tpu.memory_space<vmem>>) target_semaphore(%arg20 : memref<!tpu.dma_semaphore, #tpu.memory_space<semaphore_mem>>)
      %dma_start3A_193 = tpu.memref_slice %arg5[%add3A_190] : memref<320000xi32, #tpu.memory_space<hbm>> -> memref<80xi32, #tpu.memory_space<hbm>>
      %dma_start3A_194 = tpu.memref_slice %arg5[%add3A_190] : memref<320000xi32, #tpu.memory_space<hbm>> -> memref<80xi32, #tpu.memory_space<hbm>>
      tpu.enqueue_dma source(%dma_start3A_194 : memref<80xi32, #tpu.memory_space<hbm>>) target(%arg9 : memref<80xi32, #tpu.memory_space<vmem>>) target_semaphore(%arg20 : memref<!tpu.dma_semaphore, #tpu.memory_space<semaphore_mem>>)
    } else {
    }
    %parallel_loop3A = arith.constant 0 : i32
    %parallel_loop3A_170 = arith.constant 80 : i32
    %parallel_loop3A_171 = arith.constant 1 : i32
    scf.for %parallel_loop3A_186 = %parallel_loop3A to %parallel_loop3A_170 step %parallel_loop3A_171  : i32 {
      %parallel_loop3A_187 = arith.index_cast %parallel_loop3A_186 : i32 to index
      %parallel_loop3A_188 = arith.constant 32 : index
      %parallel_loop3A_189 = tpu.vector_load %arg11[%parallel_loop3A_187, %parallel_loop3A_188] {strides = array<i32>} : memref<80x48xf32, #tpu.memory_space<vmem>>, vector<16xf32>,
      %parallel_loop3A_190 = arith.index_cast %parallel_loop3A_186 : i32 to index
      %parallel_loop3A_191 = arith.constant 0 : index
      %parallel_loop3A_192 = tpu.vector_load %arg13[%parallel_loop3A_190, %parallel_loop3A_191] {strides = array<i32>} : memref<80x16xf32, #tpu.memory_space<vmem>>, vector<16xf32>,
      %parallel_loop3A_193 = arith.addf %parallel_loop3A_189, %parallel_loop3A_192 : vector<16xf32>
      %parallel_loop3A_194 = arith.constant 2.000000e-01 : f32
      %parallel_loop3A_195 = vector.broadcast %parallel_loop3A_194 : f32 to vector<16xf32>
      %parallel_loop3A_196 = arith.mulf %parallel_loop3A_195, %parallel_loop3A_193 : vector<16xf32>
      %parallel_loop3A_197 = arith.maximumf %parallel_loop3A_193, %parallel_loop3A_196 : vector<16xf32>
      %parallel_loop3A_198 = math.exp %parallel_loop3A_197 : vector<16xf32>
      %parallel_loop3A_199 = arith.constant 0.000000e+00 : f32
      %parallel_loop3A_200 = vector.broadcast %parallel_loop3A_199 : f32 to vector<16xf32>
      %parallel_loop3A_201 = arith.select %eq3A_3, %parallel_loop3A_198, %parallel_loop3A_200 : vector<16xi1>, vector<16xf32>
      %parallel_loop3A_202 = arith.constant 16 : i32
      %parallel_loop3A_203 = arith.muli %parallel_loop3A_186, %parallel_loop3A_202 : i32
      %parallel_loop3A_204 = arith.index_cast %parallel_loop3A_203 : i32 to index
      %parallel_loop3A_205 = tpu.vector_load %arg18[%parallel_loop3A_204] {strides = array<i32>} : memref<1280xf32, #tpu.memory_space<vmem>>, vector<16xf32>,
      tpu.vector_store %arg18[%parallel_loop3A_204], %parallel_loop3A_201 {strides = array<i32>} : memref<1280xf32, #tpu.memory_space<vmem>>, vector<16xf32>,
      %parallel_loop3A_206 = arith.constant 8 : i32
      %parallel_loop3A_207 = arith.addi %parallel_loop3A_203, %parallel_loop3A_206 : i32
      %parallel_loop3A_208 = vector.broadcast %parallel_loop3A_207 : i32 to vector<16xi32>
      %parallel_loop3A_209 = tpu.vector_load_idx %arg18[%parallel_loop3A_208] : memref<1280xf32, #tpu.memory_space<vmem>>[vector<16xi32>], vector<16xf32>,
      %parallel_loop3A_210 = arith.index_cast %parallel_loop3A_186 : i32 to index
      %parallel_loop3A_211 = arith.constant 0 : index
      %parallel_loop3A_212 = tpu.vector_load %arg11[%parallel_loop3A_210, %parallel_loop3A_211] {strides = array<i32>} : memref<80x48xf32, #tpu.memory_space<vmem>>, vector<16xf32>,
      %parallel_loop3A_213 = arith.mulf %parallel_loop3A_212, %parallel_loop3A_209 : vector<16xf32>
      %parallel_loop3A_214 = arith.index_cast %parallel_loop3A_186 : i32 to index
      %parallel_loop3A_215 = arith.constant 0 : index
      %parallel_loop3A_216 = tpu.vector_load %arg11[%parallel_loop3A_214, %parallel_loop3A_215] {strides = array<i32>} : memref<80x48xf32, #tpu.memory_space<vmem>>, vector<16xf32>,
      tpu.vector_store %arg11[%parallel_loop3A_214, %parallel_loop3A_215], %parallel_loop3A_213 {strides = array<i32>} : memref<80x48xf32, #tpu.memory_space<vmem>>, vector<16xf32>,
      %parallel_loop3A_217 = arith.index_cast %parallel_loop3A_186 : i32 to index
      %parallel_loop3A_218 = arith.constant 16 : index
      %parallel_loop3A_219 = tpu.vector_load %arg11[%parallel_loop3A_217, %parallel_loop3A_218] {strides = array<i32>} : memref<80x48xf32, #tpu.memory_space<vmem>>, vector<16xf32>,
      %parallel_loop3A_220 = arith.mulf %parallel_loop3A_219, %parallel_loop3A_209 : vector<16xf32>
      %parallel_loop3A_221 = arith.index_cast %parallel_loop3A_186 : i32 to index
      %parallel_loop3A_222 = arith.constant 16 : index
      %parallel_loop3A_223 = tpu.vector_load %arg11[%parallel_loop3A_221, %parallel_loop3A_222] {strides = array<i32>} : memref<80x48xf32, #tpu.memory_space<vmem>>, vector<16xf32>,
      tpu.vector_store %arg11[%parallel_loop3A_221, %parallel_loop3A_222], %parallel_loop3A_220 {strides = array<i32>} : memref<80x48xf32, #tpu.memory_space<vmem>>, vector<16xf32>,
      %parallel_loop3A_224 = arith.constant 8 : i32
      %parallel_loop3A_225 = vector.broadcast %parallel_loop3A_224 : i32 to vector<16xi32>
      %parallel_loop3A_226 = arith.cmpi slt, %iota3A, %parallel_loop3A_225 : vector<16xi32>
      %parallel_loop3A_227 = arith.mulf %parallel_loop3A_189, %parallel_loop3A_209 : vector<16xf32>
      %parallel_loop3A_228 = arith.constant 0.000000e+00 : f32
      %parallel_loop3A_229 = vector.broadcast %parallel_loop3A_228 : f32 to vector<16xf32>
      %parallel_loop3A_230 = arith.select %parallel_loop3A_226, %parallel_loop3A_227, %parallel_loop3A_229 : vector<16xi1>, vector<16xf32>
      %parallel_loop3A_231 = arith.select %eq3A_3, %parallel_loop3A_201, %parallel_loop3A_230 : vector<16xi1>, vector<16xf32>
      %parallel_loop3A_232 = arith.index_cast %parallel_loop3A_186 : i32 to index
      %parallel_loop3A_233 = arith.constant 32 : index
      %parallel_loop3A_234 = tpu.vector_load %arg11[%parallel_loop3A_232, %parallel_loop3A_233] {strides = array<i32>} : memref<80x48xf32, #tpu.memory_space<vmem>>, vector<16xf32>,
      tpu.vector_store %arg11[%parallel_loop3A_232, %parallel_loop3A_233], %parallel_loop3A_231 {strides = array<i32>} : memref<80x48xf32, #tpu.memory_space<vmem>>, vector<16xf32>,
    } {sc.loop_unroll_factor = 4 : i64, sc.parallel_access}
    %dma_start3A_172 = arith.constant 0 : i32
    %dma_start3A_173 = arith.constant 0 : i32
    %dma_start3A_174 = tpu.memref_slice %arg19[%dma_start3A_172, %dma_start3A_173] : memref<10240x48xf32, #tpu.memory_space<vmem_shared>> -> memref<10240x48xf32, #tpu.memory_space<vmem_shared>>
    tpu.enqueue_indirect_dma source(%arg11 : memref<80x48xf32, #tpu.memory_space<vmem>>) target(%dma_start3A_174 : memref<10240x48xf32, #tpu.memory_space<vmem_shared>>) offsets(%arg15 : memref<80xi32, #tpu.memory_space<vmem>>) semaphore(%arg26 : memref<!tpu.dma_semaphore, #tpu.memory_space<semaphore_mem>>) {add = true}
    %dma_wait3A_175 = arith.constant 0 : i32
    %dma_wait3A_176 = arith.constant 0 : i32
    %dma_wait3A_177 = tpu.memref_slice %arg19[%dma_wait3A_175, %dma_wait3A_176] : memref<10240x48xf32, #tpu.memory_space<vmem_shared>> -> memref<10240x48xf32, #tpu.memory_space<vmem_shared>>
    tpu.wait_indirect_dma semaphore(%arg26 : memref<!tpu.dma_semaphore, #tpu.memory_space<semaphore_mem>>) src(%arg11 : memref<80x48xf32, #tpu.memory_space<vmem>>) dst(%dma_wait3A_177 : memref<10240x48xf32, #tpu.memory_space<vmem_shared>>)
    %dma_wait3A_178 = arith.constant 0 : i32
    %dma_wait3A_179 = arith.constant 0 : i32
    %dma_wait3A_180 = tpu.memref_slice %arg19[%dma_wait3A_178, %dma_wait3A_179] : memref<10240x48xf32, #tpu.memory_space<vmem_shared>> -> memref<10240x48xf32, #tpu.memory_space<vmem_shared>>
    tpu.wait_indirect_dma semaphore(%arg27 : memref<!tpu.dma_semaphore, #tpu.memory_space<semaphore_mem>>) src(%arg12 : memref<80x48xf32, #tpu.memory_space<vmem>>) dst(%dma_wait3A_180 : memref<10240x48xf32, #tpu.memory_space<vmem_shared>>)
    %barrier3A_181 = arith.constant 0 : index
    tpu.barrier barrier_id(%barrier3A_181)
    %mul3A_182 = arith.constant 640 : i32
    %mul3A_183 = arith.muli %arg1, %mul3A_182 : i32
    %mul3A_184 = arith.constant 640 : i32
    %mul3A_185 = arith.muli %arg1, %mul3A_184 : i32
    "tpu.region"() ({
      %run_scoped3A = tpu.sem_alloc : memref<!tpu.dma_semaphore, #tpu.memory_space<semaphore_mem>>
      %dma_start3A_186 = arith.constant 0 : i32
      %dma_start3A_187 = tpu.memref_slice %arg6[%arg0, %mul3A_185, %dma_start3A_186] : memref<2x10240x48xf32, #tpu.memory_space<hbm>> -> memref<1x640x48xf32, #tpu.memory_space<hbm>>
      %dma_start3A_188 = tpu.memref_squeeze %dma_start3A_187 : memref<1x640x48xf32, #tpu.memory_space<hbm>> -> memref<640x48xf32, #tpu.memory_space<hbm>>
      %dma_start3A_189 = arith.constant 0 : i32
      %dma_start3A_190 = tpu.memref_slice %arg19[%mul3A_183, %dma_start3A_189] : memref<10240x48xf32, #tpu.memory_space<vmem_shared>> -> memref<640x48xf32, #tpu.memory_space<vmem_shared>>
      tpu.enqueue_dma source(%dma_start3A_190 : memref<640x48xf32, #tpu.memory_space<vmem_shared>>) target(%dma_start3A_188 : memref<640x48xf32, #tpu.memory_space<hbm>>) target_semaphore(%run_scoped3A : memref<!tpu.dma_semaphore, #tpu.memory_space<semaphore_mem>>)
      %dma_wait3A_191 = arith.constant 0 : i32
      %dma_wait3A_192 = tpu.memref_slice %arg6[%arg0, %mul3A_185, %dma_wait3A_191] : memref<2x10240x48xf32, #tpu.memory_space<hbm>> -> memref<1x640x48xf32, #tpu.memory_space<hbm>>
      %dma_wait3A_193 = tpu.memref_squeeze %dma_wait3A_192 : memref<1x640x48xf32, #tpu.memory_space<hbm>> -> memref<640x48xf32, #tpu.memory_space<hbm>>
      %dma_wait3A_194 = arith.constant 0 : i32
      %dma_wait3A_195 = tpu.memref_slice %arg19[%mul3A_183, %dma_wait3A_194] : memref<10240x48xf32, #tpu.memory_space<vmem_shared>> -> memref<640x48xf32, #tpu.memory_space<vmem_shared>>
      tpu.wait_dma2 semaphore(%run_scoped3A : memref<!tpu.dma_semaphore, #tpu.memory_space<semaphore_mem>>) src(%dma_wait3A_195 : memref<640x48xf32, #tpu.memory_space<vmem_shared>>) dst(%dma_wait3A_193 : memref<640x48xf32, #tpu.memory_space<hbm>>)
      tpu.yield
    }) : () -> ()
    return
  }
}

#map = affine_map<(d0, d1) -> (0, 0)>
#map1 = affine_map<(d0, d1) -> (0)>
#map2 = affine_map<(d0, d1) -> (0, 0, 0)>
module attributes {stable_mosaic.version = 14 : i64} {
  func.func @edge_kernel(%arg0: i32, %arg1: i32, %arg2: memref<10000x80xf32, #tpu.memory_space<hbm>>, %arg3: memref<10000x16xf32, #tpu.memory_space<hbm>>, %arg4: memref<320000xi32, #tpu.memory_space<hbm>>, %arg5: memref<320000xi32, #tpu.memory_space<hbm>>, %arg6: memref<2x10240x80xf32, #tpu.memory_space<hbm>>, %arg7: memref<80xi32, #tpu.memory_space<vmem>>, %arg8: memref<80xi32, #tpu.memory_space<vmem>>, %arg9: memref<80xi32, #tpu.memory_space<vmem>>, %arg10: memref<80xi32, #tpu.memory_space<vmem>>, %arg11: memref<80x80xf32, #tpu.memory_space<vmem>>, %arg12: memref<80x80xf32, #tpu.memory_space<vmem>>, %arg13: memref<80x16xf32, #tpu.memory_space<vmem>>, %arg14: memref<80x16xf32, #tpu.memory_space<vmem>>, %arg15: memref<80xi32, #tpu.memory_space<vmem>>, %arg16: memref<80xi32, #tpu.memory_space<vmem>>, %arg17: memref<128x80xf32, #tpu.memory_space<vmem>>, %arg18: memref<1280xf32, #tpu.memory_space<vmem>>, %arg19: memref<10240x80xf32, #tpu.memory_space<vmem_shared>>, %arg20: memref<!tpu.dma_semaphore, #tpu.memory_space<semaphore_mem>>, %arg21: memref<!tpu.dma_semaphore, #tpu.memory_space<semaphore_mem>>, %arg22: memref<!tpu.dma_semaphore, #tpu.memory_space<semaphore_mem>>, %arg23: memref<!tpu.dma_semaphore, #tpu.memory_space<semaphore_mem>>, %arg24: memref<!tpu.dma_semaphore, #tpu.memory_space<semaphore_mem>>, %arg25: memref<!tpu.dma_semaphore, #tpu.memory_space<semaphore_mem>>, %arg26: memref<!tpu.dma_semaphore, #tpu.memory_space<semaphore_mem>>, %arg27: memref<!tpu.dma_semaphore, #tpu.memory_space<semaphore_mem>>) attributes {dimension_semantics = [#tpu.dimension_semantics<core_parallel>, #tpu.dimension_semantics<subcore_parallel>], iteration_bounds = array<i64: 2, 16>, scalar_prefetch = 0 : i64, scratch_operands = 21 : i64, tpu.core_type = #tpu.core_type<sc_vector_subcore>, window_params = [{transform_indices = #map}, {transform_indices = #map}, {transform_indices = #map1}, {transform_indices = #map1}, {transform_indices = #map2}]} {
    %mul3A = arith.constant 16 : i32
    %mul3A_0 = arith.muli %arg0, %mul3A : i32
    %add3A = arith.addi %mul3A_0, %arg1 : i32
    %iota3A = tpu.iota {dimensions = array<i32: 0>} : vector<16xi32>
    %broadcast_in_dim3A = arith.constant 0.000000e+00 : f32
    %broadcast_in_dim3A_1 = vector.broadcast %broadcast_in_dim3A : f32 to vector<16xf32>
    %lt3A = arith.constant 8 : i32
    %lt3A_2 = vector.broadcast %lt3A : i32 to vector<16xi32>
    %lt3A_3 = arith.cmpi slt, %iota3A, %lt3A_2 : vector<16xi32>
    %scan3A = arith.constant 0 : i32
    %scan3A_4 = arith.constant 0 : i32
    %scan3A_5 = arith.constant 128 : i32
    %scan3A_6 = arith.addi %scan3A_4, %scan3A_5 : i32
    %scan3A_7 = arith.constant 1 : i32
    %scan3A_8 = scf.for %scan3A_187 = %scan3A_4 to %scan3A_6 step %scan3A_7 iter_args(%scan3A_188 = %scan3A) -> (i32)  : i32 {
      %swap3A_189 = arith.index_cast %scan3A_187 : i32 to index
      %swap3A_190 = arith.constant 0 : index
      %swap3A_191 = tpu.vector_load %arg17[%swap3A_189, %swap3A_190] {strides = array<i32>} : memref<128x80xf32, #tpu.memory_space<vmem>>, vector<16xf32>,
      tpu.vector_store %arg17[%swap3A_189, %swap3A_190], %broadcast_in_dim3A_1 {strides = array<i32>} : memref<128x80xf32, #tpu.memory_space<vmem>>, vector<16xf32>,
      %swap3A_192 = arith.index_cast %scan3A_187 : i32 to index
      %swap3A_193 = arith.constant 16 : index
      %swap3A_194 = tpu.vector_load %arg17[%swap3A_192, %swap3A_193] {strides = array<i32>} : memref<128x80xf32, #tpu.memory_space<vmem>>, vector<16xf32>,
      tpu.vector_store %arg17[%swap3A_192, %swap3A_193], %broadcast_in_dim3A_1 {strides = array<i32>} : memref<128x80xf32, #tpu.memory_space<vmem>>, vector<16xf32>,
      %swap3A_195 = arith.index_cast %scan3A_187 : i32 to index
      %swap3A_196 = arith.constant 32 : index
      %swap3A_197 = tpu.vector_load %arg17[%swap3A_195, %swap3A_196] {strides = array<i32>} : memref<128x80xf32, #tpu.memory_space<vmem>>, vector<16xf32>,
      tpu.vector_store %arg17[%swap3A_195, %swap3A_196], %broadcast_in_dim3A_1 {strides = array<i32>} : memref<128x80xf32, #tpu.memory_space<vmem>>, vector<16xf32>,
      %swap3A_198 = arith.index_cast %scan3A_187 : i32 to index
      %swap3A_199 = arith.constant 48 : index
      %swap3A_200 = tpu.vector_load %arg17[%swap3A_198, %swap3A_199] {strides = array<i32>} : memref<128x80xf32, #tpu.memory_space<vmem>>, vector<16xf32>,
      tpu.vector_store %arg17[%swap3A_198, %swap3A_199], %broadcast_in_dim3A_1 {strides = array<i32>} : memref<128x80xf32, #tpu.memory_space<vmem>>, vector<16xf32>,
      %swap3A_201 = arith.index_cast %scan3A_187 : i32 to index
      %swap3A_202 = arith.constant 64 : index
      %swap3A_203 = tpu.vector_load %arg17[%swap3A_201, %swap3A_202] {strides = array<i32>} : memref<128x80xf32, #tpu.memory_space<vmem>>, vector<16xf32>,
      tpu.vector_store %arg17[%swap3A_201, %swap3A_202], %broadcast_in_dim3A_1 {strides = array<i32>} : memref<128x80xf32, #tpu.memory_space<vmem>>, vector<16xf32>,
      %scan3A_204 = arith.constant 0 : i32
      scf.yield %scan3A_204 : i32
    }
    %scan3A_9 = arith.constant 128 : i32
    %mul3A_10 = arith.constant 640 : i32
    %mul3A_11 = arith.muli %arg1, %mul3A_10 : i32
    %add3A_12 = arith.constant 0 : i32
    %add3A_13 = arith.addi %mul3A_11, %add3A_12 : i32
    %dma_start3A = arith.constant 0 : i32
    %dma_start3A_14 = tpu.memref_slice %arg19[%add3A_13, %dma_start3A] : memref<10240x80xf32, #tpu.memory_space<vmem_shared>> -> memref<128x80xf32, #tpu.memory_space<vmem_shared>>
    %dma_start3A_15 = arith.constant 0 : i32
    %dma_start3A_16 = tpu.memref_slice %arg19[%add3A_13, %dma_start3A_15] : memref<10240x80xf32, #tpu.memory_space<vmem_shared>> -> memref<128x80xf32, #tpu.memory_space<vmem_shared>>
    tpu.enqueue_dma source(%arg17 : memref<128x80xf32, #tpu.memory_space<vmem>>) target(%dma_start3A_16 : memref<128x80xf32, #tpu.memory_space<vmem_shared>>) target_semaphore(%arg22 : memref<!tpu.dma_semaphore, #tpu.memory_space<semaphore_mem>>)
    %mul3A_17 = arith.constant 640 : i32
    %mul3A_18 = arith.muli %arg1, %mul3A_17 : i32
    %add3A_19 = arith.constant 128 : i32
    %add3A_20 = arith.addi %mul3A_18, %add3A_19 : i32
    %dma_start3A_21 = arith.constant 0 : i32
    %dma_start3A_22 = tpu.memref_slice %arg19[%add3A_20, %dma_start3A_21] : memref<10240x80xf32, #tpu.memory_space<vmem_shared>> -> memref<128x80xf32, #tpu.memory_space<vmem_shared>>
    %dma_start3A_23 = arith.constant 0 : i32
    %dma_start3A_24 = tpu.memref_slice %arg19[%add3A_20, %dma_start3A_23] : memref<10240x80xf32, #tpu.memory_space<vmem_shared>> -> memref<128x80xf32, #tpu.memory_space<vmem_shared>>
    tpu.enqueue_dma source(%arg17 : memref<128x80xf32, #tpu.memory_space<vmem>>) target(%dma_start3A_24 : memref<128x80xf32, #tpu.memory_space<vmem_shared>>) target_semaphore(%arg22 : memref<!tpu.dma_semaphore, #tpu.memory_space<semaphore_mem>>)
    %mul3A_25 = arith.constant 640 : i32
    %mul3A_26 = arith.muli %arg1, %mul3A_25 : i32
    %add3A_27 = arith.constant 256 : i32
    %add3A_28 = arith.addi %mul3A_26, %add3A_27 : i32
    %dma_start3A_29 = arith.constant 0 : i32
    %dma_start3A_30 = tpu.memref_slice %arg19[%add3A_28, %dma_start3A_29] : memref<10240x80xf32, #tpu.memory_space<vmem_shared>> -> memref<128x80xf32, #tpu.memory_space<vmem_shared>>
    %dma_start3A_31 = arith.constant 0 : i32
    %dma_start3A_32 = tpu.memref_slice %arg19[%add3A_28, %dma_start3A_31] : memref<10240x80xf32, #tpu.memory_space<vmem_shared>> -> memref<128x80xf32, #tpu.memory_space<vmem_shared>>
    tpu.enqueue_dma source(%arg17 : memref<128x80xf32, #tpu.memory_space<vmem>>) target(%dma_start3A_32 : memref<128x80xf32, #tpu.memory_space<vmem_shared>>) target_semaphore(%arg22 : memref<!tpu.dma_semaphore, #tpu.memory_space<semaphore_mem>>)
    %mul3A_33 = arith.constant 640 : i32
    %mul3A_34 = arith.muli %arg1, %mul3A_33 : i32
    %add3A_35 = arith.constant 384 : i32
    %add3A_36 = arith.addi %mul3A_34, %add3A_35 : i32
    %dma_start3A_37 = arith.constant 0 : i32
    %dma_start3A_38 = tpu.memref_slice %arg19[%add3A_36, %dma_start3A_37] : memref<10240x80xf32, #tpu.memory_space<vmem_shared>> -> memref<128x80xf32, #tpu.memory_space<vmem_shared>>
    %dma_start3A_39 = arith.constant 0 : i32
    %dma_start3A_40 = tpu.memref_slice %arg19[%add3A_36, %dma_start3A_39] : memref<10240x80xf32, #tpu.memory_space<vmem_shared>> -> memref<128x80xf32, #tpu.memory_space<vmem_shared>>
    tpu.enqueue_dma source(%arg17 : memref<128x80xf32, #tpu.memory_space<vmem>>) target(%dma_start3A_40 : memref<128x80xf32, #tpu.memory_space<vmem_shared>>) target_semaphore(%arg22 : memref<!tpu.dma_semaphore, #tpu.memory_space<semaphore_mem>>)
    %mul3A_41 = arith.constant 640 : i32
    %mul3A_42 = arith.muli %arg1, %mul3A_41 : i32
    %add3A_43 = arith.constant 512 : i32
    %add3A_44 = arith.addi %mul3A_42, %add3A_43 : i32
    %dma_start3A_45 = arith.constant 0 : i32
    %dma_start3A_46 = tpu.memref_slice %arg19[%add3A_44, %dma_start3A_45] : memref<10240x80xf32, #tpu.memory_space<vmem_shared>> -> memref<128x80xf32, #tpu.memory_space<vmem_shared>>
    %dma_start3A_47 = arith.constant 0 : i32
    %dma_start3A_48 = tpu.memref_slice %arg19[%add3A_44, %dma_start3A_47] : memref<10240x80xf32, #tpu.memory_space<vmem_shared>> -> memref<128x80xf32, #tpu.memory_space<vmem_shared>>
    tpu.enqueue_dma source(%arg17 : memref<128x80xf32, #tpu.memory_space<vmem>>) target(%dma_start3A_48 : memref<128x80xf32, #tpu.memory_space<vmem_shared>>) target_semaphore(%arg22 : memref<!tpu.dma_semaphore, #tpu.memory_space<semaphore_mem>>)
    %mul3A_49 = arith.constant 640 : i32
    %mul3A_50 = arith.muli %arg1, %mul3A_49 : i32
    %add3A_51 = arith.constant 0 : i32
    %add3A_52 = arith.addi %mul3A_50, %add3A_51 : i32
    %dma_wait3A = arith.constant 0 : i32
    %dma_wait3A_53 = tpu.memref_slice %arg19[%add3A_52, %dma_wait3A] : memref<10240x80xf32, #tpu.memory_space<vmem_shared>> -> memref<128x80xf32, #tpu.memory_space<vmem_shared>>
    %dma_wait3A_54 = arith.constant 0 : i32
    %dma_wait3A_55 = tpu.memref_slice %arg19[%add3A_52, %dma_wait3A_54] : memref<10240x80xf32, #tpu.memory_space<vmem_shared>> -> memref<128x80xf32, #tpu.memory_space<vmem_shared>>
    tpu.wait_dma2 semaphore(%arg22 : memref<!tpu.dma_semaphore, #tpu.memory_space<semaphore_mem>>) src(%arg17 : memref<128x80xf32, #tpu.memory_space<vmem>>) dst(%dma_wait3A_55 : memref<128x80xf32, #tpu.memory_space<vmem_shared>>)
    %mul3A_56 = arith.constant 640 : i32
    %mul3A_57 = arith.muli %arg1, %mul3A_56 : i32
    %add3A_58 = arith.constant 128 : i32
    %add3A_59 = arith.addi %mul3A_57, %add3A_58 : i32
    %dma_wait3A_60 = arith.constant 0 : i32
    %dma_wait3A_61 = tpu.memref_slice %arg19[%add3A_59, %dma_wait3A_60] : memref<10240x80xf32, #tpu.memory_space<vmem_shared>> -> memref<128x80xf32, #tpu.memory_space<vmem_shared>>
    %dma_wait3A_62 = arith.constant 0 : i32
    %dma_wait3A_63 = tpu.memref_slice %arg19[%add3A_59, %dma_wait3A_62] : memref<10240x80xf32, #tpu.memory_space<vmem_shared>> -> memref<128x80xf32, #tpu.memory_space<vmem_shared>>
    tpu.wait_dma2 semaphore(%arg22 : memref<!tpu.dma_semaphore, #tpu.memory_space<semaphore_mem>>) src(%arg17 : memref<128x80xf32, #tpu.memory_space<vmem>>) dst(%dma_wait3A_63 : memref<128x80xf32, #tpu.memory_space<vmem_shared>>)
    %mul3A_64 = arith.constant 640 : i32
    %mul3A_65 = arith.muli %arg1, %mul3A_64 : i32
    %add3A_66 = arith.constant 256 : i32
    %add3A_67 = arith.addi %mul3A_65, %add3A_66 : i32
    %dma_wait3A_68 = arith.constant 0 : i32
    %dma_wait3A_69 = tpu.memref_slice %arg19[%add3A_67, %dma_wait3A_68] : memref<10240x80xf32, #tpu.memory_space<vmem_shared>> -> memref<128x80xf32, #tpu.memory_space<vmem_shared>>
    %dma_wait3A_70 = arith.constant 0 : i32
    %dma_wait3A_71 = tpu.memref_slice %arg19[%add3A_67, %dma_wait3A_70] : memref<10240x80xf32, #tpu.memory_space<vmem_shared>> -> memref<128x80xf32, #tpu.memory_space<vmem_shared>>
    tpu.wait_dma2 semaphore(%arg22 : memref<!tpu.dma_semaphore, #tpu.memory_space<semaphore_mem>>) src(%arg17 : memref<128x80xf32, #tpu.memory_space<vmem>>) dst(%dma_wait3A_71 : memref<128x80xf32, #tpu.memory_space<vmem_shared>>)
    %mul3A_72 = arith.constant 640 : i32
    %mul3A_73 = arith.muli %arg1, %mul3A_72 : i32
    %add3A_74 = arith.constant 384 : i32
    %add3A_75 = arith.addi %mul3A_73, %add3A_74 : i32
    %dma_wait3A_76 = arith.constant 0 : i32
    %dma_wait3A_77 = tpu.memref_slice %arg19[%add3A_75, %dma_wait3A_76] : memref<10240x80xf32, #tpu.memory_space<vmem_shared>> -> memref<128x80xf32, #tpu.memory_space<vmem_shared>>
    %dma_wait3A_78 = arith.constant 0 : i32
    %dma_wait3A_79 = tpu.memref_slice %arg19[%add3A_75, %dma_wait3A_78] : memref<10240x80xf32, #tpu.memory_space<vmem_shared>> -> memref<128x80xf32, #tpu.memory_space<vmem_shared>>
    tpu.wait_dma2 semaphore(%arg22 : memref<!tpu.dma_semaphore, #tpu.memory_space<semaphore_mem>>) src(%arg17 : memref<128x80xf32, #tpu.memory_space<vmem>>) dst(%dma_wait3A_79 : memref<128x80xf32, #tpu.memory_space<vmem_shared>>)
    %mul3A_80 = arith.constant 640 : i32
    %mul3A_81 = arith.muli %arg1, %mul3A_80 : i32
    %add3A_82 = arith.constant 512 : i32
    %add3A_83 = arith.addi %mul3A_81, %add3A_82 : i32
    %dma_wait3A_84 = arith.constant 0 : i32
    %dma_wait3A_85 = tpu.memref_slice %arg19[%add3A_83, %dma_wait3A_84] : memref<10240x80xf32, #tpu.memory_space<vmem_shared>> -> memref<128x80xf32, #tpu.memory_space<vmem_shared>>
    %dma_wait3A_86 = arith.constant 0 : i32
    %dma_wait3A_87 = tpu.memref_slice %arg19[%add3A_83, %dma_wait3A_86] : memref<10240x80xf32, #tpu.memory_space<vmem_shared>> -> memref<128x80xf32, #tpu.memory_space<vmem_shared>>
    tpu.wait_dma2 semaphore(%arg22 : memref<!tpu.dma_semaphore, #tpu.memory_space<semaphore_mem>>) src(%arg17 : memref<128x80xf32, #tpu.memory_space<vmem>>) dst(%dma_wait3A_87 : memref<128x80xf32, #tpu.memory_space<vmem_shared>>)
    %barrier3A = arith.constant 0 : index
    tpu.barrier barrier_id(%barrier3A)
    %mul3A_88 = arith.constant 10000 : i32
    %mul3A_89 = arith.muli %add3A, %mul3A_88 : i32
    %add3A_90 = arith.constant 0 : i32
    %add3A_91 = arith.addi %mul3A_89, %add3A_90 : i32
    %dma_start3A_92 = tpu.memref_slice %arg4[%add3A_91] : memref<320000xi32, #tpu.memory_space<hbm>> -> memref<80xi32, #tpu.memory_space<hbm>>
    %dma_start3A_93 = tpu.memref_slice %arg4[%add3A_91] : memref<320000xi32, #tpu.memory_space<hbm>> -> memref<80xi32, #tpu.memory_space<hbm>>
    tpu.enqueue_dma source(%dma_start3A_93 : memref<80xi32, #tpu.memory_space<hbm>>) target(%arg7 : memref<80xi32, #tpu.memory_space<vmem>>) target_semaphore(%arg20 : memref<!tpu.dma_semaphore, #tpu.memory_space<semaphore_mem>>)
    %dma_start3A_94 = tpu.memref_slice %arg5[%add3A_91] : memref<320000xi32, #tpu.memory_space<hbm>> -> memref<80xi32, #tpu.memory_space<hbm>>
    %dma_start3A_95 = tpu.memref_slice %arg5[%add3A_91] : memref<320000xi32, #tpu.memory_space<hbm>> -> memref<80xi32, #tpu.memory_space<hbm>>
    tpu.enqueue_dma source(%dma_start3A_95 : memref<80xi32, #tpu.memory_space<hbm>>) target(%arg9 : memref<80xi32, #tpu.memory_space<vmem>>) target_semaphore(%arg20 : memref<!tpu.dma_semaphore, #tpu.memory_space<semaphore_mem>>)
    %add3A_96 = arith.constant 80 : i32
    %add3A_97 = arith.addi %mul3A_89, %add3A_96 : i32
    %dma_start3A_98 = tpu.memref_slice %arg4[%add3A_97] : memref<320000xi32, #tpu.memory_space<hbm>> -> memref<80xi32, #tpu.memory_space<hbm>>
    %dma_start3A_99 = tpu.memref_slice %arg4[%add3A_97] : memref<320000xi32, #tpu.memory_space<hbm>> -> memref<80xi32, #tpu.memory_space<hbm>>
    tpu.enqueue_dma source(%dma_start3A_99 : memref<80xi32, #tpu.memory_space<hbm>>) target(%arg8 : memref<80xi32, #tpu.memory_space<vmem>>) target_semaphore(%arg21 : memref<!tpu.dma_semaphore, #tpu.memory_space<semaphore_mem>>)
    %dma_start3A_100 = tpu.memref_slice %arg5[%add3A_97] : memref<320000xi32, #tpu.memory_space<hbm>> -> memref<80xi32, #tpu.memory_space<hbm>>
    %dma_start3A_101 = tpu.memref_slice %arg5[%add3A_97] : memref<320000xi32, #tpu.memory_space<hbm>> -> memref<80xi32, #tpu.memory_space<hbm>>
    tpu.enqueue_dma source(%dma_start3A_101 : memref<80xi32, #tpu.memory_space<hbm>>) target(%arg10 : memref<80xi32, #tpu.memory_space<vmem>>) target_semaphore(%arg21 : memref<!tpu.dma_semaphore, #tpu.memory_space<semaphore_mem>>)
    %add3A_102 = arith.constant 0 : i32
    %add3A_103 = arith.addi %mul3A_89, %add3A_102 : i32
    %dma_wait3A_104 = tpu.memref_slice %arg4[%add3A_103] : memref<320000xi32, #tpu.memory_space<hbm>> -> memref<80xi32, #tpu.memory_space<hbm>>
    %dma_wait3A_105 = tpu.memref_slice %arg4[%add3A_103] : memref<320000xi32, #tpu.memory_space<hbm>> -> memref<80xi32, #tpu.memory_space<hbm>>
    tpu.wait_dma2 semaphore(%arg20 : memref<!tpu.dma_semaphore, #tpu.memory_space<semaphore_mem>>) src(%dma_wait3A_105 : memref<80xi32, #tpu.memory_space<hbm>>) dst(%arg7 : memref<80xi32, #tpu.memory_space<vmem>>)
    %dma_wait3A_106 = tpu.memref_slice %arg5[%add3A_103] : memref<320000xi32, #tpu.memory_space<hbm>> -> memref<80xi32, #tpu.memory_space<hbm>>
    %dma_wait3A_107 = tpu.memref_slice %arg5[%add3A_103] : memref<320000xi32, #tpu.memory_space<hbm>> -> memref<80xi32, #tpu.memory_space<hbm>>
    tpu.wait_dma2 semaphore(%arg20 : memref<!tpu.dma_semaphore, #tpu.memory_space<semaphore_mem>>) src(%dma_wait3A_107 : memref<80xi32, #tpu.memory_space<hbm>>) dst(%arg9 : memref<80xi32, #tpu.memory_space<vmem>>)
    %dma_start3A_108 = arith.constant 0 : i32
    %dma_start3A_109 = arith.constant 0 : i32
    %dma_start3A_110 = tpu.memref_slice %arg2[%dma_start3A_108, %dma_start3A_109] : memref<10000x80xf32, #tpu.memory_space<hbm>> -> memref<10000x80xf32, #tpu.memory_space<hbm>>
    tpu.enqueue_indirect_dma source(%dma_start3A_110 : memref<10000x80xf32, #tpu.memory_space<hbm>>) target(%arg11 : memref<80x80xf32, #tpu.memory_space<vmem>>) offsets(%arg7 : memref<80xi32, #tpu.memory_space<vmem>>) semaphore(%arg22 : memref<!tpu.dma_semaphore, #tpu.memory_space<semaphore_mem>>)
    %dma_start3A_111 = arith.constant 0 : i32
    %dma_start3A_112 = arith.constant 0 : i32
    %dma_start3A_113 = tpu.memref_slice %arg3[%dma_start3A_111, %dma_start3A_112] : memref<10000x16xf32, #tpu.memory_space<hbm>> -> memref<10000x16xf32, #tpu.memory_space<hbm>>
    tpu.enqueue_indirect_dma source(%dma_start3A_113 : memref<10000x16xf32, #tpu.memory_space<hbm>>) target(%arg13 : memref<80x16xf32, #tpu.memory_space<vmem>>) offsets(%arg9 : memref<80xi32, #tpu.memory_space<vmem>>) semaphore(%arg24 : memref<!tpu.dma_semaphore, #tpu.memory_space<semaphore_mem>>)
    %scan3A_114 = arith.constant 0 : i32
    %scan3A_115 = arith.constant 0 : i32
    %scan3A_116 = arith.constant 62 : i32
    %scan3A_117 = arith.addi %scan3A_115, %scan3A_116 : i32
    %scan3A_118 = arith.constant 1 : i32
    %scan3A_119 = scf.for %scan3A_187 = %scan3A_115 to %scan3A_117 step %scan3A_118 iter_args(%scan3A_188 = %scan3A_114) -> (i32)  : i32 {
      %mul3A_189 = arith.constant 2 : i32
      %mul3A_190 = arith.muli %mul3A_189, %scan3A_187 : i32
      %add3A_191 = arith.constant 1 : i32
      %add3A_192 = arith.addi %mul3A_190, %add3A_191 : i32
      %lt3A_193 = arith.constant 125 : i32
      %lt3A_194 = arith.cmpi slt, %add3A_192, %lt3A_193 : i32
      %ge3A_195 = arith.constant 1 : i32
      %ge3A_196 = arith.cmpi sge, %mul3A_190, %ge3A_195 : i32
      %and3A_197 = arith.andi %lt3A_194, %ge3A_196 : i1
      %convert_element_type3A_198 = arith.extui %and3A_197 : i1 to i32
      %cond3A_199 = arith.constant 0 : i32
      %cond3A_200 = arith.cmpi ne, %convert_element_type3A_198, %cond3A_199 : i32
      scf.if %cond3A_200 {
        %dma_wait3A_308 = arith.constant 0 : i32
        %dma_wait3A_309 = arith.constant 0 : i32
        %dma_wait3A_310 = tpu.memref_slice %arg19[%dma_wait3A_308, %dma_wait3A_309] : memref<10240x80xf32, #tpu.memory_space<vmem_shared>> -> memref<10240x80xf32, #tpu.memory_space<vmem_shared>>
        tpu.wait_indirect_dma semaphore(%arg27 : memref<!tpu.dma_semaphore, #tpu.memory_space<semaphore_mem>>) src(%arg12 : memref<80x80xf32, #tpu.memory_space<vmem>>) dst(%dma_wait3A_310 : memref<10240x80xf32, #tpu.memory_space<vmem_shared>>)
      } else {
      }
      %add3A_201 = arith.constant 1 : i32
      %add3A_202 = arith.addi %mul3A_190, %add3A_201 : i32
      %lt3A_203 = arith.constant 125 : i32
      %lt3A_204 = arith.cmpi slt, %add3A_202, %lt3A_203 : i32
      %convert_element_type3A_205 = arith.extui %lt3A_204 : i1 to i32
      %cond3A_206 = arith.constant 0 : i32
      %cond3A_207 = arith.cmpi ne, %convert_element_type3A_205, %cond3A_206 : i32
      scf.if %cond3A_207 {
        %add3A_308 = arith.constant 1 : i32
        %add3A_309 = arith.addi %mul3A_190, %add3A_308 : i32
        %mul3A_310 = arith.constant 80 : i32
        %mul3A_311 = arith.muli %add3A_309, %mul3A_310 : i32
        %add3A_312 = arith.addi %mul3A_89, %mul3A_311 : i32
        %dma_wait3A_313 = tpu.memref_slice %arg4[%add3A_312] : memref<320000xi32, #tpu.memory_space<hbm>> -> memref<80xi32, #tpu.memory_space<hbm>>
        %dma_wait3A_314 = tpu.memref_slice %arg4[%add3A_312] : memref<320000xi32, #tpu.memory_space<hbm>> -> memref<80xi32, #tpu.memory_space<hbm>>
        tpu.wait_dma2 semaphore(%arg21 : memref<!tpu.dma_semaphore, #tpu.memory_space<semaphore_mem>>) src(%dma_wait3A_314 : memref<80xi32, #tpu.memory_space<hbm>>) dst(%arg8 : memref<80xi32, #tpu.memory_space<vmem>>)
        %dma_wait3A_315 = tpu.memref_slice %arg5[%add3A_312] : memref<320000xi32, #tpu.memory_space<hbm>> -> memref<80xi32, #tpu.memory_space<hbm>>
        %dma_wait3A_316 = tpu.memref_slice %arg5[%add3A_312] : memref<320000xi32, #tpu.memory_space<hbm>> -> memref<80xi32, #tpu.memory_space<hbm>>
        tpu.wait_dma2 semaphore(%arg21 : memref<!tpu.dma_semaphore, #tpu.memory_space<semaphore_mem>>) src(%dma_wait3A_316 : memref<80xi32, #tpu.memory_space<hbm>>) dst(%arg10 : memref<80xi32, #tpu.memory_space<vmem>>)
        %dma_start3A_317 = arith.constant 0 : i32
        %dma_start3A_318 = arith.constant 0 : i32
        %dma_start3A_319 = tpu.memref_slice %arg2[%dma_start3A_317, %dma_start3A_318] : memref<10000x80xf32, #tpu.memory_space<hbm>> -> memref<10000x80xf32, #tpu.memory_space<hbm>>
        tpu.enqueue_indirect_dma source(%dma_start3A_319 : memref<10000x80xf32, #tpu.memory_space<hbm>>) target(%arg12 : memref<80x80xf32, #tpu.memory_space<vmem>>) offsets(%arg8 : memref<80xi32, #tpu.memory_space<vmem>>) semaphore(%arg23 : memref<!tpu.dma_semaphore, #tpu.memory_space<semaphore_mem>>)
        %dma_start3A_320 = arith.constant 0 : i32
        %dma_start3A_321 = arith.constant 0 : i32
        %dma_start3A_322 = tpu.memref_slice %arg3[%dma_start3A_320, %dma_start3A_321] : memref<10000x16xf32, #tpu.memory_space<hbm>> -> memref<10000x16xf32, #tpu.memory_space<hbm>>
        tpu.enqueue_indirect_dma source(%dma_start3A_322 : memref<10000x16xf32, #tpu.memory_space<hbm>>) target(%arg14 : memref<80x16xf32, #tpu.memory_space<vmem>>) offsets(%arg10 : memref<80xi32, #tpu.memory_space<vmem>>) semaphore(%arg25 : memref<!tpu.dma_semaphore, #tpu.memory_space<semaphore_mem>>)
      } else {
      }
      %dma_wait3A_208 = arith.constant 0 : i32
      %dma_wait3A_209 = arith.constant 0 : i32
      %dma_wait3A_210 = tpu.memref_slice %arg2[%dma_wait3A_208, %dma_wait3A_209] : memref<10000x80xf32, #tpu.memory_space<hbm>> -> memref<10000x80xf32, #tpu.memory_space<hbm>>
      tpu.wait_indirect_dma semaphore(%arg22 : memref<!tpu.dma_semaphore, #tpu.memory_space<semaphore_mem>>) src(%dma_wait3A_210 : memref<10000x80xf32, #tpu.memory_space<hbm>>) dst(%arg11 : memref<80x80xf32, #tpu.memory_space<vmem>>)
      %dma_wait3A_211 = arith.constant 0 : i32
      %dma_wait3A_212 = arith.constant 0 : i32
      %dma_wait3A_213 = tpu.memref_slice %arg3[%dma_wait3A_211, %dma_wait3A_212] : memref<10000x16xf32, #tpu.memory_space<hbm>> -> memref<10000x16xf32, #tpu.memory_space<hbm>>
      tpu.wait_indirect_dma semaphore(%arg24 : memref<!tpu.dma_semaphore, #tpu.memory_space<semaphore_mem>>) src(%dma_wait3A_213 : memref<10000x16xf32, #tpu.memory_space<hbm>>) dst(%arg13 : memref<80x16xf32, #tpu.memory_space<vmem>>)
      %get3A_214 = arith.constant 0 : index
      %get3A_215 = tpu.vector_load %arg9[%get3A_214] {strides = array<i32>} : memref<80xi32, #tpu.memory_space<vmem>>, vector<16xi32>,
      %swap3A_216 = arith.constant 0 : index
      %swap3A_217 = tpu.vector_load %arg15[%swap3A_216] {strides = array<i32>} : memref<80xi32, #tpu.memory_space<vmem>>, vector<16xi32>,
      tpu.vector_store %arg15[%swap3A_216], %get3A_215 {strides = array<i32>} : memref<80xi32, #tpu.memory_space<vmem>>, vector<16xi32>,
      %get3A_218 = arith.constant 16 : index
      %get3A_219 = tpu.vector_load %arg9[%get3A_218] {strides = array<i32>} : memref<80xi32, #tpu.memory_space<vmem>>, vector<16xi32>,
      %swap3A_220 = arith.constant 16 : index
      %swap3A_221 = tpu.vector_load %arg15[%swap3A_220] {strides = array<i32>} : memref<80xi32, #tpu.memory_space<vmem>>, vector<16xi32>,
      tpu.vector_store %arg15[%swap3A_220], %get3A_219 {strides = array<i32>} : memref<80xi32, #tpu.memory_space<vmem>>, vector<16xi32>,
      %get3A_222 = arith.constant 32 : index
      %get3A_223 = tpu.vector_load %arg9[%get3A_222] {strides = array<i32>} : memref<80xi32, #tpu.memory_space<vmem>>, vector<16xi32>,
      %swap3A_224 = arith.constant 32 : index
      %swap3A_225 = tpu.vector_load %arg15[%swap3A_224] {strides = array<i32>} : memref<80xi32, #tpu.memory_space<vmem>>, vector<16xi32>,
      tpu.vector_store %arg15[%swap3A_224], %get3A_223 {strides = array<i32>} : memref<80xi32, #tpu.memory_space<vmem>>, vector<16xi32>,
      %get3A_226 = arith.constant 48 : index
      %get3A_227 = tpu.vector_load %arg9[%get3A_226] {strides = array<i32>} : memref<80xi32, #tpu.memory_space<vmem>>, vector<16xi32>,
      %swap3A_228 = arith.constant 48 : index
      %swap3A_229 = tpu.vector_load %arg15[%swap3A_228] {strides = array<i32>} : memref<80xi32, #tpu.memory_space<vmem>>, vector<16xi32>,
      tpu.vector_store %arg15[%swap3A_228], %get3A_227 {strides = array<i32>} : memref<80xi32, #tpu.memory_space<vmem>>, vector<16xi32>,
      %get3A_230 = arith.constant 64 : index
      %get3A_231 = tpu.vector_load %arg9[%get3A_230] {strides = array<i32>} : memref<80xi32, #tpu.memory_space<vmem>>, vector<16xi32>,
      %swap3A_232 = arith.constant 64 : index
      %swap3A_233 = tpu.vector_load %arg15[%swap3A_232] {strides = array<i32>} : memref<80xi32, #tpu.memory_space<vmem>>, vector<16xi32>,
      tpu.vector_store %arg15[%swap3A_232], %get3A_231 {strides = array<i32>} : memref<80xi32, #tpu.memory_space<vmem>>, vector<16xi32>,
      %add3A_234 = arith.constant 2 : i32
      %add3A_235 = arith.addi %mul3A_190, %add3A_234 : i32
      %lt3A_236 = arith.constant 125 : i32
      %lt3A_237 = arith.cmpi slt, %add3A_235, %lt3A_236 : i32
      %convert_element_type3A_238 = arith.extui %lt3A_237 : i1 to i32
      %cond3A_239 = arith.constant 0 : i32
      %cond3A_240 = arith.cmpi ne, %convert_element_type3A_238, %cond3A_239 : i32
      scf.if %cond3A_240 {
        %add3A_308 = arith.constant 2 : i32
        %add3A_309 = arith.addi %mul3A_190, %add3A_308 : i32
        %mul3A_310 = arith.constant 80 : i32
        %mul3A_311 = arith.muli %add3A_309, %mul3A_310 : i32
        %add3A_312 = arith.addi %mul3A_89, %mul3A_311 : i32
        %dma_start3A_313 = tpu.memref_slice %arg4[%add3A_312] : memref<320000xi32, #tpu.memory_space<hbm>> -> memref<80xi32, #tpu.memory_space<hbm>>
        %dma_start3A_314 = tpu.memref_slice %arg4[%add3A_312] : memref<320000xi32, #tpu.memory_space<hbm>> -> memref<80xi32, #tpu.memory_space<hbm>>
        tpu.enqueue_dma source(%dma_start3A_314 : memref<80xi32, #tpu.memory_space<hbm>>) target(%arg7 : memref<80xi32, #tpu.memory_space<vmem>>) target_semaphore(%arg20 : memref<!tpu.dma_semaphore, #tpu.memory_space<semaphore_mem>>)
        %dma_start3A_315 = tpu.memref_slice %arg5[%add3A_312] : memref<320000xi32, #tpu.memory_space<hbm>> -> memref<80xi32, #tpu.memory_space<hbm>>
        %dma_start3A_316 = tpu.memref_slice %arg5[%add3A_312] : memref<320000xi32, #tpu.memory_space<hbm>> -> memref<80xi32, #tpu.memory_space<hbm>>
        tpu.enqueue_dma source(%dma_start3A_316 : memref<80xi32, #tpu.memory_space<hbm>>) target(%arg9 : memref<80xi32, #tpu.memory_space<vmem>>) target_semaphore(%arg20 : memref<!tpu.dma_semaphore, #tpu.memory_space<semaphore_mem>>)
      } else {
      }
      %parallel_loop3A_241 = arith.constant 0 : i32
      %parallel_loop3A_242 = arith.constant 80 : i32
      %parallel_loop3A_243 = arith.constant 1 : i32
      scf.for %parallel_loop3A_308 = %parallel_loop3A_241 to %parallel_loop3A_242 step %parallel_loop3A_243  : i32 {
        %parallel_loop3A_309 = arith.index_cast %parallel_loop3A_308 : i32 to index
        %parallel_loop3A_310 = arith.constant 64 : index
        %parallel_loop3A_311 = tpu.vector_load %arg11[%parallel_loop3A_309, %parallel_loop3A_310] {strides = array<i32>} : memref<80x80xf32, #tpu.memory_space<vmem>>, vector<16xf32>,
        %parallel_loop3A_312 = arith.index_cast %parallel_loop3A_308 : i32 to index
        %parallel_loop3A_313 = arith.constant 0 : index
        %parallel_loop3A_314 = tpu.vector_load %arg13[%parallel_loop3A_312, %parallel_loop3A_313] {strides = array<i32>} : memref<80x16xf32, #tpu.memory_space<vmem>>, vector<16xf32>,
        %parallel_loop3A_315 = arith.addf %parallel_loop3A_311, %parallel_loop3A_314 : vector<16xf32>
        %parallel_loop3A_316 = arith.constant 2.000000e-01 : f32
        %parallel_loop3A_317 = vector.broadcast %parallel_loop3A_316 : f32 to vector<16xf32>
        %parallel_loop3A_318 = arith.mulf %parallel_loop3A_317, %parallel_loop3A_315 : vector<16xf32>
        %parallel_loop3A_319 = arith.maximumf %parallel_loop3A_315, %parallel_loop3A_318 : vector<16xf32>
        %parallel_loop3A_320 = math.exp %parallel_loop3A_319 : vector<16xf32>
        %parallel_loop3A_321 = arith.constant 0.000000e+00 : f32
        %parallel_loop3A_322 = vector.broadcast %parallel_loop3A_321 : f32 to vector<16xf32>
        %parallel_loop3A_323 = arith.select %lt3A_3, %parallel_loop3A_320, %parallel_loop3A_322 : vector<16xi1>, vector<16xf32>
        %parallel_loop3A_324 = arith.constant 16 : i32
        %parallel_loop3A_325 = arith.muli %parallel_loop3A_308, %parallel_loop3A_324 : i32
        %parallel_loop3A_326 = arith.index_cast %parallel_loop3A_325 : i32 to index
        %parallel_loop3A_327 = tpu.vector_load %arg18[%parallel_loop3A_326] {strides = array<i32>} : memref<1280xf32, #tpu.memory_space<vmem>>, vector<16xf32>,
        tpu.vector_store %arg18[%parallel_loop3A_326], %parallel_loop3A_323 {strides = array<i32>} : memref<1280xf32, #tpu.memory_space<vmem>>, vector<16xf32>,
        %parallel_loop3A_328 = arith.index_cast %parallel_loop3A_308 : i32 to index
        %parallel_loop3A_329 = arith.constant 64 : index
        %parallel_loop3A_330 = tpu.vector_load %arg11[%parallel_loop3A_328, %parallel_loop3A_329] {strides = array<i32>} : memref<80x80xf32, #tpu.memory_space<vmem>>, vector<16xf32>,
        tpu.vector_store %arg11[%parallel_loop3A_328, %parallel_loop3A_329], %parallel_loop3A_323 {strides = array<i32>} : memref<80x80xf32, #tpu.memory_space<vmem>>, vector<16xf32>,
        %parallel_loop3A_331 = arith.constant 0 : i32
        %parallel_loop3A_332 = arith.addi %parallel_loop3A_325, %parallel_loop3A_331 : i32
        %parallel_loop3A_333 = arith.constant 3 : i32
        %parallel_loop3A_334 = vector.broadcast %parallel_loop3A_333 : i32 to vector<16xi32>
        %parallel_loop3A_335 = arith.shrui %iota3A, %parallel_loop3A_334 : vector<16xi32>
        %parallel_loop3A_336 = vector.broadcast %parallel_loop3A_332 : i32 to vector<16xi32>
        %parallel_loop3A_337 = arith.addi %parallel_loop3A_336, %parallel_loop3A_335 : vector<16xi32>
        %parallel_loop3A_338 = tpu.vector_load_idx %arg18[%parallel_loop3A_337] : memref<1280xf32, #tpu.memory_space<vmem>>[vector<16xi32>], vector<16xf32>,
        %parallel_loop3A_339 = arith.index_cast %parallel_loop3A_308 : i32 to index
        %parallel_loop3A_340 = arith.constant 0 : index
        %parallel_loop3A_341 = tpu.vector_load %arg11[%parallel_loop3A_339, %parallel_loop3A_340] {strides = array<i32>} : memref<80x80xf32, #tpu.memory_space<vmem>>, vector<16xf32>,
        %parallel_loop3A_342 = arith.mulf %parallel_loop3A_341, %parallel_loop3A_338 : vector<16xf32>
        %parallel_loop3A_343 = arith.index_cast %parallel_loop3A_308 : i32 to index
        %parallel_loop3A_344 = arith.constant 0 : index
        %parallel_loop3A_345 = tpu.vector_load %arg11[%parallel_loop3A_343, %parallel_loop3A_344] {strides = array<i32>} : memref<80x80xf32, #tpu.memory_space<vmem>>, vector<16xf32>,
        tpu.vector_store %arg11[%parallel_loop3A_343, %parallel_loop3A_344], %parallel_loop3A_342 {strides = array<i32>} : memref<80x80xf32, #tpu.memory_space<vmem>>, vector<16xf32>,
        %parallel_loop3A_346 = arith.constant 2 : i32
        %parallel_loop3A_347 = arith.addi %parallel_loop3A_325, %parallel_loop3A_346 : i32
        %parallel_loop3A_348 = arith.constant 3 : i32
        %parallel_loop3A_349 = vector.broadcast %parallel_loop3A_348 : i32 to vector<16xi32>
        %parallel_loop3A_350 = arith.shrui %iota3A, %parallel_loop3A_349 : vector<16xi32>
        %parallel_loop3A_351 = vector.broadcast %parallel_loop3A_347 : i32 to vector<16xi32>
        %parallel_loop3A_352 = arith.addi %parallel_loop3A_351, %parallel_loop3A_350 : vector<16xi32>
        %parallel_loop3A_353 = tpu.vector_load_idx %arg18[%parallel_loop3A_352] : memref<1280xf32, #tpu.memory_space<vmem>>[vector<16xi32>], vector<16xf32>,
        %parallel_loop3A_354 = arith.index_cast %parallel_loop3A_308 : i32 to index
        %parallel_loop3A_355 = arith.constant 16 : index
        %parallel_loop3A_356 = tpu.vector_load %arg11[%parallel_loop3A_354, %parallel_loop3A_355] {strides = array<i32>} : memref<80x80xf32, #tpu.memory_space<vmem>>, vector<16xf32>,
        %parallel_loop3A_357 = arith.mulf %parallel_loop3A_356, %parallel_loop3A_353 : vector<16xf32>
        %parallel_loop3A_358 = arith.index_cast %parallel_loop3A_308 : i32 to index
        %parallel_loop3A_359 = arith.constant 16 : index
        %parallel_loop3A_360 = tpu.vector_load %arg11[%parallel_loop3A_358, %parallel_loop3A_359] {strides = array<i32>} : memref<80x80xf32, #tpu.memory_space<vmem>>, vector<16xf32>,
        tpu.vector_store %arg11[%parallel_loop3A_358, %parallel_loop3A_359], %parallel_loop3A_357 {strides = array<i32>} : memref<80x80xf32, #tpu.memory_space<vmem>>, vector<16xf32>,
        %parallel_loop3A_361 = arith.constant 4 : i32
        %parallel_loop3A_362 = arith.addi %parallel_loop3A_325, %parallel_loop3A_361 : i32
        %parallel_loop3A_363 = arith.constant 3 : i32
        %parallel_loop3A_364 = vector.broadcast %parallel_loop3A_363 : i32 to vector<16xi32>
        %parallel_loop3A_365 = arith.shrui %iota3A, %parallel_loop3A_364 : vector<16xi32>
        %parallel_loop3A_366 = vector.broadcast %parallel_loop3A_362 : i32 to vector<16xi32>
        %parallel_loop3A_367 = arith.addi %parallel_loop3A_366, %parallel_loop3A_365 : vector<16xi32>
        %parallel_loop3A_368 = tpu.vector_load_idx %arg18[%parallel_loop3A_367] : memref<1280xf32, #tpu.memory_space<vmem>>[vector<16xi32>], vector<16xf32>,
        %parallel_loop3A_369 = arith.index_cast %parallel_loop3A_308 : i32 to index
        %parallel_loop3A_370 = arith.constant 32 : index
        %parallel_loop3A_371 = tpu.vector_load %arg11[%parallel_loop3A_369, %parallel_loop3A_370] {strides = array<i32>} : memref<80x80xf32, #tpu.memory_space<vmem>>, vector<16xf32>,
        %parallel_loop3A_372 = arith.mulf %parallel_loop3A_371, %parallel_loop3A_368 : vector<16xf32>
        %parallel_loop3A_373 = arith.index_cast %parallel_loop3A_308 : i32 to index
        %parallel_loop3A_374 = arith.constant 32 : index
        %parallel_loop3A_375 = tpu.vector_load %arg11[%parallel_loop3A_373, %parallel_loop3A_374] {strides = array<i32>} : memref<80x80xf32, #tpu.memory_space<vmem>>, vector<16xf32>,
        tpu.vector_store %arg11[%parallel_loop3A_373, %parallel_loop3A_374], %parallel_loop3A_372 {strides = array<i32>} : memref<80x80xf32, #tpu.memory_space<vmem>>, vector<16xf32>,
        %parallel_loop3A_376 = arith.constant 6 : i32
        %parallel_loop3A_377 = arith.addi %parallel_loop3A_325, %parallel_loop3A_376 : i32
        %parallel_loop3A_378 = arith.constant 3 : i32
        %parallel_loop3A_379 = vector.broadcast %parallel_loop3A_378 : i32 to vector<16xi32>
        %parallel_loop3A_380 = arith.shrui %iota3A, %parallel_loop3A_379 : vector<16xi32>
        %parallel_loop3A_381 = vector.broadcast %parallel_loop3A_377 : i32 to vector<16xi32>
        %parallel_loop3A_382 = arith.addi %parallel_loop3A_381, %parallel_loop3A_380 : vector<16xi32>
        %parallel_loop3A_383 = tpu.vector_load_idx %arg18[%parallel_loop3A_382] : memref<1280xf32, #tpu.memory_space<vmem>>[vector<16xi32>], vector<16xf32>,
        %parallel_loop3A_384 = arith.index_cast %parallel_loop3A_308 : i32 to index
        %parallel_loop3A_385 = arith.constant 48 : index
        %parallel_loop3A_386 = tpu.vector_load %arg11[%parallel_loop3A_384, %parallel_loop3A_385] {strides = array<i32>} : memref<80x80xf32, #tpu.memory_space<vmem>>, vector<16xf32>,
        %parallel_loop3A_387 = arith.mulf %parallel_loop3A_386, %parallel_loop3A_383 : vector<16xf32>
        %parallel_loop3A_388 = arith.index_cast %parallel_loop3A_308 : i32 to index
        %parallel_loop3A_389 = arith.constant 48 : index
        %parallel_loop3A_390 = tpu.vector_load %arg11[%parallel_loop3A_388, %parallel_loop3A_389] {strides = array<i32>} : memref<80x80xf32, #tpu.memory_space<vmem>>, vector<16xf32>,
        tpu.vector_store %arg11[%parallel_loop3A_388, %parallel_loop3A_389], %parallel_loop3A_387 {strides = array<i32>} : memref<80x80xf32, #tpu.memory_space<vmem>>, vector<16xf32>,
      } {sc.loop_unroll_factor = 4 : i64, sc.parallel_access}
      %dma_start3A_244 = arith.constant 0 : i32
      %dma_start3A_245 = arith.constant 0 : i32
      %dma_start3A_246 = tpu.memref_slice %arg19[%dma_start3A_244, %dma_start3A_245] : memref<10240x80xf32, #tpu.memory_space<vmem_shared>> -> memref<10240x80xf32, #tpu.memory_space<vmem_shared>>
      tpu.enqueue_indirect_dma source(%arg11 : memref<80x80xf32, #tpu.memory_space<vmem>>) target(%dma_start3A_246 : memref<10240x80xf32, #tpu.memory_space<vmem_shared>>) offsets(%arg15 : memref<80xi32, #tpu.memory_space<vmem>>) semaphore(%arg26 : memref<!tpu.dma_semaphore, #tpu.memory_space<semaphore_mem>>) {add = true}
      %mul3A_247 = arith.constant 2 : i32
      %mul3A_248 = arith.muli %mul3A_247, %scan3A_187 : i32
      %add3A_249 = arith.constant 1 : i32
      %add3A_250 = arith.addi %mul3A_248, %add3A_249 : i32
      %add3A_251 = arith.constant 1 : i32
      %add3A_252 = arith.addi %add3A_250, %add3A_251 : i32
      %lt3A_253 = arith.constant 125 : i32
      %lt3A_254 = arith.cmpi slt, %add3A_252, %lt3A_253 : i32
      %ge3A_255 = arith.constant 1 : i32
      %ge3A_256 = arith.cmpi sge, %add3A_250, %ge3A_255 : i32
      %and3A_257 = arith.andi %lt3A_254, %ge3A_256 : i1
      %convert_element_type3A_258 = arith.extui %and3A_257 : i1 to i32
      %cond3A_259 = arith.constant 0 : i32
      %cond3A_260 = arith.cmpi ne, %convert_element_type3A_258, %cond3A_259 : i32
      scf.if %cond3A_260 {
        %dma_wait3A_308 = arith.constant 0 : i32
        %dma_wait3A_309 = arith.constant 0 : i32
        %dma_wait3A_310 = tpu.memref_slice %arg19[%dma_wait3A_308, %dma_wait3A_309] : memref<10240x80xf32, #tpu.memory_space<vmem_shared>> -> memref<10240x80xf32, #tpu.memory_space<vmem_shared>>
        tpu.wait_indirect_dma semaphore(%arg26 : memref<!tpu.dma_semaphore, #tpu.memory_space<semaphore_mem>>) src(%arg11 : memref<80x80xf32, #tpu.memory_space<vmem>>) dst(%dma_wait3A_310 : memref<10240x80xf32, #tpu.memory_space<vmem_shared>>)
      } else {
      }
      %add3A_261 = arith.constant 1 : i32
      %add3A_262 = arith.addi %add3A_250, %add3A_261 : i32
      %lt3A_263 = arith.constant 125 : i32
      %lt3A_264 = arith.cmpi slt, %add3A_262, %lt3A_263 : i32
      %convert_element_type3A_265 = arith.extui %lt3A_264 : i1 to i32
      %cond3A_266 = arith.constant 0 : i32
      %cond3A_267 = arith.cmpi ne, %convert_element_type3A_265, %cond3A_266 : i32
      scf.if %cond3A_267 {
        %add3A_308 = arith.constant 1 : i32
        %add3A_309 = arith.addi %add3A_250, %add3A_308 : i32
        %mul3A_310 = arith.constant 80 : i32
        %mul3A_311 = arith.muli %add3A_309, %mul3A_310 : i32
        %add3A_312 = arith.addi %mul3A_89, %mul3A_311 : i32
        %dma_wait3A_313 = tpu.memref_slice %arg4[%add3A_312] : memref<320000xi32, #tpu.memory_space<hbm>> -> memref<80xi32, #tpu.memory_space<hbm>>
        %dma_wait3A_314 = tpu.memref_slice %arg4[%add3A_312] : memref<320000xi32, #tpu.memory_space<hbm>> -> memref<80xi32, #tpu.memory_space<hbm>>
        tpu.wait_dma2 semaphore(%arg20 : memref<!tpu.dma_semaphore, #tpu.memory_space<semaphore_mem>>) src(%dma_wait3A_314 : memref<80xi32, #tpu.memory_space<hbm>>) dst(%arg7 : memref<80xi32, #tpu.memory_space<vmem>>)
        %dma_wait3A_315 = tpu.memref_slice %arg5[%add3A_312] : memref<320000xi32, #tpu.memory_space<hbm>> -> memref<80xi32, #tpu.memory_space<hbm>>
        %dma_wait3A_316 = tpu.memref_slice %arg5[%add3A_312] : memref<320000xi32, #tpu.memory_space<hbm>> -> memref<80xi32, #tpu.memory_space<hbm>>
        tpu.wait_dma2 semaphore(%arg20 : memref<!tpu.dma_semaphore, #tpu.memory_space<semaphore_mem>>) src(%dma_wait3A_316 : memref<80xi32, #tpu.memory_space<hbm>>) dst(%arg9 : memref<80xi32, #tpu.memory_space<vmem>>)
        %dma_start3A_317 = arith.constant 0 : i32
        %dma_start3A_318 = arith.constant 0 : i32
        %dma_start3A_319 = tpu.memref_slice %arg2[%dma_start3A_317, %dma_start3A_318] : memref<10000x80xf32, #tpu.memory_space<hbm>> -> memref<10000x80xf32, #tpu.memory_space<hbm>>
        tpu.enqueue_indirect_dma source(%dma_start3A_319 : memref<10000x80xf32, #tpu.memory_space<hbm>>) target(%arg11 : memref<80x80xf32, #tpu.memory_space<vmem>>) offsets(%arg7 : memref<80xi32, #tpu.memory_space<vmem>>) semaphore(%arg22 : memref<!tpu.dma_semaphore, #tpu.memory_space<semaphore_mem>>)
        %dma_start3A_320 = arith.constant 0 : i32
        %dma_start3A_321 = arith.constant 0 : i32
        %dma_start3A_322 = tpu.memref_slice %arg3[%dma_start3A_320, %dma_start3A_321] : memref<10000x16xf32, #tpu.memory_space<hbm>> -> memref<10000x16xf32, #tpu.memory_space<hbm>>
        tpu.enqueue_indirect_dma source(%dma_start3A_322 : memref<10000x16xf32, #tpu.memory_space<hbm>>) target(%arg13 : memref<80x16xf32, #tpu.memory_space<vmem>>) offsets(%arg9 : memref<80xi32, #tpu.memory_space<vmem>>) semaphore(%arg24 : memref<!tpu.dma_semaphore, #tpu.memory_space<semaphore_mem>>)
      } else {
      }
      %dma_wait3A_268 = arith.constant 0 : i32
      %dma_wait3A_269 = arith.constant 0 : i32
      %dma_wait3A_270 = tpu.memref_slice %arg2[%dma_wait3A_268, %dma_wait3A_269] : memref<10000x80xf32, #tpu.memory_space<hbm>> -> memref<10000x80xf32, #tpu.memory_space<hbm>>
      tpu.wait_indirect_dma semaphore(%arg23 : memref<!tpu.dma_semaphore, #tpu.memory_space<semaphore_mem>>) src(%dma_wait3A_270 : memref<10000x80xf32, #tpu.memory_space<hbm>>) dst(%arg12 : memref<80x80xf32, #tpu.memory_space<vmem>>)
      %dma_wait3A_271 = arith.constant 0 : i32
      %dma_wait3A_272 = arith.constant 0 : i32
      %dma_wait3A_273 = tpu.memref_slice %arg3[%dma_wait3A_271, %dma_wait3A_272] : memref<10000x16xf32, #tpu.memory_space<hbm>> -> memref<10000x16xf32, #tpu.memory_space<hbm>>
      tpu.wait_indirect_dma semaphore(%arg25 : memref<!tpu.dma_semaphore, #tpu.memory_space<semaphore_mem>>) src(%dma_wait3A_273 : memref<10000x16xf32, #tpu.memory_space<hbm>>) dst(%arg14 : memref<80x16xf32, #tpu.memory_space<vmem>>)
      %get3A_274 = arith.constant 0 : index
      %get3A_275 = tpu.vector_load %arg10[%get3A_274] {strides = array<i32>} : memref<80xi32, #tpu.memory_space<vmem>>, vector<16xi32>,
      %swap3A_276 = arith.constant 0 : index
      %swap3A_277 = tpu.vector_load %arg16[%swap3A_276] {strides = array<i32>} : memref<80xi32, #tpu.memory_space<vmem>>, vector<16xi32>,
      tpu.vector_store %arg16[%swap3A_276], %get3A_275 {strides = array<i32>} : memref<80xi32, #tpu.memory_space<vmem>>, vector<16xi32>,
      %get3A_278 = arith.constant 16 : index
      %get3A_279 = tpu.vector_load %arg10[%get3A_278] {strides = array<i32>} : memref<80xi32, #tpu.memory_space<vmem>>, vector<16xi32>,
      %swap3A_280 = arith.constant 16 : index
      %swap3A_281 = tpu.vector_load %arg16[%swap3A_280] {strides = array<i32>} : memref<80xi32, #tpu.memory_space<vmem>>, vector<16xi32>,
      tpu.vector_store %arg16[%swap3A_280], %get3A_279 {strides = array<i32>} : memref<80xi32, #tpu.memory_space<vmem>>, vector<16xi32>,
      %get3A_282 = arith.constant 32 : index
      %get3A_283 = tpu.vector_load %arg10[%get3A_282] {strides = array<i32>} : memref<80xi32, #tpu.memory_space<vmem>>, vector<16xi32>,
      %swap3A_284 = arith.constant 32 : index
      %swap3A_285 = tpu.vector_load %arg16[%swap3A_284] {strides = array<i32>} : memref<80xi32, #tpu.memory_space<vmem>>, vector<16xi32>,
      tpu.vector_store %arg16[%swap3A_284], %get3A_283 {strides = array<i32>} : memref<80xi32, #tpu.memory_space<vmem>>, vector<16xi32>,
      %get3A_286 = arith.constant 48 : index
      %get3A_287 = tpu.vector_load %arg10[%get3A_286] {strides = array<i32>} : memref<80xi32, #tpu.memory_space<vmem>>, vector<16xi32>,
      %swap3A_288 = arith.constant 48 : index
      %swap3A_289 = tpu.vector_load %arg16[%swap3A_288] {strides = array<i32>} : memref<80xi32, #tpu.memory_space<vmem>>, vector<16xi32>,
      tpu.vector_store %arg16[%swap3A_288], %get3A_287 {strides = array<i32>} : memref<80xi32, #tpu.memory_space<vmem>>, vector<16xi32>,
      %get3A_290 = arith.constant 64 : index
      %get3A_291 = tpu.vector_load %arg10[%get3A_290] {strides = array<i32>} : memref<80xi32, #tpu.memory_space<vmem>>, vector<16xi32>,
      %swap3A_292 = arith.constant 64 : index
      %swap3A_293 = tpu.vector_load %arg16[%swap3A_292] {strides = array<i32>} : memref<80xi32, #tpu.memory_space<vmem>>, vector<16xi32>,
      tpu.vector_store %arg16[%swap3A_292], %get3A_291 {strides = array<i32>} : memref<80xi32, #tpu.memory_space<vmem>>, vector<16xi32>,
      %add3A_294 = arith.constant 2 : i32
      %add3A_295 = arith.addi %add3A_250, %add3A_294 : i32
      %lt3A_296 = arith.constant 125 : i32
      %lt3A_297 = arith.cmpi slt, %add3A_295, %lt3A_296 : i32
      %convert_element_type3A_298 = arith.extui %lt3A_297 : i1 to i32
      %cond3A_299 = arith.constant 0 : i32
      %cond3A_300 = arith.cmpi ne, %convert_element_type3A_298, %cond3A_299 : i32
      scf.if %cond3A_300 {
        %add3A_308 = arith.constant 2 : i32
        %add3A_309 = arith.addi %add3A_250, %add3A_308 : i32
        %mul3A_310 = arith.constant 80 : i32
        %mul3A_311 = arith.muli %add3A_309, %mul3A_310 : i32
        %add3A_312 = arith.addi %mul3A_89, %mul3A_311 : i32
        %dma_start3A_313 = tpu.memref_slice %arg4[%add3A_312] : memref<320000xi32, #tpu.memory_space<hbm>> -> memref<80xi32, #tpu.memory_space<hbm>>
        %dma_start3A_314 = tpu.memref_slice %arg4[%add3A_312] : memref<320000xi32, #tpu.memory_space<hbm>> -> memref<80xi32, #tpu.memory_space<hbm>>
        tpu.enqueue_dma source(%dma_start3A_314 : memref<80xi32, #tpu.memory_space<hbm>>) target(%arg8 : memref<80xi32, #tpu.memory_space<vmem>>) target_semaphore(%arg21 : memref<!tpu.dma_semaphore, #tpu.memory_space<semaphore_mem>>)
        %dma_start3A_315 = tpu.memref_slice %arg5[%add3A_312] : memref<320000xi32, #tpu.memory_space<hbm>> -> memref<80xi32, #tpu.memory_space<hbm>>
        %dma_start3A_316 = tpu.memref_slice %arg5[%add3A_312] : memref<320000xi32, #tpu.memory_space<hbm>> -> memref<80xi32, #tpu.memory_space<hbm>>
        tpu.enqueue_dma source(%dma_start3A_316 : memref<80xi32, #tpu.memory_space<hbm>>) target(%arg10 : memref<80xi32, #tpu.memory_space<vmem>>) target_semaphore(%arg21 : memref<!tpu.dma_semaphore, #tpu.memory_space<semaphore_mem>>)
      } else {
      }
      %parallel_loop3A_301 = arith.constant 0 : i32
      %parallel_loop3A_302 = arith.constant 80 : i32
      %parallel_loop3A_303 = arith.constant 1 : i32
      scf.for %parallel_loop3A_308 = %parallel_loop3A_301 to %parallel_loop3A_302 step %parallel_loop3A_303  : i32 {
        %parallel_loop3A_309 = arith.index_cast %parallel_loop3A_308 : i32 to index
        %parallel_loop3A_310 = arith.constant 64 : index
        %parallel_loop3A_311 = tpu.vector_load %arg12[%parallel_loop3A_309, %parallel_loop3A_310] {strides = array<i32>} : memref<80x80xf32, #tpu.memory_space<vmem>>, vector<16xf32>,
        %parallel_loop3A_312 = arith.index_cast %parallel_loop3A_308 : i32 to index
        %parallel_loop3A_313 = arith.constant 0 : index
        %parallel_loop3A_314 = tpu.vector_load %arg14[%parallel_loop3A_312, %parallel_loop3A_313] {strides = array<i32>} : memref<80x16xf32, #tpu.memory_space<vmem>>, vector<16xf32>,
        %parallel_loop3A_315 = arith.addf %parallel_loop3A_311, %parallel_loop3A_314 : vector<16xf32>
        %parallel_loop3A_316 = arith.constant 2.000000e-01 : f32
        %parallel_loop3A_317 = vector.broadcast %parallel_loop3A_316 : f32 to vector<16xf32>
        %parallel_loop3A_318 = arith.mulf %parallel_loop3A_317, %parallel_loop3A_315 : vector<16xf32>
        %parallel_loop3A_319 = arith.maximumf %parallel_loop3A_315, %parallel_loop3A_318 : vector<16xf32>
        %parallel_loop3A_320 = math.exp %parallel_loop3A_319 : vector<16xf32>
        %parallel_loop3A_321 = arith.constant 0.000000e+00 : f32
        %parallel_loop3A_322 = vector.broadcast %parallel_loop3A_321 : f32 to vector<16xf32>
        %parallel_loop3A_323 = arith.select %lt3A_3, %parallel_loop3A_320, %parallel_loop3A_322 : vector<16xi1>, vector<16xf32>
        %parallel_loop3A_324 = arith.constant 16 : i32
        %parallel_loop3A_325 = arith.muli %parallel_loop3A_308, %parallel_loop3A_324 : i32
        %parallel_loop3A_326 = arith.index_cast %parallel_loop3A_325 : i32 to index
        %parallel_loop3A_327 = tpu.vector_load %arg18[%parallel_loop3A_326] {strides = array<i32>} : memref<1280xf32, #tpu.memory_space<vmem>>, vector<16xf32>,
        tpu.vector_store %arg18[%parallel_loop3A_326], %parallel_loop3A_323 {strides = array<i32>} : memref<1280xf32, #tpu.memory_space<vmem>>, vector<16xf32>,
        %parallel_loop3A_328 = arith.index_cast %parallel_loop3A_308 : i32 to index
        %parallel_loop3A_329 = arith.constant 64 : index
        %parallel_loop3A_330 = tpu.vector_load %arg12[%parallel_loop3A_328, %parallel_loop3A_329] {strides = array<i32>} : memref<80x80xf32, #tpu.memory_space<vmem>>, vector<16xf32>,
        tpu.vector_store %arg12[%parallel_loop3A_328, %parallel_loop3A_329], %parallel_loop3A_323 {strides = array<i32>} : memref<80x80xf32, #tpu.memory_space<vmem>>, vector<16xf32>,
        %parallel_loop3A_331 = arith.constant 0 : i32
        %parallel_loop3A_332 = arith.addi %parallel_loop3A_325, %parallel_loop3A_331 : i32
        %parallel_loop3A_333 = arith.constant 3 : i32
        %parallel_loop3A_334 = vector.broadcast %parallel_loop3A_333 : i32 to vector<16xi32>
        %parallel_loop3A_335 = arith.shrui %iota3A, %parallel_loop3A_334 : vector<16xi32>
        %parallel_loop3A_336 = vector.broadcast %parallel_loop3A_332 : i32 to vector<16xi32>
        %parallel_loop3A_337 = arith.addi %parallel_loop3A_336, %parallel_loop3A_335 : vector<16xi32>
        %parallel_loop3A_338 = tpu.vector_load_idx %arg18[%parallel_loop3A_337] : memref<1280xf32, #tpu.memory_space<vmem>>[vector<16xi32>], vector<16xf32>,
        %parallel_loop3A_339 = arith.index_cast %parallel_loop3A_308 : i32 to index
        %parallel_loop3A_340 = arith.constant 0 : index
        %parallel_loop3A_341 = tpu.vector_load %arg12[%parallel_loop3A_339, %parallel_loop3A_340] {strides = array<i32>} : memref<80x80xf32, #tpu.memory_space<vmem>>, vector<16xf32>,
        %parallel_loop3A_342 = arith.mulf %parallel_loop3A_341, %parallel_loop3A_338 : vector<16xf32>
        %parallel_loop3A_343 = arith.index_cast %parallel_loop3A_308 : i32 to index
        %parallel_loop3A_344 = arith.constant 0 : index
        %parallel_loop3A_345 = tpu.vector_load %arg12[%parallel_loop3A_343, %parallel_loop3A_344] {strides = array<i32>} : memref<80x80xf32, #tpu.memory_space<vmem>>, vector<16xf32>,
        tpu.vector_store %arg12[%parallel_loop3A_343, %parallel_loop3A_344], %parallel_loop3A_342 {strides = array<i32>} : memref<80x80xf32, #tpu.memory_space<vmem>>, vector<16xf32>,
        %parallel_loop3A_346 = arith.constant 2 : i32
        %parallel_loop3A_347 = arith.addi %parallel_loop3A_325, %parallel_loop3A_346 : i32
        %parallel_loop3A_348 = arith.constant 3 : i32
        %parallel_loop3A_349 = vector.broadcast %parallel_loop3A_348 : i32 to vector<16xi32>
        %parallel_loop3A_350 = arith.shrui %iota3A, %parallel_loop3A_349 : vector<16xi32>
        %parallel_loop3A_351 = vector.broadcast %parallel_loop3A_347 : i32 to vector<16xi32>
        %parallel_loop3A_352 = arith.addi %parallel_loop3A_351, %parallel_loop3A_350 : vector<16xi32>
        %parallel_loop3A_353 = tpu.vector_load_idx %arg18[%parallel_loop3A_352] : memref<1280xf32, #tpu.memory_space<vmem>>[vector<16xi32>], vector<16xf32>,
        %parallel_loop3A_354 = arith.index_cast %parallel_loop3A_308 : i32 to index
        %parallel_loop3A_355 = arith.constant 16 : index
        %parallel_loop3A_356 = tpu.vector_load %arg12[%parallel_loop3A_354, %parallel_loop3A_355] {strides = array<i32>} : memref<80x80xf32, #tpu.memory_space<vmem>>, vector<16xf32>,
        %parallel_loop3A_357 = arith.mulf %parallel_loop3A_356, %parallel_loop3A_353 : vector<16xf32>
        %parallel_loop3A_358 = arith.index_cast %parallel_loop3A_308 : i32 to index
        %parallel_loop3A_359 = arith.constant 16 : index
        %parallel_loop3A_360 = tpu.vector_load %arg12[%parallel_loop3A_358, %parallel_loop3A_359] {strides = array<i32>} : memref<80x80xf32, #tpu.memory_space<vmem>>, vector<16xf32>,
        tpu.vector_store %arg12[%parallel_loop3A_358, %parallel_loop3A_359], %parallel_loop3A_357 {strides = array<i32>} : memref<80x80xf32, #tpu.memory_space<vmem>>, vector<16xf32>,
        %parallel_loop3A_361 = arith.constant 4 : i32
        %parallel_loop3A_362 = arith.addi %parallel_loop3A_325, %parallel_loop3A_361 : i32
        %parallel_loop3A_363 = arith.constant 3 : i32
        %parallel_loop3A_364 = vector.broadcast %parallel_loop3A_363 : i32 to vector<16xi32>
        %parallel_loop3A_365 = arith.shrui %iota3A, %parallel_loop3A_364 : vector<16xi32>
        %parallel_loop3A_366 = vector.broadcast %parallel_loop3A_362 : i32 to vector<16xi32>
        %parallel_loop3A_367 = arith.addi %parallel_loop3A_366, %parallel_loop3A_365 : vector<16xi32>
        %parallel_loop3A_368 = tpu.vector_load_idx %arg18[%parallel_loop3A_367] : memref<1280xf32, #tpu.memory_space<vmem>>[vector<16xi32>], vector<16xf32>,
        %parallel_loop3A_369 = arith.index_cast %parallel_loop3A_308 : i32 to index
        %parallel_loop3A_370 = arith.constant 32 : index
        %parallel_loop3A_371 = tpu.vector_load %arg12[%parallel_loop3A_369, %parallel_loop3A_370] {strides = array<i32>} : memref<80x80xf32, #tpu.memory_space<vmem>>, vector<16xf32>,
        %parallel_loop3A_372 = arith.mulf %parallel_loop3A_371, %parallel_loop3A_368 : vector<16xf32>
        %parallel_loop3A_373 = arith.index_cast %parallel_loop3A_308 : i32 to index
        %parallel_loop3A_374 = arith.constant 32 : index
        %parallel_loop3A_375 = tpu.vector_load %arg12[%parallel_loop3A_373, %parallel_loop3A_374] {strides = array<i32>} : memref<80x80xf32, #tpu.memory_space<vmem>>, vector<16xf32>,
        tpu.vector_store %arg12[%parallel_loop3A_373, %parallel_loop3A_374], %parallel_loop3A_372 {strides = array<i32>} : memref<80x80xf32, #tpu.memory_space<vmem>>, vector<16xf32>,
        %parallel_loop3A_376 = arith.constant 6 : i32
        %parallel_loop3A_377 = arith.addi %parallel_loop3A_325, %parallel_loop3A_376 : i32
        %parallel_loop3A_378 = arith.constant 3 : i32
        %parallel_loop3A_379 = vector.broadcast %parallel_loop3A_378 : i32 to vector<16xi32>
        %parallel_loop3A_380 = arith.shrui %iota3A, %parallel_loop3A_379 : vector<16xi32>
        %parallel_loop3A_381 = vector.broadcast %parallel_loop3A_377 : i32 to vector<16xi32>
        %parallel_loop3A_382 = arith.addi %parallel_loop3A_381, %parallel_loop3A_380 : vector<16xi32>
        %parallel_loop3A_383 = tpu.vector_load_idx %arg18[%parallel_loop3A_382] : memref<1280xf32, #tpu.memory_space<vmem>>[vector<16xi32>], vector<16xf32>,
        %parallel_loop3A_384 = arith.index_cast %parallel_loop3A_308 : i32 to index
        %parallel_loop3A_385 = arith.constant 48 : index
        %parallel_loop3A_386 = tpu.vector_load %arg12[%parallel_loop3A_384, %parallel_loop3A_385] {strides = array<i32>} : memref<80x80xf32, #tpu.memory_space<vmem>>, vector<16xf32>,
        %parallel_loop3A_387 = arith.mulf %parallel_loop3A_386, %parallel_loop3A_383 : vector<16xf32>
        %parallel_loop3A_388 = arith.index_cast %parallel_loop3A_308 : i32 to index
        %parallel_loop3A_389 = arith.constant 48 : index
        %parallel_loop3A_390 = tpu.vector_load %arg12[%parallel_loop3A_388, %parallel_loop3A_389] {strides = array<i32>} : memref<80x80xf32, #tpu.memory_space<vmem>>, vector<16xf32>,
        tpu.vector_store %arg12[%parallel_loop3A_388, %parallel_loop3A_389], %parallel_loop3A_387 {strides = array<i32>} : memref<80x80xf32, #tpu.memory_space<vmem>>, vector<16xf32>,
      } {sc.loop_unroll_factor = 4 : i64, sc.parallel_access}
      %dma_start3A_304 = arith.constant 0 : i32
      %dma_start3A_305 = arith.constant 0 : i32
      %dma_start3A_306 = tpu.memref_slice %arg19[%dma_start3A_304, %dma_start3A_305] : memref<10240x80xf32, #tpu.memory_space<vmem_shared>> -> memref<10240x80xf32, #tpu.memory_space<vmem_shared>>
      tpu.enqueue_indirect_dma source(%arg12 : memref<80x80xf32, #tpu.memory_space<vmem>>) target(%dma_start3A_306 : memref<10240x80xf32, #tpu.memory_space<vmem_shared>>) offsets(%arg16 : memref<80xi32, #tpu.memory_space<vmem>>) semaphore(%arg27 : memref<!tpu.dma_semaphore, #tpu.memory_space<semaphore_mem>>) {add = true}
      %scan3A_307 = arith.constant 0 : i32
      scf.yield %scan3A_307 : i32
    }
    %scan3A_120 = arith.constant 62 : i32
    %add3A_121 = arith.constant 124 : i32
    %add3A_122 = arith.constant 1 : i32
    %add3A_123 = arith.addi %add3A_121, %add3A_122 : i32
    %lt3A_124 = arith.constant 125 : i32
    %lt3A_125 = arith.cmpi slt, %add3A_123, %lt3A_124 : i32
    %ge3A = arith.constant 124 : i32
    %ge3A_126 = arith.constant 1 : i32
    %ge3A_127 = arith.cmpi sge, %ge3A, %ge3A_126 : i32
    %and3A = arith.andi %lt3A_125, %ge3A_127 : i1
    %convert_element_type3A = arith.extui %and3A : i1 to i32
    %cond3A = arith.constant 0 : i32
    %cond3A_128 = arith.cmpi ne, %convert_element_type3A, %cond3A : i32
    scf.if %cond3A_128 {
      %dma_wait3A_187 = arith.constant 0 : i32
      %dma_wait3A_188 = arith.constant 0 : i32
      %dma_wait3A_189 = tpu.memref_slice %arg19[%dma_wait3A_187, %dma_wait3A_188] : memref<10240x80xf32, #tpu.memory_space<vmem_shared>> -> memref<10240x80xf32, #tpu.memory_space<vmem_shared>>
      tpu.wait_indirect_dma semaphore(%arg27 : memref<!tpu.dma_semaphore, #tpu.memory_space<semaphore_mem>>) src(%arg12 : memref<80x80xf32, #tpu.memory_space<vmem>>) dst(%dma_wait3A_189 : memref<10240x80xf32, #tpu.memory_space<vmem_shared>>)
    } else {
    }
    %add3A_129 = arith.constant 124 : i32
    %add3A_130 = arith.constant 1 : i32
    %add3A_131 = arith.addi %add3A_129, %add3A_130 : i32
    %lt3A_132 = arith.constant 125 : i32
    %lt3A_133 = arith.cmpi slt, %add3A_131, %lt3A_132 : i32
    %convert_element_type3A_134 = arith.extui %lt3A_133 : i1 to i32
    %cond3A_135 = arith.constant 124 : i32
    %cond3A_136 = arith.constant 0 : i32
    %cond3A_137 = arith.cmpi ne, %convert_element_type3A_134, %cond3A_136 : i32
    scf.if %cond3A_137 {
      %add3A_187 = arith.constant 1 : i32
      %add3A_188 = arith.addi %cond3A_135, %add3A_187 : i32
      %mul3A_189 = arith.constant 80 : i32
      %mul3A_190 = arith.muli %add3A_188, %mul3A_189 : i32
      %add3A_191 = arith.addi %mul3A_89, %mul3A_190 : i32
      %dma_wait3A_192 = tpu.memref_slice %arg4[%add3A_191] : memref<320000xi32, #tpu.memory_space<hbm>> -> memref<80xi32, #tpu.memory_space<hbm>>
      %dma_wait3A_193 = tpu.memref_slice %arg4[%add3A_191] : memref<320000xi32, #tpu.memory_space<hbm>> -> memref<80xi32, #tpu.memory_space<hbm>>
      tpu.wait_dma2 semaphore(%arg21 : memref<!tpu.dma_semaphore, #tpu.memory_space<semaphore_mem>>) src(%dma_wait3A_193 : memref<80xi32, #tpu.memory_space<hbm>>) dst(%arg8 : memref<80xi32, #tpu.memory_space<vmem>>)
      %dma_wait3A_194 = tpu.memref_slice %arg5[%add3A_191] : memref<320000xi32, #tpu.memory_space<hbm>> -> memref<80xi32, #tpu.memory_space<hbm>>
      %dma_wait3A_195 = tpu.memref_slice %arg5[%add3A_191] : memref<320000xi32, #tpu.memory_space<hbm>> -> memref<80xi32, #tpu.memory_space<hbm>>
      tpu.wait_dma2 semaphore(%arg21 : memref<!tpu.dma_semaphore, #tpu.memory_space<semaphore_mem>>) src(%dma_wait3A_195 : memref<80xi32, #tpu.memory_space<hbm>>) dst(%arg10 : memref<80xi32, #tpu.memory_space<vmem>>)
      %dma_start3A_196 = arith.constant 0 : i32
      %dma_start3A_197 = arith.constant 0 : i32
      %dma_start3A_198 = tpu.memref_slice %arg2[%dma_start3A_196, %dma_start3A_197] : memref<10000x80xf32, #tpu.memory_space<hbm>> -> memref<10000x80xf32, #tpu.memory_space<hbm>>
      tpu.enqueue_indirect_dma source(%dma_start3A_198 : memref<10000x80xf32, #tpu.memory_space<hbm>>) target(%arg12 : memref<80x80xf32, #tpu.memory_space<vmem>>) offsets(%arg8 : memref<80xi32, #tpu.memory_space<vmem>>) semaphore(%arg23 : memref<!tpu.dma_semaphore, #tpu.memory_space<semaphore_mem>>)
      %dma_start3A_199 = arith.constant 0 : i32
      %dma_start3A_200 = arith.constant 0 : i32
      %dma_start3A_201 = tpu.memref_slice %arg3[%dma_start3A_199, %dma_start3A_200] : memref<10000x16xf32, #tpu.memory_space<hbm>> -> memref<10000x16xf32, #tpu.memory_space<hbm>>
      tpu.enqueue_indirect_dma source(%dma_start3A_201 : memref<10000x16xf32, #tpu.memory_space<hbm>>) target(%arg14 : memref<80x16xf32, #tpu.memory_space<vmem>>) offsets(%arg10 : memref<80xi32, #tpu.memory_space<vmem>>) semaphore(%arg25 : memref<!tpu.dma_semaphore, #tpu.memory_space<semaphore_mem>>)
    } else {
    }
    %dma_wait3A_138 = arith.constant 0 : i32
    %dma_wait3A_139 = arith.constant 0 : i32
    %dma_wait3A_140 = tpu.memref_slice %arg2[%dma_wait3A_138, %dma_wait3A_139] : memref<10000x80xf32, #tpu.memory_space<hbm>> -> memref<10000x80xf32, #tpu.memory_space<hbm>>
    tpu.wait_indirect_dma semaphore(%arg22 : memref<!tpu.dma_semaphore, #tpu.memory_space<semaphore_mem>>) src(%dma_wait3A_140 : memref<10000x80xf32, #tpu.memory_space<hbm>>) dst(%arg11 : memref<80x80xf32, #tpu.memory_space<vmem>>)
    %dma_wait3A_141 = arith.constant 0 : i32
    %dma_wait3A_142 = arith.constant 0 : i32
    %dma_wait3A_143 = tpu.memref_slice %arg3[%dma_wait3A_141, %dma_wait3A_142] : memref<10000x16xf32, #tpu.memory_space<hbm>> -> memref<10000x16xf32, #tpu.memory_space<hbm>>
    tpu.wait_indirect_dma semaphore(%arg24 : memref<!tpu.dma_semaphore, #tpu.memory_space<semaphore_mem>>) src(%dma_wait3A_143 : memref<10000x16xf32, #tpu.memory_space<hbm>>) dst(%arg13 : memref<80x16xf32, #tpu.memory_space<vmem>>)
    %get3A = arith.constant 0 : index
    %get3A_144 = tpu.vector_load %arg9[%get3A] {strides = array<i32>} : memref<80xi32, #tpu.memory_space<vmem>>, vector<16xi32>,
    %swap3A = arith.constant 0 : index
    %swap3A_145 = tpu.vector_load %arg15[%swap3A] {strides = array<i32>} : memref<80xi32, #tpu.memory_space<vmem>>, vector<16xi32>,
    tpu.vector_store %arg15[%swap3A], %get3A_144 {strides = array<i32>} : memref<80xi32, #tpu.memory_space<vmem>>, vector<16xi32>,
    %get3A_146 = arith.constant 16 : index
    %get3A_147 = tpu.vector_load %arg9[%get3A_146] {strides = array<i32>} : memref<80xi32, #tpu.memory_space<vmem>>, vector<16xi32>,
    %swap3A_148 = arith.constant 16 : index
    %swap3A_149 = tpu.vector_load %arg15[%swap3A_148] {strides = array<i32>} : memref<80xi32, #tpu.memory_space<vmem>>, vector<16xi32>,
    tpu.vector_store %arg15[%swap3A_148], %get3A_147 {strides = array<i32>} : memref<80xi32, #tpu.memory_space<vmem>>, vector<16xi32>,
    %get3A_150 = arith.constant 32 : index
    %get3A_151 = tpu.vector_load %arg9[%get3A_150] {strides = array<i32>} : memref<80xi32, #tpu.memory_space<vmem>>, vector<16xi32>,
    %swap3A_152 = arith.constant 32 : index
    %swap3A_153 = tpu.vector_load %arg15[%swap3A_152] {strides = array<i32>} : memref<80xi32, #tpu.memory_space<vmem>>, vector<16xi32>,
    tpu.vector_store %arg15[%swap3A_152], %get3A_151 {strides = array<i32>} : memref<80xi32, #tpu.memory_space<vmem>>, vector<16xi32>,
    %get3A_154 = arith.constant 48 : index
    %get3A_155 = tpu.vector_load %arg9[%get3A_154] {strides = array<i32>} : memref<80xi32, #tpu.memory_space<vmem>>, vector<16xi32>,
    %swap3A_156 = arith.constant 48 : index
    %swap3A_157 = tpu.vector_load %arg15[%swap3A_156] {strides = array<i32>} : memref<80xi32, #tpu.memory_space<vmem>>, vector<16xi32>,
    tpu.vector_store %arg15[%swap3A_156], %get3A_155 {strides = array<i32>} : memref<80xi32, #tpu.memory_space<vmem>>, vector<16xi32>,
    %get3A_158 = arith.constant 64 : index
    %get3A_159 = tpu.vector_load %arg9[%get3A_158] {strides = array<i32>} : memref<80xi32, #tpu.memory_space<vmem>>, vector<16xi32>,
    %swap3A_160 = arith.constant 64 : index
    %swap3A_161 = tpu.vector_load %arg15[%swap3A_160] {strides = array<i32>} : memref<80xi32, #tpu.memory_space<vmem>>, vector<16xi32>,
    tpu.vector_store %arg15[%swap3A_160], %get3A_159 {strides = array<i32>} : memref<80xi32, #tpu.memory_space<vmem>>, vector<16xi32>,
    %add3A_162 = arith.constant 124 : i32
    %add3A_163 = arith.constant 2 : i32
    %add3A_164 = arith.addi %add3A_162, %add3A_163 : i32
    %lt3A_165 = arith.constant 125 : i32
    %lt3A_166 = arith.cmpi slt, %add3A_164, %lt3A_165 : i32
    %convert_element_type3A_167 = arith.extui %lt3A_166 : i1 to i32
    %cond3A_168 = arith.constant 124 : i32
    %cond3A_169 = arith.constant 0 : i32
    %cond3A_170 = arith.cmpi ne, %convert_element_type3A_167, %cond3A_169 : i32
    scf.if %cond3A_170 {
      %add3A_187 = arith.constant 2 : i32
      %add3A_188 = arith.addi %cond3A_168, %add3A_187 : i32
      %mul3A_189 = arith.constant 80 : i32
      %mul3A_190 = arith.muli %add3A_188, %mul3A_189 : i32
      %add3A_191 = arith.addi %mul3A_89, %mul3A_190 : i32
      %dma_start3A_192 = tpu.memref_slice %arg4[%add3A_191] : memref<320000xi32, #tpu.memory_space<hbm>> -> memref<80xi32, #tpu.memory_space<hbm>>
      %dma_start3A_193 = tpu.memref_slice %arg4[%add3A_191] : memref<320000xi32, #tpu.memory_space<hbm>> -> memref<80xi32, #tpu.memory_space<hbm>>
      tpu.enqueue_dma source(%dma_start3A_193 : memref<80xi32, #tpu.memory_space<hbm>>) target(%arg7 : memref<80xi32, #tpu.memory_space<vmem>>) target_semaphore(%arg20 : memref<!tpu.dma_semaphore, #tpu.memory_space<semaphore_mem>>)
      %dma_start3A_194 = tpu.memref_slice %arg5[%add3A_191] : memref<320000xi32, #tpu.memory_space<hbm>> -> memref<80xi32, #tpu.memory_space<hbm>>
      %dma_start3A_195 = tpu.memref_slice %arg5[%add3A_191] : memref<320000xi32, #tpu.memory_space<hbm>> -> memref<80xi32, #tpu.memory_space<hbm>>
      tpu.enqueue_dma source(%dma_start3A_195 : memref<80xi32, #tpu.memory_space<hbm>>) target(%arg9 : memref<80xi32, #tpu.memory_space<vmem>>) target_semaphore(%arg20 : memref<!tpu.dma_semaphore, #tpu.memory_space<semaphore_mem>>)
    } else {
    }
    %parallel_loop3A = arith.constant 0 : i32
    %parallel_loop3A_171 = arith.constant 80 : i32
    %parallel_loop3A_172 = arith.constant 1 : i32
    scf.for %parallel_loop3A_187 = %parallel_loop3A to %parallel_loop3A_171 step %parallel_loop3A_172  : i32 {
      %parallel_loop3A_188 = arith.index_cast %parallel_loop3A_187 : i32 to index
      %parallel_loop3A_189 = arith.constant 64 : index
      %parallel_loop3A_190 = tpu.vector_load %arg11[%parallel_loop3A_188, %parallel_loop3A_189] {strides = array<i32>} : memref<80x80xf32, #tpu.memory_space<vmem>>, vector<16xf32>,
      %parallel_loop3A_191 = arith.index_cast %parallel_loop3A_187 : i32 to index
      %parallel_loop3A_192 = arith.constant 0 : index
      %parallel_loop3A_193 = tpu.vector_load %arg13[%parallel_loop3A_191, %parallel_loop3A_192] {strides = array<i32>} : memref<80x16xf32, #tpu.memory_space<vmem>>, vector<16xf32>,
      %parallel_loop3A_194 = arith.addf %parallel_loop3A_190, %parallel_loop3A_193 : vector<16xf32>
      %parallel_loop3A_195 = arith.constant 2.000000e-01 : f32
      %parallel_loop3A_196 = vector.broadcast %parallel_loop3A_195 : f32 to vector<16xf32>
      %parallel_loop3A_197 = arith.mulf %parallel_loop3A_196, %parallel_loop3A_194 : vector<16xf32>
      %parallel_loop3A_198 = arith.maximumf %parallel_loop3A_194, %parallel_loop3A_197 : vector<16xf32>
      %parallel_loop3A_199 = math.exp %parallel_loop3A_198 : vector<16xf32>
      %parallel_loop3A_200 = arith.constant 0.000000e+00 : f32
      %parallel_loop3A_201 = vector.broadcast %parallel_loop3A_200 : f32 to vector<16xf32>
      %parallel_loop3A_202 = arith.select %lt3A_3, %parallel_loop3A_199, %parallel_loop3A_201 : vector<16xi1>, vector<16xf32>
      %parallel_loop3A_203 = arith.constant 16 : i32
      %parallel_loop3A_204 = arith.muli %parallel_loop3A_187, %parallel_loop3A_203 : i32
      %parallel_loop3A_205 = arith.index_cast %parallel_loop3A_204 : i32 to index
      %parallel_loop3A_206 = tpu.vector_load %arg18[%parallel_loop3A_205] {strides = array<i32>} : memref<1280xf32, #tpu.memory_space<vmem>>, vector<16xf32>,
      tpu.vector_store %arg18[%parallel_loop3A_205], %parallel_loop3A_202 {strides = array<i32>} : memref<1280xf32, #tpu.memory_space<vmem>>, vector<16xf32>,
      %parallel_loop3A_207 = arith.index_cast %parallel_loop3A_187 : i32 to index
      %parallel_loop3A_208 = arith.constant 64 : index
      %parallel_loop3A_209 = tpu.vector_load %arg11[%parallel_loop3A_207, %parallel_loop3A_208] {strides = array<i32>} : memref<80x80xf32, #tpu.memory_space<vmem>>, vector<16xf32>,
      tpu.vector_store %arg11[%parallel_loop3A_207, %parallel_loop3A_208], %parallel_loop3A_202 {strides = array<i32>} : memref<80x80xf32, #tpu.memory_space<vmem>>, vector<16xf32>,
      %parallel_loop3A_210 = arith.constant 0 : i32
      %parallel_loop3A_211 = arith.addi %parallel_loop3A_204, %parallel_loop3A_210 : i32
      %parallel_loop3A_212 = arith.constant 3 : i32
      %parallel_loop3A_213 = vector.broadcast %parallel_loop3A_212 : i32 to vector<16xi32>
      %parallel_loop3A_214 = arith.shrui %iota3A, %parallel_loop3A_213 : vector<16xi32>
      %parallel_loop3A_215 = vector.broadcast %parallel_loop3A_211 : i32 to vector<16xi32>
      %parallel_loop3A_216 = arith.addi %parallel_loop3A_215, %parallel_loop3A_214 : vector<16xi32>
      %parallel_loop3A_217 = tpu.vector_load_idx %arg18[%parallel_loop3A_216] : memref<1280xf32, #tpu.memory_space<vmem>>[vector<16xi32>], vector<16xf32>,
      %parallel_loop3A_218 = arith.index_cast %parallel_loop3A_187 : i32 to index
      %parallel_loop3A_219 = arith.constant 0 : index
      %parallel_loop3A_220 = tpu.vector_load %arg11[%parallel_loop3A_218, %parallel_loop3A_219] {strides = array<i32>} : memref<80x80xf32, #tpu.memory_space<vmem>>, vector<16xf32>,
      %parallel_loop3A_221 = arith.mulf %parallel_loop3A_220, %parallel_loop3A_217 : vector<16xf32>
      %parallel_loop3A_222 = arith.index_cast %parallel_loop3A_187 : i32 to index
      %parallel_loop3A_223 = arith.constant 0 : index
      %parallel_loop3A_224 = tpu.vector_load %arg11[%parallel_loop3A_222, %parallel_loop3A_223] {strides = array<i32>} : memref<80x80xf32, #tpu.memory_space<vmem>>, vector<16xf32>,
      tpu.vector_store %arg11[%parallel_loop3A_222, %parallel_loop3A_223], %parallel_loop3A_221 {strides = array<i32>} : memref<80x80xf32, #tpu.memory_space<vmem>>, vector<16xf32>,
      %parallel_loop3A_225 = arith.constant 2 : i32
      %parallel_loop3A_226 = arith.addi %parallel_loop3A_204, %parallel_loop3A_225 : i32
      %parallel_loop3A_227 = arith.constant 3 : i32
      %parallel_loop3A_228 = vector.broadcast %parallel_loop3A_227 : i32 to vector<16xi32>
      %parallel_loop3A_229 = arith.shrui %iota3A, %parallel_loop3A_228 : vector<16xi32>
      %parallel_loop3A_230 = vector.broadcast %parallel_loop3A_226 : i32 to vector<16xi32>
      %parallel_loop3A_231 = arith.addi %parallel_loop3A_230, %parallel_loop3A_229 : vector<16xi32>
      %parallel_loop3A_232 = tpu.vector_load_idx %arg18[%parallel_loop3A_231] : memref<1280xf32, #tpu.memory_space<vmem>>[vector<16xi32>], vector<16xf32>,
      %parallel_loop3A_233 = arith.index_cast %parallel_loop3A_187 : i32 to index
      %parallel_loop3A_234 = arith.constant 16 : index
      %parallel_loop3A_235 = tpu.vector_load %arg11[%parallel_loop3A_233, %parallel_loop3A_234] {strides = array<i32>} : memref<80x80xf32, #tpu.memory_space<vmem>>, vector<16xf32>,
      %parallel_loop3A_236 = arith.mulf %parallel_loop3A_235, %parallel_loop3A_232 : vector<16xf32>
      %parallel_loop3A_237 = arith.index_cast %parallel_loop3A_187 : i32 to index
      %parallel_loop3A_238 = arith.constant 16 : index
      %parallel_loop3A_239 = tpu.vector_load %arg11[%parallel_loop3A_237, %parallel_loop3A_238] {strides = array<i32>} : memref<80x80xf32, #tpu.memory_space<vmem>>, vector<16xf32>,
      tpu.vector_store %arg11[%parallel_loop3A_237, %parallel_loop3A_238], %parallel_loop3A_236 {strides = array<i32>} : memref<80x80xf32, #tpu.memory_space<vmem>>, vector<16xf32>,
      %parallel_loop3A_240 = arith.constant 4 : i32
      %parallel_loop3A_241 = arith.addi %parallel_loop3A_204, %parallel_loop3A_240 : i32
      %parallel_loop3A_242 = arith.constant 3 : i32
      %parallel_loop3A_243 = vector.broadcast %parallel_loop3A_242 : i32 to vector<16xi32>
      %parallel_loop3A_244 = arith.shrui %iota3A, %parallel_loop3A_243 : vector<16xi32>
      %parallel_loop3A_245 = vector.broadcast %parallel_loop3A_241 : i32 to vector<16xi32>
      %parallel_loop3A_246 = arith.addi %parallel_loop3A_245, %parallel_loop3A_244 : vector<16xi32>
      %parallel_loop3A_247 = tpu.vector_load_idx %arg18[%parallel_loop3A_246] : memref<1280xf32, #tpu.memory_space<vmem>>[vector<16xi32>], vector<16xf32>,
      %parallel_loop3A_248 = arith.index_cast %parallel_loop3A_187 : i32 to index
      %parallel_loop3A_249 = arith.constant 32 : index
      %parallel_loop3A_250 = tpu.vector_load %arg11[%parallel_loop3A_248, %parallel_loop3A_249] {strides = array<i32>} : memref<80x80xf32, #tpu.memory_space<vmem>>, vector<16xf32>,
      %parallel_loop3A_251 = arith.mulf %parallel_loop3A_250, %parallel_loop3A_247 : vector<16xf32>
      %parallel_loop3A_252 = arith.index_cast %parallel_loop3A_187 : i32 to index
      %parallel_loop3A_253 = arith.constant 32 : index
      %parallel_loop3A_254 = tpu.vector_load %arg11[%parallel_loop3A_252, %parallel_loop3A_253] {strides = array<i32>} : memref<80x80xf32, #tpu.memory_space<vmem>>, vector<16xf32>,
      tpu.vector_store %arg11[%parallel_loop3A_252, %parallel_loop3A_253], %parallel_loop3A_251 {strides = array<i32>} : memref<80x80xf32, #tpu.memory_space<vmem>>, vector<16xf32>,
      %parallel_loop3A_255 = arith.constant 6 : i32
      %parallel_loop3A_256 = arith.addi %parallel_loop3A_204, %parallel_loop3A_255 : i32
      %parallel_loop3A_257 = arith.constant 3 : i32
      %parallel_loop3A_258 = vector.broadcast %parallel_loop3A_257 : i32 to vector<16xi32>
      %parallel_loop3A_259 = arith.shrui %iota3A, %parallel_loop3A_258 : vector<16xi32>
      %parallel_loop3A_260 = vector.broadcast %parallel_loop3A_256 : i32 to vector<16xi32>
      %parallel_loop3A_261 = arith.addi %parallel_loop3A_260, %parallel_loop3A_259 : vector<16xi32>
      %parallel_loop3A_262 = tpu.vector_load_idx %arg18[%parallel_loop3A_261] : memref<1280xf32, #tpu.memory_space<vmem>>[vector<16xi32>], vector<16xf32>,
      %parallel_loop3A_263 = arith.index_cast %parallel_loop3A_187 : i32 to index
      %parallel_loop3A_264 = arith.constant 48 : index
      %parallel_loop3A_265 = tpu.vector_load %arg11[%parallel_loop3A_263, %parallel_loop3A_264] {strides = array<i32>} : memref<80x80xf32, #tpu.memory_space<vmem>>, vector<16xf32>,
      %parallel_loop3A_266 = arith.mulf %parallel_loop3A_265, %parallel_loop3A_262 : vector<16xf32>
      %parallel_loop3A_267 = arith.index_cast %parallel_loop3A_187 : i32 to index
      %parallel_loop3A_268 = arith.constant 48 : index
      %parallel_loop3A_269 = tpu.vector_load %arg11[%parallel_loop3A_267, %parallel_loop3A_268] {strides = array<i32>} : memref<80x80xf32, #tpu.memory_space<vmem>>, vector<16xf32>,
      tpu.vector_store %arg11[%parallel_loop3A_267, %parallel_loop3A_268], %parallel_loop3A_266 {strides = array<i32>} : memref<80x80xf32, #tpu.memory_space<vmem>>, vector<16xf32>,
    } {sc.loop_unroll_factor = 4 : i64, sc.parallel_access}
    %dma_start3A_173 = arith.constant 0 : i32
    %dma_start3A_174 = arith.constant 0 : i32
    %dma_start3A_175 = tpu.memref_slice %arg19[%dma_start3A_173, %dma_start3A_174] : memref<10240x80xf32, #tpu.memory_space<vmem_shared>> -> memref<10240x80xf32, #tpu.memory_space<vmem_shared>>
    tpu.enqueue_indirect_dma source(%arg11 : memref<80x80xf32, #tpu.memory_space<vmem>>) target(%dma_start3A_175 : memref<10240x80xf32, #tpu.memory_space<vmem_shared>>) offsets(%arg15 : memref<80xi32, #tpu.memory_space<vmem>>) semaphore(%arg26 : memref<!tpu.dma_semaphore, #tpu.memory_space<semaphore_mem>>) {add = true}
    %dma_wait3A_176 = arith.constant 0 : i32
    %dma_wait3A_177 = arith.constant 0 : i32
    %dma_wait3A_178 = tpu.memref_slice %arg19[%dma_wait3A_176, %dma_wait3A_177] : memref<10240x80xf32, #tpu.memory_space<vmem_shared>> -> memref<10240x80xf32, #tpu.memory_space<vmem_shared>>
    tpu.wait_indirect_dma semaphore(%arg26 : memref<!tpu.dma_semaphore, #tpu.memory_space<semaphore_mem>>) src(%arg11 : memref<80x80xf32, #tpu.memory_space<vmem>>) dst(%dma_wait3A_178 : memref<10240x80xf32, #tpu.memory_space<vmem_shared>>)
    %dma_wait3A_179 = arith.constant 0 : i32
    %dma_wait3A_180 = arith.constant 0 : i32
    %dma_wait3A_181 = tpu.memref_slice %arg19[%dma_wait3A_179, %dma_wait3A_180] : memref<10240x80xf32, #tpu.memory_space<vmem_shared>> -> memref<10240x80xf32, #tpu.memory_space<vmem_shared>>
    tpu.wait_indirect_dma semaphore(%arg27 : memref<!tpu.dma_semaphore, #tpu.memory_space<semaphore_mem>>) src(%arg12 : memref<80x80xf32, #tpu.memory_space<vmem>>) dst(%dma_wait3A_181 : memref<10240x80xf32, #tpu.memory_space<vmem_shared>>)
    %barrier3A_182 = arith.constant 0 : index
    tpu.barrier barrier_id(%barrier3A_182)
    %mul3A_183 = arith.constant 640 : i32
    %mul3A_184 = arith.muli %arg1, %mul3A_183 : i32
    %mul3A_185 = arith.constant 640 : i32
    %mul3A_186 = arith.muli %arg1, %mul3A_185 : i32
    "tpu.region"() ({
      %run_scoped3A = tpu.sem_alloc : memref<!tpu.dma_semaphore, #tpu.memory_space<semaphore_mem>>
      %dma_start3A_187 = arith.constant 0 : i32
      %dma_start3A_188 = tpu.memref_slice %arg6[%arg0, %mul3A_186, %dma_start3A_187] : memref<2x10240x80xf32, #tpu.memory_space<hbm>> -> memref<1x640x80xf32, #tpu.memory_space<hbm>>
      %dma_start3A_189 = tpu.memref_squeeze %dma_start3A_188 : memref<1x640x80xf32, #tpu.memory_space<hbm>> -> memref<640x80xf32, #tpu.memory_space<hbm>>
      %dma_start3A_190 = arith.constant 0 : i32
      %dma_start3A_191 = tpu.memref_slice %arg19[%mul3A_184, %dma_start3A_190] : memref<10240x80xf32, #tpu.memory_space<vmem_shared>> -> memref<640x80xf32, #tpu.memory_space<vmem_shared>>
      tpu.enqueue_dma source(%dma_start3A_191 : memref<640x80xf32, #tpu.memory_space<vmem_shared>>) target(%dma_start3A_189 : memref<640x80xf32, #tpu.memory_space<hbm>>) target_semaphore(%run_scoped3A : memref<!tpu.dma_semaphore, #tpu.memory_space<semaphore_mem>>)
      %dma_wait3A_192 = arith.constant 0 : i32
      %dma_wait3A_193 = tpu.memref_slice %arg6[%arg0, %mul3A_186, %dma_wait3A_192] : memref<2x10240x80xf32, #tpu.memory_space<hbm>> -> memref<1x640x80xf32, #tpu.memory_space<hbm>>
      %dma_wait3A_194 = tpu.memref_squeeze %dma_wait3A_193 : memref<1x640x80xf32, #tpu.memory_space<hbm>> -> memref<640x80xf32, #tpu.memory_space<hbm>>
      %dma_wait3A_195 = arith.constant 0 : i32
      %dma_wait3A_196 = tpu.memref_slice %arg19[%mul3A_184, %dma_wait3A_195] : memref<10240x80xf32, #tpu.memory_space<vmem_shared>> -> memref<640x80xf32, #tpu.memory_space<vmem_shared>>
      tpu.wait_dma2 semaphore(%run_scoped3A : memref<!tpu.dma_semaphore, #tpu.memory_space<semaphore_mem>>) src(%dma_wait3A_196 : memref<640x80xf32, #tpu.memory_space<vmem_shared>>) dst(%dma_wait3A_194 : memref<640x80xf32, #tpu.memory_space<hbm>>)
      tpu.yield
    }) : () -> ()
    return
  }
}

module attributes {stable_mosaic.version = 14 : i64} {
  func.func @body(%arg0: i32, %arg1: memref<1000x128xf32, #tpu.memory_space<vmem>>, %arg2: memref<128x64xf32, #tpu.memory_space<vmem>>, %arg3: memref<64x8xf32, #tpu.memory_space<vmem>>, %arg4: memref<64x8xf32, #tpu.memory_space<vmem>>, %arg5: memref<1000x80xf32, #tpu.memory_space<vmem>>, %arg6: memref<1000x16xf32, #tpu.memory_space<vmem>>) attributes {dimension_semantics = [#tpu.dimension_semantics<arbitrary>], iteration_bounds = array<i64: 10>, scalar_prefetch = 0 : i64, scratch_operands = 0 : i64, tpu.core_type = #tpu.core_type<tc>, window_params = [{transform_indices = @transform_0, window_bounds = array<i64: 1000, 128>}, {pipeline_mode = #tpu.pipeline_mode<synchronous>, transform_indices = @transform_1, window_bounds = array<i64: 128, 64>}, {pipeline_mode = #tpu.pipeline_mode<synchronous>, transform_indices = @transform_2, window_bounds = array<i64: 64, 8>}, {pipeline_mode = #tpu.pipeline_mode<synchronous>, transform_indices = @transform_3, window_bounds = array<i64: 64, 8>}, {transform_indices = @transform_4, window_bounds = array<i64: 1000, 80>}, {transform_indices = @transform_5, window_bounds = array<i64: 1000, 16>}]} {
    %get3A = arith.constant 0 : index
    %get3A_0 = arith.constant 0 : index
    %get3A_1 = vector.load %arg1[%get3A, %get3A_0] : memref<1000x128xf32, #tpu.memory_space<vmem>>, vector<1000x128xf32>
    %get3A_2 = arith.constant 0 : index
    %get3A_3 = arith.constant 0 : index
    %get3A_4 = vector.load %arg2[%get3A_2, %get3A_3] : memref<128x64xf32, #tpu.memory_space<vmem>>, vector<128x64xf32>
    %dot_general3A = arith.constant dense<0.000000e+00> : vector<1000x64xf32>
    %dot_general3A_5 = tpu.matmul %get3A_1, %get3A_4, %dot_general3A {dimension_numbers = #tpu.dot_dimension_numbers<[1], [0], [0], [1], [0, 0, 1, 1], [], []>, transpose_lhs_hint = false} : vector<1000x128xf32>, vector<128x64xf32>, vector<1000x64xf32> -> vector<1000x64xf32>
    %get3A_6 = arith.constant 0 : index
    %get3A_7 = arith.constant 0 : index
    %get3A_8 = vector.load %arg3[%get3A_6, %get3A_7] : memref<64x8xf32, #tpu.memory_space<vmem>>, vector<64x8xf32>
    %dot_general3A_9 = arith.constant dense<0.000000e+00> : vector<1000x8xf32>
    %dot_general3A_10 = tpu.matmul %dot_general3A_5, %get3A_8, %dot_general3A_9 {dimension_numbers = #tpu.dot_dimension_numbers<[1], [0], [0], [1], [0, 0, 1, 1], [], []>, transpose_lhs_hint = false} : vector<1000x64xf32>, vector<64x8xf32>, vector<1000x8xf32> -> vector<1000x8xf32>
    %get3A_11 = arith.constant 0 : index
    %get3A_12 = arith.constant 0 : index
    %get3A_13 = vector.load %arg4[%get3A_11, %get3A_12] : memref<64x8xf32, #tpu.memory_space<vmem>>, vector<64x8xf32>
    %dot_general3A_14 = arith.constant dense<0.000000e+00> : vector<1000x8xf32>
    %dot_general3A_15 = tpu.matmul %dot_general3A_5, %get3A_13, %dot_general3A_14 {dimension_numbers = #tpu.dot_dimension_numbers<[1], [0], [0], [1], [0, 0, 1, 1], [], []>, transpose_lhs_hint = false} : vector<1000x64xf32>, vector<64x8xf32>, vector<1000x8xf32> -> vector<1000x8xf32>
    %broadcast_in_dim3A = arith.constant 0.000000e+00 : f32
    %broadcast_in_dim3A_16 = vector.broadcast %broadcast_in_dim3A : f32 to vector<1000x8xf32>
    %concatenate3A = tpu.concatenate %dot_general3A_5, %dot_general3A_10, %broadcast_in_dim3A_16 in 1 : vector<1000x64xf32>, vector<1000x8xf32>, vector<1000x8xf32> -> vector<1000x80xf32>
    %swap3A = arith.constant 0 : index
    %swap3A_17 = arith.constant 0 : index
    %swap3A_18 = vector.load %arg5[%swap3A, %swap3A_17] : memref<1000x80xf32, #tpu.memory_space<vmem>>, vector<1000x80xf32>
    tpu.vector_store %arg5[%swap3A, %swap3A_17], %concatenate3A {strides = array<i32>} : memref<1000x80xf32, #tpu.memory_space<vmem>>, vector<1000x80xf32>,
    %concatenate3A_19 = tpu.concatenate %dot_general3A_15, %broadcast_in_dim3A_16 in 1 : vector<1000x8xf32>, vector<1000x8xf32> -> vector<1000x16xf32>
    %swap3A_20 = arith.constant 0 : index
    %swap3A_21 = arith.constant 0 : index
    %swap3A_22 = vector.load %arg6[%swap3A_20, %swap3A_21] : memref<1000x16xf32, #tpu.memory_space<vmem>>, vector<1000x16xf32>
    tpu.vector_store %arg6[%swap3A_20, %swap3A_21], %concatenate3A_19 {strides = array<i32>} : memref<1000x16xf32, #tpu.memory_space<vmem>>, vector<1000x16xf32>,
    return
  }
  func.func @transform_0(%arg0: i32) -> (i32, i32) {
    %c0_i32 = arith.constant 0 : i32
    %c0_i32_0 = arith.constant 0 : i32
    return %arg0, %c0_i32 : i32, i32
  }
  func.func @transform_1(%arg0: i32) -> (i32, i32) {
    %c0_i32 = arith.constant 0 : i32
    %c0_i32_0 = arith.constant 0 : i32
    %c0_i32_1 = arith.constant 0 : i32
    return %c0_i32, %c0_i32_0 : i32, i32
  }
  func.func @transform_2(%arg0: i32) -> (i32, i32) {
    %c0_i32 = arith.constant 0 : i32
    %c0_i32_0 = arith.constant 0 : i32
    %c0_i32_1 = arith.constant 0 : i32
    return %c0_i32, %c0_i32_0 : i32, i32
  }
  func.func @transform_3(%arg0: i32) -> (i32, i32) {
    %c0_i32 = arith.constant 0 : i32
    %c0_i32_0 = arith.constant 0 : i32
    %c0_i32_1 = arith.constant 0 : i32
    return %c0_i32, %c0_i32_0 : i32, i32
  }
  func.func @transform_4(%arg0: i32) -> (i32, i32) {
    %c0_i32 = arith.constant 0 : i32
    %c0_i32_0 = arith.constant 0 : i32
    return %arg0, %c0_i32 : i32, i32
  }
  func.func @transform_5(%arg0: i32) -> (i32, i32) {
    %c0_i32 = arith.constant 0 : i32
    %c0_i32_0 = arith.constant 0 : i32
    return %arg0, %c0_i32 : i32, i32
  }
}

module attributes {stable_mosaic.version = 14 : i64} {
  func.func @body(%arg0: i32, %arg1: memref<2x1000x80xf32, #tpu.memory_space<vmem>>, %arg2: memref<1000x80xf32, #tpu.memory_space<vmem>>, %arg3: memref<1000x16xf32, #tpu.memory_space<vmem>>, %arg4: memref<1x64xf32, #tpu.memory_space<vmem>>, %arg5: memref<64x40xf32, #tpu.memory_space<vmem>>, %arg6: memref<40x2xf32, #tpu.memory_space<vmem>>, %arg7: memref<8x64xf32, #tpu.memory_space<vmem>>, %arg8: memref<1000x48xf32, #tpu.memory_space<vmem>>, %arg9: memref<1000x16xf32, #tpu.memory_space<vmem>>) attributes {dimension_semantics = [#tpu.dimension_semantics<arbitrary>], iteration_bounds = array<i64: 10>, scalar_prefetch = 0 : i64, scratch_operands = 0 : i64, tpu.core_type = #tpu.core_type<tc>, window_params = [{transform_indices = @transform_0, window_bounds = array<i64: 2, 1000, 80>}, {transform_indices = @transform_1, window_bounds = array<i64: 1000, 80>}, {transform_indices = @transform_2, window_bounds = array<i64: 1000, 16>}, {pipeline_mode = #tpu.pipeline_mode<synchronous>, transform_indices = @transform_3, window_bounds = array<i64: 1, 64>}, {pipeline_mode = #tpu.pipeline_mode<synchronous>, transform_indices = @transform_4, window_bounds = array<i64: 64, 40>}, {pipeline_mode = #tpu.pipeline_mode<synchronous>, transform_indices = @transform_5, window_bounds = array<i64: 40, 2>}, {pipeline_mode = #tpu.pipeline_mode<synchronous>, transform_indices = @transform_6, window_bounds = array<i64: 8, 64>}, {transform_indices = @transform_7, window_bounds = array<i64: 1000, 48>}, {transform_indices = @transform_8, window_bounds = array<i64: 1000, 16>}]} {
    %get3A = arith.constant 0 : index
    %get3A_0 = arith.constant 0 : index
    %get3A_1 = arith.constant 0 : index
    %get3A_2 = vector.load %arg1[%get3A, %get3A_0, %get3A_1] : memref<2x1000x80xf32, #tpu.memory_space<vmem>>, vector<1x1000x80xf32>
    %get3A_3 = vector.shape_cast %get3A_2 : vector<1x1000x80xf32> to vector<1000x80xf32>
    %get3A_4 = arith.constant 1 : index
    %get3A_5 = arith.constant 0 : index
    %get3A_6 = arith.constant 0 : index
    %get3A_7 = vector.load %arg1[%get3A_4, %get3A_5, %get3A_6] : memref<2x1000x80xf32, #tpu.memory_space<vmem>>, vector<1x1000x80xf32>
    %get3A_8 = vector.shape_cast %get3A_7 : vector<1x1000x80xf32> to vector<1000x80xf32>
    %add3A = arith.addf %get3A_3, %get3A_8 : vector<1000x80xf32>
    %get3A_9 = arith.constant 0 : index
    %get3A_10 = arith.constant 0 : index
    %get3A_11 = vector.load %arg2[%get3A_9, %get3A_10] : memref<1000x80xf32, #tpu.memory_space<vmem>>, vector<1000x64xf32>
    %get3A_12 = arith.constant 0 : index
    %get3A_13 = arith.constant 64 : index
    %get3A_14 = vector.load %arg2[%get3A_12, %get3A_13] : memref<1000x80xf32, #tpu.memory_space<vmem>>, vector<1000x8xf32>
    %get3A_15 = arith.constant 0 : index
    %get3A_16 = arith.constant 0 : index
    %get3A_17 = vector.load %arg3[%get3A_15, %get3A_16] : memref<1000x16xf32, #tpu.memory_space<vmem>>, vector<1000x8xf32>
    %add3A_18 = arith.addf %get3A_14, %get3A_17 : vector<1000x8xf32>
    %mul3A = arith.constant 2.000000e-01 : f32
    %mul3A_19 = vector.broadcast %mul3A : f32 to vector<1000x8xf32>
    %mul3A_20 = arith.mulf %mul3A_19, %add3A_18 : vector<1000x8xf32>
    %max3A = arith.maximumf %add3A_18, %mul3A_20 : vector<1000x8xf32>
    %exp3A = math.exp %max3A : vector<1000x8xf32>
    %get3A_21 = arith.constant 0 : index
    %get3A_22 = arith.constant 0 : index
    %get3A_23 = vector.load %arg7[%get3A_21, %get3A_22] : memref<8x64xf32, #tpu.memory_space<vmem>>, vector<8x64xf32>
    %dot_general3A = arith.constant dense<0.000000e+00> : vector<1000x64xf32>
    %dot_general3A_24 = tpu.matmul %exp3A, %get3A_23, %dot_general3A {dimension_numbers = #tpu.dot_dimension_numbers<[1], [0], [0], [1], [0, 0, 1, 1], [], []>, transpose_lhs_hint = false} : vector<1000x8xf32>, vector<8x64xf32>, vector<1000x64xf32> -> vector<1000x64xf32>
    %slice3A = vector.extract_strided_slice %add3A {offsets = [0, 0], sizes = [1000, 64], strides = [1, 1]} : vector<1000x80xf32> to vector<1000x64xf32>
    %mul3A_25 = arith.mulf %dot_general3A_24, %get3A_11 : vector<1000x64xf32>
    %add3A_26 = arith.addf %slice3A, %mul3A_25 : vector<1000x64xf32>
    %slice3A_27 = vector.extract_strided_slice %add3A {offsets = [0, 64], sizes = [1000, 8], strides = [1, 1]} : vector<1000x80xf32> to vector<1000x8xf32>
    %add3A_28 = arith.addf %slice3A_27, %exp3A : vector<1000x8xf32>
    %get3A_29 = arith.constant 0 : index
    %get3A_30 = arith.constant 0 : index
    %get3A_31 = vector.load %arg7[%get3A_29, %get3A_30] : memref<8x64xf32, #tpu.memory_space<vmem>>, vector<8x64xf32>
    %dot_general3A_32 = arith.constant dense<0.000000e+00> : vector<1000x64xf32>
    %dot_general3A_33 = tpu.matmul %add3A_28, %get3A_31, %dot_general3A_32 {dimension_numbers = #tpu.dot_dimension_numbers<[1], [0], [0], [1], [0, 0, 1, 1], [], []>, transpose_lhs_hint = false} : vector<1000x8xf32>, vector<8x64xf32>, vector<1000x64xf32> -> vector<1000x64xf32>
    %div3A = arith.divf %add3A_26, %dot_general3A_33 : vector<1000x64xf32>
    %get3A_34 = arith.constant 0 : index
    %get3A_35 = arith.constant 0 : index
    %get3A_36 = vector.load %arg4[%get3A_34, %get3A_35] : memref<1x64xf32, #tpu.memory_space<vmem>>, vector<1x64xf32>
    %add3A_37 = vector.broadcast %get3A_36 : vector<1x64xf32> to vector<1000x64xf32>
    %add3A_38 = arith.addf %div3A, %add3A_37 : vector<1000x64xf32>
    %gt3A = arith.constant 0.000000e+00 : f32
    %gt3A_39 = vector.broadcast %gt3A : f32 to vector<1000x64xf32>
    %gt3A_40 = arith.cmpf ogt, %add3A_38, %gt3A_39 : vector<1000x64xf32>
    %exp3A_41 = math.exp %add3A_38 : vector<1000x64xf32>
    %sub3A = arith.constant 1.000000e+00 : f32
    %sub3A_42 = vector.broadcast %sub3A : f32 to vector<1000x64xf32>
    %sub3A_43 = arith.subf %exp3A_41, %sub3A_42 : vector<1000x64xf32>
    %select_n3A = arith.select %gt3A_40, %add3A_38, %sub3A_43 : vector<1000x64xi1>, vector<1000x64xf32>
    %get3A_44 = arith.constant 0 : index
    %get3A_45 = arith.constant 0 : index
    %get3A_46 = vector.load %arg5[%get3A_44, %get3A_45] : memref<64x40xf32, #tpu.memory_space<vmem>>, vector<64x40xf32>
    %dot_general3A_47 = arith.constant dense<0.000000e+00> : vector<1000x40xf32>
    %dot_general3A_48 = tpu.matmul %select_n3A, %get3A_46, %dot_general3A_47 {dimension_numbers = #tpu.dot_dimension_numbers<[1], [0], [0], [1], [0, 0, 1, 1], [], []>, transpose_lhs_hint = false} : vector<1000x64xf32>, vector<64x40xf32>, vector<1000x40xf32> -> vector<1000x40xf32>
    %get3A_49 = arith.constant 0 : index
    %get3A_50 = arith.constant 0 : index
    %get3A_51 = vector.load %arg6[%get3A_49, %get3A_50] : memref<40x2xf32, #tpu.memory_space<vmem>>, vector<40x2xf32>
    %dot_general3A_52 = arith.constant dense<0.000000e+00> : vector<1000x2xf32>
    %dot_general3A_53 = tpu.matmul %dot_general3A_48, %get3A_51, %dot_general3A_52 {dimension_numbers = #tpu.dot_dimension_numbers<[1], [0], [0], [1], [0, 0, 1, 1], [], []>, transpose_lhs_hint = false} : vector<1000x40xf32>, vector<40x2xf32>, vector<1000x2xf32> -> vector<1000x2xf32>
    %broadcast_in_dim3A = arith.constant 0.000000e+00 : f32
    %broadcast_in_dim3A_54 = vector.broadcast %broadcast_in_dim3A : f32 to vector<1000x7xf32>
    %slice3A_55 = vector.extract_strided_slice %dot_general3A_53 {offsets = [0, 0], sizes = [1000, 1], strides = [1, 1]} : vector<1000x2xf32> to vector<1000x1xf32>
    %concatenate3A = tpu.concatenate %dot_general3A_48, %slice3A_55, %broadcast_in_dim3A_54 in 1 : vector<1000x40xf32>, vector<1000x1xf32>, vector<1000x7xf32> -> vector<1000x48xf32>
    %swap3A = arith.constant 0 : index
    %swap3A_56 = arith.constant 0 : index
    %swap3A_57 = vector.load %arg8[%swap3A, %swap3A_56] : memref<1000x48xf32, #tpu.memory_space<vmem>>, vector<1000x48xf32>
    tpu.vector_store %arg8[%swap3A, %swap3A_56], %concatenate3A {strides = array<i32>} : memref<1000x48xf32, #tpu.memory_space<vmem>>, vector<1000x48xf32>,
    %broadcast_in_dim3A_58 = arith.constant 0.000000e+00 : f32
    %broadcast_in_dim3A_59 = vector.broadcast %broadcast_in_dim3A_58 : f32 to vector<1000x8xf32>
    %slice3A_60 = vector.extract_strided_slice %dot_general3A_53 {offsets = [0, 1], sizes = [1000, 1], strides = [1, 1]} : vector<1000x2xf32> to vector<1000x1xf32>
    %concatenate3A_61 = tpu.concatenate %broadcast_in_dim3A_59, %slice3A_60, %broadcast_in_dim3A_54 in 1 : vector<1000x8xf32>, vector<1000x1xf32>, vector<1000x7xf32> -> vector<1000x16xf32>
    %swap3A_62 = arith.constant 0 : index
    %swap3A_63 = arith.constant 0 : index
    %swap3A_64 = vector.load %arg9[%swap3A_62, %swap3A_63] : memref<1000x16xf32, #tpu.memory_space<vmem>>, vector<1000x16xf32>
    tpu.vector_store %arg9[%swap3A_62, %swap3A_63], %concatenate3A_61 {strides = array<i32>} : memref<1000x16xf32, #tpu.memory_space<vmem>>, vector<1000x16xf32>,
    return
  }
  func.func @transform_0(%arg0: i32) -> (i32, i32, i32) {
    %c0_i32 = arith.constant 0 : i32
    %c0_i32_0 = arith.constant 0 : i32
    %c0_i32_1 = arith.constant 0 : i32
    return %c0_i32, %arg0, %c0_i32_0 : i32, i32, i32
  }
  func.func @transform_1(%arg0: i32) -> (i32, i32) {
    %c0_i32 = arith.constant 0 : i32
    %c0_i32_0 = arith.constant 0 : i32
    return %arg0, %c0_i32 : i32, i32
  }
  func.func @transform_2(%arg0: i32) -> (i32, i32) {
    %c0_i32 = arith.constant 0 : i32
    %c0_i32_0 = arith.constant 0 : i32
    return %arg0, %c0_i32 : i32, i32
  }
  func.func @transform_3(%arg0: i32) -> (i32, i32) {
    %c0_i32 = arith.constant 0 : i32
    %c0_i32_0 = arith.constant 0 : i32
    %c0_i32_1 = arith.constant 0 : i32
    return %c0_i32, %c0_i32_0 : i32, i32
  }
  func.func @transform_4(%arg0: i32) -> (i32, i32) {
    %c0_i32 = arith.constant 0 : i32
    %c0_i32_0 = arith.constant 0 : i32
    %c0_i32_1 = arith.constant 0 : i32
    return %c0_i32, %c0_i32_0 : i32, i32
  }
  func.func @transform_5(%arg0: i32) -> (i32, i32) {
    %c0_i32 = arith.constant 0 : i32
    %c0_i32_0 = arith.constant 0 : i32
    %c0_i32_1 = arith.constant 0 : i32
    return %c0_i32, %c0_i32_0 : i32, i32
  }
  func.func @transform_6(%arg0: i32) -> (i32, i32) {
    %c0_i32 = arith.constant 0 : i32
    %c0_i32_0 = arith.constant 0 : i32
    %c0_i32_1 = arith.constant 0 : i32
    return %c0_i32, %c0_i32_0 : i32, i32
  }
  func.func @transform_7(%arg0: i32) -> (i32, i32) {
    %c0_i32 = arith.constant 0 : i32
    %c0_i32_0 = arith.constant 0 : i32
    return %arg0, %c0_i32 : i32, i32
  }
  func.func @transform_8(%arg0: i32) -> (i32, i32) {
    %c0_i32 = arith.constant 0 : i32
    %c0_i32_0 = arith.constant 0 : i32
    return %arg0, %c0_i32 : i32, i32
  }
}

module attributes {stable_mosaic.version = 14 : i64} {
  func.func @body(%arg0: i32, %arg1: memref<2x1000x48xf32, #tpu.memory_space<vmem>>, %arg2: memref<1000x48xf32, #tpu.memory_space<vmem>>, %arg3: memref<1000x16xf32, #tpu.memory_space<vmem>>, %arg4: memref<1x40xf32, #tpu.memory_space<vmem>>, %arg5: memref<1000x40xf32, #tpu.memory_space<vmem>>) attributes {dimension_semantics = [#tpu.dimension_semantics<arbitrary>], iteration_bounds = array<i64: 10>, scalar_prefetch = 0 : i64, scratch_operands = 0 : i64, tpu.core_type = #tpu.core_type<tc>, window_params = [{transform_indices = @transform_0, window_bounds = array<i64: 2, 1000, 48>}, {transform_indices = @transform_1, window_bounds = array<i64: 1000, 48>}, {transform_indices = @transform_2, window_bounds = array<i64: 1000, 16>}, {pipeline_mode = #tpu.pipeline_mode<synchronous>, transform_indices = @transform_3, window_bounds = array<i64: 1, 40>}, {transform_indices = @transform_4, window_bounds = array<i64: 1000, 40>}]} {
    %get3A = arith.constant 0 : index
    %get3A_0 = arith.constant 0 : index
    %get3A_1 = arith.constant 0 : index
    %get3A_2 = vector.load %arg1[%get3A, %get3A_0, %get3A_1] : memref<2x1000x48xf32, #tpu.memory_space<vmem>>, vector<1x1000x48xf32>
    %get3A_3 = vector.shape_cast %get3A_2 : vector<1x1000x48xf32> to vector<1000x48xf32>
    %get3A_4 = arith.constant 1 : index
    %get3A_5 = arith.constant 0 : index
    %get3A_6 = arith.constant 0 : index
    %get3A_7 = vector.load %arg1[%get3A_4, %get3A_5, %get3A_6] : memref<2x1000x48xf32, #tpu.memory_space<vmem>>, vector<1x1000x48xf32>
    %get3A_8 = vector.shape_cast %get3A_7 : vector<1x1000x48xf32> to vector<1000x48xf32>
    %add3A = arith.addf %get3A_3, %get3A_8 : vector<1000x48xf32>
    %get3A_9 = arith.constant 0 : index
    %get3A_10 = arith.constant 0 : index
    %get3A_11 = vector.load %arg2[%get3A_9, %get3A_10] : memref<1000x48xf32, #tpu.memory_space<vmem>>, vector<1000x40xf32>
    %get3A_12 = arith.constant 0 : index
    %get3A_13 = arith.constant 40 : index
    %get3A_14 = vector.load %arg2[%get3A_12, %get3A_13] : memref<1000x48xf32, #tpu.memory_space<vmem>>, vector<1000x1xf32>
    %get3A_15 = arith.constant 0 : index
    %get3A_16 = arith.constant 8 : index
    %get3A_17 = vector.load %arg3[%get3A_15, %get3A_16] : memref<1000x16xf32, #tpu.memory_space<vmem>>, vector<1000x1xf32>
    %add3A_18 = arith.addf %get3A_14, %get3A_17 : vector<1000x1xf32>
    %mul3A = arith.constant 2.000000e-01 : f32
    %mul3A_19 = vector.broadcast %mul3A : f32 to vector<1000x1xf32>
    %mul3A_20 = arith.mulf %mul3A_19, %add3A_18 : vector<1000x1xf32>
    %max3A = arith.maximumf %add3A_18, %mul3A_20 : vector<1000x1xf32>
    %exp3A = math.exp %max3A : vector<1000x1xf32>
    %slice3A = vector.extract_strided_slice %add3A {offsets = [0, 0], sizes = [1000, 40], strides = [1, 1]} : vector<1000x48xf32> to vector<1000x40xf32>
    %mul3A_21 = vector.broadcast %exp3A : vector<1000x1xf32> to vector<1000x40xf32>
    %mul3A_22 = arith.mulf %mul3A_21, %get3A_11 : vector<1000x40xf32>
    %add3A_23 = arith.addf %slice3A, %mul3A_22 : vector<1000x40xf32>
    %slice3A_24 = vector.extract_strided_slice %add3A {offsets = [0, 40], sizes = [1000, 1], strides = [1, 1]} : vector<1000x48xf32> to vector<1000x1xf32>
    %add3A_25 = arith.addf %slice3A_24, %exp3A : vector<1000x1xf32>
    %div3A = vector.broadcast %add3A_25 : vector<1000x1xf32> to vector<1000x40xf32>
    %div3A_26 = arith.divf %add3A_23, %div3A : vector<1000x40xf32>
    %get3A_27 = arith.constant 0 : index
    %get3A_28 = arith.constant 0 : index
    %get3A_29 = vector.load %arg4[%get3A_27, %get3A_28] : memref<1x40xf32, #tpu.memory_space<vmem>>, vector<1x40xf32>
    %add3A_30 = vector.broadcast %get3A_29 : vector<1x40xf32> to vector<1000x40xf32>
    %add3A_31 = arith.addf %div3A_26, %add3A_30 : vector<1000x40xf32>
    %reduce_max3A = arith.constant dense<0xFF800000> : vector<1000xf32>
    %reduce_max3A_32 = vector.multi_reduction <maximumf>, %add3A_31, %reduce_max3A [1] : vector<1000x40xf32> to vector<1000xf32>
    %broadcast_in_dim3A = vector.shape_cast %reduce_max3A_32 : vector<1000xf32> to vector<1000x1xf32>
    %sub3A = vector.broadcast %broadcast_in_dim3A : vector<1000x1xf32> to vector<1000x40xf32>
    %sub3A_33 = arith.subf %add3A_31, %sub3A : vector<1000x40xf32>
    %exp3A_34 = math.exp %sub3A_33 : vector<1000x40xf32>
    %reduce_sum3A = arith.constant dense<0.000000e+00> : vector<1000xf32>
    %reduce_sum3A_35 = vector.multi_reduction <add>, %exp3A_34, %reduce_sum3A [1] : vector<1000x40xf32> to vector<1000xf32>
    %broadcast_in_dim3A_36 = vector.shape_cast %reduce_sum3A_35 : vector<1000xf32> to vector<1000x1xf32>
    %log3A = math.log %broadcast_in_dim3A_36 : vector<1000x1xf32>
    %sub3A_37 = vector.broadcast %broadcast_in_dim3A : vector<1000x1xf32> to vector<1000x40xf32>
    %sub3A_38 = arith.subf %add3A_31, %sub3A_37 : vector<1000x40xf32>
    %sub3A_39 = vector.broadcast %log3A : vector<1000x1xf32> to vector<1000x40xf32>
    %sub3A_40 = arith.subf %sub3A_38, %sub3A_39 : vector<1000x40xf32>
    %swap3A = arith.constant 0 : index
    %swap3A_41 = arith.constant 0 : index
    %swap3A_42 = vector.load %arg5[%swap3A, %swap3A_41] : memref<1000x40xf32, #tpu.memory_space<vmem>>, vector<1000x40xf32>
    tpu.vector_store %arg5[%swap3A, %swap3A_41], %sub3A_40 {strides = array<i32>} : memref<1000x40xf32, #tpu.memory_space<vmem>>, vector<1000x40xf32>,
    return
  }
  func.func @transform_0(%arg0: i32) -> (i32, i32, i32) {
    %c0_i32 = arith.constant 0 : i32
    %c0_i32_0 = arith.constant 0 : i32
    %c0_i32_1 = arith.constant 0 : i32
    return %c0_i32, %arg0, %c0_i32_0 : i32, i32, i32
  }
  func.func @transform_1(%arg0: i32) -> (i32, i32) {
    %c0_i32 = arith.constant 0 : i32
    %c0_i32_0 = arith.constant 0 : i32
    return %arg0, %c0_i32 : i32, i32
  }
  func.func @transform_2(%arg0: i32) -> (i32, i32) {
    %c0_i32 = arith.constant 0 : i32
    %c0_i32_0 = arith.constant 0 : i32
    return %arg0, %c0_i32 : i32, i32
  }
  func.func @transform_3(%arg0: i32) -> (i32, i32) {
    %c0_i32 = arith.constant 0 : i32
    %c0_i32_0 = arith.constant 0 : i32
    %c0_i32_1 = arith.constant 0 : i32
    return %c0_i32, %c0_i32_0 : i32, i32
  }
  func.func @transform_4(%arg0: i32) -> (i32, i32) {
    %c0_i32 = arith.constant 0 : i32
    %c0_i32_0 = arith.constant 0 : i32
    return %arg0, %c0_i32 : i32, i32
  }
}

</mosaic_0001>

<sc_bundles>
// kernel: kernel.10.cloned.1.call-start
scs
__scs_entry_jumppad:
0x0: {  	(pc) =	sbr.rel $0x88, $3  }
0x1: {  	(tag) =	ssettag $0x0;
	lr =	simm.s32 $0x1  }
0x2: {  	[smem:$0x3F97] =	sst lr;
	_ =	strace $0xD0000000  }
0x3: {  	_ = 	snop  }
0x4: {  	_ = 	snop  }
0x5: {  	_ = 	snop  }
0x6: {  	_ = 	snop  }
0x7: {  	_ = 	snop  }
__scs_overlays_trampoline_lowered:
0x8: {  	[smem:$0x3FA6] =	sst s0  }
0x9: {  	[smem:$0x3FA7] =	sst s1  }
0xa: {  	[smem:$0x3FA8] =	sst s2  }
0xb: {  	[smem:$0x3FA9] =	sst s3  }
0xc: {  	[smem:$0x3FAA] =	sst s4  }
0xd: {  	[smem:$0x3FAB] =	sst s5  }
0xe: {  	[smem:$0x3FAC] =	sst s6  }
0xf: {  	[smem:$0x3FAD] =	sst s7  }
0x10: {  	[smem:$0x3FAE] =	sst s8  }
0x11: {  	[smem:$0x3FAF] =	sst s9;
	s0 =	simm.s32 @!p0 $0x0  }
0x12: {  	s1 =	sld [smem:$0x3F95];
	s0 =	simm.s32 @p0 $0x1  }
0x13: {  	[smem:$0x3FB0] =	sst s0;
	s0 =	simm.s32 @!p1 $0x0  }
0x14: {  	s2 =	sld [smem:$0x3F94];
	s0 =	simm.s32 @p1 $0x1  }
0x15: {  	[smem:$0x3FB1] =	sst s0;
	s0 =	simm.s32 @!p2 $0x0  }
0x16: {  	s3 =	sld [smem:$0x3FDB];
	s0 =	simm.s32 @p2 $0x1  }
0x17: {  	s4 =	simm.s32 $0x1BF5;
	[smem:$0x3FB3] =	sst s0  }
0x18: {  	s0 =	sld [smem:$0x3F96];
	_ =	swait.ge [sflag:s4], $0x0  }
0x19: {  	s7 =	sld [smem:$0x3F97]  }
0x1a: {  	s8 =	sadd.s32 $0xFFFFE003, lr  }
0x1b: {  	s9 =	sadd.s32 $0xFFFFFEF7, lr;
	s5 =	simm.s32 $0xFFFFFFFF;
	p2 =	slt.u32 s8, $0xFFFFF086  }
0x1c: {  	p1 =	slt.u32 s9, $0xF7A;
	s5 =	simm.s32 @!p2 $0x0  }
0x1d: {  	s5 =	simm.s32 @p1 $0x1;
	p0 =	seq.s32 s7, s2  }
0x1e: {  	s7 =	smul.u32 @!p0 $0xF7A, s2;
	p2 =	seq.s32 @!p0 s5, $0x0  }
0x1f: {  	s9 =	smul.u32 $0xF7A, s1;
	s8 =	simm.s32 @!p0 $0x1BF5;
	p2 =	por !p2, p0  }
0x20: {  	[sflag:s8] =	ssyncset.s32 @!p0 $0xFFFFF086;
	s6 =	sadd.s32 @!p0 s3, s7;
	s7 =	simm.s32 @!p0 $0x108  }
0x21: {  	s3 =	sadd.s32 s3, s9;
	s6 =	sadd.s32 @!p0 $0x88, s6;
	s7 =	simm.s32 @p2 $0x1082  }
0x22: {  	[simem:s7], [sflag:s8] =	dma.local @!p0 [hbm:s6], $0xF7A  }
0x23: {  	s9 =	sor.u32 $0xD0000000, s2;
	s6 =	simm.s32 $0x108;
	_ =	swait.ge @!p0 [sflag:s8], $0x0  }
0x24: {  	s3 =	sadd.s32 $0x88, s3;
	s6 =	simm.s32 @!p1 $0x1082;
	[sflag:s4] =	ssyncset.s32 $0xFFFFF086  }
0x25: {  	[simem:s6], [sflag:s4] =	dma.local [hbm:s3], $0xF7A  }
0x26: {  	[smem:$0x3F97] =	sst s1;
	(tag) =	ssettag s2;
	_ =	strace s9  }
0x27: {  	s1 =	sld [smem:$0x3FA7]  }
0x28: {  	s2 =	sld [smem:$0x3FA8]  }
0x29: {  	s4 =	sld [smem:$0x3FAA]  }
0x2a: {  	p0 =	seq.s32 s5, $0x0;
	s5 =	sld [smem:$0x3FAB]  }
0x2b: {  	s6 =	sld [smem:$0x3FAC]  }
0x2c: {  	s7 =	sld [smem:$0x3FAD]  }
0x2d: {  	s3 =	simm.s32 $0x108;
	s8 =	sld [smem:$0x3FAE]  }
0x2e: {  	s3 =	simm.s32 @!p0 $0x1082;
	s9 =	sld [smem:$0x3FAF]  }
0x2f: {  	lr =	sadd.s32 s0, s3;
	s0 =	sld [smem:$0x3FA6]  }
0x30: {  	s3 =	sld [smem:$0x3FA9]  }
0x31: {  	[smem:$0x3FB2] =	sst s10  }
0x32: {  	s10 =	sld [smem:$0x3FB0];
	_ =	sdelay $0x3  }
0x33: {  	p0 =	seq.s32 s10, $0x1;
	s10 =	sld [smem:$0x3FB2];
	_ =	sdelay $0x3  }
0x34: {  	[smem:$0x3FB2] =	sst s10  }
0x35: {  	s10 =	sld [smem:$0x3FB1];
	_ =	sdelay $0x3  }
0x36: {  	p1 =	seq.s32 s10, $0x1;
	s10 =	sld [smem:$0x3FB2];
	_ =	sdelay $0x3  }
0x37: {  	[smem:$0x3FB2] =	sst s10  }
0x38: {  	s10 =	sld [smem:$0x3FB3]  }
0x39: {  	_ = 	snop;
	(pc) =	sbr.ind lr, $3  }
0x3a: {  	_ = 	snop  }
0x3b: {  	_ = 	snop  }
0x3c: {  	p2 =	seq.s32 s10, $0x1;
	s10 =	sld [smem:$0x3FB2]  }
0x3d: {  	_ =	shalt  }
0x3e: {  	_ =	shalt  }
0x3f: {  	_ =	shalt  }
0x40: {  	_ =	shalt  }
0x41: {  	_ =	shalt  }
0x42: {  	_ =	shalt  }
0x43: {  	_ =	shalt  }
0x44: {  	_ =	shalt  }
0x45: {  	_ =	shalt  }
0x46: {  	_ =	shalt  }
0x47: {  	_ =	shalt  }
0x48: {  	_ =	shalt  }
0x49: {  	_ =	shalt  }
0x4a: {  	_ =	shalt  }
0x4b: {  	_ =	shalt  }
0x4c: {  	_ =	shalt  }
0x4d: {  	_ =	shalt  }
0x4e: {  	_ =	shalt  }
0x4f: {  	_ =	shalt  }
0x50: {  	_ =	shalt  }
0x51: {  	_ =	shalt  }
0x52: {  	_ =	shalt  }
0x53: {  	_ =	shalt  }
0x54: {  	_ =	shalt  }
0x55: {  	_ =	shalt  }
0x56: {  	_ =	shalt  }
0x57: {  	_ =	shalt  }
0x58: {  	_ =	shalt  }
0x59: {  	_ =	shalt  }
0x5a: {  	_ =	shalt  }
0x5b: {  	_ =	shalt  }
0x5c: {  	_ =	shalt  }
0x5d: {  	_ =	shalt  }
0x5e: {  	_ =	shalt  }
0x5f: {  	_ =	shalt  }
0x60: {  	_ =	shalt  }
0x61: {  	_ =	shalt  }
0x62: {  	_ =	shalt  }
0x63: {  	_ =	shalt  }
0x64: {  	_ =	shalt  }
0x65: {  	_ =	shalt  }
0x66: {  	_ =	shalt  }
0x67: {  	_ =	shalt  }
0x68: {  	_ =	shalt  }
0x69: {  	_ =	shalt  }
0x6a: {  	_ =	shalt  }
0x6b: {  	_ =	shalt  }
0x6c: {  	_ =	shalt  }
0x6d: {  	_ =	shalt  }
0x6e: {  	_ =	shalt  }
0x6f: {  	_ =	shalt  }
0x70: {  	_ =	shalt  }
0x71: {  	_ =	shalt  }
0x72: {  	_ =	shalt  }
0x73: {  	_ =	shalt  }
0x74: {  	_ =	shalt  }
0x75: {  	_ =	shalt  }
0x76: {  	_ =	shalt  }
0x77: {  	_ =	shalt  }
0x78: {  	_ =	shalt  }
0x79: {  	_ =	shalt  }
0x7a: {  	_ =	shalt  }
0x7b: {  	_ =	shalt  }
0x7c: {  	_ =	shalt  }
0x7d: {  	_ =	shalt  }
0x7e: {  	_ =	shalt  }
0x7f: {  	_ =	shalt  }
0x80: {  	_ =	shalt  }
0x81: {  	_ =	shalt  }
0x82: {  	_ =	shalt  }
0x83: {  	_ =	shalt  }
0x84: {  	_ =	shalt  }
0x85: {  	_ =	shalt  }
0x86: {  	_ =	shalt  }
0x87: {  	_ =	shalt  }
.Lfunc_end0:
.L_simem_size_0:
called_computation.1_lowered:
.L_overlay_start_0:
0x88: {  	s2 =	sld [smem:$0x3FD9]  }
0x89: {  	s3 =	sld [smem:$0x3FFE];
	_ =	sdelay $0x1  }
0x8a: {  	s1 =	srdreg.scid  }
0x8b: {  	s0 =	sand.u32 $0x1, s1  }
0x8c: {  	s17 =	sshll.u32 s0, $0xA;
	s2 =	sadd.s32 s3, s2  }
0x8d: {  	s2 =	sadd.s32 s2, s17  }
0x8e: {  	[smem:$0x3FBE] =	sst s2  }
0x8f: {  	_ = 	snop  }
0x90: {  	s2 =	sld [smem:$0x3FD0];
	(tm) =	ssettm $0x1  }
0x91: {  	s18 =	sld [smem:$0x3FFB];
	_ =	sdelay $0x3  }
0x92: {  	_ =	strace s18  }
0x93: {  	s3 =	sld [smem:$0x3FFC];
	_ =	sdelay $0x3  }
0x94: {  	_ =	strace s3  }
0x95: {  	s3 =	sld [smem:$0x3FFD];
	_ =	sdelay $0x3  }
0x96: {  	_ =	strace s3  }
0x97: {  	_ =	strace $0x8FFFFFFF  }
0x98: {  	s19 =	sld [smem:$0x3FDB];
	_ =	sdelay $0x1  }
0x99: {  	s4 =	simm.s32 $_scs_section_size  }
0x9a: {  	s5 =	simm.s32 $_size__tile_overlayer_lowered;
	s6 =	simm.s32 $_tile_overlayer_lowered  }
0x9b: {  	s22 =	simm.s32 $0x1BFF;
	s21 =	sshll.u32 s6, $0x1;
	s3 =	sadd.s32 s4, s19  }
0x9c: {  	s7 =	simm.s32 $0x0;
	s20 =	sshll.u32 s5, $0x1;
	s5 =	sadd.s32 s21, s3  }
0x9d: {  	[timem:s7], [sflag:s22] =	dma.local [hbm:s5], s20  }
0x9e: {  	_ =	swait.ge [sflag:s22], s20  }
0x9f: {  	s4 =	ssub.s32 $0x0, s20;
	[sflag:s22] =	ssyncset.done $0x0  }
0xa0: {  	[sflag:s22] =	ssyncadd.s32 s4;
	_ =	sdelay $0x1  }
0xa1: {  	s23 =	simm.s32 $0x1B8B  }
0xa2: {  	_ =	swait.ge [sflag:s23], $0x1  }
0xa3: {  	[sflag:s23] =	ssyncset.done $0x0  }
0xa4: {  	s25 =	simm.s32 $0x1B8E;
	s24 =	sld [smem:$0x3FFE];
	[sflag:s23] =	ssyncadd.s32 $0xFFFFFFFF  }
0xa5: {  	s26 =	simm.s32 $execute0_lowered;
	[smem:$0x3FD2] =	sst s25  }
0xa6: {  	s5 =	sshll.u32 s26, $0x1;
	_ =	strace $0x80000049;
	[dreg:$0x1] =	wrdreg $0xFFFFFFFF  }
0xa7: {  	s28 =	simm.s32 $_size_execute0_lowered;
	s3 =	sadd.s32 s3, s5;
	[dreg:$0x0] =	wrdreg $0x0  }
0xa8: {  	s5 =	sshll.u32 s28, $0x1;
	[dreg:$0x2] =	wrdreg s3  }
0xa9: {  	[dreg:$0x3] =	wrdreg s5  }
0xaa: {  	[dreg:$0x4] =	wrdreg $0xC0  }
0xab: {  	_ =	task [dreg:s7], $0x5FFFF  }
0xac: {  	[dreg:$0x1] =	wrdreg $0xFFFFFFFF  }
0xad: {  	[dreg:$0x0] =	wrdreg $0x60  }
0xae: {  	[dreg:$0x2] =	wrdreg s24  }
0xaf: {  	[dreg:$0x3] =	wrdreg s2  }
0xb0: {  	[dreg:$0x4] =	wrdreg $0x46E00  }
0xb1: {  	[dreg:$0x5] =	wrdreg $0x9  }
0xb2: {  	_ =	task.clear_ibuf [dreg:s7], $0x6FFFF;
	_ =	strace $0x90000049  }
0xb3: {  	s29 =	simm.s32 $0x9;
	_ =	strace $0x8000004B  }
0xb4: {  	_ =	swait.ge [sflag:s29], $0x1  }
0xb5: {  	[sflag:s29] =	ssyncadd.s32 $0xFFFFFFFF  }
0xb6: {  	_ =	strace $0x9000004B  }
0xb7: {  	_ =	sfence  }
0xb8: {  	s30 =	sld [smem:$0x0];
	_ =	sdelay $0x2  }
0xb9: {  	s31 =	sshll.u32 s1, $0xD;
	s1 =	sshrl.u32 s1, $0x2  }
0xba: {  	s3 =	sand.u32 $0x4000, s31;
	s1 =	sadd.s32 s1, s30  }
0xbb: {  	s0 =	sor.u32 s3, s0;
	s1 =	sshll.u32 s1, $0x11  }
0xbc: {  	s0 =	sor.u32 s1, s0  }
0xbd: {  	s0 =	sadd.s32 $0x8F2B, s0  }
0xbe: {  	[sflag:s0] =	ssyncadd.remote.s32 $0x1  }
0xbf: {  	_ =	sfence.sel $0xFFFF  }
0xc0: {  	[dreg:$0x0] =	wrdreg $0xFFFFFFFF;
	(pc) =	sbr.abs _section_cstart, $3  }
0xc1: {  	[dreg:$0x1] =	wrdreg $0xFFFFFFFF  }
0xc2: {  	_ =	task.clear_ibuf [dreg:s7], $0x2FFFF;
	_ =	strace $0x9FFFFFFF  }
0xc3: {  	(tm) =	ssettm $0x7FFFFFFF  }
tec
execute0_lowered:
.L_overlay_start_1:
0x0: {  	(tag) =	ssettag $0x1  }
0x1: {  	s0 =	rddreg [dreg:$0x0]  }
0x2: {  	s29 =	rddreg [dreg:$0x1]  }
0x3: {  	s11 =	rddreg [dreg:$0x2]  }
0x4: {  	s1 =	srdreg.scid;
	s3 =	stileid.u32  }
0x5: {  	s4 =	simm.s32 $0x0;
	s28 =	simm.s32 $0x140;
	s30 =	simm.s32 $0x2  }
0x6: {  	s31 =	simm.s32 $0x1040;
	s12 =	simm.s32 $0x4;
	s13 =	simm.s32 $0x6  }
0x7: {  	s1 =	sand.u32 $0x1, s1;
	s2 =	smul.u32 $0x7800, s3;
	[smem:$0x7FF] =	sst s4  }
0x8: {  	s5 =	sadd.s32 $0x10000, s0;
	s6 =	sadd.s32 $0xB000, s0;
	s9 =	smul.u32 $0x1E000, s3  }
0x9: {  	s18 =	smov.u32 s11;
	s7 =	smul.u32 $0x78000, s1;
	s15 =	ssub.s32 $0x2, s1  }
0xa: {  	_ =	strace $0x8000004A;
	s1 =	sshll.u32 s1, $0x4;
	s10 =	sshrl.u32 s15, $0x1  }
0xb: {  	s1 =	sor.u32 s3, s1;
	s9 =	sshrl.u32 s9, $0x2;
	s3 =	sadd.s32 s2, s11  }
0xc: {  	s8 =	sadd.s32 s2, s7;
	s7 =	sadd.s32 $0x1200, s0;
	s9 =	sadd.s32 s9, s11  }
0xd: {  	s1 =	smul.u32 $0x2710, s1;
	[dreg:$0x4] =	wrdreg s3;
	s16 =	sadd.s32 $0x1800, s9  }
0xe: {  	s11 =	simm.s32 $0x7;
	s17 =	sadd.s32 $0x3000, s9;
	[dreg:$0x5] =	wrdreg s16  }
0xf: {  	s8 =	sshrl.u32 s8, $0x3;
	s19 =	sadd.s32 $0x4800, s9;
	[dreg:$0x6] =	wrdreg s17  }
0x10: {  	s20 =	sadd.s32 $0x6000, s9;
	s9 =	simm.s32 $0x41E0;
	[dreg:$0x7] =	wrdreg s19  }
0x11: {  	s0 =	sadd.s32 s8, s0;
	[dreg:$0x8] =	wrdreg s20;
	s25 =	sadd.s32 $0xA0, s1  }
0x12: {  	s21 =	sshrl.u32 s1, $0x3;
	s1 =	sadd.s32 $0xF0, s1;
	[dreg:$0xd] =	wrdreg s25  }
0x13: {  	s8 =	ssub.s32 s15, s10;
	s22 =	sadd.s32 s7, s21;
	[dreg:$0xe] =	wrdreg s1  }
0x14: {  	s23 =	sadd.s32 s29, s21;
	s2 =	sadd.s32 $0xA, s21;
	[dreg:$0x9] =	wrdreg s22  }
0x15: {  	s0 =	sadd.s32 $0x1EC00, s0;
	s26 =	smax.u32 s8, $0x1;
	[dreg:$0xa] =	wrdreg s23  }
0x16: {  	s1 =	simm.s32 $0x5;
	s8 =	simm.s32 $0x0;
	[dreg:$0xf] =	wrdreg s0  }
0x17: {  	s24 =	sadd.s32 s7, s2;
	s2 =	sadd.s32 s29, s2;
	[dreg:$0x10] =	wrdreg s26  }
0x18: {  	v0 =	vimm.f32 $0.0e+00;
	v1 =	vimm.s32 $0x0;
	vm1 =	vcmask $0x300;
	s22 =	simm.s32 $0x3;
	s23 =	simm.s32 $0xA0;
	[dreg:$0xb] =	wrdreg s24  }
0x19: {  	vm0 =	vcmask $0x1F24;
	v1 =	vsel vm1, $0x3, v1;
	vm1 =	vmmov $0xff;
	s26 =	simm.s32 $0x1;
	[dreg:$0xc] =	wrdreg s2;
	s24 =	simm.s32 $0x50  }
.LBB2_1:
0x1a: {  	[dreg:$0x11] =	wrdreg s8;
	s0 =	simm.s32 $0xC0;
	s2 =	simm.s32 $0x0  }
.LBB2_2:
0x1b: {  	p0 =	sne.s32 s0, $0x5F40;
	[tilespmem:s2+$0x2A00] =	vst v0;
	s8 =	smov.u32 s0;
	s0 =	sadd.s32 $0xC0, s0  }
.Ltmp0:
0x1c: {  	[tilespmem:s2+$0x29E0] =	vst v0;
	(pc) =	sbr.rel @p0 .LBB2_2-.Ltmp0, $2  }
0x1d: {  	[tilespmem:s2+$0x29F0] =	vst v0;
	_ =	sdelay $0x2  }
0x1e: {  	s2 =	sshra.s32 s8, $0x2  }
0x1f: {  	[tilespmem:s2+$0x2A00] =	vst v0  }
0x20: {  	[tilespmem:s2+$0x29E0] =	vst v0  }
0x21: {  	[tilespmem:s2+$0x29F0] =	vst v0;
	s25 =	simm.s32 $0x29E0  }
0x22: {  	[spmem:s3] =	stream.linear.scatter [tilespmem:s25], [sflag:$0x3], $0x1800, $0x38;
	[tilespmem:$0xBEE0] =	vst v63  }
0x23: {  	s0 =	rddreg [dreg:$0x5]  }
0x24: {  	[spmem:s0] =	stream.linear.scatter [tilespmem:s25], [sflag:$0x3], $0x1800, $0x38;
	[tilespmem:$0xBEE0] =	vst v63  }
0x25: {  	s8 =	rddreg [dreg:$0x6]  }
0x26: {  	[spmem:s8] =	stream.linear.scatter [tilespmem:s25], [sflag:$0x3], $0x1800, $0x38;
	[tilespmem:$0xBEE0] =	vst v63  }
0x27: {  	s10 =	rddreg [dreg:$0x7]  }
0x28: {  	[spmem:s10] =	stream.linear.scatter [tilespmem:s25], [sflag:$0x3], $0x1800, $0x38;
	[tilespmem:$0xBEE0] =	vst v63  }
0x29: {  	s14 =	rddreg [dreg:$0x8]  }
0x2a: {  	[spmem:s14] =	stream.linear.scatter [tilespmem:s25], [sflag:$0x3], $0x1800, $0x38;
	[tilespmem:$0xBEE0] =	vst v63  }
0x2b: {  	_ =	swait.ge [sflag:s22], $0x1800  }
0x2c: {  	[sflag:s22] =	ssyncset.done $0x0  }
0x2d: {  	[sflag:s22] =	ssyncadd.s32 $0xFFFFE800  }
0x2e: {  	_ =	swait.ge [sflag:s22], $0x1800  }
0x2f: {  	[sflag:s22] =	ssyncset.done $0x0  }
0x30: {  	[sflag:s22] =	ssyncadd.s32 $0xFFFFE800  }
0x31: {  	_ =	swait.ge [sflag:s22], $0x1800  }
0x32: {  	[sflag:s22] =	ssyncset.done $0x0  }
0x33: {  	[sflag:s22] =	ssyncadd.s32 $0xFFFFE800  }
0x34: {  	_ =	swait.ge [sflag:s22], $0x1800  }
0x35: {  	[sflag:s22] =	ssyncset.done $0x0  }
0x36: {  	[sflag:s22] =	ssyncadd.s32 $0xFFFFE800  }
0x37: {  	_ =	swait.ge [sflag:s22], $0x1800  }
0x38: {  	[sflag:s22] =	ssyncset.done $0x0  }
0x39: {  	[sflag:s22] =	ssyncadd.s32 $0xFFFFE800  }
0x3a: {  	[bflag:$0x0] =	sbarrier.arrive $0xFFFF  }
0x3b: {  	s20 =	simm.s32 $0x0;
	s15 =	rddreg [dreg:$0x9]  }
0x3c: {  	[tilespmem:s20], [sflag:$0x1] =	stream.linear.gather [hbm4b:s15+s20], $0x50, $0x38;
	[tilespmem:$0xBEE0] =	vst v63  }
0x3d: {  	s16 =	rddreg [dreg:$0xa]  }
0x3e: {  	[tilespmem:s23], [sflag:$0x1] =	stream.linear.gather [hbm4b:s16+s20], $0x50, $0x38;
	[tilespmem:$0xBEE0] =	vst v63  }
0x3f: {  	s17 =	rddreg [dreg:$0xb]  }
0x40: {  	[tilespmem:s24], [sflag:$0x2] =	stream.linear.gather [hbm4b:s17+s20], $0x50, $0x38;
	[tilespmem:$0xBEE0] =	vst v63  }
0x41: {  	s21 =	simm.s32 $0xF0;
	s19 =	rddreg [dreg:$0xc]  }
0x42: {  	[tilespmem:s21], [sflag:$0x2] =	stream.linear.gather [hbm4b:s19+s20], $0x50, $0x38;
	[tilespmem:$0xBEE0] =	vst v63  }
0x43: {  	_ =	swait.ge [sflag:s26], $0x50  }
0x44: {  	[sflag:s26] =	ssyncset.done $0x0  }
0x45: {  	[sflag:s26] =	ssyncadd.s32 $0xFFFFFFB0  }
0x46: {  	_ =	swait.ge [sflag:s26], $0x50  }
0x47: {  	[sflag:s26] =	ssyncset.done $0x0  }
0x48: {  	[sflag:s26] =	ssyncadd.s32 $0xFFFFFFB0  }
0x49: {  	[tilespmem:s28], [sflag:$0x3] =	stream.indirect.gather [hbm4b:s5+s24], $0x30, s20, s24, $0xb8;
	[tilespmem:$0xBEE0] =	vst v63  }
0x4a: {  	s25 =	simm.s32 $0x1F40  }
0x4b: {  	[tilespmem:s25], [sflag:$0x5] =	stream.indirect.gather [hbm4b:s6+s24], $0x10, s23, s24, $0xb8;
	[tilespmem:$0xBEE0] =	vst v63  }
.LBB2_4:
0x4c: {  	p0 =	seq.s32 s20, $0x0  }
0x4d: {  	s0 =	simm.s32 @!p0 $0x8  }
0x4e: {  	_ =	swait.ge @!p0 [sflag:s0], $0xF00  }
0x4f: {  	[sflag:s0] =	ssyncset.done @!p0 $0x0  }
0x50: {  	[sflag:s0] =	ssyncadd.s32 @!p0 $0xFFFFF100  }
0x51: {  	_ =	swait.ge [sflag:s30], $0x50  }
0x52: {  	[sflag:s30] =	ssyncset.done $0x0  }
0x53: {  	[sflag:s30] =	ssyncadd.s32 $0xFFFFFFB0  }
0x54: {  	_ =	swait.ge [sflag:s30], $0x50  }
0x55: {  	[sflag:s30] =	ssyncset.done $0x0  }
0x56: {  	[sflag:s30] =	ssyncadd.s32 $0xFFFFFFB0  }
0x57: {  	[tilespmem:s31], [sflag:$0x4] =	stream.indirect.gather [hbm4b:s5+s24], $0x30, s24, s24, $0xb8;
	[tilespmem:$0xBEE0] =	vst v63  }
0x58: {  	s19 =	simm.s32 $0xF0;
	s2 =	simm.s32 $0x2440  }
0x59: {  	[tilespmem:s2], [sflag:$0x6] =	stream.indirect.gather [hbm4b:s6+s24], $0x10, s19, s24, $0xb8;
	[tilespmem:$0xBEE0] =	vst v63  }
0x5a: {  	_ =	swait.ge [sflag:s22], $0xF00  }
0x5b: {  	[sflag:s22] =	ssyncset.done $0x0  }
0x5c: {  	[sflag:s22] =	ssyncadd.s32 $0xFFFFF100  }
0x5d: {  	_ =	swait.ge [sflag:s1], $0x500  }
0x5e: {  	[sflag:s1] =	ssyncset.done $0x0  }
0x5f: {  	[sflag:s1] =	ssyncadd.s32 $0xFFFFFB00  }
0x60: {  	v2 =	vld [tilespmem:$0xA0]  }
0x61: {  	v3 =	vld [tilespmem:$0xB0]  }
0x62: {  	v4 =	vld [tilespmem:$0xC0]  }
0x63: {  	v5 =	vld [tilespmem:$0xD0]  }
0x64: {  	v6 =	vld [tilespmem:$0xE0]  }
0x65: {  	s15 =	smul.u32 $0xA0, s20;
	[tilespmem:$0x2940] =	vst v2  }
0x66: {  	s21 =	rddreg [dreg:$0xd];
	[tilespmem:$0x2950] =	vst v3  }
0x67: {  	s0 =	sadd.s32 s15, s21;
	[tilespmem:$0x2960] =	vst v4  }
0x68: {  	s0 =	sshrl.u32 s0, $0x3;
	[tilespmem:$0x2970] =	vst v5  }
0x69: {  	s25 =	sadd.s32 s7, s0;
	[tilespmem:$0x2980] =	vst v6  }
0x6a: {  	[tilespmem:s4], [sflag:$0x1] =	stream.linear.gather [hbm4b:s25+s4], $0x50, $0x38;
	[tilespmem:$0xBEE0] =	vst v63  }
0x6b: {  	s8 =	simm.s32 $0x1A0;
	s0 =	sadd.s32 s29, s0  }
0x6c: {  	[tilespmem:s23], [sflag:$0x1] =	stream.linear.gather [hbm4b:s0+s4], $0x50, $0x38;
	[tilespmem:$0xBEE0] =	vst v63  }
0x6d: {  	s3 =	simm.s32 $0x1F60;
	v5 =	vld [tilespmem:s8+$0x50]  }
0x6e: {  	v2 =	vld [tilespmem:s3+$0x10]  }
0x6f: {  	v3 =	vld [tilespmem:s3+$0xFFFFFFE0]  }
0x70: {  	v7 =	vld [tilespmem:s8+$0xFFFFFFF0]  }
0x71: {  	v8 =	vld [tilespmem:s3+$0xFFFFFFF0]  }
0x72: {  	v4 =	vld [tilespmem:s8+$0x20]  }
0x73: {  	v9 =	vld [tilespmem:s3+$0x0]  }
0x74: {  	v6 =	vld [tilespmem:s8+$0xFFFFFFC0]  }
0x75: {  	v2 =	vadd.f32 v2, v5;
	_ =	sdelay $0x1  }
0x76: {  	v8 =	vadd.f32 v8, v7;
	v10 =	vmul.f32 $2.000000030e-01, v2  }
0x77: {  	v9 =	vadd.f32 v9, v4  }
0x78: {  	v3 =	vadd.f32 v3, v6;
	v2 =	vmax.f32 v2, v10;
	v10 =	vmul.f32 $2.000000030e-01, v8  }
0x79: {  	v11 =	vmul.f32 $2.000000030e-01, v9;
	v2 =	vmul.f32 $1.442695020e+00, v2  }
0x7a: {  	v8 =	vmax.f32 v8, v10;
	v10 =	vmul.f32 $2.000000030e-01, v3  }
0x7b: {  	(erf) = vpow2.f32 v2;
	v2 =	vmul.f32 $1.442695020e+00, v8;
	v8 =	vmax.f32 v9, v11  }
0x7c: {  	v3 =	vmax.f32 v3, v10;
	v8 =	vmul.f32 $1.442695020e+00, v8  }
0x7d: {  	s10 =	simm.s32 $0x38;
	s16 =	simm.s32 $0x260;
	v3 =	vmul.f32 $1.442695020e+00, v3;
	(erf) = vpow2.f32 v2  }
0x7e: {  	s14 =	simm.s32 $0x1FA0;
	v15 =	vld [tilespmem:s16+$0x50];
	v2 =	vmov s10;
	(erf) = vpow2.f32 v8  }
0x7f: {  	s19 =	simm.s32 $0x18;
	v2 =	vshrl.u32 v2, $0x3;
	(erf) = vpow2.f32 v3;
	v3 =	vld [tilespmem:s14+$0x10]  }
0x80: {  	v8 =	vmov s19;
	v2 =	vshll.u32 v2, v1  }
0x81: {  	v16 =	vld [tilespmem:s16+$0xFFFFFFF0];
	s10 =	simm.s32 $0x28;
	v8 =	vshrl.u32 v8, $0x3;
	v9 =	vbroadcast v2, $0x0  }
0x82: {  	v12 =	vld [tilespmem:s14+$0xFFFFFFF0];
	v2 =	vmov s10;
	v8 =	vshll.u32 v8, v1  }
0x83: {  	s21 =	simm.s32 $0x8;
	v19 =	vld [tilespmem:s14+$0x0];
	v2 =	vshrl.u32 v2, $0x3;
	v8 =	vbroadcast v8, $0x0  }
0x84: {  	v11 =	vmov s21;
	v10 =	vld [tilespmem:s14+$0xFFFFFFE0];
	v2 =	vshll.u32 v2, v1;
	v13 =	vpop (erf);
	v17 =	vadd.f32 v3, v15  }
0x85: {  	s25 =	simm.s32 $0x4200;
	v11 =	vshrl.u32 v11, $0x3;
	v14 =	vbroadcast v2, $0x0;
	v2 =	vld [tilespmem:s16+$0x20];
	v3 =	vsel vm0, $0x0, v13  }
0x86: {  	v11 =	vshll.u32 v11, v1;
	[tilespmem:s25+$0x10] =	vst v3;
	v20 =	vpop (erf);
	v3 =	vld [tilespmem:s16+$0xFFFFFFC0];
	v21 =	vmul.f32 $2.000000030e-01, v17  }
0x87: {  	v11 =	vbroadcast v11, $0x0;
	v22 =	vld.idx.msk [tilespmem:v9+s9+$0x0], $0xffff;
	v9 =	vsel vm0, $0x0, v20;
	v18 =	vpop (erf)  }
0x88: {  	v23 =	vld [tilespmem:s8+$0x30];
	[tilespmem:s25+$0xFFFFFFF0] =	vst v9;
	v9 =	vsel vm0, $0x0, v18;
	v17 =	vmax.f32 v17, v21  }
0x89: {  	v12 =	vadd.f32 v12, v16;
	v24 =	vpop (erf);
	v8 =	vld.idx.msk [tilespmem:v8+s9+$0x0], $0xffff;
	[tilespmem:s25+$0x0] =	vst v9;
	v9 =	vmul.f32 $1.442695020e+00, v17  }
0x8a: {  	v19 =	vadd.f32 v19, v2;
	v21 =	vsel vm0, $0x0, v24;
	v26 =	vld [tilespmem:s8+$0xFFFFFFD0]  }
0x8b: {  	s3 =	simm.s32 $0x78;
	[tilespmem:s25+$0xFFFFFFE0] =	vst v21;
	v17 =	vld.idx.msk [tilespmem:v14+s9+$0x0], $0xffff;
	v14 =	vmul.f32 $2.000000030e-01, v12;
	s25 =	simm.s32 $0x68;
	v10 =	vadd.f32 v10, v3;
	(erf) = vpow2.f32 v9  }
0x8c: {  	v27 =	vmov s3;
	v28 =	vld [tilespmem:s8+$0x10];
	v29 =	vmov s25;
	v5 =	vmul.f32 v22, v5  }
0x8d: {  	v11 =	vld.idx.msk [tilespmem:v11+s9+$0x0], $0xffff;
	v12 =	vmax.f32 v12, v14;
	v14 =	vmul.f32 $2.000000030e-01, v19;
	v25 =	vmul.f32 $2.000000030e-01, v10  }
0x8e: {  	v9 =	vld [tilespmem:s8+$0xFFFFFFA0];
	v29 =	vshrl.u32 v29, $0x3;
	v12 =	vmul.f32 $1.442695020e+00, v12;
	v5 =	vnsel vm1, $0x0, v5  }
0x8f: {  	v21 =	vld [tilespmem:s8+$0xFFFFFFB0];
	v14 =	vmax.f32 v19, v14;
	v10 =	vmax.f32 v10, v25;
	v25 =	vshrl.u32 v27, $0x3  }
0x90: {  	v19 =	vld [tilespmem:s8+$0xFFFFFFE0];
	v14 =	vmul.f32 $1.442695020e+00, v14;
	(erf) = vpow2.f32 v12;
	v25 =	vshll.u32 v25, v1  }
0x91: {  	s21 =	simm.s32 $0x320;
	s10 =	simm.s32 $0x48;
	v27 =	vld [tilespmem:s8+$0x0];
	v13 =	vsel vm0, v5, v13;
	v10 =	vmul.f32 $1.442695020e+00, v10;
	v12 =	vbroadcast v25, $0x0  }
0x92: {  	v5 =	vmov s10;
	v58 =	vmul.f32 v11, v6;
	[tilespmem:s8+$0x50] =	vst v13;
	v13 =	vmul.f32 v17, v4;
	v4 =	vld [tilespmem:s21+$0x20]  }
0x93: {  	s19 =	simm.s32 $0x1FE0;
	s14 =	simm.s32 $0x58;
	v5 =	vshrl.u32 v5, $0x3;
	v25 =	vmul.f32 v8, v7;
	(erf) = vpow2.f32 v14;
	v7 =	vld [tilespmem:s21+$0x50]  }
0x94: {  	v9 =	vmul.f32 v9, v11;
	v14 =	vmov s14;
	(erf) = vpow2.f32 v10;
	v10 =	vld [tilespmem:s19+$0x10];
	v31 =	vpop (erf)  }
0x95: {  	s0 =	simm.s32 $0x4240;
	v11 =	vmul.f32 v21, v11;
	v21 =	vld [tilespmem:s19+$0x0];
	v14 =	vshrl.u32 v14, $0x3;
	v33 =	vsel vm0, $0x0, v31  }
0x96: {  	v32 =	vshll.u32 v5, v1;
	v5 =	vld [tilespmem:s21+$0xFFFFFFF0];
	v14 =	vshll.u32 v14, v1;
	v25 =	vnsel vm1, $0x0, v25;
	[tilespmem:s0+$0x10] =	vst v33  }
0x97: {  	v29 =	vshll.u32 v29, v1;
	v34 =	vbroadcast v14, $0x0;
	v6 =	vld.idx.msk [tilespmem:v12+s9+$0x0], $0xffff;
	v12 =	vsel vm0, v25, v20  }
0x98: {  	v61 =	vmul.f32 v23, v22;
	v29 =	vbroadcast v29, $0x0;
	[tilespmem:s8+$0xFFFFFFA0] =	vst v9;
	v14 =	vld [tilespmem:s19+$0xFFFFFFF0]  }
0x99: {  	v30 =	vld [tilespmem:s19+$0xFFFFFFE0];
	v28 =	vmul.f32 v28, v17;
	[tilespmem:s8+$0xFFFFFFB0] =	vst v11;
	v19 =	vmul.f32 v19, v8;
	v10 =	vadd.f32 v10, v7  }
0x9a: {  	v59 =	vld [tilespmem:s8+$0x40];
	v32 =	vbroadcast v32, $0x0;
	v25 =	vmul.f32 v26, v8;
	[tilespmem:s8+$0xFFFFFFF0] =	vst v12;
	v12 =	vpop (erf)  }
0x9b: {  	[tilespmem:s8+$0xFFFFFFE0] =	vst v19;
	v26 =	vnsel vm1, $0x0, v13;
	v8 =	vld [tilespmem:s21+$0xFFFFFFC0];
	v13 =	vmul.f32 $2.000000030e-01, v10;
	v35 =	vsel vm0, $0x0, v12  }
0x9c: {  	v27 =	vmul.f32 v27, v17;
	v62 =	vadd.f32 v21, v4;
	v20 =	vnsel vm1, $0x0, v58;
	v11 =	vld [tilespmem:s16+$0x30];
	v9 =	vpop (erf);
	[tilespmem:s0+$0xFFFFFFF0] =	vst v35  }
0x9d: {  	v36 =	vadd.f32 v14, v5;
	[tilespmem:s8+$0xFFFFFFD0] =	vst v25;
	v17 =	vmax.f32 v10, v13;
	v60 =	vsel vm0, $0x0, v9;
	v14 =	vpop (erf);
	v13 =	vld.idx.msk [tilespmem:v34+s9+$0x0], $0xffff  }
0x9e: {  	v20 =	vsel vm0, v20, v24;
	v17 =	vmul.f32 $1.442695020e+00, v17;
	v10 =	vsel vm0, $0x0, v14;
	[tilespmem:s0+$0x0] =	vst v60;
	v19 =	vld [tilespmem:s16+$0xFFFFFFE0]  }
0x9f: {  	v18 =	vsel vm0, v26, v18;
	v25 =	vmul.f32 $2.000000030e-01, v62;
	v24 =	vmul.f32 $2.000000030e-01, v36;
	[tilespmem:s0+$0xFFFFFFE0] =	vst v10;
	v10 =	vld.idx.msk [tilespmem:v29+s9+$0x0], $0xffff  }
0xa0: {  	s14 =	simm.s32 $0xB8;
	[tilespmem:s8+$0xFFFFFFC0] =	vst v20;
	v20 =	vadd.f32 v30, v8;
	v29 =	vmul.f32 v6, v15;
	(erf) = vpow2.f32 v17;
	v17 =	vld [tilespmem:s16+$0xFFFFFFD0]  }
0xa1: {  	v23 =	vmul.f32 v59, v22;
	v26 =	vmov s14;
	[tilespmem:s8+$0x20] =	vst v18;
	v25 =	vmax.f32 v62, v25;
	v18 =	vld [tilespmem:s16+$0x0]  }
0xa2: {  	v24 =	vmax.f32 v36, v24;
	v30 =	vmul.f32 $2.000000030e-01, v20;
	v15 =	vld.idx.msk [tilespmem:v32+s9+$0x0], $0xffff;
	v29 =	vnsel vm1, $0x0, v29  }
0xa3: {  	[tilespmem:s8+$0x30] =	vst v61;
	v63 =	vmul.f32 $1.442695020e+00, v24;
	v21 =	vld [tilespmem:s16+$0xFFFFFFA0];
	v29 =	vsel vm0, v29, v31;
	v24 =	vmul.f32 v13, v16  }
0xa4: {  	v22 =	vld [tilespmem:s16+$0xFFFFFFB0];
	[tilespmem:s16+$0x50] =	vst v29;
	v16 =	vmax.f32 v20, v30;
	v29 =	vmul.f32 $1.442695020e+00, v25;
	v20 =	vshrl.u32 v26, $0x3  }
0xa5: {  	s17 =	smov.u32 s29;
	s2 =	simm.s32 $0xA8;
	s29 =	simm.s32 $0x88;
	[tilespmem:s8+$0x0] =	vst v27;
	(erf) = vpow2.f32 v63;
	v27 =	vmul.f32 $1.442695020e+00, v16;
	v16 =	vshll.u32 v20, v1;
	v20 =	vld [tilespmem:s16+$0x10]  }
0xa6: {  	s25 =	simm.s32 $0x8;
	s10 =	simm.s32 $0x98;
	[tilespmem:s8+$0x10] =	vst v28;
	v26 =	vmov s29;
	s29 =	simm.s32 $0x3E0;
	v25 =	vbroadcast v16, $0x0;
	(erf) = vpow2.f32 v29;
	v16 =	vld [tilespmem:s16+$0x40]  }
.LBB2_5:
0xa7: {  	v28 =	vld [tilespmem:s29+$0x50];
	v29 =	vmov s10;
	v30 =	vmov s2;
	s19 =	sadd.s32 $0x40, s19;
	(erf) = vpow2.f32 v27;
	[tilespmem:s8+$0x40] =	vst v23;
	s8 =	smov.u32 s16;
	s16 =	smov.u32 s21  }
0xa8: {  	v26 =	vshrl.u32 v26, $0x3;
	v24 =	vnsel vm1, $0x0, v24;
	v23 =	vld [tilespmem:s19+$0x10]  }
0xa9: {  	s25 =	sadd.s32 $0x4, s25;
	s21 =	smov.u32 s29;
	v17 =	vmul.f32 v17, v13;
	v27 =	vshrl.u32 v29, $0x3;
	v29 =	vshrl.u32 v30, $0x3  }
0xaa: {  	p0 =	slt.u32 s25, $0x4C;
	v26 =	vshll.u32 v26, v1;
	v30 =	vld [tilespmem:s19+$0xFFFFFFE0];
	v27 =	vshll.u32 v27, v1;
	v29 =	vshll.u32 v29, v1;
	v31 =	vpop (erf)  }
0xab: {  	s0 =	sadd.s32 $0x40, s0;
	v26 =	vbroadcast v26, $0x0;
	v32 =	vld [tilespmem:s29+$0xFFFFFFF0];
	v27 =	vbroadcast v27, $0x0;
	v33 =	vsel vm0, $0x0, v31  }
0xac: {  	v35 =	vsel vm0, v24, v12;
	v29 =	vbroadcast v29, $0x0;
	v34 =	vld [tilespmem:s19+$0xFFFFFFF0];
	[tilespmem:s0+$0x10] =	vst v33;
	v33 =	vmul.f32 v15, v3;
	v3 =	vmovc v8  }
0xad: {  	v8 =	vmul.f32 v21, v15;
	v21 =	vmul.f32 v10, v2;
	v25 =	vld.idx.msk [tilespmem:v25+s9+$0x0], $0xffff;
	v23 =	vadd.f32 v23, v28  }
0xae: {  	v39 =	vmul.f32 v11, v6;
	v15 =	vmul.f32 v22, v15;
	v2 =	vmovc v4;
	v22 =	vnsel vm1, $0x0, v33;
	[tilespmem:s8+$0xFFFFFFF0] =	vst v35;
	v4 =	vld [tilespmem:s29+$0x20]  }
0xaf: {  	v19 =	vmul.f32 v19, v13;
	v33 =	vnsel vm1, $0x0, v21;
	v24 =	vld [tilespmem:s19+$0x0];
	v12 =	vpop (erf);
	[tilespmem:s8+$0xFFFFFFA0] =	vst v8;
	v13 =	vmul.f32 $2.000000030e-01, v23  }
0xb0: {  	v36 =	vmul.f32 v18, v10;
	v38 =	vmul.f32 v20, v10;
	v8 =	vld [tilespmem:s29+$0xFFFFFFC0];
	v21 =	vsel vm0, $0x0, v12;
	v35 =	vpop (erf);
	[tilespmem:s8+$0xFFFFFFB0] =	vst v15  }
0xb1: {  	v18 =	vadd.f32 v34, v32;
	[tilespmem:s0+$0xFFFFFFF0] =	vst v21;
	v15 =	vsel vm0, $0x0, v35;
	v34 =	vld [tilespmem:s16+$0x30];
	v37 =	vpop (erf);
	v10 =	vmax.f32 v23, v13  }
0xb2: {  	v20 =	vsel vm0, $0x0, v37;
	v13 =	vld.idx.msk [tilespmem:v27+s9+$0x0], $0xffff;
	[tilespmem:s0+$0x0] =	vst v15;
	v27 =	vmul.f32 v25, v7;
	v23 =	vmul.f32 v16, v6  }
0xb3: {  	v14 =	vsel vm0, v22, v14;
	v40 =	vmul.f32 $1.442695020e+00, v10;
	[tilespmem:s0+$0xFFFFFFE0] =	vst v20;
	v10 =	vld.idx.msk [tilespmem:v29+s9+$0x0], $0xffff;
	v20 =	vmul.f32 $2.000000030e-01, v18  }
0xb4: {  	v7 =	vmov v28;
	v24 =	vadd.f32 v24, v4;
	v15 =	vld.idx.msk [tilespmem:v26+s9+$0x0], $0xffff;
	[tilespmem:s8+$0xFFFFFFC0] =	vst v14;
	v26 =	vnsel vm1, $0x0, v27  }
0xb5: {  	v6 =	vmovc v25;
	v14 =	vadd.f32 v30, v8;
	(erf) = vpow2.f32 v40;
	v21 =	vld [tilespmem:s16+$0xFFFFFFA0];
	[tilespmem:s8+$0xFFFFFFD0] =	vst v17;
	v16 =	vmax.f32 v18, v20  }
0xb6: {  	v20 =	vsel vm0, v26, v31;
	v18 =	vmul.f32 $2.000000030e-01, v24;
	v22 =	vld [tilespmem:s16+$0xFFFFFFB0];
	[tilespmem:s8+$0xFFFFFFE0] =	vst v19;
	v11 =	vmovc v34;
	v16 =	vmul.f32 $1.442695020e+00, v16  }
.Ltmp1:
0xb7: {  	s14 =	sadd.s32 $0x40, s14;
	v26 =	vsel vm0, v33, v9;
	v25 =	vmul.f32 $2.000000030e-01, v14;
	v17 =	vld [tilespmem:s16+$0xFFFFFFD0];
	[tilespmem:s16+$0x50] =	vst v20;
	(pc) =	sbr.rel @p0 .LBB2_5-.Ltmp1, $4  }
0xb8: {  	s3 =	sadd.s32 $0xFFFFFFD0, s14;
	s10 =	sadd.s32 $0xFFFFFFE0, s14;
	s2 =	sadd.s32 $0xFFFFFFF0, s14;
	v9 =	vmovc v35;
	v20 =	vmov s14;
	v18 =	vmax.f32 v24, v18;
	v19 =	vld [tilespmem:s16+$0xFFFFFFE0];
	v24 =	vmul.f32 v13, v5;
	[tilespmem:s8+$0x20] =	vst v26;
	v5 =	vmovc v32  }
0xb9: {  	v20 =	vshrl.u32 v20, $0x3;
	v25 =	vmax.f32 v14, v25;
	v28 =	vmul.f32 $1.442695020e+00, v18;
	v18 =	vld [tilespmem:s16+$0x0];
	[tilespmem:s8+$0x0] =	vst v36;
	v14 =	vmovc v37  }
0xba: {  	v27 =	vmul.f32 $1.442695020e+00, v25;
	v25 =	vshll.u32 v20, v1;
	(erf) = vpow2.f32 v16;
	v20 =	vld [tilespmem:s16+$0x10];
	[tilespmem:s8+$0x10] =	vst v38  }
0xbb: {  	s29 =	sadd.s32 $0xC0, s29;
	v26 =	vmov s3;
	v25 =	vbroadcast v25, $0x0;
	(erf) = vpow2.f32 v28;
	v16 =	vld [tilespmem:s16+$0x40];
	[tilespmem:s8+$0x30] =	vst v39  }
0xbc: {  	(erf) = vpow2.f32 v27;
	v24 =	vnsel vm1, $0x0, v24  }
0xbd: {  	v27 =	vmov s10;
	[tilespmem:s8+$0x40] =	vst v23;
	v21 =	vmul.f32 v21, v15;
	v12 =	vsel vm0, v24, v12  }
0xbe: {  	v22 =	vmul.f32 v22, v15;
	v2 =	vmul.f32 v10, v2;
	v23 =	vshrl.u32 v27, $0x3;
	[tilespmem:s16+$0xFFFFFFF0] =	vst v12  }
0xbf: {  	v3 =	vmul.f32 v15, v3;
	v24 =	vshrl.u32 v26, $0x3;
	v29 =	vpop (erf);
	v23 =	vshll.u32 v23, v1;
	[tilespmem:s16+$0xFFFFFFA0] =	vst v21  }
0xc0: {  	s0 =	sadd.s32 $0x40, s0;
	[tilespmem:s16+$0xFFFFFFB0] =	vst v22;
	v2 =	vnsel vm1, $0x0, v2;
	v27 =	vsel vm0, $0x0, v29;
	v23 =	vbroadcast v23, $0x0  }
0xc1: {  	v24 =	vshll.u32 v24, v1;
	v3 =	vnsel vm1, $0x0, v3;
	v2 =	vsel vm0, v2, v9;
	[tilespmem:s0+$0x10] =	vst v27  }
0xc2: {  	v21 =	vbroadcast v24, $0x0;
	v3 =	vsel vm0, v3, v14;
	[tilespmem:s16+$0x20] =	vst v2;
	v2 =	vmul.f32 v11, v6;
	v25 =	vld.idx.msk [tilespmem:v25+s9+$0x0], $0xffff  }
0xc3: {  	v28 =	vmov s2;
	[tilespmem:s16+$0xFFFFFFC0] =	vst v3;
	v26 =	vpop (erf)  }
0xc4: {  	v12 =	vshrl.u32 v28, $0x3;
	[tilespmem:s16+$0x30] =	vst v2;
	v15 =	vsel vm0, $0x0, v26;
	v24 =	vpop (erf)  }
0xc5: {  	v12 =	vshll.u32 v12, v1;
	v3 =	vld [tilespmem:s21+$0x30];
	[tilespmem:s0+$0xFFFFFFF0] =	vst v15;
	v15 =	vsel vm0, $0x0, v24;
	v22 =	vpop (erf)  }
0xc6: {  	v12 =	vbroadcast v12, $0x0;
	v27 =	vsel vm0, $0x0, v22;
	[tilespmem:s0+$0x0] =	vst v15;
	v15 =	vmul.f32 v17, v13;
	v14 =	vld.idx.msk [tilespmem:v23+s9+$0x0], $0xffff  }
0xc7: {  	v6 =	vmul.f32 v16, v6;
	v7 =	vmul.f32 v25, v7;
	[tilespmem:s0+$0xFFFFFFE0] =	vst v27  }
0xc8: {  	v13 =	vmul.f32 v19, v13;
	[tilespmem:s16+$0xFFFFFFD0] =	vst v15;
	v15 =	vld.idx.msk [tilespmem:v21+s9+$0x0], $0xffff  }
0xc9: {  	[tilespmem:s16+$0x40] =	vst v6;
	v7 =	vnsel vm1, $0x0, v7;
	v17 =	vld [tilespmem:s21+$0xFFFFFFA0]  }
0xca: {  	v3 =	vmul.f32 v3, v25;
	[tilespmem:s16+$0xFFFFFFE0] =	vst v13;
	v9 =	vld [tilespmem:s21+$0xFFFFFFB0];
	v7 =	vsel vm0, v7, v29  }
0xcb: {  	v11 =	vld [tilespmem:s21+$0xFFFFFFD0];
	[tilespmem:s21+$0x50] =	vst v7;
	v7 =	vmul.f32 v20, v10;
	v5 =	vmul.f32 v14, v5  }
0xcc: {  	v13 =	vmul.f32 v18, v10;
	[tilespmem:s21+$0x30] =	vst v3;
	v10 =	vld.idx.msk [tilespmem:v12+s9+$0x0], $0xffff  }
0xcd: {  	[tilespmem:s16+$0x10] =	vst v7;
	v7 =	vld [tilespmem:s21+$0xFFFFFFE0];
	v2 =	vnsel vm1, $0x0, v5  }
0xce: {  	[tilespmem:s16+$0x0] =	vst v13;
	v5 =	vmul.f32 v15, v8;
	v6 =	vmul.f32 v17, v15;
	v2 =	vsel vm0, v2, v26  }
0xcf: {  	v8 =	vld [tilespmem:s21+$0x0];
	v9 =	vmul.f32 v9, v15;
	[tilespmem:s21+$0xFFFFFFF0] =	vst v2  }
0xd0: {  	v2 =	vld [tilespmem:s21+$0x10];
	v5 =	vnsel vm1, $0x0, v5;
	[tilespmem:s21+$0xFFFFFFA0] =	vst v6  }
0xd1: {  	v4 =	vmul.f32 v10, v4;
	v6 =	vmul.f32 v11, v14;
	[tilespmem:s21+$0xFFFFFFB0] =	vst v9;
	v9 =	vld [tilespmem:s21+$0x40];
	v5 =	vsel vm0, v5, v22  }
0xd2: {  	v7 =	vmul.f32 v7, v14;
	[tilespmem:s21+$0xFFFFFFC0] =	vst v5  }
0xd3: {  	v4 =	vnsel vm1, $0x0, v4;
	[tilespmem:s21+$0xFFFFFFD0] =	vst v6  }
0xd4: {  	v5 =	vmul.f32 v8, v10;
	v4 =	vsel vm0, v4, v24;
	[tilespmem:s21+$0xFFFFFFE0] =	vst v7  }
0xd5: {  	[tilespmem:s21+$0x20] =	vst v4;
	v2 =	vmul.f32 v2, v10  }
0xd6: {  	[tilespmem:s21+$0x0] =	vst v5;
	v4 =	vmul.f32 v9, v25  }
0xd7: {  	[tilespmem:s21+$0x10] =	vst v2  }
0xd8: {  	s10 =	simm.s32 $0x2940;
	[tilespmem:s21+$0x40] =	vst v4  }
0xd9: {  	[spmem:s18] =	stream.indirect.scatter.add.f32 [tilespmem:s28], [sflag:$0x7], $0x30, s10, s24, $0xb8;
	[tilespmem:$0xBEE0] =	vst v63  }
0xda: {  	_ =	swait.ge [sflag:s11], $0xF00  }
0xdb: {  	[sflag:s11] =	ssyncset.done $0x0  }
0xdc: {  	[sflag:s11] =	ssyncadd.s32 $0xFFFFF100  }
0xdd: {  	_ =	swait.ge [sflag:s26], $0x50  }
0xde: {  	[sflag:s26] =	ssyncset.done $0x0  }
0xdf: {  	[sflag:s26] =	ssyncadd.s32 $0xFFFFFFB0  }
0xe0: {  	_ =	swait.ge [sflag:s26], $0x50  }
0xe1: {  	[sflag:s26] =	ssyncset.done $0x0  }
0xe2: {  	[sflag:s26] =	ssyncadd.s32 $0xFFFFFFB0  }
0xe3: {  	[tilespmem:s28], [sflag:$0x3] =	stream.indirect.gather [hbm4b:s5+s24], $0x30, s4, s24, $0xb8;
	[tilespmem:$0xBEE0] =	vst v63  }
0xe4: {  	s14 =	simm.s32 $0x1F40  }
0xe5: {  	[tilespmem:s14], [sflag:$0x5] =	stream.indirect.gather [hbm4b:s6+s24], $0x10, s23, s24, $0xb8;
	[tilespmem:$0xBEE0] =	vst v63  }
0xe6: {  	_ =	swait.ge [sflag:s12], $0xF00  }
0xe7: {  	[sflag:s12] =	ssyncset.done $0x0  }
0xe8: {  	[sflag:s12] =	ssyncadd.s32 $0xFFFFF100  }
0xe9: {  	_ =	swait.ge [sflag:s13], $0x500  }
0xea: {  	[sflag:s13] =	ssyncset.done $0x0  }
0xeb: {  	[sflag:s13] =	ssyncadd.s32 $0xFFFFFB00  }
0xec: {  	v2 =	vld [tilespmem:$0xF0]  }
0xed: {  	v3 =	vld [tilespmem:$0x100]  }
0xee: {  	v4 =	vld [tilespmem:$0x110]  }
0xef: {  	v5 =	vld [tilespmem:$0x120]  }
0xf0: {  	v6 =	vld [tilespmem:$0x130]  }
0xf1: {  	[tilespmem:$0x2990] =	vst v2  }
0xf2: {  	p0 =	seq.s32 s20, $0x3D;
	s0 =	rddreg [dreg:$0xe];
	[tilespmem:$0x29A0] =	vst v3  }
0xf3: {  	s0 =	sadd.s32 @!p0 s15, s0;
	[tilespmem:$0x29B0] =	vst v4  }
0xf4: {  	s0 =	sshrl.u32 @!p0 s0, $0x3;
	[tilespmem:$0x29C0] =	vst v5  }
0xf5: {  	s3 =	simm.s32 @!p0 $0x0;
	s8 =	simm.s32 @!p0 $0x50;
	s2 =	sadd.s32 @!p0 s7, s0;
	[tilespmem:$0x29D0] =	vst v6  }
0xf6: {  	[tilespmem:s8], [sflag:$0x2] =	stream.linear.gather @!p0 [hbm4b:s2+s3], $0x50, $0x38;
	[tilespmem:$0xBEE0] =	vst v63  }
0xf7: {  	s0 =	sadd.s32 @!p0 s17, s0;
	s2 =	simm.s32 @!p0 $0xF0;
	s8 =	simm.s32 $0x10A0  }
0xf8: {  	[tilespmem:s2], [sflag:$0x2] =	stream.linear.gather @!p0 [hbm4b:s0+s3], $0x50, $0x38;
	[tilespmem:$0xBEE0] =	vst v63  }
0xf9: {  	s15 =	simm.s32 $0x2460;
	v5 =	vld [tilespmem:s8+$0x50]  }
0xfa: {  	v2 =	vld [tilespmem:s15+$0x10]  }
0xfb: {  	v3 =	vld [tilespmem:s15+$0xFFFFFFE0]  }
0xfc: {  	v7 =	vld [tilespmem:s8+$0xFFFFFFF0]  }
0xfd: {  	v8 =	vld [tilespmem:s15+$0xFFFFFFF0]  }
0xfe: {  	v4 =	vld [tilespmem:s8+$0x20]  }
0xff: {  	v9 =	vld [tilespmem:s15+$0x0]  }
0x100: {  	v6 =	vld [tilespmem:s8+$0xFFFFFFC0]  }
0x101: {  	v2 =	vadd.f32 v2, v5;
	_ =	sdelay $0x1  }
0x102: {  	v8 =	vadd.f32 v8, v7;
	v10 =	vmul.f32 $2.000000030e-01, v2  }
0x103: {  	v9 =	vadd.f32 v9, v4  }
0x104: {  	v3 =	vadd.f32 v3, v6;
	v2 =	vmax.f32 v2, v10;
	v10 =	vmul.f32 $2.000000030e-01, v8  }
0x105: {  	v11 =	vmul.f32 $2.000000030e-01, v9;
	v2 =	vmul.f32 $1.442695020e+00, v2  }
0x106: {  	v8 =	vmax.f32 v8, v10;
	v10 =	vmul.f32 $2.000000030e-01, v3  }
0x107: {  	(erf) = vpow2.f32 v2;
	v2 =	vmul.f32 $1.442695020e+00, v8;
	v8 =	vmax.f32 v9, v11  }
0x108: {  	v3 =	vmax.f32 v3, v10;
	v8 =	vmul.f32 $1.442695020e+00, v8  }
0x109: {  	s16 =	simm.s32 $0x38;
	s15 =	simm.s32 $0x1160;
	v3 =	vmul.f32 $1.442695020e+00, v3;
	(erf) = vpow2.f32 v2  }
0x10a: {  	s29 =	smov.u32 s17;
	s17 =	simm.s32 $0x24A0;
	v15 =	vld [tilespmem:s15+$0x50];
	v2 =	vmov s16;
	(erf) = vpow2.f32 v8  }
0x10b: {  	s19 =	simm.s32 $0x18;
	v2 =	vshrl.u32 v2, $0x3;
	(erf) = vpow2.f32 v3;
	v3 =	vld [tilespmem:s17+$0x10]  }
0x10c: {  	v8 =	vmov s19;
	v2 =	vshll.u32 v2, v1  }
0x10d: {  	s21 =	simm.s32 $0x28;
	v12 =	vld [tilespmem:s17+$0xFFFFFFF0];
	v8 =	vshrl.u32 v8, $0x3;
	v9 =	vbroadcast v2, $0x0  }
0x10e: {  	v19 =	vld [tilespmem:s17+$0x0];
	v2 =	vmov s21;
	v8 =	vshll.u32 v8, v1  }
0x10f: {  	s25 =	simm.s32 $0x8;
	v16 =	vld [tilespmem:s15+$0xFFFFFFF0];
	v2 =	vshrl.u32 v2, $0x3;
	v8 =	vbroadcast v8, $0x0  }
0x110: {  	v11 =	vmov s25;
	v10 =	vld [tilespmem:s17+$0xFFFFFFE0];
	v2 =	vshll.u32 v2, v1;
	v13 =	vpop (erf);
	v17 =	vadd.f32 v3, v15  }
0x111: {  	s3 =	simm.s32 $0x4200;
	v11 =	vshrl.u32 v11, $0x3;
	v14 =	vbroadcast v2, $0x0;
	v2 =	vld [tilespmem:s15+$0x20];
	v3 =	vsel vm0, $0x0, v13  }
0x112: {  	v11 =	vshll.u32 v11, v1;
	[tilespmem:s3+$0x10] =	vst v3;
	v20 =	vpop (erf);
	v3 =	vld [tilespmem:s15+$0xFFFFFFC0];
	v21 =	vmul.f32 $2.000000030e-01, v17  }
0x113: {  	v11 =	vbroadcast v11, $0x0;
	v22 =	vld.idx.msk [tilespmem:v9+s9+$0x0], $0xffff;
	v9 =	vsel vm0, $0x0, v20;
	v18 =	vpop (erf)  }
0x114: {  	v23 =	vld [tilespmem:s8+$0x30];
	[tilespmem:s3+$0xFFFFFFF0] =	vst v9;
	v9 =	vsel vm0, $0x0, v18;
	v17 =	vmax.f32 v17, v21  }
0x115: {  	v12 =	vadd.f32 v12, v16;
	v24 =	vpop (erf);
	v8 =	vld.idx.msk [tilespmem:v8+s9+$0x0], $0xffff;
	[tilespmem:s3+$0x0] =	vst v9;
	v9 =	vmul.f32 $1.442695020e+00, v17  }
0x116: {  	v19 =	vadd.f32 v19, v2;
	v21 =	vsel vm0, $0x0, v24;
	v26 =	vld [tilespmem:s8+$0xFFFFFFD0]  }
0x117: {  	s10 =	simm.s32 $0x78;
	s21 =	simm.s32 $0x68;
	v17 =	vld.idx.msk [tilespmem:v14+s9+$0x0], $0xffff;
	v14 =	vmul.f32 $2.000000030e-01, v12;
	v10 =	vadd.f32 v10, v3;
	(erf) = vpow2.f32 v9  }
0x118: {  	v27 =	vmov s10;
	v29 =	vmov s21;
	[tilespmem:s3+$0xFFFFFFE0] =	vst v21;
	v28 =	vld [tilespmem:s8+$0x10];
	v5 =	vmul.f32 v22, v5  }
0x119: {  	v11 =	vld.idx.msk [tilespmem:v11+s9+$0x0], $0xffff;
	v12 =	vmax.f32 v12, v14;
	v14 =	vmul.f32 $2.000000030e-01, v19;
	v25 =	vmul.f32 $2.000000030e-01, v10  }
0x11a: {  	v29 =	vshrl.u32 v29, $0x3;
	v9 =	vld [tilespmem:s8+$0xFFFFFFA0];
	v12 =	vmul.f32 $1.442695020e+00, v12;
	v5 =	vnsel vm1, $0x0, v5  }
0x11b: {  	v21 =	vld [tilespmem:s8+$0xFFFFFFB0];
	v14 =	vmax.f32 v19, v14;
	v10 =	vmax.f32 v10, v25;
	v25 =	vshrl.u32 v27, $0x3  }
0x11c: {  	v19 =	vld [tilespmem:s8+$0xFFFFFFE0];
	v14 =	vmul.f32 $1.442695020e+00, v14;
	(erf) = vpow2.f32 v12;
	v25 =	vshll.u32 v25, v1  }
0x11d: {  	s14 =	simm.s32 $0x48;
	s16 =	simm.s32 $0x1220;
	v27 =	vld [tilespmem:s8+$0x0];
	v13 =	vsel vm0, v5, v13;
	v10 =	vmul.f32 $1.442695020e+00, v10;
	v12 =	vbroadcast v25, $0x0  }
0x11e: {  	v5 =	vmov s14;
	v58 =	vmul.f32 v11, v6;
	[tilespmem:s8+$0x50] =	vst v13;
	v13 =	vmul.f32 v17, v4;
	v4 =	vld [tilespmem:s16+$0x20]  }
0x11f: {  	s19 =	simm.s32 $0x24E0;
	s17 =	simm.s32 $0x58;
	v5 =	vshrl.u32 v5, $0x3;
	v25 =	vmul.f32 v8, v7;
	(erf) = vpow2.f32 v14;
	v7 =	vld [tilespmem:s16+$0x50]  }
0x120: {  	v9 =	vmul.f32 v9, v11;
	v14 =	vmov s17;
	(erf) = vpow2.f32 v10;
	v10 =	vld [tilespmem:s19+$0x10];
	v31 =	vpop (erf)  }
0x121: {  	s0 =	simm.s32 $0x4240;
	v11 =	vmul.f32 v21, v11;
	v21 =	vld [tilespmem:s19+$0x0];
	v14 =	vshrl.u32 v14, $0x3;
	v33 =	vsel vm0, $0x0, v31  }
0x122: {  	v32 =	vshll.u32 v5, v1;
	v5 =	vld [tilespmem:s16+$0xFFFFFFF0];
	v14 =	vshll.u32 v14, v1;
	v25 =	vnsel vm1, $0x0, v25;
	[tilespmem:s0+$0x10] =	vst v33  }
0x123: {  	v29 =	vshll.u32 v29, v1;
	v34 =	vbroadcast v14, $0x0;
	v6 =	vld.idx.msk [tilespmem:v12+s9+$0x0], $0xffff;
	v12 =	vsel vm0, v25, v20  }
0x124: {  	v29 =	vbroadcast v29, $0x0;
	v61 =	vmul.f32 v23, v22;
	[tilespmem:s8+$0xFFFFFFA0] =	vst v9;
	v14 =	vld [tilespmem:s19+$0xFFFFFFF0]  }
0x125: {  	v30 =	vld [tilespmem:s19+$0xFFFFFFE0];
	v28 =	vmul.f32 v28, v17;
	[tilespmem:s8+$0xFFFFFFB0] =	vst v11;
	v19 =	vmul.f32 v19, v8;
	v10 =	vadd.f32 v10, v7  }
0x126: {  	v59 =	vld [tilespmem:s8+$0x40];
	v32 =	vbroadcast v32, $0x0;
	v25 =	vmul.f32 v26, v8;
	[tilespmem:s8+$0xFFFFFFF0] =	vst v12;
	v12 =	vpop (erf)  }
0x127: {  	[tilespmem:s8+$0xFFFFFFE0] =	vst v19;
	v26 =	vnsel vm1, $0x0, v13;
	v8 =	vld [tilespmem:s16+$0xFFFFFFC0];
	v13 =	vmul.f32 $2.000000030e-01, v10;
	v35 =	vsel vm0, $0x0, v12  }
0x128: {  	v27 =	vmul.f32 v27, v17;
	v62 =	vadd.f32 v21, v4;
	v20 =	vnsel vm1, $0x0, v58;
	v11 =	vld [tilespmem:s15+$0x30];
	v9 =	vpop (erf);
	[tilespmem:s0+$0xFFFFFFF0] =	vst v35  }
0x129: {  	v36 =	vadd.f32 v14, v5;
	[tilespmem:s8+$0xFFFFFFD0] =	vst v25;
	v17 =	vmax.f32 v10, v13;
	v60 =	vsel vm0, $0x0, v9;
	v14 =	vpop (erf);
	v13 =	vld.idx.msk [tilespmem:v34+s9+$0x0], $0xffff  }
0x12a: {  	v20 =	vsel vm0, v20, v24;
	v17 =	vmul.f32 $1.442695020e+00, v17;
	v10 =	vsel vm0, $0x0, v14;
	[tilespmem:s0+$0x0] =	vst v60;
	v19 =	vld [tilespmem:s15+$0xFFFFFFE0]  }
0x12b: {  	v18 =	vsel vm0, v26, v18;
	v25 =	vmul.f32 $2.000000030e-01, v62;
	v24 =	vmul.f32 $2.000000030e-01, v36;
	[tilespmem:s0+$0xFFFFFFE0] =	vst v10;
	v10 =	vld.idx.msk [tilespmem:v29+s9+$0x0], $0xffff  }
0x12c: {  	s14 =	simm.s32 $0xB8;
	[tilespmem:s8+$0xFFFFFFC0] =	vst v20;
	v20 =	vadd.f32 v30, v8;
	v29 =	vmul.f32 v6, v15;
	(erf) = vpow2.f32 v17;
	v17 =	vld [tilespmem:s15+$0xFFFFFFD0]  }
0x12d: {  	v23 =	vmul.f32 v59, v22;
	v26 =	vmov s14;
	[tilespmem:s8+$0x20] =	vst v18;
	v25 =	vmax.f32 v62, v25;
	v18 =	vld [tilespmem:s15+$0x0]  }
0x12e: {  	v24 =	vmax.f32 v36, v24;
	v30 =	vmul.f32 $2.000000030e-01, v20;
	v15 =	vld.idx.msk [tilespmem:v32+s9+$0x0], $0xffff;
	v29 =	vnsel vm1, $0x0, v29  }
0x12f: {  	[tilespmem:s8+$0x30] =	vst v61;
	v63 =	vmul.f32 $1.442695020e+00, v24;
	v21 =	vld [tilespmem:s15+$0xFFFFFFA0];
	v29 =	vsel vm0, v29, v31;
	v24 =	vmul.f32 v13, v16  }
0x130: {  	v22 =	vld [tilespmem:s15+$0xFFFFFFB0];
	[tilespmem:s15+$0x50] =	vst v29;
	v16 =	vmax.f32 v20, v30;
	v29 =	vmul.f32 $1.442695020e+00, v25;
	v20 =	vshrl.u32 v26, $0x3  }
0x131: {  	s10 =	simm.s32 $0x98;
	s25 =	simm.s32 $0x88;
	[tilespmem:s8+$0x0] =	vst v27;
	(erf) = vpow2.f32 v63;
	v27 =	vmul.f32 $1.442695020e+00, v16;
	v16 =	vshll.u32 v20, v1;
	v20 =	vld [tilespmem:s15+$0x10]  }
0x132: {  	s2 =	simm.s32 $0xA8;
	s21 =	simm.s32 $0x8;
	[tilespmem:s8+$0x10] =	vst v28;
	v26 =	vmov s25;
	s25 =	simm.s32 $0x12E0;
	v25 =	vbroadcast v16, $0x0;
	(erf) = vpow2.f32 v29;
	v16 =	vld [tilespmem:s15+$0x40]  }
.LBB2_7:
0x133: {  	v28 =	vld [tilespmem:s25+$0x50];
	v29 =	vmov s10;
	v30 =	vmov s2;
	s19 =	sadd.s32 $0x40, s19;
	(erf) = vpow2.f32 v27;
	[tilespmem:s8+$0x40] =	vst v23;
	s8 =	smov.u32 s15;
	s15 =	smov.u32 s16  }
0x134: {  	v26 =	vshrl.u32 v26, $0x3;
	v24 =	vnsel vm1, $0x0, v24;
	v23 =	vld [tilespmem:s19+$0x10]  }
0x135: {  	s21 =	sadd.s32 $0x4, s21;
	s16 =	smov.u32 s25;
	v17 =	vmul.f32 v17, v13;
	v27 =	vshrl.u32 v29, $0x3;
	v29 =	vshrl.u32 v30, $0x3  }
0x136: {  	p0 =	slt.u32 s21, $0x4C;
	v26 =	vshll.u32 v26, v1;
	v30 =	vld [tilespmem:s19+$0xFFFFFFE0];
	v27 =	vshll.u32 v27, v1;
	v29 =	vshll.u32 v29, v1;
	v31 =	vpop (erf)  }
0x137: {  	s0 =	sadd.s32 $0x40, s0;
	v26 =	vbroadcast v26, $0x0;
	v32 =	vld [tilespmem:s25+$0xFFFFFFF0];
	v27 =	vbroadcast v27, $0x0;
	v33 =	vsel vm0, $0x0, v31  }
0x138: {  	v35 =	vsel vm0, v24, v12;
	v29 =	vbroadcast v29, $0x0;
	v34 =	vld [tilespmem:s19+$0xFFFFFFF0];
	[tilespmem:s0+$0x10] =	vst v33;
	v33 =	vmul.f32 v15, v3;
	v3 =	vmovc v8  }
0x139: {  	v8 =	vmul.f32 v21, v15;
	v21 =	vmul.f32 v10, v2;
	v25 =	vld.idx.msk [tilespmem:v25+s9+$0x0], $0xffff;
	v23 =	vadd.f32 v23, v28  }
0x13a: {  	v39 =	vmul.f32 v11, v6;
	v15 =	vmul.f32 v22, v15;
	v2 =	vmovc v4;
	v22 =	vnsel vm1, $0x0, v33;
	[tilespmem:s8+$0xFFFFFFF0] =	vst v35;
	v4 =	vld [tilespmem:s25+$0x20]  }
0x13b: {  	v19 =	vmul.f32 v19, v13;
	v33 =	vnsel vm1, $0x0, v21;
	v24 =	vld [tilespmem:s19+$0x0];
	v12 =	vpop (erf);
	[tilespmem:s8+$0xFFFFFFA0] =	vst v8;
	v13 =	vmul.f32 $2.000000030e-01, v23  }
0x13c: {  	v36 =	vmul.f32 v18, v10;
	v38 =	vmul.f32 v20, v10;
	v8 =	vld [tilespmem:s25+$0xFFFFFFC0];
	v21 =	vsel vm0, $0x0, v12;
	v35 =	vpop (erf);
	[tilespmem:s8+$0xFFFFFFB0] =	vst v15  }
0x13d: {  	v18 =	vadd.f32 v34, v32;
	[tilespmem:s0+$0xFFFFFFF0] =	vst v21;
	v15 =	vsel vm0, $0x0, v35;
	v34 =	vld [tilespmem:s15+$0x30];
	v37 =	vpop (erf);
	v10 =	vmax.f32 v23, v13  }
0x13e: {  	v20 =	vsel vm0, $0x0, v37;
	v13 =	vld.idx.msk [tilespmem:v27+s9+$0x0], $0xffff;
	[tilespmem:s0+$0x0] =	vst v15;
	v27 =	vmul.f32 v25, v7;
	v23 =	vmul.f32 v16, v6  }
0x13f: {  	v14 =	vsel vm0, v22, v14;
	v40 =	vmul.f32 $1.442695020e+00, v10;
	[tilespmem:s0+$0xFFFFFFE0] =	vst v20;
	v10 =	vld.idx.msk [tilespmem:v29+s9+$0x0], $0xffff;
	v20 =	vmul.f32 $2.000000030e-01, v18  }
0x140: {  	v7 =	vmov v28;
	v24 =	vadd.f32 v24, v4;
	v15 =	vld.idx.msk [tilespmem:v26+s9+$0x0], $0xffff;
	[tilespmem:s8+$0xFFFFFFC0] =	vst v14;
	v26 =	vnsel vm1, $0x0, v27  }
0x141: {  	v6 =	vmovc v25;
	v14 =	vadd.f32 v30, v8;
	(erf) = vpow2.f32 v40;
	v21 =	vld [tilespmem:s15+$0xFFFFFFA0];
	[tilespmem:s8+$0xFFFFFFD0] =	vst v17;
	v16 =	vmax.f32 v18, v20  }
0x142: {  	v20 =	vsel vm0, v26, v31;
	v18 =	vmul.f32 $2.000000030e-01, v24;
	v22 =	vld [tilespmem:s15+$0xFFFFFFB0];
	[tilespmem:s8+$0xFFFFFFE0] =	vst v19;
	v11 =	vmovc v34;
	v16 =	vmul.f32 $1.442695020e+00, v16  }
.Ltmp2:
0x143: {  	s14 =	sadd.s32 $0x40, s14;
	v26 =	vsel vm0, v33, v9;
	v25 =	vmul.f32 $2.000000030e-01, v14;
	v17 =	vld [tilespmem:s15+$0xFFFFFFD0];
	[tilespmem:s15+$0x50] =	vst v20;
	(pc) =	sbr.rel @p0 .LBB2_7-.Ltmp2, $4  }
0x144: {  	s3 =	sadd.s32 $0xFFFFFFD0, s14;
	s10 =	sadd.s32 $0xFFFFFFE0, s14;
	s2 =	sadd.s32 $0xFFFFFFF0, s14;
	v9 =	vmovc v35;
	v20 =	vmov s14;
	v18 =	vmax.f32 v24, v18;
	v19 =	vld [tilespmem:s15+$0xFFFFFFE0];
	v24 =	vmul.f32 v13, v5;
	[tilespmem:s8+$0x20] =	vst v26;
	v5 =	vmovc v32  }
0x145: {  	v20 =	vshrl.u32 v20, $0x3;
	v25 =	vmax.f32 v14, v25;
	v28 =	vmul.f32 $1.442695020e+00, v18;
	v18 =	vld [tilespmem:s15+$0x0];
	[tilespmem:s8+$0x0] =	vst v36;
	v14 =	vmovc v37  }
0x146: {  	v27 =	vmul.f32 $1.442695020e+00, v25;
	v25 =	vshll.u32 v20, v1;
	(erf) = vpow2.f32 v16;
	v20 =	vld [tilespmem:s15+$0x10];
	[tilespmem:s8+$0x10] =	vst v38  }
0x147: {  	s25 =	sadd.s32 $0xC0, s25;
	v26 =	vmov s3;
	v25 =	vbroadcast v25, $0x0;
	(erf) = vpow2.f32 v28;
	v16 =	vld [tilespmem:s15+$0x40];
	[tilespmem:s8+$0x30] =	vst v39  }
0x148: {  	v24 =	vnsel vm1, $0x0, v24  }
0x149: {  	[tilespmem:s8+$0x40] =	vst v23;
	v21 =	vmul.f32 v21, v15;
	v12 =	vsel vm0, v24, v12  }
0x14a: {  	v33 =	vmov s10;
	v22 =	vmul.f32 v22, v15;
	[tilespmem:s15+$0xFFFFFFF0] =	vst v12  }
0x14b: {  	(erf) = vpow2.f32 v27;
	v45 =	vmul.f32 v17, v13;
	v34 =	vshrl.u32 v33, $0x3;
	[tilespmem:s15+$0xFFFFFFA0] =	vst v21  }
0x14c: {  	v3 =	vmul.f32 v15, v3;
	v46 =	vmul.f32 v19, v13;
	v23 =	vshll.u32 v34, v1;
	[tilespmem:s15+$0xFFFFFFB0] =	vst v22  }
0x14d: {  	v28 =	vmov s2;
	v2 =	vmul.f32 v10, v2;
	v29 =	vpop (erf);
	[tilespmem:s15+$0xFFFFFFD0] =	vst v45;
	v23 =	vbroadcast v23, $0x0  }
0x14e: {  	s0 =	sadd.s32 $0x40, s0;
	v37 =	vshrl.u32 v28, $0x3;
	v3 =	vnsel vm1, $0x0, v3;
	v35 =	vsel vm0, $0x0, v29;
	[tilespmem:s15+$0xFFFFFFE0] =	vst v46  }
0x14f: {  	v12 =	vshll.u32 v37, v1;
	v2 =	vnsel vm1, $0x0, v2;
	v3 =	vsel vm0, v3, v14;
	[tilespmem:s0+$0x10] =	vst v35  }
0x150: {  	v36 =	vshrl.u32 v26, $0x3;
	v12 =	vbroadcast v12, $0x0;
	v2 =	vsel vm0, v2, v9;
	[tilespmem:s15+$0xFFFFFFC0] =	vst v3;
	v25 =	vld.idx.msk [tilespmem:v25+s9+$0x0], $0xffff;
	v38 =	vpop (erf)  }
0x151: {  	v24 =	vshll.u32 v36, v1;
	v49 =	vmul.f32 v18, v10;
	[tilespmem:s15+$0x20] =	vst v2;
	v3 =	vld [tilespmem:s16+$0x30];
	v40 =	vsel vm0, $0x0, v38  }
0x152: {  	v39 =	vbroadcast v24, $0x0;
	v51 =	vmul.f32 v20, v10;
	v61 =	vld [tilespmem:s16+$0x40];
	[tilespmem:s0+$0xFFFFFFF0] =	vst v40  }
0x153: {  	[tilespmem:s15+$0x0] =	vst v49;
	v41 =	vpop (erf);
	v47 =	vld.idx.msk [tilespmem:v23+s9+$0x0], $0xffff  }
0x154: {  	v2 =	vmul.f32 v11, v6;
	[tilespmem:s15+$0x10] =	vst v51;
	v42 =	vsel vm0, $0x0, v41;
	v55 =	vld [tilespmem:s16+$0xFFFFFFD0]  }
0x155: {  	v43 =	vpop (erf);
	[tilespmem:s0+$0x0] =	vst v42;
	v56 =	vld [tilespmem:s16+$0xFFFFFFE0]  }
0x156: {  	v54 =	vmul.f32 v16, v6;
	[tilespmem:s15+$0x30] =	vst v2;
	v44 =	vsel vm0, $0x0, v43;
	v53 =	vld.idx.msk [tilespmem:v12+s9+$0x0], $0xffff  }
0x157: {  	v7 =	vmul.f32 v25, v7;
	v3 =	vmul.f32 v3, v25;
	[tilespmem:s0+$0xFFFFFFE0] =	vst v44;
	v59 =	vld [tilespmem:s16+$0x0]  }
0x158: {  	[tilespmem:s15+$0x40] =	vst v54;
	v63 =	vmul.f32 v61, v25;
	v48 =	vld.idx.msk [tilespmem:v39+s9+$0x0], $0xffff  }
0x159: {  	v7 =	vnsel vm1, $0x0, v7;
	v50 =	vld [tilespmem:s16+$0xFFFFFFA0];
	[tilespmem:s16+$0x30] =	vst v3;
	v5 =	vmul.f32 v47, v5  }
0x15a: {  	v52 =	vld [tilespmem:s16+$0xFFFFFFB0];
	[tilespmem:s16+$0x40] =	vst v63;
	v7 =	vsel vm0, v7, v29;
	v60 =	vmul.f32 v55, v47  }
0x15b: {  	[tilespmem:s16+$0x50] =	vst v7;
	v2 =	vnsel vm1, $0x0, v5  }
0x15c: {  	v7 =	vmul.f32 v56, v47;
	[tilespmem:s16+$0xFFFFFFD0] =	vst v60;
	v2 =	vsel vm0, v2, v38  }
0x15d: {  	v62 =	vmul.f32 v59, v53;
	[tilespmem:s16+$0xFFFFFFF0] =	vst v2;
	v2 =	vld [tilespmem:s16+$0x10]  }
0x15e: {  	v4 =	vmul.f32 v53, v4;
	v58 =	vmul.f32 v50, v48;
	[tilespmem:s16+$0xFFFFFFE0] =	vst v7  }
0x15f: {  	s20 =	sadd.s32 $0x1, s20;
	v57 =	vmul.f32 v48, v8;
	v9 =	vmul.f32 v52, v48;
	[tilespmem:s16+$0x0] =	vst v62  }
0x160: {  	p0 =	sne.s32 s20, $0x3E;
	v4 =	vnsel vm1, $0x0, v4;
	[tilespmem:s16+$0xFFFFFFA0] =	vst v58  }
.Ltmp3:
0x161: {  	v5 =	vnsel vm1, $0x0, v57;
	[tilespmem:s16+$0xFFFFFFB0] =	vst v9;
	v4 =	vsel vm0, v4, v41;
	(pc) =	sbr.rel @p0 .LBB2_4-.Ltmp3, $4  }
0x162: {  	v5 =	vsel vm0, v5, v43;
	[tilespmem:s16+$0x20] =	vst v4;
	v2 =	vmul.f32 v2, v53  }
0x163: {  	[tilespmem:s16+$0xFFFFFFC0] =	vst v5  }
0x164: {  	s25 =	simm.s32 $0x2990;
	[tilespmem:s16+$0x10] =	vst v2  }
0x165: {  	[spmem:s18] =	stream.indirect.scatter.add.f32 [tilespmem:s31], [sflag:$0x8], $0x30, s25, s24, $0xb8;
	[tilespmem:$0xBEE0] =	vst v63  }
0x166: {  	_ =	swait.ge [sflag:s22], $0xF00  }
0x167: {  	[sflag:s22] =	ssyncset.done $0x0  }
0x168: {  	[sflag:s22] =	ssyncadd.s32 $0xFFFFF100  }
0x169: {  	_ =	swait.ge [sflag:s1], $0x500  }
0x16a: {  	[sflag:s1] =	ssyncset.done $0x0  }
0x16b: {  	[sflag:s1] =	ssyncadd.s32 $0xFFFFFB00  }
0x16c: {  	v2 =	vld [tilespmem:$0xA0]  }
0x16d: {  	v3 =	vld [tilespmem:$0xB0]  }
0x16e: {  	v4 =	vld [tilespmem:$0xC0]  }
0x16f: {  	v5 =	vld [tilespmem:$0xD0]  }
0x170: {  	v6 =	vld [tilespmem:$0xE0]  }
0x171: {  	[tilespmem:$0x2940] =	vst v2  }
0x172: {  	[tilespmem:$0x2950] =	vst v3  }
0x173: {  	[tilespmem:$0x2960] =	vst v4  }
0x174: {  	[tilespmem:$0x2970] =	vst v5  }
0x175: {  	s8 =	simm.s32 $0x1A0;
	[tilespmem:$0x2980] =	vst v6  }
0x176: {  	s0 =	simm.s32 $0x1F60;
	v5 =	vld [tilespmem:s8+$0x50]  }
0x177: {  	v2 =	vld [tilespmem:s0+$0x10]  }
0x178: {  	v3 =	vld [tilespmem:s0+$0xFFFFFFE0]  }
0x179: {  	v7 =	vld [tilespmem:s8+$0xFFFFFFF0]  }
0x17a: {  	v8 =	vld [tilespmem:s0+$0xFFFFFFF0]  }
0x17b: {  	v4 =	vld [tilespmem:s8+$0x20]  }
0x17c: {  	v9 =	vld [tilespmem:s0+$0x0]  }
0x17d: {  	v6 =	vld [tilespmem:s8+$0xFFFFFFC0]  }
0x17e: {  	v2 =	vadd.f32 v2, v5;
	_ =	sdelay $0x1  }
0x17f: {  	v8 =	vadd.f32 v8, v7;
	v10 =	vmul.f32 $2.000000030e-01, v2  }
0x180: {  	v9 =	vadd.f32 v9, v4  }
0x181: {  	v3 =	vadd.f32 v3, v6;
	v2 =	vmax.f32 v2, v10;
	v10 =	vmul.f32 $2.000000030e-01, v8  }
0x182: {  	v11 =	vmul.f32 $2.000000030e-01, v9;
	v2 =	vmul.f32 $1.442695020e+00, v2  }
0x183: {  	v8 =	vmax.f32 v8, v10;
	v10 =	vmul.f32 $2.000000030e-01, v3  }
0x184: {  	(erf) = vpow2.f32 v2;
	v2 =	vmul.f32 $1.442695020e+00, v8;
	v8 =	vmax.f32 v9, v11  }
0x185: {  	v3 =	vmax.f32 v3, v10;
	v8 =	vmul.f32 $1.442695020e+00, v8  }
0x186: {  	s3 =	simm.s32 $0x38;
	s15 =	simm.s32 $0x260;
	v3 =	vmul.f32 $1.442695020e+00, v3;
	(erf) = vpow2.f32 v2  }
0x187: {  	s10 =	simm.s32 $0x1FA0;
	v15 =	vld [tilespmem:s15+$0x50];
	v2 =	vmov s3;
	(erf) = vpow2.f32 v8  }
0x188: {  	s2 =	simm.s32 $0x18;
	v2 =	vshrl.u32 v2, $0x3;
	(erf) = vpow2.f32 v3;
	v3 =	vld [tilespmem:s10+$0x10]  }
0x189: {  	v8 =	vmov s2;
	v2 =	vshll.u32 v2, v1  }
0x18a: {  	v16 =	vld [tilespmem:s15+$0xFFFFFFF0];
	s3 =	simm.s32 $0x28;
	v8 =	vshrl.u32 v8, $0x3;
	v9 =	vbroadcast v2, $0x0  }
0x18b: {  	v12 =	vld [tilespmem:s10+$0xFFFFFFF0];
	v2 =	vmov s3;
	v8 =	vshll.u32 v8, v1  }
0x18c: {  	s14 =	simm.s32 $0x8;
	v19 =	vld [tilespmem:s10+$0x0];
	v2 =	vshrl.u32 v2, $0x3;
	v8 =	vbroadcast v8, $0x0  }
0x18d: {  	v11 =	vmov s14;
	v10 =	vld [tilespmem:s10+$0xFFFFFFE0];
	v2 =	vshll.u32 v2, v1;
	v13 =	vpop (erf);
	v17 =	vadd.f32 v3, v15  }
0x18e: {  	s16 =	simm.s32 $0x4200;
	v11 =	vshrl.u32 v11, $0x3;
	v14 =	vbroadcast v2, $0x0;
	v2 =	vld [tilespmem:s15+$0x20];
	v3 =	vsel vm0, $0x0, v13  }
0x18f: {  	v11 =	vshll.u32 v11, v1;
	[tilespmem:s16+$0x10] =	vst v3;
	v20 =	vpop (erf);
	v3 =	vld [tilespmem:s15+$0xFFFFFFC0];
	v21 =	vmul.f32 $2.000000030e-01, v17  }
0x190: {  	v11 =	vbroadcast v11, $0x0;
	v22 =	vld.idx.msk [tilespmem:v9+s9+$0x0], $0xffff;
	v9 =	vsel vm0, $0x0, v20;
	v18 =	vpop (erf)  }
0x191: {  	v23 =	vld [tilespmem:s8+$0x30];
	[tilespmem:s16+$0xFFFFFFF0] =	vst v9;
	v9 =	vsel vm0, $0x0, v18;
	v17 =	vmax.f32 v17, v21  }
0x192: {  	v12 =	vadd.f32 v12, v16;
	v24 =	vpop (erf);
	v8 =	vld.idx.msk [tilespmem:v8+s9+$0x0], $0xffff;
	[tilespmem:s16+$0x0] =	vst v9;
	v9 =	vmul.f32 $1.442695020e+00, v17  }
0x193: {  	v19 =	vadd.f32 v19, v2;
	v21 =	vsel vm0, $0x0, v24;
	v26 =	vld [tilespmem:s8+$0xFFFFFFD0]  }
0x194: {  	s17 =	simm.s32 $0x78;
	s21 =	simm.s32 $0x68;
	v17 =	vld.idx.msk [tilespmem:v14+s9+$0x0], $0xffff;
	v14 =	vmul.f32 $2.000000030e-01, v12;
	v10 =	vadd.f32 v10, v3;
	(erf) = vpow2.f32 v9  }
0x195: {  	v27 =	vmov s17;
	v29 =	vmov s21;
	[tilespmem:s16+$0xFFFFFFE0] =	vst v21;
	v28 =	vld [tilespmem:s8+$0x10];
	v5 =	vmul.f32 v22, v5  }
0x196: {  	v11 =	vld.idx.msk [tilespmem:v11+s9+$0x0], $0xffff;
	v12 =	vmax.f32 v12, v14;
	v14 =	vmul.f32 $2.000000030e-01, v19;
	v25 =	vmul.f32 $2.000000030e-01, v10  }
0x197: {  	v29 =	vshrl.u32 v29, $0x3;
	v9 =	vld [tilespmem:s8+$0xFFFFFFA0];
	v12 =	vmul.f32 $1.442695020e+00, v12;
	v5 =	vnsel vm1, $0x0, v5  }
0x198: {  	v21 =	vld [tilespmem:s8+$0xFFFFFFB0];
	v14 =	vmax.f32 v19, v14;
	v10 =	vmax.f32 v10, v25;
	v25 =	vshrl.u32 v27, $0x3  }
0x199: {  	v19 =	vld [tilespmem:s8+$0xFFFFFFE0];
	v14 =	vmul.f32 $1.442695020e+00, v14;
	(erf) = vpow2.f32 v12;
	v25 =	vshll.u32 v25, v1  }
0x19a: {  	s19 =	simm.s32 $0x48;
	s16 =	simm.s32 $0x320;
	v27 =	vld [tilespmem:s8+$0x0];
	v13 =	vsel vm0, v5, v13;
	v10 =	vmul.f32 $1.442695020e+00, v10;
	v12 =	vbroadcast v25, $0x0  }
0x19b: {  	v5 =	vmov s19;
	v58 =	vmul.f32 v11, v6;
	[tilespmem:s8+$0x50] =	vst v13;
	v13 =	vmul.f32 v17, v4;
	v4 =	vld [tilespmem:s16+$0x20]  }
0x19c: {  	s20 =	simm.s32 $0x58;
	s19 =	simm.s32 $0x1FE0;
	v5 =	vshrl.u32 v5, $0x3;
	v25 =	vmul.f32 v8, v7;
	(erf) = vpow2.f32 v14;
	v7 =	vld [tilespmem:s16+$0x50]  }
0x19d: {  	v9 =	vmul.f32 v9, v11;
	v14 =	vmov s20;
	(erf) = vpow2.f32 v10;
	v10 =	vld [tilespmem:s19+$0x10];
	v31 =	vpop (erf)  }
0x19e: {  	s0 =	simm.s32 $0x4240;
	v11 =	vmul.f32 v21, v11;
	v21 =	vld [tilespmem:s19+$0x0];
	v14 =	vshrl.u32 v14, $0x3;
	v33 =	vsel vm0, $0x0, v31  }
0x19f: {  	v32 =	vshll.u32 v5, v1;
	v5 =	vld [tilespmem:s16+$0xFFFFFFF0];
	v14 =	vshll.u32 v14, v1;
	v25 =	vnsel vm1, $0x0, v25;
	[tilespmem:s0+$0x10] =	vst v33  }
0x1a0: {  	v29 =	vshll.u32 v29, v1;
	v34 =	vbroadcast v14, $0x0;
	v6 =	vld.idx.msk [tilespmem:v12+s9+$0x0], $0xffff;
	v12 =	vsel vm0, v25, v20  }
0x1a1: {  	v29 =	vbroadcast v29, $0x0;
	v61 =	vmul.f32 v23, v22;
	[tilespmem:s8+$0xFFFFFFA0] =	vst v9;
	v14 =	vld [tilespmem:s19+$0xFFFFFFF0]  }
0x1a2: {  	v59 =	vld [tilespmem:s8+$0x40];
	v28 =	vmul.f32 v28, v17;
	[tilespmem:s8+$0xFFFFFFB0] =	vst v11;
	v19 =	vmul.f32 v19, v8;
	v10 =	vadd.f32 v10, v7  }
0x1a3: {  	v30 =	vld [tilespmem:s19+$0xFFFFFFE0];
	v32 =	vbroadcast v32, $0x0;
	v25 =	vmul.f32 v26, v8;
	[tilespmem:s8+$0xFFFFFFF0] =	vst v12;
	v12 =	vpop (erf)  }
0x1a4: {  	[tilespmem:s8+$0xFFFFFFE0] =	vst v19;
	v26 =	vnsel vm1, $0x0, v13;
	v8 =	vld [tilespmem:s16+$0xFFFFFFC0];
	v13 =	vmul.f32 $2.000000030e-01, v10;
	v35 =	vsel vm0, $0x0, v12  }
0x1a5: {  	v27 =	vmul.f32 v27, v17;
	v62 =	vadd.f32 v21, v4;
	v20 =	vnsel vm1, $0x0, v58;
	v11 =	vld [tilespmem:s15+$0x30];
	v9 =	vpop (erf);
	[tilespmem:s0+$0xFFFFFFF0] =	vst v35  }
0x1a6: {  	v36 =	vadd.f32 v14, v5;
	[tilespmem:s8+$0xFFFFFFD0] =	vst v25;
	v17 =	vmax.f32 v10, v13;
	v60 =	vsel vm0, $0x0, v9;
	v14 =	vpop (erf);
	v13 =	vld.idx.msk [tilespmem:v34+s9+$0x0], $0xffff  }
0x1a7: {  	v20 =	vsel vm0, v20, v24;
	v17 =	vmul.f32 $1.442695020e+00, v17;
	v10 =	vsel vm0, $0x0, v14;
	[tilespmem:s0+$0x0] =	vst v60;
	v19 =	vld [tilespmem:s15+$0xFFFFFFE0]  }
0x1a8: {  	v18 =	vsel vm0, v26, v18;
	v25 =	vmul.f32 $2.000000030e-01, v62;
	v24 =	vmul.f32 $2.000000030e-01, v36;
	[tilespmem:s0+$0xFFFFFFE0] =	vst v10;
	v10 =	vld.idx.msk [tilespmem:v29+s9+$0x0], $0xffff  }
0x1a9: {  	s14 =	simm.s32 $0xB8;
	[tilespmem:s8+$0xFFFFFFC0] =	vst v20;
	v20 =	vadd.f32 v30, v8;
	v29 =	vmul.f32 v6, v15;
	(erf) = vpow2.f32 v17;
	v17 =	vld [tilespmem:s15+$0xFFFFFFD0]  }
0x1aa: {  	v23 =	vmul.f32 v59, v22;
	v26 =	vmov s14;
	[tilespmem:s8+$0x20] =	vst v18;
	v25 =	vmax.f32 v62, v25;
	v18 =	vld [tilespmem:s15+$0x0]  }
0x1ab: {  	v24 =	vmax.f32 v36, v24;
	v30 =	vmul.f32 $2.000000030e-01, v20;
	v15 =	vld.idx.msk [tilespmem:v32+s9+$0x0], $0xffff;
	v29 =	vnsel vm1, $0x0, v29  }
0x1ac: {  	[tilespmem:s8+$0x30] =	vst v61;
	v63 =	vmul.f32 $1.442695020e+00, v24;
	v21 =	vld [tilespmem:s15+$0xFFFFFFA0];
	v29 =	vsel vm0, v29, v31;
	v24 =	vmul.f32 v13, v16  }
0x1ad: {  	v22 =	vld [tilespmem:s15+$0xFFFFFFB0];
	[tilespmem:s15+$0x50] =	vst v29;
	v16 =	vmax.f32 v20, v30;
	v29 =	vmul.f32 $1.442695020e+00, v25;
	v20 =	vshrl.u32 v26, $0x3  }
0x1ae: {  	s25 =	simm.s32 $0x88;
	s21 =	simm.s32 $0x3E0;
	[tilespmem:s8+$0x0] =	vst v27;
	(erf) = vpow2.f32 v63;
	v27 =	vmul.f32 $1.442695020e+00, v16;
	v16 =	vshll.u32 v20, v1;
	v20 =	vld [tilespmem:s15+$0x10]  }
0x1af: {  	s2 =	simm.s32 $0xA8;
	s10 =	simm.s32 $0x98;
	s20 =	simm.s32 $0x8;
	[tilespmem:s8+$0x10] =	vst v28;
	v26 =	vmov s25;
	v25 =	vbroadcast v16, $0x0;
	(erf) = vpow2.f32 v29;
	v16 =	vld [tilespmem:s15+$0x40]  }
.LBB2_10:
0x1b0: {  	v28 =	vld [tilespmem:s21+$0x50];
	v29 =	vmov s10;
	v30 =	vmov s2;
	s19 =	sadd.s32 $0x40, s19;
	(erf) = vpow2.f32 v27;
	[tilespmem:s8+$0x40] =	vst v23;
	s8 =	smov.u32 s15;
	s15 =	smov.u32 s16  }
0x1b1: {  	v26 =	vshrl.u32 v26, $0x3;
	v24 =	vnsel vm1, $0x0, v24;
	v23 =	vld [tilespmem:s19+$0x10]  }
0x1b2: {  	s20 =	sadd.s32 $0x4, s20;
	s16 =	smov.u32 s21;
	v17 =	vmul.f32 v17, v13;
	v27 =	vshrl.u32 v29, $0x3;
	v29 =	vshrl.u32 v30, $0x3  }
0x1b3: {  	p0 =	slt.u32 s20, $0x4C;
	v26 =	vshll.u32 v26, v1;
	v30 =	vld [tilespmem:s19+$0xFFFFFFE0];
	v27 =	vshll.u32 v27, v1;
	v29 =	vshll.u32 v29, v1;
	v31 =	vpop (erf)  }
0x1b4: {  	s0 =	sadd.s32 $0x40, s0;
	v26 =	vbroadcast v26, $0x0;
	v32 =	vld [tilespmem:s21+$0xFFFFFFF0];
	v27 =	vbroadcast v27, $0x0;
	v33 =	vsel vm0, $0x0, v31  }
0x1b5: {  	v35 =	vsel vm0, v24, v12;
	v29 =	vbroadcast v29, $0x0;
	v34 =	vld [tilespmem:s19+$0xFFFFFFF0];
	[tilespmem:s0+$0x10] =	vst v33;
	v33 =	vmul.f32 v15, v3;
	v3 =	vmovc v8  }
0x1b6: {  	v8 =	vmul.f32 v21, v15;
	v21 =	vmul.f32 v10, v2;
	v25 =	vld.idx.msk [tilespmem:v25+s9+$0x0], $0xffff;
	v23 =	vadd.f32 v23, v28  }
0x1b7: {  	v39 =	vmul.f32 v11, v6;
	v15 =	vmul.f32 v22, v15;
	v2 =	vmovc v4;
	v22 =	vnsel vm1, $0x0, v33;
	[tilespmem:s8+$0xFFFFFFF0] =	vst v35;
	v4 =	vld [tilespmem:s21+$0x20]  }
0x1b8: {  	v19 =	vmul.f32 v19, v13;
	v33 =	vnsel vm1, $0x0, v21;
	v24 =	vld [tilespmem:s19+$0x0];
	v12 =	vpop (erf);
	[tilespmem:s8+$0xFFFFFFA0] =	vst v8;
	v13 =	vmul.f32 $2.000000030e-01, v23  }
0x1b9: {  	v36 =	vmul.f32 v18, v10;
	v38 =	vmul.f32 v20, v10;
	v8 =	vld [tilespmem:s21+$0xFFFFFFC0];
	v21 =	vsel vm0, $0x0, v12;
	v35 =	vpop (erf);
	[tilespmem:s8+$0xFFFFFFB0] =	vst v15  }
0x1ba: {  	v18 =	vadd.f32 v34, v32;
	[tilespmem:s0+$0xFFFFFFF0] =	vst v21;
	v15 =	vsel vm0, $0x0, v35;
	v34 =	vld [tilespmem:s15+$0x30];
	v37 =	vpop (erf);
	v10 =	vmax.f32 v23, v13  }
0x1bb: {  	v20 =	vsel vm0, $0x0, v37;
	v13 =	vld.idx.msk [tilespmem:v27+s9+$0x0], $0xffff;
	[tilespmem:s0+$0x0] =	vst v15;
	v27 =	vmul.f32 v25, v7;
	v23 =	vmul.f32 v16, v6  }
0x1bc: {  	v14 =	vsel vm0, v22, v14;
	v40 =	vmul.f32 $1.442695020e+00, v10;
	[tilespmem:s0+$0xFFFFFFE0] =	vst v20;
	v10 =	vld.idx.msk [tilespmem:v29+s9+$0x0], $0xffff;
	v20 =	vmul.f32 $2.000000030e-01, v18  }
0x1bd: {  	v7 =	vmov v28;
	v24 =	vadd.f32 v24, v4;
	v15 =	vld.idx.msk [tilespmem:v26+s9+$0x0], $0xffff;
	[tilespmem:s8+$0xFFFFFFC0] =	vst v14;
	v26 =	vnsel vm1, $0x0, v27  }
0x1be: {  	v6 =	vmovc v25;
	v14 =	vadd.f32 v30, v8;
	(erf) = vpow2.f32 v40;
	v21 =	vld [tilespmem:s15+$0xFFFFFFA0];
	[tilespmem:s8+$0xFFFFFFD0] =	vst v17;
	v16 =	vmax.f32 v18, v20  }
0x1bf: {  	v20 =	vsel vm0, v26, v31;
	v18 =	vmul.f32 $2.000000030e-01, v24;
	v22 =	vld [tilespmem:s15+$0xFFFFFFB0];
	[tilespmem:s8+$0xFFFFFFE0] =	vst v19;
	v11 =	vmovc v34;
	v16 =	vmul.f32 $1.442695020e+00, v16  }
.Ltmp4:
0x1c0: {  	s14 =	sadd.s32 $0x40, s14;
	v26 =	vsel vm0, v33, v9;
	v25 =	vmul.f32 $2.000000030e-01, v14;
	v17 =	vld [tilespmem:s15+$0xFFFFFFD0];
	[tilespmem:s15+$0x50] =	vst v20;
	(pc) =	sbr.rel @p0 .LBB2_10-.Ltmp4, $4  }
0x1c1: {  	s3 =	sadd.s32 $0xFFFFFFD0, s14;
	s10 =	sadd.s32 $0xFFFFFFE0, s14;
	s2 =	sadd.s32 $0xFFFFFFF0, s14;
	v9 =	vmovc v35;
	v20 =	vmov s14;
	v18 =	vmax.f32 v24, v18;
	v19 =	vld [tilespmem:s15+$0xFFFFFFE0];
	v24 =	vmul.f32 v13, v5;
	[tilespmem:s8+$0x20] =	vst v26;
	v5 =	vmovc v32  }
0x1c2: {  	v20 =	vshrl.u32 v20, $0x3;
	v25 =	vmax.f32 v14, v25;
	v28 =	vmul.f32 $1.442695020e+00, v18;
	v18 =	vld [tilespmem:s15+$0x0];
	[tilespmem:s8+$0x0] =	vst v36;
	v14 =	vmovc v37  }
0x1c3: {  	v27 =	vmul.f32 $1.442695020e+00, v25;
	v25 =	vshll.u32 v20, v1;
	(erf) = vpow2.f32 v16;
	v20 =	vld [tilespmem:s15+$0x10];
	[tilespmem:s8+$0x10] =	vst v38  }
0x1c4: {  	s21 =	sadd.s32 $0xC0, s21;
	v26 =	vmov s3;
	v25 =	vbroadcast v25, $0x0;
	(erf) = vpow2.f32 v28;
	v16 =	vld [tilespmem:s15+$0x40];
	[tilespmem:s8+$0x30] =	vst v39  }
0x1c5: {  	v24 =	vnsel vm1, $0x0, v24  }
0x1c6: {  	[tilespmem:s8+$0x40] =	vst v23;
	v21 =	vmul.f32 v21, v15;
	v12 =	vsel vm0, v24, v12  }
0x1c7: {  	v33 =	vmov s10;
	v22 =	vmul.f32 v22, v15;
	[tilespmem:s15+$0xFFFFFFF0] =	vst v12  }
0x1c8: {  	(erf) = vpow2.f32 v27;
	v45 =	vmul.f32 v17, v13;
	v34 =	vshrl.u32 v33, $0x3;
	[tilespmem:s15+$0xFFFFFFA0] =	vst v21  }
0x1c9: {  	v3 =	vmul.f32 v15, v3;
	v46 =	vmul.f32 v19, v13;
	v23 =	vshll.u32 v34, v1;
	[tilespmem:s15+$0xFFFFFFB0] =	vst v22  }
0x1ca: {  	v28 =	vmov s2;
	v2 =	vmul.f32 v10, v2;
	v29 =	vpop (erf);
	[tilespmem:s15+$0xFFFFFFD0] =	vst v45;
	v23 =	vbroadcast v23, $0x0  }
0x1cb: {  	s0 =	sadd.s32 $0x40, s0;
	v37 =	vshrl.u32 v28, $0x3;
	v3 =	vnsel vm1, $0x0, v3;
	v35 =	vsel vm0, $0x0, v29;
	[tilespmem:s15+$0xFFFFFFE0] =	vst v46  }
0x1cc: {  	v12 =	vshll.u32 v37, v1;
	v2 =	vnsel vm1, $0x0, v2;
	v3 =	vsel vm0, v3, v14;
	[tilespmem:s0+$0x10] =	vst v35  }
0x1cd: {  	v36 =	vshrl.u32 v26, $0x3;
	v12 =	vbroadcast v12, $0x0;
	v2 =	vsel vm0, v2, v9;
	[tilespmem:s15+$0xFFFFFFC0] =	vst v3;
	v25 =	vld.idx.msk [tilespmem:v25+s9+$0x0], $0xffff;
	v38 =	vpop (erf)  }
0x1ce: {  	v24 =	vshll.u32 v36, v1;
	v49 =	vmul.f32 v18, v10;
	[tilespmem:s15+$0x20] =	vst v2;
	v3 =	vld [tilespmem:s16+$0x30];
	v40 =	vsel vm0, $0x0, v38  }
0x1cf: {  	v39 =	vbroadcast v24, $0x0;
	v51 =	vmul.f32 v20, v10;
	v61 =	vld [tilespmem:s16+$0x40];
	[tilespmem:s0+$0xFFFFFFF0] =	vst v40  }
0x1d0: {  	[tilespmem:s15+$0x0] =	vst v49;
	v41 =	vpop (erf);
	v47 =	vld.idx.msk [tilespmem:v23+s9+$0x0], $0xffff  }
0x1d1: {  	v2 =	vmul.f32 v11, v6;
	[tilespmem:s15+$0x10] =	vst v51;
	v42 =	vsel vm0, $0x0, v41;
	v55 =	vld [tilespmem:s16+$0xFFFFFFD0]  }
0x1d2: {  	v43 =	vpop (erf);
	[tilespmem:s0+$0x0] =	vst v42;
	v56 =	vld [tilespmem:s16+$0xFFFFFFE0]  }
0x1d3: {  	v54 =	vmul.f32 v16, v6;
	[tilespmem:s15+$0x30] =	vst v2;
	v44 =	vsel vm0, $0x0, v43;
	v53 =	vld.idx.msk [tilespmem:v12+s9+$0x0], $0xffff  }
0x1d4: {  	v7 =	vmul.f32 v25, v7;
	v3 =	vmul.f32 v3, v25;
	[tilespmem:s0+$0xFFFFFFE0] =	vst v44;
	v59 =	vld [tilespmem:s16+$0x0]  }
0x1d5: {  	[tilespmem:s15+$0x40] =	vst v54;
	v63 =	vmul.f32 v61, v25;
	v48 =	vld.idx.msk [tilespmem:v39+s9+$0x0], $0xffff  }
0x1d6: {  	v7 =	vnsel vm1, $0x0, v7;
	v50 =	vld [tilespmem:s16+$0xFFFFFFA0];
	[tilespmem:s16+$0x30] =	vst v3;
	v5 =	vmul.f32 v47, v5  }
0x1d7: {  	v52 =	vld [tilespmem:s16+$0xFFFFFFB0];
	[tilespmem:s16+$0x40] =	vst v63;
	v7 =	vsel vm0, v7, v29;
	v60 =	vmul.f32 v55, v47  }
0x1d8: {  	[tilespmem:s16+$0x50] =	vst v7;
	v2 =	vnsel vm1, $0x0, v5  }
0x1d9: {  	v7 =	vmul.f32 v56, v47;
	[tilespmem:s16+$0xFFFFFFD0] =	vst v60;
	v2 =	vsel vm0, v2, v38  }
0x1da: {  	v62 =	vmul.f32 v59, v53;
	[tilespmem:s16+$0xFFFFFFF0] =	vst v2;
	v2 =	vld [tilespmem:s16+$0x10]  }
0x1db: {  	v4 =	vmul.f32 v53, v4;
	v58 =	vmul.f32 v50, v48;
	[tilespmem:s16+$0xFFFFFFE0] =	vst v7  }
0x1dc: {  	v57 =	vmul.f32 v48, v8;
	v9 =	vmul.f32 v52, v48;
	[tilespmem:s16+$0x0] =	vst v62  }
0x1dd: {  	v4 =	vnsel vm1, $0x0, v4;
	[tilespmem:s16+$0xFFFFFFA0] =	vst v58  }
0x1de: {  	v5 =	vnsel vm1, $0x0, v57;
	[tilespmem:s16+$0xFFFFFFB0] =	vst v9;
	v4 =	vsel vm0, v4, v41  }
0x1df: {  	v5 =	vsel vm0, v5, v43;
	[tilespmem:s16+$0x20] =	vst v4;
	v2 =	vmul.f32 v2, v53  }
0x1e0: {  	[tilespmem:s16+$0xFFFFFFC0] =	vst v5  }
0x1e1: {  	s14 =	simm.s32 $0x2940;
	[tilespmem:s16+$0x10] =	vst v2  }
0x1e2: {  	[spmem:s18] =	stream.indirect.scatter.add.f32 [tilespmem:s28], [sflag:$0x7], $0x30, s14, s24, $0xb8;
	[tilespmem:$0xBEE0] =	vst v63  }
0x1e3: {  	_ =	swait.ge [sflag:s11], $0xF00  }
0x1e4: {  	[sflag:s11] =	ssyncset.done $0x0  }
0x1e5: {  	s15 =	simm.s32 $0x8;
	[sflag:s11] =	ssyncadd.s32 $0xFFFFF100  }
0x1e6: {  	_ =	swait.ge [sflag:s15], $0xF00  }
0x1e7: {  	[sflag:s15] =	ssyncset.done $0x0  }
0x1e8: {  	[sflag:s15] =	ssyncadd.s32 $0xFFFFF100  }
0x1e9: {  	s16 =	stileid.u32;
	[bflag:$0x0] =	sbarrier.arrive $0xFFFF  }
0x1ea: {  	s20 =	simm.s32 $0x9;
	s0 =	sshll.u32 s16, $0x6;
	s3 =	rddreg [dreg:$0x4]  }
0x1eb: {  	s0 =	sor.u32 $0x1C09, s0;
	s19 =	rddreg [dreg:$0xf];
	s17 =	sshrl.u32 s3, $0x3  }
0x1ec: {  	[hbm:s19], [sflag:s0] =	dma.local [spmem:s17], $0xF00  }
0x1ed: {  	_ =	swait.ge [sflag:s20], $0xF00  }
0x1ee: {  	s21 =	rddreg [dreg:$0x11]  }
0x1ef: {  	s25 =	rddreg [dreg:$0x10];
	s8 =	sadd.s32 $0x1, s21  }
0x1f0: {  	p0 =	sne.s32 s8, s25  }
.Ltmp5:
0x1f1: {  	_ = 	snop;
	(pc) =	sbr.rel @p0 .LBB2_1-.Ltmp5, $3  }
0x1f2: {  	_ =	sdelay $0x1  }
0x1f3: {  	[sflag:s20] =	ssyncset.done $0x0  }
0x1f4: {  	[sflag:s20] =	ssyncadd.s32 $0xFFFFF100  }
0x1f5: {  	_ =	sfence.sel $0x180000  }
0x1f6: {  	[bflag:$0x0] =	sbarrier.arrive $0xFFFF  }
0x1f7: {  	_ =	strace $0x9000004A  }
0x1f8: {  	s0 =	stileid.u32;
	[bflag:$0x2] =	sbarrier.arrive $0xFFFF  }
0x1f9: {  	p0 =	sne.s32 s0, $0x0;
	s0 =	rddreg [dreg:$0x3]  }
0x1fa: {  	s0 =	sadd.s32 @!p0 $0x100000, s0  }
0x1fb: {  	[sflag:s0] =	ssyncadd.tile.s32 @!p0 $0x1;
	_ =	shalt  }
.Lfunc_end2:
_tile_overlayer_lowered:
.L_overlay_start_2:
0x1fc: {  	(tag) =	ssettag $0x2  }
0x1fd: {  	s0 =	rddreg [dreg:$0x0];
	s2 =	stileid.u32  }
0x1fe: {  	s1 =	rddreg [dreg:$0x1];
	p0 =	sne.s32 s2, $0x0  }
0x1ff: {  	s3 =	rddreg [dreg:$0x2];
	[bflag:$0x3] =	sbarrier.arrive $0xFFFF;
	s2 =	simm.s32 @!p0 $0x1C09  }
0x200: {  	[timem:s3], [sflag:s2] =	dma.local @!p0 [hbm:s0], s1  }
0x201: {  	s0 =	simm.s32 @!p0 $0x9  }
0x202: {  	_ =	swait.ge @!p0 [sflag:s0], s1  }
0x203: {  	s1 =	ssub.s32 @!p0 $0x0, s1;
	[sflag:s0] =	ssyncset.done @!p0 $0x0  }
0x204: {  	[sflag:s0] =	ssyncadd.s32 @!p0 s1  }
0x205: {  	[bflag:$0x3] =	sbarrier.arrive $0xFFFF  }
0x206: {  	_ =	shalt  }

// kernel: kernel.7.cloned.1.call-start
scs
__scs_entry_jumppad:
0x0: {  	(pc) =	sbr.rel $0x88, $3  }
0x1: {  	(tag) =	ssettag $0x0;
	lr =	simm.s32 $0x1  }
0x2: {  	[smem:$0x3F97] =	sst lr;
	_ =	strace $0xD0000000  }
0x3: {  	_ = 	snop  }
0x4: {  	_ = 	snop  }
0x5: {  	_ = 	snop  }
0x6: {  	_ = 	snop  }
0x7: {  	_ = 	snop  }
__scs_overlays_trampoline_lowered:
0x8: {  	[smem:$0x3FA6] =	sst s0  }
0x9: {  	[smem:$0x3FA7] =	sst s1  }
0xa: {  	[smem:$0x3FA8] =	sst s2  }
0xb: {  	[smem:$0x3FA9] =	sst s3  }
0xc: {  	[smem:$0x3FAA] =	sst s4  }
0xd: {  	[smem:$0x3FAB] =	sst s5  }
0xe: {  	[smem:$0x3FAC] =	sst s6  }
0xf: {  	[smem:$0x3FAD] =	sst s7  }
0x10: {  	[smem:$0x3FAE] =	sst s8  }
0x11: {  	[smem:$0x3FAF] =	sst s9;
	s0 =	simm.s32 @!p0 $0x0  }
0x12: {  	s1 =	sld [smem:$0x3F95];
	s0 =	simm.s32 @p0 $0x1  }
0x13: {  	[smem:$0x3FB0] =	sst s0;
	s0 =	simm.s32 @!p1 $0x0  }
0x14: {  	s2 =	sld [smem:$0x3F94];
	s0 =	simm.s32 @p1 $0x1  }
0x15: {  	[smem:$0x3FB1] =	sst s0;
	s0 =	simm.s32 @!p2 $0x0  }
0x16: {  	s3 =	sld [smem:$0x3FDB];
	s0 =	simm.s32 @p2 $0x1  }
0x17: {  	s4 =	simm.s32 $0x1BF5;
	[smem:$0x3FB3] =	sst s0  }
0x18: {  	s0 =	sld [smem:$0x3F96];
	_ =	swait.ge [sflag:s4], $0x0  }
0x19: {  	s7 =	sld [smem:$0x3F97]  }
0x1a: {  	s8 =	sadd.s32 $0xFFFFE003, lr  }
0x1b: {  	s9 =	sadd.s32 $0xFFFFFEF7, lr;
	s5 =	simm.s32 $0xFFFFFFFF;
	p2 =	slt.u32 s8, $0xFFFFF086  }
0x1c: {  	p1 =	slt.u32 s9, $0xF7A;
	s5 =	simm.s32 @!p2 $0x0  }
0x1d: {  	s5 =	simm.s32 @p1 $0x1;
	p0 =	seq.s32 s7, s2  }
0x1e: {  	s7 =	smul.u32 @!p0 $0xF7A, s2;
	p2 =	seq.s32 @!p0 s5, $0x0  }
0x1f: {  	s9 =	smul.u32 $0xF7A, s1;
	s8 =	simm.s32 @!p0 $0x1BF5;
	p2 =	por !p2, p0  }
0x20: {  	[sflag:s8] =	ssyncset.s32 @!p0 $0xFFFFF086;
	s6 =	sadd.s32 @!p0 s3, s7;
	s7 =	simm.s32 @!p0 $0x108  }
0x21: {  	s3 =	sadd.s32 s3, s9;
	s6 =	sadd.s32 @!p0 $0x88, s6;
	s7 =	simm.s32 @p2 $0x1082  }
0x22: {  	[simem:s7], [sflag:s8] =	dma.local @!p0 [hbm:s6], $0xF7A  }
0x23: {  	s9 =	sor.u32 $0xD0000000, s2;
	s6 =	simm.s32 $0x108;
	_ =	swait.ge @!p0 [sflag:s8], $0x0  }
0x24: {  	s3 =	sadd.s32 $0x88, s3;
	s6 =	simm.s32 @!p1 $0x1082;
	[sflag:s4] =	ssyncset.s32 $0xFFFFF086  }
0x25: {  	[simem:s6], [sflag:s4] =	dma.local [hbm:s3], $0xF7A  }
0x26: {  	[smem:$0x3F97] =	sst s1;
	(tag) =	ssettag s2;
	_ =	strace s9  }
0x27: {  	s1 =	sld [smem:$0x3FA7]  }
0x28: {  	s2 =	sld [smem:$0x3FA8]  }
0x29: {  	s4 =	sld [smem:$0x3FAA]  }
0x2a: {  	p0 =	seq.s32 s5, $0x0;
	s5 =	sld [smem:$0x3FAB]  }
0x2b: {  	s6 =	sld [smem:$0x3FAC]  }
0x2c: {  	s7 =	sld [smem:$0x3FAD]  }
0x2d: {  	s3 =	simm.s32 $0x108;
	s8 =	sld [smem:$0x3FAE]  }
0x2e: {  	s3 =	simm.s32 @!p0 $0x1082;
	s9 =	sld [smem:$0x3FAF]  }
0x2f: {  	lr =	sadd.s32 s0, s3;
	s0 =	sld [smem:$0x3FA6]  }
0x30: {  	s3 =	sld [smem:$0x3FA9]  }
0x31: {  	[smem:$0x3FB2] =	sst s10  }
0x32: {  	s10 =	sld [smem:$0x3FB0];
	_ =	sdelay $0x3  }
0x33: {  	p0 =	seq.s32 s10, $0x1;
	s10 =	sld [smem:$0x3FB2];
	_ =	sdelay $0x3  }
0x34: {  	[smem:$0x3FB2] =	sst s10  }
0x35: {  	s10 =	sld [smem:$0x3FB1];
	_ =	sdelay $0x3  }
0x36: {  	p1 =	seq.s32 s10, $0x1;
	s10 =	sld [smem:$0x3FB2];
	_ =	sdelay $0x3  }
0x37: {  	[smem:$0x3FB2] =	sst s10  }
0x38: {  	s10 =	sld [smem:$0x3FB3]  }
0x39: {  	_ = 	snop;
	(pc) =	sbr.ind lr, $3  }
0x3a: {  	_ = 	snop  }
0x3b: {  	_ = 	snop  }
0x3c: {  	p2 =	seq.s32 s10, $0x1;
	s10 =	sld [smem:$0x3FB2]  }
0x3d: {  	_ =	shalt  }
0x3e: {  	_ =	shalt  }
0x3f: {  	_ =	shalt  }
0x40: {  	_ =	shalt  }
0x41: {  	_ =	shalt  }
0x42: {  	_ =	shalt  }
0x43: {  	_ =	shalt  }
0x44: {  	_ =	shalt  }
0x45: {  	_ =	shalt  }
0x46: {  	_ =	shalt  }
0x47: {  	_ =	shalt  }
0x48: {  	_ =	shalt  }
0x49: {  	_ =	shalt  }
0x4a: {  	_ =	shalt  }
0x4b: {  	_ =	shalt  }
0x4c: {  	_ =	shalt  }
0x4d: {  	_ =	shalt  }
0x4e: {  	_ =	shalt  }
0x4f: {  	_ =	shalt  }
0x50: {  	_ =	shalt  }
0x51: {  	_ =	shalt  }
0x52: {  	_ =	shalt  }
0x53: {  	_ =	shalt  }
0x54: {  	_ =	shalt  }
0x55: {  	_ =	shalt  }
0x56: {  	_ =	shalt  }
0x57: {  	_ =	shalt  }
0x58: {  	_ =	shalt  }
0x59: {  	_ =	shalt  }
0x5a: {  	_ =	shalt  }
0x5b: {  	_ =	shalt  }
0x5c: {  	_ =	shalt  }
0x5d: {  	_ =	shalt  }
0x5e: {  	_ =	shalt  }
0x5f: {  	_ =	shalt  }
0x60: {  	_ =	shalt  }
0x61: {  	_ =	shalt  }
0x62: {  	_ =	shalt  }
0x63: {  	_ =	shalt  }
0x64: {  	_ =	shalt  }
0x65: {  	_ =	shalt  }
0x66: {  	_ =	shalt  }
0x67: {  	_ =	shalt  }
0x68: {  	_ =	shalt  }
0x69: {  	_ =	shalt  }
0x6a: {  	_ =	shalt  }
0x6b: {  	_ =	shalt  }
0x6c: {  	_ =	shalt  }
0x6d: {  	_ =	shalt  }
0x6e: {  	_ =	shalt  }
0x6f: {  	_ =	shalt  }
0x70: {  	_ =	shalt  }
0x71: {  	_ =	shalt  }
0x72: {  	_ =	shalt  }
0x73: {  	_ =	shalt  }
0x74: {  	_ =	shalt  }
0x75: {  	_ =	shalt  }
0x76: {  	_ =	shalt  }
0x77: {  	_ =	shalt  }
0x78: {  	_ =	shalt  }
0x79: {  	_ =	shalt  }
0x7a: {  	_ =	shalt  }
0x7b: {  	_ =	shalt  }
0x7c: {  	_ =	shalt  }
0x7d: {  	_ =	shalt  }
0x7e: {  	_ =	shalt  }
0x7f: {  	_ =	shalt  }
0x80: {  	_ =	shalt  }
0x81: {  	_ =	shalt  }
0x82: {  	_ =	shalt  }
0x83: {  	_ =	shalt  }
0x84: {  	_ =	shalt  }
0x85: {  	_ =	shalt  }
0x86: {  	_ =	shalt  }
0x87: {  	_ =	shalt  }
.Lfunc_end0:
.L_simem_size_0:
called_computation_lowered:
.L_overlay_start_0:
0x88: {  	s2 =	sld [smem:$0x3FD9]  }
0x89: {  	s3 =	sld [smem:$0x3FFE];
	_ =	sdelay $0x1  }
0x8a: {  	s1 =	srdreg.scid  }
0x8b: {  	s0 =	sand.u32 $0x1, s1  }
0x8c: {  	s17 =	sshll.u32 s0, $0xA;
	s2 =	sadd.s32 s3, s2  }
0x8d: {  	s2 =	sadd.s32 s2, s17  }
0x8e: {  	[smem:$0x3FBE] =	sst s2  }
0x8f: {  	_ = 	snop  }
0x90: {  	s2 =	sld [smem:$0x3FD0];
	(tm) =	ssettm $0x1  }
0x91: {  	s18 =	sld [smem:$0x3FFB];
	_ =	sdelay $0x3  }
0x92: {  	_ =	strace s18  }
0x93: {  	s3 =	sld [smem:$0x3FFC];
	_ =	sdelay $0x3  }
0x94: {  	_ =	strace s3  }
0x95: {  	s3 =	sld [smem:$0x3FFD];
	_ =	sdelay $0x3  }
0x96: {  	_ =	strace s3  }
0x97: {  	_ =	strace $0x8FFFFFFF  }
0x98: {  	s19 =	sld [smem:$0x3FDB];
	_ =	sdelay $0x1  }
0x99: {  	s4 =	simm.s32 $_scs_section_size  }
0x9a: {  	s5 =	simm.s32 $_size__tile_overlayer_lowered;
	s6 =	simm.s32 $_tile_overlayer_lowered  }
0x9b: {  	s22 =	simm.s32 $0x1BFF;
	s21 =	sshll.u32 s6, $0x1;
	s3 =	sadd.s32 s4, s19  }
0x9c: {  	s7 =	simm.s32 $0x0;
	s20 =	sshll.u32 s5, $0x1;
	s5 =	sadd.s32 s21, s3  }
0x9d: {  	[timem:s7], [sflag:s22] =	dma.local [hbm:s5], s20  }
0x9e: {  	_ =	swait.ge [sflag:s22], s20  }
0x9f: {  	s4 =	ssub.s32 $0x0, s20;
	[sflag:s22] =	ssyncset.done $0x0  }
0xa0: {  	[sflag:s22] =	ssyncadd.s32 s4;
	_ =	sdelay $0x1  }
0xa1: {  	s23 =	simm.s32 $0x1B8B  }
0xa2: {  	_ =	swait.ge [sflag:s23], $0x1  }
0xa3: {  	[sflag:s23] =	ssyncset.done $0x0  }
0xa4: {  	s25 =	simm.s32 $0x1B8E;
	s24 =	sld [smem:$0x3FFE];
	[sflag:s23] =	ssyncadd.s32 $0xFFFFFFFF  }
0xa5: {  	s26 =	simm.s32 $execute0_lowered;
	[smem:$0x3FD2] =	sst s25  }
0xa6: {  	s5 =	sshll.u32 s26, $0x1;
	_ =	strace $0x80000046;
	[dreg:$0x1] =	wrdreg $0xFFFFFFFF  }
0xa7: {  	s28 =	simm.s32 $_size_execute0_lowered;
	s3 =	sadd.s32 s3, s5;
	[dreg:$0x0] =	wrdreg $0x0  }
0xa8: {  	s5 =	sshll.u32 s28, $0x1;
	[dreg:$0x2] =	wrdreg s3  }
0xa9: {  	[dreg:$0x3] =	wrdreg s5  }
0xaa: {  	[dreg:$0x4] =	wrdreg $0xC0  }
0xab: {  	_ =	task [dreg:s7], $0x5FFFF  }
0xac: {  	[dreg:$0x1] =	wrdreg $0xFFFFFFFF  }
0xad: {  	[dreg:$0x0] =	wrdreg $0x60  }
0xae: {  	[dreg:$0x2] =	wrdreg s24  }
0xaf: {  	[dreg:$0x3] =	wrdreg s2  }
0xb0: {  	[dreg:$0x4] =	wrdreg $0x6AE00  }
0xb1: {  	[dreg:$0x5] =	wrdreg $0x9  }
0xb2: {  	_ =	task.clear_ibuf [dreg:s7], $0x6FFFF;
	_ =	strace $0x90000046  }
0xb3: {  	s29 =	simm.s32 $0x9;
	_ =	strace $0x80000048  }
0xb4: {  	_ =	swait.ge [sflag:s29], $0x1  }
0xb5: {  	[sflag:s29] =	ssyncadd.s32 $0xFFFFFFFF  }
0xb6: {  	_ =	strace $0x90000048  }
0xb7: {  	_ =	sfence  }
0xb8: {  	s30 =	sld [smem:$0x0];
	_ =	sdelay $0x2  }
0xb9: {  	s31 =	sshll.u32 s1, $0xD;
	s1 =	sshrl.u32 s1, $0x2  }
0xba: {  	s3 =	sand.u32 $0x4000, s31;
	s1 =	sadd.s32 s1, s30  }
0xbb: {  	s0 =	sor.u32 s3, s0;
	s1 =	sshll.u32 s1, $0x11  }
0xbc: {  	s0 =	sor.u32 s1, s0  }
0xbd: {  	s0 =	sadd.s32 $0x8F2B, s0  }
0xbe: {  	[sflag:s0] =	ssyncadd.remote.s32 $0x1  }
0xbf: {  	_ =	sfence.sel $0xFFFF  }
0xc0: {  	[dreg:$0x0] =	wrdreg $0xFFFFFFFF;
	(pc) =	sbr.abs _section_cstart, $3  }
0xc1: {  	[dreg:$0x1] =	wrdreg $0xFFFFFFFF  }
0xc2: {  	_ =	task.clear_ibuf [dreg:s7], $0x2FFFF;
	_ =	strace $0x9FFFFFFF  }
0xc3: {  	(tm) =	ssettm $0x7FFFFFFF  }
tec
execute0_lowered:
.L_overlay_start_1:
0x0: {  	(tag) =	ssettag $0x1  }
0x1: {  	s0 =	rddreg [dreg:$0x0]  }
0x2: {  	s29 =	rddreg [dreg:$0x1]  }
0x3: {  	s3 =	rddreg [dreg:$0x2]  }
0x4: {  	s1 =	srdreg.scid;
	s2 =	stileid.u32  }
0x5: {  	s5 =	simm.s32 $0x0;
	s28 =	simm.s32 $0x140;
	s30 =	simm.s32 $0x2  }
0x6: {  	s11 =	simm.s32 $0x7;
	s12 =	simm.s32 $0x4;
	s13 =	simm.s32 $0x6  }
0x7: {  	s1 =	sand.u32 $0x1, s1;
	s4 =	smul.u32 $0xC800, s2;
	[smem:$0x7FF] =	sst s5  }
0x8: {  	s5 =	sadd.s32 $0x10000, s0;
	s6 =	sadd.s32 $0xB000, s0;
	s9 =	smul.u32 $0x32000, s2  }
0x9: {  	s31 =	smov.u32 s3;
	s7 =	smul.u32 $0xC8000, s1;
	s15 =	ssub.s32 $0x2, s1  }
0xa: {  	_ =	strace $0x80000047;
	s1 =	sshll.u32 s1, $0x4;
	s10 =	sshrl.u32 s15, $0x1  }
0xb: {  	s1 =	sor.u32 s2, s1;
	s9 =	sshrl.u32 s9, $0x2;
	s8 =	sadd.s32 s4, s7  }
0xc: {  	s7 =	sadd.s32 $0x1200, s0;
	s9 =	sadd.s32 s9, s3;
	s3 =	sadd.s32 s4, s3  }
0xd: {  	s1 =	smul.u32 $0x2710, s1;
	s16 =	sadd.s32 $0x2800, s9;
	[dreg:$0x4] =	wrdreg s3  }
0xe: {  	s8 =	sshrl.u32 s8, $0x3;
	s17 =	sadd.s32 $0x5000, s9;
	[dreg:$0x5] =	wrdreg s16  }
0xf: {  	s18 =	sadd.s32 $0x7800, s9;
	s19 =	sadd.s32 $0xA000, s9;
	[dreg:$0x6] =	wrdreg s17  }
0x10: {  	s9 =	simm.s32 $0x65E0;
	s0 =	sadd.s32 s8, s0;
	[dreg:$0x7] =	wrdreg s18  }
0x11: {  	s8 =	ssub.s32 s15, s10;
	[dreg:$0x8] =	wrdreg s19;
	s25 =	sadd.s32 $0xA0, s1  }
0x12: {  	s20 =	sshrl.u32 s1, $0x3;
	s1 =	sadd.s32 $0xF0, s1;
	[dreg:$0xd] =	wrdreg s25  }
0x13: {  	s21 =	sadd.s32 s7, s20;
	s22 =	sadd.s32 s29, s20;
	[dreg:$0xe] =	wrdreg s1  }
0x14: {  	s4 =	sadd.s32 $0xA, s20;
	s0 =	sadd.s32 $0x28800, s0;
	[dreg:$0x9] =	wrdreg s21  }
0x15: {  	s26 =	smax.u32 s8, $0x1;
	s1 =	simm.s32 $0x5;
	[dreg:$0xa] =	wrdreg s22  }
0x16: {  	v0 =	vimm.f32 $0.0e+00;
	s23 =	sadd.s32 s7, s4;
	s24 =	sadd.s32 s29, s4;
	[dreg:$0xf] =	wrdreg s0  }
0x17: {  	v1 =	vimm.s32 $0x0;
	vm1 =	vcmask $0x300;
	v2 =	vlaneseq.u32;
	[dreg:$0x10] =	wrdreg s26;
	s22 =	simm.s32 $0x3;
	s26 =	simm.s32 $0x1  }
0x18: {  	vm0 =	vmmov $0xff;
	v1 =	vsel vm1, $0x3, v1;
	v2 =	vshrl.u32 v2, $0x3;
	s21 =	simm.s32 $0x1A40;
	s4 =	simm.s32 $0x0;
	[dreg:$0xb] =	wrdreg s23  }
0x19: {  	v3 =	vor.u32 $0x2, v2;
	v4 =	vor.u32 $0x4, v2;
	v5 =	vor.u32 $0x6, v2;
	[dreg:$0xc] =	wrdreg s24;
	s23 =	simm.s32 $0xA0;
	s24 =	simm.s32 $0x50  }
.LBB2_1:
0x1a: {  	[dreg:$0x11] =	wrdreg s4;
	s4 =	simm.s32 $0x140;
	s0 =	simm.s32 $0x0  }
.LBB2_2:
0x1b: {  	p0 =	sne.s32 s4, $0x9EC0;
	[tilespmem:s0+$0x3E20] =	vst v0;
	s8 =	smov.u32 s4;
	s4 =	sadd.s32 $0x140, s4  }
.Ltmp0:
0x1c: {  	[tilespmem:s0+$0x3E10] =	vst v0;
	(pc) =	sbr.rel @p0 .LBB2_2-.Ltmp0, $4  }
0x1d: {  	[tilespmem:s0+$0x3E00] =	vst v0  }
0x1e: {  	[tilespmem:s0+$0x3DE0] =	vst v0  }
0x1f: {  	[tilespmem:s0+$0x3DF0] =	vst v0  }
0x20: {  	s0 =	sshra.s32 s8, $0x2  }
0x21: {  	[tilespmem:s0+$0x3E20] =	vst v0  }
0x22: {  	[tilespmem:s0+$0x3E10] =	vst v0  }
0x23: {  	[tilespmem:s0+$0x3E00] =	vst v0  }
0x24: {  	[tilespmem:s0+$0x3DE0] =	vst v0  }
0x25: {  	[tilespmem:s0+$0x3DF0] =	vst v0;
	s2 =	simm.s32 $0x3DE0  }
0x26: {  	[spmem:s3] =	stream.linear.scatter [tilespmem:s2], [sflag:$0x3], $0x2800, $0x38;
	[tilespmem:$0x132E0] =	vst v63  }
0x27: {  	s4 =	rddreg [dreg:$0x5]  }
0x28: {  	[spmem:s4] =	stream.linear.scatter [tilespmem:s2], [sflag:$0x3], $0x2800, $0x38;
	[tilespmem:$0x132E0] =	vst v63  }
0x29: {  	s8 =	rddreg [dreg:$0x6]  }
0x2a: {  	[spmem:s8] =	stream.linear.scatter [tilespmem:s2], [sflag:$0x3], $0x2800, $0x38;
	[tilespmem:$0x132E0] =	vst v63  }
0x2b: {  	s10 =	rddreg [dreg:$0x7]  }
0x2c: {  	[spmem:s10] =	stream.linear.scatter [tilespmem:s2], [sflag:$0x3], $0x2800, $0x38;
	[tilespmem:$0x132E0] =	vst v63  }
0x2d: {  	s14 =	rddreg [dreg:$0x8]  }
0x2e: {  	[spmem:s14] =	stream.linear.scatter [tilespmem:s2], [sflag:$0x3], $0x2800, $0x38;
	[tilespmem:$0x132E0] =	vst v63  }
0x2f: {  	_ =	swait.ge [sflag:s22], $0x2800  }
0x30: {  	[sflag:s22] =	ssyncset.done $0x0  }
0x31: {  	[sflag:s22] =	ssyncadd.s32 $0xFFFFD800  }
0x32: {  	_ =	swait.ge [sflag:s22], $0x2800  }
0x33: {  	[sflag:s22] =	ssyncset.done $0x0  }
0x34: {  	[sflag:s22] =	ssyncadd.s32 $0xFFFFD800  }
0x35: {  	_ =	swait.ge [sflag:s22], $0x2800  }
0x36: {  	[sflag:s22] =	ssyncset.done $0x0  }
0x37: {  	[sflag:s22] =	ssyncadd.s32 $0xFFFFD800  }
0x38: {  	_ =	swait.ge [sflag:s22], $0x2800  }
0x39: {  	[sflag:s22] =	ssyncset.done $0x0  }
0x3a: {  	[sflag:s22] =	ssyncadd.s32 $0xFFFFD800  }
0x3b: {  	_ =	swait.ge [sflag:s22], $0x2800  }
0x3c: {  	[sflag:s22] =	ssyncset.done $0x0  }
0x3d: {  	[sflag:s22] =	ssyncadd.s32 $0xFFFFD800  }
0x3e: {  	[bflag:$0x0] =	sbarrier.arrive $0xFFFF  }
0x3f: {  	s20 =	simm.s32 $0x0;
	s15 =	rddreg [dreg:$0x9]  }
0x40: {  	[tilespmem:s20], [sflag:$0x1] =	stream.linear.gather [hbm4b:s15+s20], $0x50, $0x38;
	[tilespmem:$0x132E0] =	vst v63  }
0x41: {  	s16 =	rddreg [dreg:$0xa]  }
0x42: {  	[tilespmem:s23], [sflag:$0x1] =	stream.linear.gather [hbm4b:s16+s20], $0x50, $0x38;
	[tilespmem:$0x132E0] =	vst v63  }
0x43: {  	s17 =	rddreg [dreg:$0xb]  }
0x44: {  	[tilespmem:s24], [sflag:$0x2] =	stream.linear.gather [hbm4b:s17+s20], $0x50, $0x38;
	[tilespmem:$0x132E0] =	vst v63  }
0x45: {  	s19 =	simm.s32 $0xF0;
	s18 =	rddreg [dreg:$0xc]  }
0x46: {  	[tilespmem:s19], [sflag:$0x2] =	stream.linear.gather [hbm4b:s18+s20], $0x50, $0x38;
	[tilespmem:$0x132E0] =	vst v63  }
0x47: {  	_ =	swait.ge [sflag:s26], $0x50  }
0x48: {  	[sflag:s26] =	ssyncset.done $0x0  }
0x49: {  	[sflag:s26] =	ssyncadd.s32 $0xFFFFFFB0  }
0x4a: {  	_ =	swait.ge [sflag:s26], $0x50  }
0x4b: {  	[sflag:s26] =	ssyncset.done $0x0  }
0x4c: {  	[sflag:s26] =	ssyncadd.s32 $0xFFFFFFB0  }
0x4d: {  	[tilespmem:s28], [sflag:$0x3] =	stream.indirect.gather [hbm4b:s5+s24], $0x50, s20, s24, $0xb8;
	[tilespmem:$0x132E0] =	vst v63  }
0x4e: {  	s25 =	simm.s32 $0x3340;
	s15 =	simm.s32 $0x0  }
0x4f: {  	[tilespmem:s25], [sflag:$0x5] =	stream.indirect.gather [hbm4b:s6+s24], $0x10, s23, s24, $0xb8;
	[tilespmem:$0x132E0] =	vst v63  }
.LBB2_4:
0x50: {  	p0 =	seq.s32 s15, $0x0  }
0x51: {  	s0 =	simm.s32 @!p0 $0x8  }
0x52: {  	_ =	swait.ge @!p0 [sflag:s0], $0x1900  }
0x53: {  	[sflag:s0] =	ssyncset.done @!p0 $0x0  }
0x54: {  	[sflag:s0] =	ssyncadd.s32 @!p0 $0xFFFFE700  }
0x55: {  	_ =	swait.ge [sflag:s30], $0x50  }
0x56: {  	[sflag:s30] =	ssyncset.done $0x0  }
0x57: {  	[sflag:s30] =	ssyncadd.s32 $0xFFFFFFB0  }
0x58: {  	_ =	swait.ge [sflag:s30], $0x50  }
0x59: {  	[sflag:s30] =	ssyncset.done $0x0  }
0x5a: {  	[sflag:s30] =	ssyncadd.s32 $0xFFFFFFB0  }
0x5b: {  	[tilespmem:s21], [sflag:$0x4] =	stream.indirect.gather [hbm4b:s5+s24], $0x50, s24, s24, $0xb8;
	[tilespmem:$0x132E0] =	vst v63  }
0x5c: {  	s2 =	simm.s32 $0x3840;
	s21 =	simm.s32 $0xF0  }
0x5d: {  	[tilespmem:s2], [sflag:$0x6] =	stream.indirect.gather [hbm4b:s6+s24], $0x10, s21, s24, $0xb8;
	[tilespmem:$0x132E0] =	vst v63  }
0x5e: {  	_ =	swait.ge [sflag:s22], $0x1900  }
0x5f: {  	[sflag:s22] =	ssyncset.done $0x0  }
0x60: {  	[sflag:s22] =	ssyncadd.s32 $0xFFFFE700  }
0x61: {  	_ =	swait.ge [sflag:s1], $0x500  }
0x62: {  	[sflag:s1] =	ssyncset.done $0x0  }
0x63: {  	[sflag:s1] =	ssyncadd.s32 $0xFFFFFB00  }
0x64: {  	v6 =	vld [tilespmem:$0xA0]  }
0x65: {  	v7 =	vld [tilespmem:$0xB0]  }
0x66: {  	v8 =	vld [tilespmem:$0xC0]  }
0x67: {  	v9 =	vld [tilespmem:$0xD0]  }
0x68: {  	v10 =	vld [tilespmem:$0xE0]  }
0x69: {  	s16 =	smul.u32 $0xA0, s15;
	[tilespmem:$0x3D40] =	vst v6  }
0x6a: {  	s25 =	rddreg [dreg:$0xd];
	[tilespmem:$0x3D50] =	vst v7  }
0x6b: {  	s0 =	sadd.s32 s16, s25;
	[tilespmem:$0x3D60] =	vst v8  }
0x6c: {  	s0 =	sshrl.u32 s0, $0x3;
	[tilespmem:$0x3D70] =	vst v9  }
0x6d: {  	s4 =	sadd.s32 s7, s0;
	[tilespmem:$0x3D80] =	vst v10  }
0x6e: {  	[tilespmem:s20], [sflag:$0x1] =	stream.linear.gather [hbm4b:s4+s20], $0x50, $0x38;
	[tilespmem:$0x132E0] =	vst v63  }
0x6f: {  	s8 =	simm.s32 $0x1E0;
	s0 =	sadd.s32 s29, s0  }
0x70: {  	[tilespmem:s23], [sflag:$0x1] =	stream.linear.gather [hbm4b:s0+s20], $0x50, $0x38;
	[tilespmem:$0x132E0] =	vst v63  }
0x71: {  	s2 =	simm.s32 $0x3360;
	v6 =	vld [tilespmem:s8+$0x90]  }
0x72: {  	v7 =	vld [tilespmem:s2+$0x10];
	_ =	sdelay $0x1  }
0x73: {  	v8 =	vld [tilespmem:s2+$0xFFFFFFE0]  }
0x74: {  	v9 =	vld [tilespmem:s8+$0xFFFFFFF0]  }
0x75: {  	v10 =	vld [tilespmem:s2+$0xFFFFFFF0]  }
0x76: {  	v11 =	vld [tilespmem:s2+$0x0];
	v6 =	vadd.f32 v7, v6  }
0x77: {  	v7 =	vld [tilespmem:s8+$0x40]  }
0x78: {  	v13 =	vld [tilespmem:s8+$0xFFFFFFA0];
	v12 =	vmul.f32 $2.000000030e-01, v6;
	_ =	sdelay $0x1  }
0x79: {  	v6 =	vmax.f32 v6, v12  }
0x7a: {  	v9 =	vadd.f32 v10, v9;
	v6 =	vmul.f32 $1.442695020e+00, v6  }
0x7b: {  	v7 =	vadd.f32 v11, v7  }
0x7c: {  	v8 =	vadd.f32 v8, v13;
	(erf) = vpow2.f32 v6;
	v6 =	vmul.f32 $2.000000030e-01, v9  }
0x7d: {  	v10 =	vmul.f32 $2.000000030e-01, v7  }
0x7e: {  	s4 =	simm.s32 $0x30;
	v6 =	vmax.f32 v9, v6;
	v9 =	vmul.f32 $2.000000030e-01, v8  }
0x7f: {  	v11 =	vmov s4;
	v7 =	vmax.f32 v7, v10;
	v6 =	vmul.f32 $1.442695020e+00, v6  }
0x80: {  	v10 =	vshrl.u32 v11, $0x3;
	v7 =	vmul.f32 $1.442695020e+00, v7;
	v8 =	vmax.f32 v8, v9  }
0x81: {  	v10 =	vshll.u32 v10, v1;
	(erf) = vpow2.f32 v6;
	v6 =	vmul.f32 $1.442695020e+00, v8  }
0x82: {  	v9 =	vbroadcast v10, $0x0  }
0x83: {  	(erf) = vpow2.f32 v7  }
0x84: {  	v8 =	vor.u32 v2, v9;
	(erf) = vpow2.f32 v6  }
0x85: {  	v6 =	vpop (erf)  }
0x86: {  	s10 =	simm.s32 $0x10;
	s14 =	simm.s32 $0x6600;
	s18 =	simm.s32 $0x33A0;
	v6 =	vnsel vm0, $0x0, v6  }
0x87: {  	s17 =	simm.s32 $0x20;
	v19 =	vld [tilespmem:s18+$0x10];
	v7 =	vmov s10;
	[tilespmem:s14+$0x10] =	vst v6  }
0x88: {  	v11 =	vmov s17;
	v7 =	vshrl.u32 v7, $0x3;
	[tilespmem:s8+$0x90] =	vst v6;
	v10 =	vld [tilespmem:s8+$0x50]  }
0x89: {  	s21 =	simm.s32 $0x320;
	v11 =	vshrl.u32 v11, $0x3;
	v7 =	vshll.u32 v7, v1;
	v8 =	vld.idx.msk [tilespmem:v8+s9+$0x0], $0xffff  }
0x8a: {  	v21 =	vld [tilespmem:s21+$0xFFFFFFF0];
	v11 =	vshll.u32 v11, v1;
	v6 =	vbroadcast v7, $0x0;
	v7 =	vmov s20  }
0x8b: {  	v22 =	vld [tilespmem:s18+$0x0];
	v7 =	vshrl.u32 v7, $0x3;
	v13 =	vpop (erf)  }
0x8c: {  	v24 =	vld [tilespmem:s21+$0xFFFFFFA0];
	s17 =	simm.s32 $0x33E0;
	v14 =	vor.u32 v3, v9;
	v7 =	vshll.u32 v7, v1;
	v13 =	vnsel vm0, $0x0, v13;
	v15 =	vpop (erf)  }
0x8d: {  	v36 =	vld [tilespmem:s17+$0x10];
	v17 =	vbroadcast v7, $0x0;
	v7 =	vbroadcast v11, $0x0;
	[tilespmem:s14+$0xFFFFFFF0] =	vst v13;
	v11 =	vpop (erf)  }
0x8e: {  	v40 =	vld [tilespmem:s17+$0xFFFFFFF0];
	v12 =	vor.u32 v2, v6;
	[tilespmem:s8+$0xFFFFFFF0] =	vst v13;
	v11 =	vnsel vm0, $0x0, v11;
	v8 =	vmul.f32 v10, v8  }
0x8f: {  	v63 =	vld [tilespmem:s17+$0x0];
	[tilespmem:s14+$0xFFFFFFE0] =	vst v11  }
0x90: {  	v16 =	vld [tilespmem:s8+$0xFFFFFFB0];
	[tilespmem:s8+$0x50] =	vst v8  }
0x91: {  	v13 =	vor.u32 v2, v17;
	[tilespmem:s8+$0xFFFFFFA0] =	vst v11;
	v11 =	vld.idx.msk [tilespmem:v14+s9+$0x0], $0xffff  }
0x92: {  	v14 =	vld [tilespmem:s8+$0x60]  }
0x93: {  	v10 =	vor.u32 v2, v7;
	v12 =	vld.idx.msk [tilespmem:v12+s9+$0x0], $0xffff  }
0x94: {  	v8 =	vnsel vm0, $0x0, v15;
	v15 =	vld [tilespmem:s21+$0x90]  }
0x95: {  	v18 =	vld [tilespmem:s8+$0xFFFFFF60]  }
0x96: {  	[tilespmem:s14+$0x0] =	vst v8;
	v13 =	vld.idx.msk [tilespmem:v13+s9+$0x0], $0xffff  }
0x97: {  	[tilespmem:s8+$0x40] =	vst v8;
	v20 =	vld [tilespmem:s8+$0x0];
	v11 =	vmul.f32 v14, v11  }
0x98: {  	v8 =	vld.idx.msk [tilespmem:v10+s9+$0x0], $0xffff;
	v10 =	vor.u32 v4, v9  }
0x99: {  	v25 =	vor.u32 v3, v17;
	v15 =	vadd.f32 v19, v15;
	[tilespmem:s8+$0x60] =	vst v11;
	v11 =	vld [tilespmem:s18+$0xFFFFFFF0]  }
0x9a: {  	v19 =	vld [tilespmem:s21+$0x40]  }
0x9b: {  	v27 =	vor.u32 v3, v7;
	v14 =	vld [tilespmem:s18+$0xFFFFFFE0];
	v23 =	vmul.f32 $2.000000030e-01, v15;
	v13 =	vmul.f32 v18, v13  }
0x9c: {  	v26 =	vld [tilespmem:s8+$0x70];
	v12 =	vmul.f32 v16, v12  }
0x9d: {  	v8 =	vmul.f32 v20, v8;
	v10 =	vld.idx.msk [tilespmem:v10+s9+$0x0], $0xffff;
	v15 =	vmax.f32 v15, v23;
	[tilespmem:s8+$0xFFFFFF60] =	vst v13  }
0x9e: {  	[tilespmem:s8+$0xFFFFFFB0] =	vst v12;
	v23 =	vor.u32 v3, v6;
	v15 =	vmul.f32 $1.442695020e+00, v15;
	v12 =	vld.idx.msk [tilespmem:v25+s9+$0x0], $0xffff;
	v11 =	vadd.f32 v11, v21  }
0x9f: {  	v9 =	vor.u32 v5, v9;
	v16 =	vadd.f32 v22, v19;
	[tilespmem:s8+$0x0] =	vst v8;
	v22 =	vld [tilespmem:s8+$0x10]  }
0xa0: {  	v14 =	vadd.f32 v14, v24;
	v19 =	vld.idx.msk [tilespmem:v27+s9+$0x0], $0xffff;
	(erf) = vpow2.f32 v15;
	v13 =	vmul.f32 $2.000000030e-01, v11  }
0xa1: {  	v24 =	vld [tilespmem:s8+$0xFFFFFFD0];
	v15 =	vmul.f32 $2.000000030e-01, v16  }
0xa2: {  	v21 =	vld [tilespmem:s8+$0xFFFFFFC0];
	v10 =	vmul.f32 v26, v10;
	v8 =	vmax.f32 v11, v13;
	v13 =	vmul.f32 $2.000000030e-01, v14  }
0xa3: {  	s19 =	simm.s32 $0x70;
	v18 =	vld.idx.msk [tilespmem:v23+s9+$0x0], $0xffff;
	v8 =	vmul.f32 $1.442695020e+00, v8  }
0xa4: {  	v15 =	vmax.f32 v16, v15;
	v23 =	vld [tilespmem:s8+$0xFFFFFF80];
	[tilespmem:s8+$0x70] =	vst v10;
	v11 =	vmov s19;
	v13 =	vmax.f32 v14, v13  }
0xa5: {  	v10 =	vld.idx.msk [tilespmem:v9+s9+$0x0], $0xffff;
	s19 =	simm.s32 $0x460;
	v11 =	vshrl.u32 v11, $0x3;
	(erf) = vpow2.f32 v8;
	v8 =	vmul.f32 $1.442695020e+00, v13  }
0xa6: {  	v9 =	vmul.f32 $1.442695020e+00, v15;
	v35 =	vld [tilespmem:s19+$0x90];
	v15 =	vshll.u32 v11, v1  }
0xa7: {  	s25 =	simm.s32 $0x50;
	v20 =	vbroadcast v15, $0x0;
	v15 =	vld [tilespmem:s8+$0xFFFFFF70]  }
0xa8: {  	v37 =	vld [tilespmem:s19+$0xFFFFFFF0];
	(erf) = vpow2.f32 v9;
	v9 =	vmov s25  }
0xa9: {  	v41 =	vld [tilespmem:s19+$0x40];
	v13 =	vor.u32 v2, v20;
	(erf) = vpow2.f32 v8;
	v9 =	vshrl.u32 v9, $0x3;
	v8 =	vpop (erf)  }
0xaa: {  	s2 =	simm.s32 $0x6640;
	v11 =	vld [tilespmem:s8+$0x80];
	v9 =	vshll.u32 v9, v1;
	v8 =	vnsel vm0, $0x0, v8  }
0xab: {  	v16 =	vor.u32 v4, v17;
	v14 =	vbroadcast v9, $0x0;
	v9 =	vld [tilespmem:s8+$0x20];
	[tilespmem:s2+$0x10] =	vst v8  }
0xac: {  	v12 =	vmul.f32 v15, v12;
	[tilespmem:s21+$0x90] =	vst v8;
	v8 =	vld [tilespmem:s8+$0xFFFFFF90]  }
0xad: {  	s10 =	simm.s32 $0x40;
	v26 =	vld [tilespmem:s21+$0x50]  }
0xae: {  	s14 =	simm.s32 $0x60;
	v25 =	vld.idx.msk [tilespmem:v13+s9+$0x0], $0xffff;
	v13 =	vmov s10  }
0xaf: {  	v15 =	vmov s14;
	v27 =	vor.u32 v2, v14;
	[tilespmem:s8+$0xFFFFFF70] =	vst v12;
	v38 =	vld [tilespmem:s21+$0x70];
	v13 =	vshrl.u32 v13, $0x3  }
0xb0: {  	v30 =	vor.u32 v3, v20;
	v15 =	vshrl.u32 v15, $0x3;
	v28 =	vld.idx.msk [tilespmem:v16+s9+$0x0], $0xffff;
	v12 =	vpop (erf);
	v13 =	vshll.u32 v13, v1  }
0xb1: {  	v15 =	vshll.u32 v15, v1;
	v29 =	vnsel vm0, $0x0, v12;
	v12 =	vld [tilespmem:s8+$0xFFFFFFE0];
	v31 =	vpop (erf);
	v16 =	vbroadcast v13, $0x0  }
0xb2: {  	v15 =	vbroadcast v15, $0x0;
	[tilespmem:s2+$0xFFFFFFF0] =	vst v29;
	v13 =	vld [tilespmem:s8+$0x30];
	v32 =	vpop (erf)  }
0xb3: {  	[tilespmem:s21+$0xFFFFFFF0] =	vst v29;
	v32 =	vnsel vm0, $0x0, v32;
	v33 =	vld [tilespmem:s21+$0xFFFFFFB0];
	v29 =	vor.u32 v2, v16;
	v25 =	vmul.f32 v26, v25  }
0xb4: {  	v26 =	vor.u32 v2, v15;
	[tilespmem:s2+$0xFFFFFFE0] =	vst v32;
	v27 =	vld.idx.msk [tilespmem:v27+s9+$0x0], $0xffff  }
0xb5: {  	[tilespmem:s21+$0x50] =	vst v25;
	v25 =	vnsel vm0, $0x0, v31;
	v31 =	vld [tilespmem:s21+$0x60]  }
0xb6: {  	[tilespmem:s21+$0xFFFFFFA0] =	vst v32;
	v30 =	vld.idx.msk [tilespmem:v30+s9+$0x0], $0xffff  }
0xb7: {  	v61 =	vor.u32 v4, v6;
	v34 =	vld [tilespmem:s21+$0xFFFFFF60];
	[tilespmem:s2+$0x0] =	vst v25  }
0xb8: {  	[tilespmem:s21+$0x40] =	vst v25;
	v29 =	vld.idx.msk [tilespmem:v29+s9+$0x0], $0xffff  }
0xb9: {  	v18 =	vmul.f32 v21, v18;
	v60 =	vor.u32 v4, v20;
	v25 =	vld.idx.msk [tilespmem:v26+s9+$0x0], $0xffff  }
0xba: {  	v26 =	vld [tilespmem:s21+$0x0]  }
0xbb: {  	[tilespmem:s8+$0xFFFFFFC0] =	vst v18;
	v45 =	vld [tilespmem:s21+$0xFFFFFFC0];
	v30 =	vmul.f32 v31, v30  }
0xbc: {  	v32 =	vld.idx.msk [tilespmem:v61+s9+$0x0], $0xffff  }
0xbd: {  	v39 =	vor.u32 v3, v16;
	v18 =	vmul.f32 v33, v27;
	v27 =	vld [tilespmem:s19+$0xFFFFFFA0];
	[tilespmem:s21+$0x60] =	vst v30  }
0xbe: {  	v21 =	vor.u32 v3, v15;
	v29 =	vmul.f32 v34, v29;
	v30 =	vld.idx.msk [tilespmem:v60+s9+$0x0], $0xffff  }
0xbf: {  	s0 =	simm.s32 $0x3420;
	v35 =	vadd.f32 v36, v35;
	v62 =	vor.u32 v3, v14;
	v31 =	vld [tilespmem:s17+$0xFFFFFFE0];
	v25 =	vmul.f32 v26, v25  }
0xc0: {  	v60 =	vld [tilespmem:s0+$0xFFFFFFE0];
	[tilespmem:s21+$0xFFFFFF60] =	vst v29  }
0xc1: {  	v20 =	vor.u32 v5, v20;
	v42 =	vmul.f32 $2.000000030e-01, v35;
	[tilespmem:s21+$0x0] =	vst v25;
	v25 =	vadd.f32 v40, v37;
	v37 =	vld [tilespmem:s21+$0x10]  }
0xc2: {  	v29 =	vld.idx.msk [tilespmem:v39+s9+$0x0], $0xffff  }
0xc3: {  	[tilespmem:s21+$0xFFFFFFB0] =	vst v18;
	v26 =	vmax.f32 v35, v42;
	v21 =	vld.idx.msk [tilespmem:v21+s9+$0x0], $0xffff;
	v18 =	vmul.f32 v38, v30  }
0xc4: {  	v26 =	vmul.f32 $1.442695020e+00, v26;
	v30 =	vld.idx.msk [tilespmem:v62+s9+$0x0], $0xffff  }
0xc5: {  	v62 =	vld [tilespmem:s0+$0xFFFFFFF0];
	[tilespmem:s21+$0x70] =	vst v18  }
0xc6: {  	(erf) = vpow2.f32 v26;
	v18 =	vadd.f32 v63, v41;
	v41 =	vor.u32 v4, v7;
	v26 =	vld.idx.msk [tilespmem:v20+s9+$0x0], $0xffff  }
0xc7: {  	s18 =	simm.s32 $0xB0;
	v42 =	vmul.f32 $2.000000030e-01, v25;
	v20 =	vadd.f32 v31, v27;
	v27 =	vld [tilespmem:s21+$0x80]  }
0xc8: {  	v44 =	vmov s18;
	v19 =	vmul.f32 v22, v19;
	v31 =	vld [tilespmem:s21+$0xFFFFFF70];
	v22 =	vmul.f32 $2.000000030e-01, v18  }
0xc9: {  	s4 =	simm.s32 $0x5A0;
	v48 =	vor.u32 v4, v14;
	v25 =	vmax.f32 v25, v42;
	v30 =	vmul.f32 v45, v30;
	v45 =	vld [tilespmem:s0+$0x10]  }
0xca: {  	[tilespmem:s8+$0x10] =	vst v19;
	v43 =	vmul.f32 $2.000000030e-01, v20;
	v18 =	vmax.f32 v18, v22;
	v22 =	vshrl.u32 v44, $0x3;
	v44 =	vld [tilespmem:s4+$0x90]  }
0xcb: {  	v46 =	vor.u32 v5, v17;
	v25 =	vmul.f32 $1.442695020e+00, v25;
	v17 =	vshll.u32 v22, v1;
	v22 =	vld.idx.msk [tilespmem:v41+s9+$0x0], $0xffff  }
0xcc: {  	v19 =	vmax.f32 v20, v43;
	v20 =	vmul.f32 v23, v28;
	v23 =	vmul.f32 v24, v32;
	v24 =	vld [tilespmem:s21+$0xFFFFFFD0]  }
0xcd: {  	v6 =	vor.u32 v5, v6;
	[tilespmem:s21+$0xFFFFFFC0] =	vst v30;
	v33 =	vbroadcast v17, $0x0;
	v17 =	vld [tilespmem:s21+$0xFFFFFF80];
	v19 =	vmul.f32 $1.442695020e+00, v19  }
0xce: {  	v18 =	vmul.f32 $1.442695020e+00, v18;
	v34 =	vld.idx.msk [tilespmem:v48+s9+$0x0], $0xffff  }
0xcf: {  	(erf) = vpow2.f32 v25;
	[tilespmem:s8+$0xFFFFFF80] =	vst v20;
	v20 =	vld [tilespmem:s21+$0x20]  }
0xd0: {  	s25 =	simm.s32 $0x90;
	(erf) = vpow2.f32 v18;
	v18 =	vld.idx.msk [tilespmem:v46+s9+$0x0], $0xffff  }
0xd1: {  	[tilespmem:s8+$0xFFFFFFD0] =	vst v23;
	v23 =	vmov s25;
	v25 =	vor.u32 v2, v33;
	(erf) = vpow2.f32 v19;
	v46 =	vld [tilespmem:s4+$0xFFFFFFF0];
	v19 =	vpop (erf)  }
0xd2: {  	s2 =	simm.s32 $0x6680;
	v23 =	vshrl.u32 v23, $0x3;
	v28 =	vnsel vm0, $0x0, v19;
	v19 =	vld.idx.msk [tilespmem:v6+s9+$0x0], $0xffff  }
0xd3: {  	v47 =	vor.u32 v4, v16;
	v6 =	vshll.u32 v23, v1;
	v23 =	vld [tilespmem:s21+$0xFFFFFF90];
	[tilespmem:s2+$0x10] =	vst v28  }
0xd4: {  	[tilespmem:s19+$0x90] =	vst v28;
	v28 =	vbroadcast v6, $0x0;
	v6 =	vmul.f32 v31, v29;
	v31 =	vld [tilespmem:s19+$0x50]  }
0xd5: {  	s10 =	simm.s32 $0x80;
	v58 =	vld [tilespmem:s19+$0x60]  }
0xd6: {  	v29 =	vld.idx.msk [tilespmem:v25+s9+$0x0], $0xffff;
	v25 =	vmov s10  }
0xd7: {  	v50 =	vshrl.u32 v25, $0x3;
	[tilespmem:s21+$0xFFFFFF70] =	vst v6;
	v25 =	vld [tilespmem:s21+$0xFFFFFFE0]  }
0xd8: {  	s14 =	simm.s32 $0xA0;
	v32 =	vld.idx.msk [tilespmem:v47+s9+$0x0], $0xffff;
	v6 =	vpop (erf)  }
0xd9: {  	v49 =	vmov s14;
	v51 =	vor.u32 v2, v28;
	v47 =	vld [tilespmem:s19+$0x70];
	v52 =	vnsel vm0, $0x0, v6  }
0xda: {  	v35 =	vshrl.u32 v49, $0x3;
	v36 =	vshll.u32 v50, v1;
	v6 =	vld [tilespmem:s21+$0x30];
	[tilespmem:s2+$0xFFFFFFF0] =	vst v52  }
0xdb: {  	v30 =	vshll.u32 v35, v1;
	v53 =	vor.u32 v3, v33;
	v35 =	vbroadcast v36, $0x0;
	v54 =	vpop (erf);
	v57 =	vld [tilespmem:s19+$0xFFFFFFB0]  }
0xdc: {  	v30 =	vbroadcast v30, $0x0;
	v44 =	vadd.f32 v45, v44;
	v55 =	vpop (erf);
	[tilespmem:s19+$0xFFFFFFF0] =	vst v52;
	v52 =	vld [tilespmem:s4+$0x40]  }
0xdd: {  	v56 =	vor.u32 v2, v35;
	v29 =	vmul.f32 v31, v29;
	v41 =	vnsel vm0, $0x0, v55;
	v45 =	vld [tilespmem:s19+$0xFFFFFFD0]  }
0xde: {  	v31 =	vor.u32 v2, v30;
	[tilespmem:s2+$0xFFFFFFE0] =	vst v41;
	v38 =	vld.idx.msk [tilespmem:v51+s9+$0x0], $0xffff  }
0xdf: {  	[tilespmem:s19+$0x50] =	vst v29;
	v43 =	vld [tilespmem:s19+$0xFFFFFF60]  }
0xe0: {  	v29 =	vnsel vm0, $0x0, v54;
	[tilespmem:s19+$0xFFFFFFA0] =	vst v41;
	v36 =	vld.idx.msk [tilespmem:v53+s9+$0x0], $0xffff  }
0xe1: {  	v10 =	vmul.f32 v11, v10;
	v49 =	vmul.f32 $2.000000030e-01, v44;
	[tilespmem:s2+$0x0] =	vst v29;
	v53 =	vld [tilespmem:s0+$0x0]  }
0xe2: {  	v11 =	vor.u32 v4, v15;
	v55 =	vor.u32 v5, v7;
	[tilespmem:s19+$0x40] =	vst v29;
	v39 =	vld.idx.msk [tilespmem:v56+s9+$0x0], $0xffff  }
0xe3: {  	v16 =	vor.u32 v5, v16;
	v26 =	vmul.f32 v27, v26;
	v54 =	vmax.f32 v44, v49;
	v29 =	vld.idx.msk [tilespmem:v31+s9+$0x0], $0xffff  }
0xe4: {  	v59 =	vor.u32 v4, v33;
	v22 =	vmul.f32 v9, v22;
	v7 =	vmul.f32 $1.442695020e+00, v54;
	v31 =	vld [tilespmem:s19+$0x0]  }
0xe5: {  	v48 =	vor.u32 v3, v28;
	v19 =	vmul.f32 v12, v19;
	v12 =	vld [tilespmem:s19+$0xFFFFFF90];
	v56 =	vadd.f32 v62, v46  }
0xe6: {  	[tilespmem:s8+$0x20] =	vst v22;
	v61 =	vor.u32 v3, v35;
	v32 =	vmul.f32 v17, v32;
	(erf) = vpow2.f32 v7;
	v62 =	vld [tilespmem:s19+$0xFFFFFFC0]  }
0xe7: {  	[tilespmem:s8+$0x80] =	vst v10;
	v7 =	vor.u32 v5, v15;
	v15 =	vmul.f32 v37, v21;
	v44 =	vld.idx.msk [tilespmem:v55+s9+$0x0], $0xffff;
	v27 =	vmul.f32 $2.000000030e-01, v56  }
0xe8: {  	[tilespmem:s21+$0xFFFFFF80] =	vst v32;
	v38 =	vmul.f32 v57, v38;
	v36 =	vmul.f32 v58, v36;
	v57 =	vadd.f32 v53, v52;
	v58 =	vld [tilespmem:s19+$0x80]  }
0xe9: {  	[tilespmem:s21+$0x10] =	vst v15;
	v27 =	vmax.f32 v56, v27;
	v39 =	vmul.f32 v43, v39;
	v29 =	vmul.f32 v31, v29;
	v31 =	vld [tilespmem:s4+$0xFFFFFFA0]  }
0xea: {  	v52 =	vld.idx.msk [tilespmem:v16+s9+$0x0], $0xffff;
	[tilespmem:s19+$0x60] =	vst v36;
	v21 =	vmul.f32 $2.000000030e-01, v57;
	v15 =	vmul.f32 $1.442695020e+00, v27  }
0xeb: {  	s17 =	simm.s32 $0xD0;
	v63 =	vor.u32 v3, v30;
	v33 =	vor.u32 v5, v33;
	v18 =	vmul.f32 v8, v18;
	v36 =	vld.idx.msk [tilespmem:v59+s9+$0x0], $0xffff  }
0xec: {  	s10 =	simm.s32 $0xF0;
	v16 =	vmov s17;
	v59 =	vld [tilespmem:s19+$0xFFFFFF70];
	[tilespmem:s19+$0xFFFFFF60] =	vst v39;
	v21 =	vmax.f32 v57, v21;
	(erf) = vpow2.f32 v15  }
0xed: {  	[tilespmem:s19+$0xFFFFFFB0] =	vst v38;
	v16 =	vshrl.u32 v16, $0x3;
	v41 =	vld.idx.msk [tilespmem:v61+s9+$0x0], $0xffff;
	v61 =	vmov s10;
	v21 =	vmul.f32 $1.442695020e+00, v21  }
0xee: {  	v16 =	vshll.u32 v16, v1;
	[tilespmem:s19+$0x0] =	vst v29;
	v29 =	vld.idx.msk [tilespmem:v48+s9+$0x0], $0xffff;
	v27 =	vshrl.u32 v61, $0x3;
	v31 =	vadd.f32 v60, v31  }
0xef: {  	[tilespmem:s21+$0x80] =	vst v26;
	v39 =	vld [tilespmem:s19+$0xFFFFFF80];
	v15 =	vmul.f32 v24, v34;
	v17 =	vshll.u32 v27, v1;
	(erf) = vpow2.f32 v21  }
0xf0: {  	[tilespmem:s8+$0xFFFFFF90] =	vst v18;
	v42 =	vld.idx.msk [tilespmem:v63+s9+$0x0], $0xffff;
	v21 =	vor.u32 v4, v35;
	v17 =	vbroadcast v17, $0x0;
	v60 =	vmul.f32 $2.000000030e-01, v31  }
0xf1: {  	[tilespmem:s8+$0xFFFFFFE0] =	vst v19;
	v22 =	vbroadcast v16, $0x0;
	v63 =	vld.idx.msk [tilespmem:v11+s9+$0x0], $0xffff;
	v36 =	vmul.f32 v47, v36  }
0xf2: {  	v11 =	vld [tilespmem:s19+$0x20];
	[tilespmem:s21+$0xFFFFFFD0] =	vst v15;
	v26 =	vor.u32 v2, v17;
	v16 =	vmul.f32 v59, v41;
	v10 =	vmax.f32 v31, v60  }
0xf3: {  	v14 =	vor.u32 v5, v14;
	v15 =	vpop (erf);
	[tilespmem:s19+$0x70] =	vst v36;
	v36 =	vld [tilespmem:s19+$0x10];
	v24 =	vmul.f32 $1.442695020e+00, v10  }
0xf4: {  	s14 =	simm.s32 $0x66C0;
	v15 =	vnsel vm0, $0x0, v15;
	v33 =	vld.idx.msk [tilespmem:v33+s9+$0x0], $0xffff;
	[tilespmem:s19+$0xFFFFFF70] =	vst v16  }
0xf5: {  	s25 =	simm.s32 $0xC0;
	v9 =	vor.u32 v5, v28;
	v27 =	vor.u32 v4, v28;
	[tilespmem:s14+$0x10] =	vst v15;
	v28 =	vpop (erf);
	v54 =	vld.idx.msk [tilespmem:v21+s9+$0x0], $0xffff;
	(erf) = vpow2.f32 v24  }
0xf6: {  	v8 =	vor.u32 v5, v30;
	v19 =	vmov s25;
	[tilespmem:s4+$0x90] =	vst v15;
	v24 =	vld [tilespmem:s4+$0x50];
	v21 =	vnsel vm0, $0x0, v28  }
0xf7: {  	s18 =	simm.s32 $0xE0;
	v19 =	vshrl.u32 v19, $0x3;
	v18 =	vld.idx.msk [tilespmem:v26+s9+$0x0], $0xffff;
	v26 =	vmul.f32 v62, v29;
	v29 =	vor.u32 v2, v22;
	[tilespmem:s14+$0xFFFFFFF0] =	vst v21  }
0xf8: {  	v19 =	vshll.u32 v19, v1;
	v53 =	vld.idx.msk [tilespmem:v14+s9+$0x0], $0xffff;
	v15 =	vmov s18;
	v36 =	vmul.f32 v36, v42;
	[tilespmem:s4+$0xFFFFFFF0] =	vst v21  }
0xf9: {  	v14 =	vor.u32 v5, v35;
	v35 =	vld [tilespmem:s4+$0x60];
	v15 =	vshrl.u32 v15, $0x3;
	v28 =	vmul.f32 v58, v33;
	[tilespmem:s19+$0xFFFFFFC0] =	vst v26  }
0xfa: {  	v55 =	vbroadcast v19, $0x0;
	v16 =	vld [tilespmem:s19+$0xFFFFFFE0];
	v15 =	vshll.u32 v15, v1;
	[tilespmem:s19+$0x10] =	vst v36;
	v39 =	vmul.f32 v39, v54  }
0xfb: {  	v56 =	vor.u32 v3, v17;
	v10 =	vor.u32 v4, v30;
	v30 =	vbroadcast v15, $0x0;
	v15 =	vld [tilespmem:s19+$0x30];
	v57 =	vpop (erf);
	[tilespmem:s19+$0x80] =	vst v28  }
0xfc: {  	v24 =	vmul.f32 v24, v18;
	v62 =	vld.idx.msk [tilespmem:v29+s9+$0x0], $0xffff;
	v29 =	vmul.f32 v20, v63;
	v63 =	vnsel vm0, $0x0, v57;
	[tilespmem:s19+$0xFFFFFF80] =	vst v39  }
0xfd: {  	v60 =	vor.u32 v2, v55;
	v59 =	vld.idx.msk [tilespmem:v27+s9+$0x0], $0xffff;
	[tilespmem:s14+$0x0] =	vst v63  }
0xfe: {  	v13 =	vmul.f32 v13, v44;
	v37 =	vor.u32 v4, v17;
	v58 =	vor.u32 v2, v30;
	v61 =	vld [tilespmem:s4+$0xFFFFFFB0];
	[tilespmem:s4+$0x50] =	vst v24;
	v19 =	vpop (erf)  }
0xff: {  	v26 =	vor.u32 v3, v22;
	v28 =	vor.u32 v3, v55;
	[tilespmem:s4+$0x40] =	vst v63;
	v36 =	vld [tilespmem:s4+$0x0];
	v21 =	vnsel vm0, $0x0, v19  }
0x100: {  	v27 =	vor.u32 v3, v30;
	v18 =	vor.u32 v4, v55;
	v32 =	vld.idx.msk [tilespmem:v56+s9+$0x0], $0xffff;
	[tilespmem:s14+$0xFFFFFFE0] =	vst v21  }
0x101: {  	v20 =	vor.u32 v5, v30;
	v24 =	vor.u32 v4, v30;
	v30 =	vmul.f32 v23, v52;
	v31 =	vld [tilespmem:s4+$0xFFFFFF60];
	[tilespmem:s4+$0xFFFFFFA0] =	vst v21  }
0x102: {  	v23 =	vmul.f32 v25, v53;
	v25 =	vmul.f32 v45, v59;
	v19 =	vor.u32 v4, v22;
	v33 =	vld.idx.msk [tilespmem:v60+s9+$0x0], $0xffff  }
0x103: {  	s3 =	smov.u32 s29;
	s29 =	simm.s32 $0xC;
	s10 =	simm.s32 $0x6E0;
	v34 =	vld.idx.msk [tilespmem:v58+s9+$0x0], $0xffff;
	v38 =	vmul.f32 v61, v62;
	v21 =	vor.u32 v5, v22;
	v22 =	vor.u32 v5, v55  }
.LBB2_5:
0x104: {  	v39 =	vld [tilespmem:s10+$0x90];
	s0 =	sadd.s32 $0x40, s0;
	[tilespmem:s19+$0xFFFFFFD0] =	vst v25  }
0x105: {  	v25 =	vld [tilespmem:s0+$0x10];
	[tilespmem:s4+$0xFFFFFFB0] =	vst v38;
	v32 =	vmul.f32 v35, v32  }
0x106: {  	s29 =	sadd.s32 $0x4, s29;
	v35 =	vld [tilespmem:s0+$0xFFFFFFE0];
	[tilespmem:s21+$0x20] =	vst v29  }
0x107: {  	p0 =	slt.u32 s29, $0x4C;
	v31 =	vmul.f32 v31, v33;
	v29 =	vld [tilespmem:s10+$0xFFFFFFF0];
	[tilespmem:s4+$0x60] =	vst v32  }
0x108: {  	v32 =	vmul.f32 v36, v34;
	v33 =	vld.idx.msk [tilespmem:v37+s9+$0x0], $0xffff;
	[tilespmem:s21+$0xFFFFFF90] =	vst v30  }
0x109: {  	[tilespmem:s4+$0xFFFFFF60] =	vst v31;
	v30 =	vld [tilespmem:s4+$0x70]  }
0x10a: {  	v31 =	vld [tilespmem:s0+$0xFFFFFFF0];
	v25 =	vadd.f32 v25, v39;
	[tilespmem:s4+$0x0] =	vst v32  }
0x10b: {  	v32 =	vld [tilespmem:s10+$0x40];
	[tilespmem:s21+$0xFFFFFFE0] =	vst v23  }
0x10c: {  	v17 =	vor.u32 v5, v17;
	v23 =	vld [tilespmem:s0+$0x0];
	v34 =	vmul.f32 $2.000000030e-01, v25;
	[tilespmem:s8+$0x30] =	vst v13;
	s8 =	smov.u32 s21;
	s21 =	smov.u32 s19;
	s19 =	smov.u32 s4  }
0x10d: {  	s4 =	smov.u32 s10;
	v13 =	vld [tilespmem:s10+$0xFFFFFFA0]  }
0x10e: {  	v25 =	vmax.f32 v25, v34;
	v28 =	vld.idx.msk [tilespmem:v28+s9+$0x0], $0xffff;
	v30 =	vmul.f32 v30, v33  }
0x10f: {  	v29 =	vadd.f32 v31, v29;
	v25 =	vmul.f32 $1.442695020e+00, v25;
	v31 =	vld.idx.msk [tilespmem:v26+s9+$0x0], $0xffff  }
0x110: {  	v33 =	vld.idx.msk [tilespmem:v27+s9+$0x0], $0xffff;
	[tilespmem:s19+$0x70] =	vst v30  }
0x111: {  	v26 =	vmul.f32 $2.000000030e-01, v29;
	v23 =	vadd.f32 v23, v32;
	(erf) = vpow2.f32 v25;
	v25 =	vld.idx.msk [tilespmem:v17+s9+$0x0], $0xffff  }
0x112: {  	s25 =	sadd.s32 $0x40, s25;
	v13 =	vadd.f32 v35, v13;
	v27 =	vld [tilespmem:s19+$0x80]  }
0x113: {  	s2 =	sadd.s32 $0x10, s25;
	s17 =	sadd.s32 $0x20, s25;
	s18 =	sadd.s32 $0x30, s25;
	v30 =	vmov s25;
	v17 =	vmax.f32 v29, v26;
	v26 =	vmul.f32 $2.000000030e-01, v23;
	v29 =	vld [tilespmem:s19+$0xFFFFFF70]  }
0x114: {  	v32 =	vmul.f32 $2.000000030e-01, v13;
	v34 =	vmul.f32 $1.442695020e+00, v17;
	v17 =	vmov s18;
	v35 =	vld [tilespmem:s19+$0xFFFFFFC0]  }
0x115: {  	v36 =	vmov s2;
	v23 =	vmax.f32 v23, v26;
	v17 =	vshrl.u32 v17, $0x3;
	v37 =	vld [tilespmem:s19+$0x10]  }
0x116: {  	v13 =	vmax.f32 v13, v32;
	v23 =	vmul.f32 $1.442695020e+00, v23;
	v17 =	vshll.u32 v17, v1;
	v32 =	vld.idx.msk [tilespmem:v10+s9+$0x0], $0xffff;
	v10 =	vmovc v24  }
0x117: {  	v24 =	vmov s17;
	v17 =	vbroadcast v17, $0x0;
	v38 =	vld [tilespmem:s19+$0xFFFFFF80];
	v25 =	vmul.f32 v27, v25  }
0x118: {  	v26 =	vshrl.u32 v36, $0x3;
	v39 =	vmul.f32 $1.442695020e+00, v13;
	(erf) = vpow2.f32 v34;
	v34 =	vld [tilespmem:s19+$0xFFFFFFD0]  }
0x119: {  	v24 =	vshrl.u32 v24, $0x3;
	v27 =	vor.u32 v2, v17;
	(erf) = vpow2.f32 v23;
	v23 =	vld [tilespmem:s19+$0x20];
	[tilespmem:s19+$0x80] =	vst v25  }
0x11a: {  	v26 =	vshll.u32 v26, v1;
	v25 =	vshrl.u32 v30, $0x3;
	(erf) = vpow2.f32 v39;
	v13 =	vpop (erf);
	v30 =	vld.idx.msk [tilespmem:v14+s9+$0x0], $0xffff  }
0x11b: {  	s14 =	sadd.s32 $0x40, s14;
	v24 =	vshll.u32 v24, v1;
	v25 =	vshll.u32 v25, v1;
	v13 =	vnsel vm0, $0x0, v13;
	v36 =	vld.idx.msk [tilespmem:v9+s9+$0x0], $0xffff;
	v9 =	vmovc v21  }
0x11c: {  	v39 =	vbroadcast v24, $0x0;
	v14 =	vmovc v22;
	v21 =	vbroadcast v26, $0x0;
	[tilespmem:s14+$0x10] =	vst v13;
	v40 =	vld.idx.msk [tilespmem:v7+s9+$0x0], $0xffff;
	v7 =	vmovc v8;
	v8 =	vmov v20  }
0x11d: {  	v20 =	vbroadcast v25, $0x0;
	[tilespmem:s10+$0x90] =	vst v13;
	v13 =	vmul.f32 v29, v28;
	v25 =	vld [tilespmem:s19+$0xFFFFFF90]  }
0x11e: {  	v42 =	vor.u32 v2, v39;
	v41 =	vor.u32 v2, v21;
	v26 =	vor.u32 v3, v21;
	v43 =	vld.idx.msk [tilespmem:v27+s9+$0x0], $0xffff  }
0x11f: {  	v44 =	vor.u32 v2, v20;
	v28 =	vor.u32 v3, v20;
	v27 =	vor.u32 v3, v39;
	v45 =	vld [tilespmem:s10+$0x50];
	[tilespmem:s19+$0xFFFFFF70] =	vst v13  }
0x120: {  	v49 =	vmul.f32 v35, v31;
	v37 =	vmul.f32 v37, v33;
	v46 =	vor.u32 v4, v21;
	v47 =	vld.idx.msk [tilespmem:v18+s9+$0x0], $0xffff  }
0x121: {  	v24 =	vor.u32 v4, v39;
	v29 =	vmul.f32 v11, v32;
	v18 =	vor.u32 v4, v20;
	v22 =	vpop (erf);
	v33 =	vld [tilespmem:s19+$0xFFFFFFE0]  }
0x122: {  	v21 =	vor.u32 v5, v21;
	v32 =	vor.u32 v3, v17;
	v51 =	vnsel vm0, $0x0, v22;
	v31 =	vpop (erf);
	[tilespmem:s19+$0xFFFFFFC0] =	vst v49;
	v35 =	vld [tilespmem:s19+$0x30]  }
0x123: {  	v22 =	vor.u32 v5, v20;
	v20 =	vor.u32 v5, v39;
	[tilespmem:s14+$0xFFFFFFF0] =	vst v51;
	v48 =	vnsel vm0, $0x0, v31;
	v13 =	vpop (erf);
	v39 =	vld.idx.msk [tilespmem:v19+s9+$0x0], $0xffff  }
0x124: {  	v11 =	vmovc v23;
	v30 =	vmul.f32 v12, v30;
	v49 =	vnsel vm0, $0x0, v13;
	[tilespmem:s10+$0xFFFFFFF0] =	vst v51;
	v50 =	vld [tilespmem:s10+$0xFFFFFFB0];
	v43 =	vmul.f32 v45, v43  }
0x125: {  	v23 =	vmul.f32 v16, v36;
	v12 =	vmov v25;
	v13 =	vmul.f32 v6, v40;
	[tilespmem:s14+$0xFFFFFFE0] =	vst v49;
	v41 =	vld.idx.msk [tilespmem:v41+s9+$0x0], $0xffff  }
0x126: {  	v19 =	vmovc v46;
	v6 =	vmov v15;
	v40 =	vmul.f32 v38, v47;
	v31 =	vld [tilespmem:s10+$0xFFFFFF60];
	[tilespmem:s10+$0x50] =	vst v43;
	v16 =	vmov v33  }
.Ltmp1:
0x127: {  	[tilespmem:s10+$0xFFFFFFA0] =	vst v49;
	v32 =	vld.idx.msk [tilespmem:v32+s9+$0x0], $0xffff;
	v15 =	vmov v35;
	(pc) =	sbr.rel @p0 .LBB2_5-.Ltmp1, $4  }
0x128: {  	[tilespmem:s14+$0x0] =	vst v48;
	v35 =	vld [tilespmem:s10+$0x60]  }
0x129: {  	v25 =	vmul.f32 v34, v39;
	v33 =	vld.idx.msk [tilespmem:v44+s9+$0x0], $0xffff;
	[tilespmem:s10+$0x40] =	vst v48  }
0x12a: {  	v34 =	vld.idx.msk [tilespmem:v42+s9+$0x0], $0xffff;
	[tilespmem:s19+$0x10] =	vst v37  }
0x12b: {  	s10 =	sadd.s32 $0x140, s10;
	v38 =	vmul.f32 v50, v41;
	v37 =	vor.u32 v4, v17;
	v36 =	vld [tilespmem:s4+$0x0];
	[tilespmem:s19+$0xFFFFFF80] =	vst v40  }
0x12c: {  	_ = 	snop  }
0x12d: {  	v46 =	vld [tilespmem:s4+$0x70];
	v32 =	vmul.f32 v35, v32  }
0x12e: {  	v48 =	vld [tilespmem:s4+$0xFFFFFFC0]  }
0x12f: {  	v49 =	vld [tilespmem:s4+$0x10];
	[tilespmem:s4+$0x60] =	vst v32  }
0x130: {  	v32 =	vld.idx.msk [tilespmem:v37+s9+$0x0], $0xffff  }
0x131: {  	v50 =	vld [tilespmem:s4+$0xFFFFFF80]  }
0x132: {  	v51 =	vld [tilespmem:s4+$0xFFFFFFD0];
	v31 =	vmul.f32 v31, v33  }
0x133: {  	v52 =	vld [tilespmem:s4+$0x20];
	[tilespmem:s4+$0xFFFFFFB0] =	vst v38;
	v47 =	vmul.f32 v36, v34  }
0x134: {  	v26 =	vld.idx.msk [tilespmem:v26+s9+$0x0], $0xffff;
	[tilespmem:s4+$0xFFFFFF60] =	vst v31  }
0x135: {  	v28 =	vld.idx.msk [tilespmem:v28+s9+$0x0], $0xffff;
	[tilespmem:s4+$0x0] =	vst v47;
	v31 =	vmul.f32 v46, v32  }
0x136: {  	v27 =	vld.idx.msk [tilespmem:v27+s9+$0x0], $0xffff  }
0x137: {  	[tilespmem:s4+$0x70] =	vst v31;
	v31 =	vld [tilespmem:s4+$0xFFFFFF70]  }
0x138: {  	v10 =	vld.idx.msk [tilespmem:v10+s9+$0x0], $0xffff  }
0x139: {  	[tilespmem:s19+$0xFFFFFFD0] =	vst v25;
	v25 =	vld [tilespmem:s4+$0x80];
	v26 =	vmul.f32 v48, v26  }
0x13a: {  	v14 =	vld.idx.msk [tilespmem:v14+s9+$0x0], $0xffff  }
0x13b: {  	v9 =	vld.idx.msk [tilespmem:v9+s9+$0x0], $0xffff;
	[tilespmem:s4+$0xFFFFFFC0] =	vst v26;
	v27 =	vmul.f32 v49, v27  }
0x13c: {  	[tilespmem:s21+$0x20] =	vst v29;
	v19 =	vld.idx.msk [tilespmem:v19+s9+$0x0], $0xffff;
	v28 =	vmul.f32 v31, v28  }
0x13d: {  	v17 =	vor.u32 v5, v17;
	v7 =	vld.idx.msk [tilespmem:v7+s9+$0x0], $0xffff;
	v10 =	vmul.f32 v11, v10;
	[tilespmem:s4+$0x10] =	vst v27  }
0x13e: {  	v24 =	vld.idx.msk [tilespmem:v24+s9+$0x0], $0xffff;
	[tilespmem:s4+$0xFFFFFF70] =	vst v28  }
0x13f: {  	[tilespmem:s19+$0x20] =	vst v10;
	v18 =	vld.idx.msk [tilespmem:v18+s9+$0x0], $0xffff  }
0x140: {  	v8 =	vld.idx.msk [tilespmem:v8+s9+$0x0], $0xffff  }
0x141: {  	[tilespmem:s8+$0x30] =	vst v13;
	v26 =	vld [tilespmem:s4+$0x30];
	v13 =	vmul.f32 v51, v19  }
0x142: {  	[tilespmem:s21+$0xFFFFFF90] =	vst v30;
	v17 =	vld.idx.msk [tilespmem:v17+s9+$0x0], $0xffff  }
0x143: {  	[tilespmem:s4+$0xFFFFFFD0] =	vst v13;
	v28 =	vld [tilespmem:s4+$0xFFFFFFE0];
	v13 =	vmul.f32 v52, v24  }
0x144: {  	[tilespmem:s21+$0xFFFFFFE0] =	vst v23;
	v10 =	vld.idx.msk [tilespmem:v21+s9+$0x0], $0xffff;
	v18 =	vmul.f32 v50, v18  }
0x145: {  	v12 =	vmul.f32 v12, v14;
	v31 =	vld [tilespmem:s4+$0xFFFFFF90];
	[tilespmem:s4+$0x20] =	vst v13  }
0x146: {  	v9 =	vmul.f32 v16, v9;
	v13 =	vld.idx.msk [tilespmem:v20+s9+$0x0], $0xffff;
	[tilespmem:s4+$0xFFFFFF80] =	vst v18  }
0x147: {  	v6 =	vmul.f32 v6, v7;
	[tilespmem:s19+$0xFFFFFF90] =	vst v12;
	v11 =	vld.idx.msk [tilespmem:v22+s9+$0x0], $0xffff  }
0x148: {  	[tilespmem:s19+$0xFFFFFFE0] =	vst v9;
	v8 =	vmul.f32 v15, v8  }
0x149: {  	[tilespmem:s21+$0x30] =	vst v6;
	v6 =	vmul.f32 v28, v10  }
0x14a: {  	[tilespmem:s19+$0x30] =	vst v8;
	v17 =	vmul.f32 v25, v17  }
0x14b: {  	[tilespmem:s4+$0xFFFFFFE0] =	vst v6;
	v6 =	vmul.f32 v26, v13  }
0x14c: {  	[tilespmem:s4+$0x80] =	vst v17;
	v7 =	vmul.f32 v31, v11  }
0x14d: {  	[tilespmem:s4+$0x30] =	vst v6  }
0x14e: {  	s0 =	simm.s32 $0x3D40;
	[tilespmem:s4+$0xFFFFFF90] =	vst v7  }
0x14f: {  	[spmem:s31] =	stream.indirect.scatter.add.f32 [tilespmem:s28], [sflag:$0x7], $0x50, s0, s24, $0xb8;
	[tilespmem:$0x132E0] =	vst v63  }
0x150: {  	_ =	swait.ge [sflag:s11], $0x1900  }
0x151: {  	[sflag:s11] =	ssyncset.done $0x0  }
0x152: {  	[sflag:s11] =	ssyncadd.s32 $0xFFFFE700  }
0x153: {  	_ =	swait.ge [sflag:s26], $0x50  }
0x154: {  	[sflag:s26] =	ssyncset.done $0x0  }
0x155: {  	[sflag:s26] =	ssyncadd.s32 $0xFFFFFFB0  }
0x156: {  	_ =	swait.ge [sflag:s26], $0x50  }
0x157: {  	[sflag:s26] =	ssyncset.done $0x0  }
0x158: {  	s19 =	simm.s32 $0x0;
	[sflag:s26] =	ssyncadd.s32 $0xFFFFFFB0  }
0x159: {  	[tilespmem:s28], [sflag:$0x3] =	stream.indirect.gather [hbm4b:s5+s24], $0x50, s19, s24, $0xb8;
	[tilespmem:$0x132E0] =	vst v63  }
0x15a: {  	s21 =	simm.s32 $0x3340  }
0x15b: {  	[tilespmem:s21], [sflag:$0x5] =	stream.indirect.gather [hbm4b:s6+s24], $0x10, s23, s24, $0xb8;
	[tilespmem:$0x132E0] =	vst v63  }
0x15c: {  	_ =	swait.ge [sflag:s12], $0x1900  }
0x15d: {  	[sflag:s12] =	ssyncset.done $0x0  }
0x15e: {  	[sflag:s12] =	ssyncadd.s32 $0xFFFFE700  }
0x15f: {  	_ =	swait.ge [sflag:s13], $0x500  }
0x160: {  	[sflag:s13] =	ssyncset.done $0x0  }
0x161: {  	[sflag:s13] =	ssyncadd.s32 $0xFFFFFB00  }
0x162: {  	v6 =	vld [tilespmem:$0xF0]  }
0x163: {  	v7 =	vld [tilespmem:$0x100]  }
0x164: {  	v8 =	vld [tilespmem:$0x110]  }
0x165: {  	v9 =	vld [tilespmem:$0x120]  }
0x166: {  	v10 =	vld [tilespmem:$0x130]  }
0x167: {  	[tilespmem:$0x3D90] =	vst v6  }
0x168: {  	p0 =	seq.s32 s15, $0x3D;
	s0 =	rddreg [dreg:$0xe];
	[tilespmem:$0x3DA0] =	vst v7  }
0x169: {  	s0 =	sadd.s32 @!p0 s16, s0;
	[tilespmem:$0x3DB0] =	vst v8  }
0x16a: {  	s0 =	sshrl.u32 @!p0 s0, $0x3;
	[tilespmem:$0x3DC0] =	vst v9  }
0x16b: {  	s8 =	simm.s32 @!p0 $0x50;
	s4 =	simm.s32 @!p0 $0x0;
	s2 =	sadd.s32 @!p0 s7, s0;
	[tilespmem:$0x3DD0] =	vst v10  }
0x16c: {  	[tilespmem:s8], [sflag:$0x2] =	stream.linear.gather @!p0 [hbm4b:s2+s4], $0x50, $0x38;
	[tilespmem:$0x132E0] =	vst v63  }
0x16d: {  	s16 =	simm.s32 $0x1AE0;
	s0 =	sadd.s32 @!p0 s3, s0;
	s2 =	simm.s32 @!p0 $0xF0  }
0x16e: {  	[tilespmem:s2], [sflag:$0x2] =	stream.linear.gather @!p0 [hbm4b:s0+s4], $0x50, $0x38;
	[tilespmem:$0x132E0] =	vst v63  }
0x16f: {  	s25 =	simm.s32 $0x3860;
	v6 =	vld [tilespmem:s16+$0x90]  }
0x170: {  	v7 =	vld [tilespmem:s25+$0x10];
	_ =	sdelay $0x1  }
0x171: {  	v8 =	vld [tilespmem:s25+$0xFFFFFFE0]  }
0x172: {  	v9 =	vld [tilespmem:s16+$0xFFFFFFF0]  }
0x173: {  	v10 =	vld [tilespmem:s25+$0xFFFFFFF0]  }
0x174: {  	v11 =	vld [tilespmem:s25+$0x0];
	v6 =	vadd.f32 v7, v6  }
0x175: {  	v7 =	vld [tilespmem:s16+$0x40]  }
0x176: {  	v13 =	vld [tilespmem:s16+$0xFFFFFFA0];
	v12 =	vmul.f32 $2.000000030e-01, v6;
	_ =	sdelay $0x1  }
0x177: {  	v6 =	vmax.f32 v6, v12  }
0x178: {  	v9 =	vadd.f32 v10, v9;
	v6 =	vmul.f32 $1.442695020e+00, v6  }
0x179: {  	v7 =	vadd.f32 v11, v7  }
0x17a: {  	v8 =	vadd.f32 v8, v13;
	(erf) = vpow2.f32 v6;
	v6 =	vmul.f32 $2.000000030e-01, v9  }
0x17b: {  	v10 =	vmul.f32 $2.000000030e-01, v7  }
0x17c: {  	s2 =	simm.s32 $0x30;
	v6 =	vmax.f32 v9, v6;
	v9 =	vmul.f32 $2.000000030e-01, v8  }
0x17d: {  	v11 =	vmov s2;
	v7 =	vmax.f32 v7, v10;
	v6 =	vmul.f32 $1.442695020e+00, v6  }
0x17e: {  	v10 =	vshrl.u32 v11, $0x3;
	v7 =	vmul.f32 $1.442695020e+00, v7;
	v8 =	vmax.f32 v8, v9  }
0x17f: {  	v10 =	vshll.u32 v10, v1;
	(erf) = vpow2.f32 v6;
	v6 =	vmul.f32 $1.442695020e+00, v8  }
0x180: {  	v9 =	vbroadcast v10, $0x0  }
0x181: {  	(erf) = vpow2.f32 v7  }
0x182: {  	v8 =	vor.u32 v2, v9;
	(erf) = vpow2.f32 v6  }
0x183: {  	v6 =	vpop (erf)  }
0x184: {  	s29 =	smov.u32 s3;
	s3 =	simm.s32 $0x10;
	s4 =	simm.s32 $0x6600;
	v6 =	vnsel vm0, $0x0, v6  }
0x185: {  	s10 =	simm.s32 $0x20;
	v7 =	vmov s3;
	[tilespmem:s4+$0x10] =	vst v6  }
0x186: {  	v11 =	vmov s10;
	v7 =	vshrl.u32 v7, $0x3;
	[tilespmem:s16+$0x90] =	vst v6;
	v10 =	vld [tilespmem:s16+$0x50]  }
0x187: {  	s8 =	simm.s32 $0x0;
	v11 =	vshrl.u32 v11, $0x3;
	v7 =	vshll.u32 v7, v1;
	v8 =	vld.idx.msk [tilespmem:v8+s9+$0x0], $0xffff  }
0x188: {  	v11 =	vshll.u32 v11, v1;
	v6 =	vbroadcast v7, $0x0;
	v7 =	vmov s8  }
0x189: {  	s14 =	simm.s32 $0x38A0;
	v7 =	vshrl.u32 v7, $0x3;
	v13 =	vpop (erf)  }
0x18a: {  	v19 =	vld [tilespmem:s14+$0x10];
	v14 =	vor.u32 v3, v9;
	v7 =	vshll.u32 v7, v1;
	v13 =	vnsel vm0, $0x0, v13;
	v15 =	vpop (erf)  }
0x18b: {  	v22 =	vld [tilespmem:s14+$0x0];
	s8 =	simm.s32 $0x1C20;
	v17 =	vbroadcast v7, $0x0;
	v7 =	vbroadcast v11, $0x0;
	[tilespmem:s4+$0xFFFFFFF0] =	vst v13;
	v11 =	vpop (erf)  }
0x18c: {  	v21 =	vld [tilespmem:s8+$0xFFFFFFF0];
	v12 =	vor.u32 v2, v6;
	[tilespmem:s16+$0xFFFFFFF0] =	vst v13;
	v11 =	vnsel vm0, $0x0, v11;
	v8 =	vmul.f32 v10, v8  }
0x18d: {  	v24 =	vld [tilespmem:s8+$0xFFFFFFA0];
	[tilespmem:s4+$0xFFFFFFE0] =	vst v11  }
0x18e: {  	v16 =	vld [tilespmem:s16+$0xFFFFFFB0];
	[tilespmem:s16+$0x50] =	vst v8  }
0x18f: {  	v13 =	vor.u32 v2, v17;
	[tilespmem:s16+$0xFFFFFFA0] =	vst v11;
	v11 =	vld.idx.msk [tilespmem:v14+s9+$0x0], $0xffff  }
0x190: {  	v14 =	vld [tilespmem:s16+$0x60]  }
0x191: {  	v10 =	vor.u32 v2, v7;
	v12 =	vld.idx.msk [tilespmem:v12+s9+$0x0], $0xffff  }
0x192: {  	v8 =	vnsel vm0, $0x0, v15;
	v15 =	vld [tilespmem:s8+$0x90]  }
0x193: {  	v18 =	vld [tilespmem:s16+$0xFFFFFF60]  }
0x194: {  	[tilespmem:s4+$0x0] =	vst v8;
	v13 =	vld.idx.msk [tilespmem:v13+s9+$0x0], $0xffff  }
0x195: {  	[tilespmem:s16+$0x40] =	vst v8;
	v20 =	vld [tilespmem:s16+$0x0];
	v11 =	vmul.f32 v14, v11  }
0x196: {  	v8 =	vld.idx.msk [tilespmem:v10+s9+$0x0], $0xffff  }
0x197: {  	v10 =	vor.u32 v4, v9;
	v15 =	vadd.f32 v19, v15;
	[tilespmem:s16+$0x60] =	vst v11;
	v11 =	vld [tilespmem:s14+$0xFFFFFFF0]  }
0x198: {  	v19 =	vld [tilespmem:s8+$0x40]  }
0x199: {  	s2 =	simm.s32 $0x38E0;
	v14 =	vld [tilespmem:s14+$0xFFFFFFE0];
	v23 =	vmul.f32 $2.000000030e-01, v15  }
0x19a: {  	v58 =	vld [tilespmem:s2+$0x10];
	v25 =	vor.u32 v3, v17  }
0x19b: {  	v26 =	vld [tilespmem:s16+$0x70];
	v27 =	vor.u32 v3, v7;
	v15 =	vmax.f32 v15, v23  }
0x19c: {  	v13 =	vmul.f32 v18, v13;
	v10 =	vld.idx.msk [tilespmem:v10+s9+$0x0], $0xffff;
	v15 =	vmul.f32 $1.442695020e+00, v15;
	v11 =	vadd.f32 v11, v21  }
0x19d: {  	v40 =	vld [tilespmem:s2+$0xFFFFFFF0];
	v12 =	vmul.f32 v16, v12;
	v8 =	vmul.f32 v20, v8;
	v16 =	vadd.f32 v22, v19  }
0x19e: {  	v63 =	vld [tilespmem:s2+$0x0];
	[tilespmem:s16+$0xFFFFFF60] =	vst v13;
	v14 =	vadd.f32 v14, v24;
	(erf) = vpow2.f32 v15;
	v13 =	vmul.f32 $2.000000030e-01, v11  }
0x19f: {  	v9 =	vor.u32 v5, v9;
	[tilespmem:s16+$0xFFFFFFB0] =	vst v12;
	v12 =	vld.idx.msk [tilespmem:v25+s9+$0x0], $0xffff  }
0x1a0: {  	[tilespmem:s16+$0x0] =	vst v8;
	v22 =	vld [tilespmem:s16+$0x10];
	v15 =	vmul.f32 $2.000000030e-01, v16;
	v8 =	vmax.f32 v11, v13;
	v13 =	vmul.f32 $2.000000030e-01, v14  }
0x1a1: {  	s17 =	simm.s32 $0x70;
	v23 =	vor.u32 v3, v6;
	v19 =	vld.idx.msk [tilespmem:v27+s9+$0x0], $0xffff;
	v10 =	vmul.f32 v26, v10;
	v8 =	vmul.f32 $1.442695020e+00, v8  }
0x1a2: {  	v24 =	vld [tilespmem:s16+$0xFFFFFFD0];
	v15 =	vmax.f32 v16, v15;
	v11 =	vmov s17;
	v13 =	vmax.f32 v14, v13  }
0x1a3: {  	v21 =	vld [tilespmem:s16+$0xFFFFFFC0];
	[tilespmem:s16+$0x70] =	vst v10;
	v11 =	vshrl.u32 v11, $0x3;
	(erf) = vpow2.f32 v8;
	v8 =	vmul.f32 $1.442695020e+00, v13  }
0x1a4: {  	v10 =	vld.idx.msk [tilespmem:v9+s9+$0x0], $0xffff;
	v9 =	vmul.f32 $1.442695020e+00, v15;
	v15 =	vshll.u32 v11, v1  }
0x1a5: {  	s18 =	simm.s32 $0x50;
	v20 =	vbroadcast v15, $0x0;
	v15 =	vld [tilespmem:s16+$0xFFFFFF70]  }
0x1a6: {  	v18 =	vld.idx.msk [tilespmem:v23+s9+$0x0], $0xffff;
	(erf) = vpow2.f32 v9;
	v9 =	vmov s18  }
0x1a7: {  	v23 =	vld [tilespmem:s16+$0xFFFFFF80];
	(erf) = vpow2.f32 v8;
	v9 =	vshrl.u32 v9, $0x3;
	v8 =	vpop (erf)  }
0x1a8: {  	s19 =	simm.s32 $0x6640;
	v11 =	vld [tilespmem:s16+$0x80];
	v13 =	vor.u32 v2, v20;
	v9 =	vshll.u32 v9, v1;
	v8 =	vnsel vm0, $0x0, v8  }
0x1a9: {  	v16 =	vor.u32 v4, v17;
	v14 =	vbroadcast v9, $0x0;
	v9 =	vld [tilespmem:s16+$0x20];
	[tilespmem:s19+$0x10] =	vst v8  }
0x1aa: {  	v12 =	vmul.f32 v15, v12;
	[tilespmem:s8+$0x90] =	vst v8;
	v8 =	vld [tilespmem:s16+$0xFFFFFF90]  }
0x1ab: {  	v26 =	vld [tilespmem:s8+$0x50]  }
0x1ac: {  	s21 =	simm.s32 $0x40;
	v61 =	vld [tilespmem:s8+$0x70]  }
0x1ad: {  	[tilespmem:s16+$0xFFFFFF70] =	vst v12;
	v25 =	vld.idx.msk [tilespmem:v13+s9+$0x0], $0xffff;
	v13 =	vmov s21  }
0x1ae: {  	v27 =	vor.u32 v2, v14;
	v28 =	vld.idx.msk [tilespmem:v16+s9+$0x0], $0xffff;
	v13 =	vshrl.u32 v13, $0x3;
	v12 =	vpop (erf)  }
0x1af: {  	v13 =	vshll.u32 v13, v1;
	v29 =	vnsel vm0, $0x0, v12;
	v12 =	vld [tilespmem:s16+$0xFFFFFFE0]  }
0x1b0: {  	s25 =	simm.s32 $0x60;
	v60 =	vor.u32 v4, v6;
	v31 =	vpop (erf);
	v16 =	vbroadcast v13, $0x0;
	[tilespmem:s19+$0xFFFFFFF0] =	vst v29;
	v13 =	vld [tilespmem:s16+$0x30]  }
0x1b1: {  	v18 =	vmul.f32 v21, v18;
	v15 =	vmov s25;
	v53 =	vpop (erf);
	v54 =	vld [tilespmem:s8+$0xFFFFFFB0]  }
0x1b2: {  	v30 =	vor.u32 v3, v20;
	v15 =	vshrl.u32 v15, $0x3;
	[tilespmem:s8+$0xFFFFFFF0] =	vst v29;
	v32 =	vnsel vm0, $0x0, v53;
	v45 =	vld [tilespmem:s8+$0xFFFFFFC0]  }
0x1b3: {  	v15 =	vshll.u32 v15, v1;
	[tilespmem:s19+$0xFFFFFFE0] =	vst v32;
	v27 =	vld.idx.msk [tilespmem:v27+s9+$0x0], $0xffff  }
0x1b4: {  	[tilespmem:s16+$0xFFFFFFC0] =	vst v18;
	v15 =	vbroadcast v15, $0x0;
	v25 =	vmul.f32 v26, v25;
	v55 =	vld [tilespmem:s8+$0xFFFFFF60]  }
0x1b5: {  	v29 =	vor.u32 v2, v16;
	[tilespmem:s8+$0xFFFFFFA0] =	vst v32;
	v32 =	vld.idx.msk [tilespmem:v60+s9+$0x0], $0xffff  }
0x1b6: {  	v26 =	vor.u32 v2, v15;
	[tilespmem:s8+$0x50] =	vst v25;
	v25 =	vnsel vm0, $0x0, v31;
	v31 =	vld [tilespmem:s8+$0x60]  }
0x1b7: {  	s0 =	simm.s32 $0x3920;
	v30 =	vld.idx.msk [tilespmem:v30+s9+$0x0], $0xffff  }
0x1b8: {  	v60 =	vld [tilespmem:s0+$0xFFFFFFE0];
	[tilespmem:s19+$0x0] =	vst v25;
	s19 =	simm.s32 $0x1D60  }
0x1b9: {  	v57 =	vld [tilespmem:s19+$0x90]  }
0x1ba: {  	v56 =	vor.u32 v4, v20;
	[tilespmem:s8+$0x40] =	vst v25;
	v29 =	vld.idx.msk [tilespmem:v29+s9+$0x0], $0xffff  }
0x1bb: {  	v25 =	vld.idx.msk [tilespmem:v26+s9+$0x0], $0xffff  }
0x1bc: {  	v26 =	vld [tilespmem:s8+$0x0];
	v30 =	vmul.f32 v31, v30  }
0x1bd: {  	v59 =	vld [tilespmem:s19+$0xFFFFFFF0]  }
0x1be: {  	v39 =	vor.u32 v3, v16;
	v41 =	vld [tilespmem:s19+$0x40];
	[tilespmem:s8+$0x60] =	vst v30  }
0x1bf: {  	v21 =	vor.u32 v3, v15;
	v30 =	vld.idx.msk [tilespmem:v56+s9+$0x0], $0xffff  }
0x1c0: {  	v62 =	vor.u32 v3, v14;
	v37 =	vld [tilespmem:s8+$0x10];
	v35 =	vadd.f32 v58, v57;
	v29 =	vmul.f32 v55, v29  }
0x1c1: {  	v18 =	vmul.f32 v54, v27;
	v27 =	vld [tilespmem:s19+$0xFFFFFFA0];
	v25 =	vmul.f32 v26, v25  }
0x1c2: {  	v20 =	vor.u32 v5, v20;
	v31 =	vld [tilespmem:s2+$0xFFFFFFE0];
	v42 =	vmul.f32 $2.000000030e-01, v35;
	[tilespmem:s8+$0xFFFFFF60] =	vst v29  }
0x1c3: {  	[tilespmem:s8+$0x0] =	vst v25;
	v29 =	vld.idx.msk [tilespmem:v39+s9+$0x0], $0xffff  }
0x1c4: {  	[tilespmem:s8+$0xFFFFFFB0] =	vst v18;
	v26 =	vmax.f32 v35, v42;
	v21 =	vld.idx.msk [tilespmem:v21+s9+$0x0], $0xffff;
	v18 =	vmul.f32 v61, v30  }
0x1c5: {  	v26 =	vmul.f32 $1.442695020e+00, v26;
	v30 =	vld.idx.msk [tilespmem:v62+s9+$0x0], $0xffff  }
0x1c6: {  	v62 =	vld [tilespmem:s0+$0xFFFFFFF0];
	[tilespmem:s8+$0x70] =	vst v18;
	v18 =	vadd.f32 v63, v41;
	v41 =	vor.u32 v4, v7  }
0x1c7: {  	s3 =	simm.s32 $0xB0;
	v25 =	vadd.f32 v40, v59;
	(erf) = vpow2.f32 v26;
	v26 =	vld.idx.msk [tilespmem:v20+s9+$0x0], $0xffff;
	v20 =	vadd.f32 v31, v27  }
0x1c8: {  	v44 =	vmov s3;
	v19 =	vmul.f32 v22, v19;
	v27 =	vld [tilespmem:s8+$0x80];
	v22 =	vmul.f32 $2.000000030e-01, v18  }
0x1c9: {  	v48 =	vor.u32 v4, v14;
	v42 =	vmul.f32 $2.000000030e-01, v25;
	v31 =	vld [tilespmem:s8+$0xFFFFFF70];
	v43 =	vmul.f32 $2.000000030e-01, v20  }
0x1ca: {  	[tilespmem:s16+$0x10] =	vst v19;
	v30 =	vmul.f32 v45, v30;
	v45 =	vld [tilespmem:s0+$0x10];
	v18 =	vmax.f32 v18, v22;
	v22 =	vshrl.u32 v44, $0x3  }
0x1cb: {  	v46 =	vor.u32 v5, v17;
	v25 =	vmax.f32 v25, v42;
	v17 =	vshll.u32 v22, v1;
	v22 =	vld.idx.msk [tilespmem:v41+s9+$0x0], $0xffff  }
0x1cc: {  	v19 =	vmax.f32 v20, v43;
	v20 =	vmul.f32 v23, v28;
	v23 =	vmul.f32 v24, v32;
	v24 =	vld [tilespmem:s8+$0xFFFFFFD0]  }
0x1cd: {  	v25 =	vmul.f32 $1.442695020e+00, v25;
	[tilespmem:s8+$0xFFFFFFC0] =	vst v30;
	v33 =	vbroadcast v17, $0x0;
	v17 =	vld [tilespmem:s8+$0xFFFFFF80]  }
0x1ce: {  	v6 =	vor.u32 v5, v6;
	v18 =	vmul.f32 $1.442695020e+00, v18;
	v19 =	vmul.f32 $1.442695020e+00, v19;
	v34 =	vld.idx.msk [tilespmem:v48+s9+$0x0], $0xffff  }
0x1cf: {  	s4 =	simm.s32 $0x90;
	(erf) = vpow2.f32 v25;
	[tilespmem:s16+$0xFFFFFF80] =	vst v20;
	v20 =	vld [tilespmem:s8+$0x20]  }
0x1d0: {  	(erf) = vpow2.f32 v18;
	[tilespmem:s16+$0xFFFFFFD0] =	vst v23;
	v23 =	vmov s4;
	s4 =	simm.s32 $0x1EA0;
	v18 =	vld.idx.msk [tilespmem:v46+s9+$0x0], $0xffff  }
0x1d1: {  	v44 =	vld [tilespmem:s4+$0x90]  }
0x1d2: {  	v25 =	vor.u32 v2, v33;
	(erf) = vpow2.f32 v19;
	v46 =	vld [tilespmem:s4+$0xFFFFFFF0];
	v19 =	vpop (erf)  }
0x1d3: {  	s10 =	simm.s32 $0x6680;
	v23 =	vshrl.u32 v23, $0x3;
	v28 =	vnsel vm0, $0x0, v19;
	v19 =	vld.idx.msk [tilespmem:v6+s9+$0x0], $0xffff  }
0x1d4: {  	v47 =	vor.u32 v4, v16;
	v6 =	vshll.u32 v23, v1;
	v23 =	vld [tilespmem:s8+$0xFFFFFF90];
	[tilespmem:s10+$0x10] =	vst v28  }
0x1d5: {  	[tilespmem:s19+$0x90] =	vst v28;
	v28 =	vbroadcast v6, $0x0;
	v6 =	vmul.f32 v31, v29;
	v31 =	vld [tilespmem:s19+$0x50]  }
0x1d6: {  	s14 =	simm.s32 $0x80;
	v58 =	vld [tilespmem:s19+$0x60]  }
0x1d7: {  	v29 =	vld.idx.msk [tilespmem:v25+s9+$0x0], $0xffff;
	v25 =	vmov s14  }
0x1d8: {  	v50 =	vshrl.u32 v25, $0x3;
	[tilespmem:s8+$0xFFFFFF70] =	vst v6;
	v25 =	vld [tilespmem:s8+$0xFFFFFFE0]  }
0x1d9: {  	s17 =	simm.s32 $0xA0;
	v32 =	vld.idx.msk [tilespmem:v47+s9+$0x0], $0xffff;
	v6 =	vpop (erf)  }
0x1da: {  	v49 =	vmov s17;
	v51 =	vor.u32 v2, v28;
	v47 =	vld [tilespmem:s19+$0x70];
	v52 =	vnsel vm0, $0x0, v6  }
0x1db: {  	v35 =	vshrl.u32 v49, $0x3;
	v36 =	vshll.u32 v50, v1;
	v6 =	vld [tilespmem:s8+$0x30];
	[tilespmem:s10+$0xFFFFFFF0] =	vst v52  }
0x1dc: {  	v30 =	vshll.u32 v35, v1;
	v53 =	vor.u32 v3, v33;
	v35 =	vbroadcast v36, $0x0;
	v54 =	vpop (erf);
	v57 =	vld [tilespmem:s19+$0xFFFFFFB0]  }
0x1dd: {  	v30 =	vbroadcast v30, $0x0;
	v44 =	vadd.f32 v45, v44;
	v55 =	vpop (erf);
	[tilespmem:s19+$0xFFFFFFF0] =	vst v52;
	v52 =	vld [tilespmem:s4+$0x40]  }
0x1de: {  	v56 =	vor.u32 v2, v35;
	v29 =	vmul.f32 v31, v29;
	v41 =	vnsel vm0, $0x0, v55;
	v45 =	vld [tilespmem:s19+$0xFFFFFFD0]  }
0x1df: {  	v31 =	vor.u32 v2, v30;
	[tilespmem:s10+$0xFFFFFFE0] =	vst v41;
	v38 =	vld.idx.msk [tilespmem:v51+s9+$0x0], $0xffff  }
0x1e0: {  	[tilespmem:s19+$0x50] =	vst v29;
	v43 =	vld [tilespmem:s19+$0xFFFFFF60]  }
0x1e1: {  	v29 =	vnsel vm0, $0x0, v54;
	[tilespmem:s19+$0xFFFFFFA0] =	vst v41;
	v36 =	vld.idx.msk [tilespmem:v53+s9+$0x0], $0xffff  }
0x1e2: {  	v10 =	vmul.f32 v11, v10;
	v49 =	vmul.f32 $2.000000030e-01, v44;
	[tilespmem:s10+$0x0] =	vst v29;
	v53 =	vld [tilespmem:s0+$0x0]  }
0x1e3: {  	v11 =	vor.u32 v4, v15;
	v55 =	vor.u32 v5, v7;
	[tilespmem:s19+$0x40] =	vst v29;
	v39 =	vld.idx.msk [tilespmem:v56+s9+$0x0], $0xffff  }
0x1e4: {  	v16 =	vor.u32 v5, v16;
	v26 =	vmul.f32 v27, v26;
	v54 =	vmax.f32 v44, v49;
	v29 =	vld.idx.msk [tilespmem:v31+s9+$0x0], $0xffff  }
0x1e5: {  	v59 =	vor.u32 v4, v33;
	v22 =	vmul.f32 v9, v22;
	v7 =	vmul.f32 $1.442695020e+00, v54;
	v31 =	vld [tilespmem:s19+$0x0]  }
0x1e6: {  	v48 =	vor.u32 v3, v28;
	v19 =	vmul.f32 v12, v19;
	v12 =	vld [tilespmem:s19+$0xFFFFFF90];
	v56 =	vadd.f32 v62, v46  }
0x1e7: {  	[tilespmem:s16+$0x20] =	vst v22;
	v61 =	vor.u32 v3, v35;
	v32 =	vmul.f32 v17, v32;
	(erf) = vpow2.f32 v7;
	v62 =	vld [tilespmem:s19+$0xFFFFFFC0]  }
0x1e8: {  	[tilespmem:s16+$0x80] =	vst v10;
	v7 =	vor.u32 v5, v15;
	v15 =	vmul.f32 v37, v21;
	v44 =	vld.idx.msk [tilespmem:v55+s9+$0x0], $0xffff;
	v27 =	vmul.f32 $2.000000030e-01, v56  }
0x1e9: {  	[tilespmem:s8+$0xFFFFFF80] =	vst v32;
	v38 =	vmul.f32 v57, v38;
	v36 =	vmul.f32 v58, v36;
	v57 =	vadd.f32 v53, v52;
	v58 =	vld [tilespmem:s19+$0x80]  }
0x1ea: {  	[tilespmem:s8+$0x10] =	vst v15;
	v27 =	vmax.f32 v56, v27;
	v39 =	vmul.f32 v43, v39;
	v29 =	vmul.f32 v31, v29;
	v31 =	vld [tilespmem:s4+$0xFFFFFFA0]  }
0x1eb: {  	v52 =	vld.idx.msk [tilespmem:v16+s9+$0x0], $0xffff;
	[tilespmem:s19+$0x60] =	vst v36;
	v21 =	vmul.f32 $2.000000030e-01, v57;
	v15 =	vmul.f32 $1.442695020e+00, v27  }
0x1ec: {  	s21 =	simm.s32 $0xD0;
	v63 =	vor.u32 v3, v30;
	v33 =	vor.u32 v5, v33;
	v18 =	vmul.f32 v8, v18;
	v36 =	vld.idx.msk [tilespmem:v59+s9+$0x0], $0xffff  }
0x1ed: {  	s18 =	simm.s32 $0xF0;
	v16 =	vmov s21;
	v59 =	vld [tilespmem:s19+$0xFFFFFF70];
	[tilespmem:s19+$0xFFFFFF60] =	vst v39;
	v21 =	vmax.f32 v57, v21;
	(erf) = vpow2.f32 v15  }
0x1ee: {  	[tilespmem:s19+$0xFFFFFFB0] =	vst v38;
	v16 =	vshrl.u32 v16, $0x3;
	v41 =	vld.idx.msk [tilespmem:v61+s9+$0x0], $0xffff;
	v61 =	vmov s18;
	v21 =	vmul.f32 $1.442695020e+00, v21  }
0x1ef: {  	v16 =	vshll.u32 v16, v1;
	[tilespmem:s19+$0x0] =	vst v29;
	v29 =	vld.idx.msk [tilespmem:v48+s9+$0x0], $0xffff;
	v27 =	vshrl.u32 v61, $0x3;
	v31 =	vadd.f32 v60, v31  }
0x1f0: {  	[tilespmem:s8+$0x80] =	vst v26;
	v39 =	vld [tilespmem:s19+$0xFFFFFF80];
	v15 =	vmul.f32 v24, v34;
	v17 =	vshll.u32 v27, v1;
	(erf) = vpow2.f32 v21  }
0x1f1: {  	[tilespmem:s16+$0xFFFFFF90] =	vst v18;
	v42 =	vld.idx.msk [tilespmem:v63+s9+$0x0], $0xffff;
	v21 =	vor.u32 v4, v35;
	v17 =	vbroadcast v17, $0x0;
	v60 =	vmul.f32 $2.000000030e-01, v31  }
0x1f2: {  	[tilespmem:s16+$0xFFFFFFE0] =	vst v19;
	v22 =	vbroadcast v16, $0x0;
	v63 =	vld.idx.msk [tilespmem:v11+s9+$0x0], $0xffff;
	v36 =	vmul.f32 v47, v36  }
0x1f3: {  	v11 =	vld [tilespmem:s19+$0x20];
	[tilespmem:s8+$0xFFFFFFD0] =	vst v15;
	v26 =	vor.u32 v2, v17;
	v16 =	vmul.f32 v59, v41;
	v10 =	vmax.f32 v31, v60  }
0x1f4: {  	v14 =	vor.u32 v5, v14;
	v15 =	vpop (erf);
	[tilespmem:s19+$0x70] =	vst v36;
	v36 =	vld [tilespmem:s19+$0x10];
	v24 =	vmul.f32 $1.442695020e+00, v10  }
0x1f5: {  	s14 =	simm.s32 $0x66C0;
	v15 =	vnsel vm0, $0x0, v15;
	v33 =	vld.idx.msk [tilespmem:v33+s9+$0x0], $0xffff;
	[tilespmem:s19+$0xFFFFFF70] =	vst v16  }
0x1f6: {  	v9 =	vor.u32 v5, v28;
	s21 =	simm.s32 $0xC0;
	v27 =	vor.u32 v4, v28;
	[tilespmem:s14+$0x10] =	vst v15;
	v28 =	vpop (erf);
	v54 =	vld.idx.msk [tilespmem:v21+s9+$0x0], $0xffff;
	(erf) = vpow2.f32 v24  }
0x1f7: {  	v8 =	vor.u32 v5, v30;
	v19 =	vmov s21;
	[tilespmem:s4+$0x90] =	vst v15;
	v24 =	vld [tilespmem:s4+$0x50];
	v21 =	vnsel vm0, $0x0, v28  }
0x1f8: {  	s25 =	simm.s32 $0xE0;
	v19 =	vshrl.u32 v19, $0x3;
	v18 =	vld.idx.msk [tilespmem:v26+s9+$0x0], $0xffff;
	v26 =	vmul.f32 v62, v29;
	v29 =	vor.u32 v2, v22;
	[tilespmem:s14+$0xFFFFFFF0] =	vst v21  }
0x1f9: {  	v19 =	vshll.u32 v19, v1;
	v53 =	vld.idx.msk [tilespmem:v14+s9+$0x0], $0xffff;
	v15 =	vmov s25;
	v36 =	vmul.f32 v36, v42;
	[tilespmem:s4+$0xFFFFFFF0] =	vst v21  }
0x1fa: {  	v14 =	vor.u32 v5, v35;
	v35 =	vld [tilespmem:s4+$0x60];
	v15 =	vshrl.u32 v15, $0x3;
	v28 =	vmul.f32 v58, v33;
	[tilespmem:s19+$0xFFFFFFC0] =	vst v26  }
0x1fb: {  	v55 =	vbroadcast v19, $0x0;
	v16 =	vld [tilespmem:s19+$0xFFFFFFE0];
	v15 =	vshll.u32 v15, v1;
	[tilespmem:s19+$0x10] =	vst v36;
	v39 =	vmul.f32 v39, v54  }
0x1fc: {  	v56 =	vor.u32 v3, v17;
	v10 =	vor.u32 v4, v30;
	v30 =	vbroadcast v15, $0x0;
	v15 =	vld [tilespmem:s19+$0x30];
	v57 =	vpop (erf);
	[tilespmem:s19+$0x80] =	vst v28  }
0x1fd: {  	v24 =	vmul.f32 v24, v18;
	v62 =	vld.idx.msk [tilespmem:v29+s9+$0x0], $0xffff;
	v29 =	vmul.f32 v20, v63;
	v63 =	vnsel vm0, $0x0, v57;
	[tilespmem:s19+$0xFFFFFF80] =	vst v39  }
0x1fe: {  	v60 =	vor.u32 v2, v55;
	v59 =	vld.idx.msk [tilespmem:v27+s9+$0x0], $0xffff;
	[tilespmem:s14+$0x0] =	vst v63  }
0x1ff: {  	v13 =	vmul.f32 v13, v44;
	v37 =	vor.u32 v4, v17;
	v58 =	vor.u32 v2, v30;
	v61 =	vld [tilespmem:s4+$0xFFFFFFB0];
	[tilespmem:s4+$0x50] =	vst v24;
	v19 =	vpop (erf)  }
0x200: {  	v26 =	vor.u32 v3, v22;
	v28 =	vor.u32 v3, v55;
	[tilespmem:s4+$0x40] =	vst v63;
	v36 =	vld [tilespmem:s4+$0x0];
	v21 =	vnsel vm0, $0x0, v19  }
0x201: {  	v27 =	vor.u32 v3, v30;
	v18 =	vor.u32 v4, v55;
	v32 =	vld.idx.msk [tilespmem:v56+s9+$0x0], $0xffff;
	[tilespmem:s14+$0xFFFFFFE0] =	vst v21  }
0x202: {  	v20 =	vor.u32 v5, v30;
	v24 =	vor.u32 v4, v30;
	v30 =	vmul.f32 v23, v52;
	v31 =	vld [tilespmem:s4+$0xFFFFFF60];
	[tilespmem:s4+$0xFFFFFFA0] =	vst v21  }
0x203: {  	v23 =	vmul.f32 v25, v53;
	v25 =	vmul.f32 v45, v59;
	v19 =	vor.u32 v4, v22;
	v33 =	vld.idx.msk [tilespmem:v60+s9+$0x0], $0xffff  }
0x204: {  	s10 =	simm.s32 $0x1FE0;
	s25 =	simm.s32 $0xC;
	v34 =	vld.idx.msk [tilespmem:v58+s9+$0x0], $0xffff;
	v38 =	vmul.f32 v61, v62;
	v21 =	vor.u32 v5, v22;
	v22 =	vor.u32 v5, v55  }
.LBB2_7:
0x205: {  	v39 =	vld [tilespmem:s10+$0x90];
	s0 =	sadd.s32 $0x40, s0;
	[tilespmem:s19+$0xFFFFFFD0] =	vst v25  }
0x206: {  	v25 =	vld [tilespmem:s0+$0x10];
	[tilespmem:s4+$0xFFFFFFB0] =	vst v38;
	v32 =	vmul.f32 v35, v32  }
0x207: {  	s25 =	sadd.s32 $0x4, s25;
	v35 =	vld [tilespmem:s0+$0xFFFFFFE0];
	[tilespmem:s8+$0x20] =	vst v29  }
0x208: {  	p0 =	slt.u32 s25, $0x4C;
	v31 =	vmul.f32 v31, v33;
	v29 =	vld [tilespmem:s10+$0xFFFFFFF0];
	[tilespmem:s4+$0x60] =	vst v32  }
0x209: {  	v32 =	vmul.f32 v36, v34;
	v33 =	vld.idx.msk [tilespmem:v37+s9+$0x0], $0xffff;
	[tilespmem:s8+$0xFFFFFF90] =	vst v30  }
0x20a: {  	[tilespmem:s4+$0xFFFFFF60] =	vst v31;
	v30 =	vld [tilespmem:s4+$0x70]  }
0x20b: {  	v31 =	vld [tilespmem:s0+$0xFFFFFFF0];
	v25 =	vadd.f32 v25, v39;
	[tilespmem:s4+$0x0] =	vst v32  }
0x20c: {  	v32 =	vld [tilespmem:s10+$0x40];
	[tilespmem:s8+$0xFFFFFFE0] =	vst v23  }
0x20d: {  	v17 =	vor.u32 v5, v17;
	v23 =	vld [tilespmem:s0+$0x0];
	v34 =	vmul.f32 $2.000000030e-01, v25;
	[tilespmem:s16+$0x30] =	vst v13;
	s16 =	smov.u32 s8;
	s8 =	smov.u32 s19;
	s19 =	smov.u32 s4  }
0x20e: {  	s4 =	smov.u32 s10;
	v13 =	vld [tilespmem:s10+$0xFFFFFFA0]  }
0x20f: {  	v25 =	vmax.f32 v25, v34;
	v28 =	vld.idx.msk [tilespmem:v28+s9+$0x0], $0xffff;
	v30 =	vmul.f32 v30, v33  }
0x210: {  	v29 =	vadd.f32 v31, v29;
	v25 =	vmul.f32 $1.442695020e+00, v25;
	v31 =	vld.idx.msk [tilespmem:v26+s9+$0x0], $0xffff  }
0x211: {  	v33 =	vld.idx.msk [tilespmem:v27+s9+$0x0], $0xffff;
	[tilespmem:s19+$0x70] =	vst v30  }
0x212: {  	v26 =	vmul.f32 $2.000000030e-01, v29;
	v23 =	vadd.f32 v23, v32;
	(erf) = vpow2.f32 v25;
	v25 =	vld.idx.msk [tilespmem:v17+s9+$0x0], $0xffff  }
0x213: {  	s21 =	sadd.s32 $0x40, s21;
	v13 =	vadd.f32 v35, v13;
	v27 =	vld [tilespmem:s19+$0x80]  }
0x214: {  	s2 =	sadd.s32 $0x10, s21;
	s17 =	sadd.s32 $0x20, s21;
	s18 =	sadd.s32 $0x30, s21;
	v30 =	vmov s21;
	v17 =	vmax.f32 v29, v26;
	v26 =	vmul.f32 $2.000000030e-01, v23;
	v29 =	vld [tilespmem:s19+$0xFFFFFF70]  }
0x215: {  	v32 =	vmul.f32 $2.000000030e-01, v13;
	v34 =	vmul.f32 $1.442695020e+00, v17;
	v17 =	vmov s18;
	v35 =	vld [tilespmem:s19+$0xFFFFFFC0]  }
0x216: {  	v36 =	vmov s2;
	v23 =	vmax.f32 v23, v26;
	v17 =	vshrl.u32 v17, $0x3;
	v37 =	vld [tilespmem:s19+$0x10]  }
0x217: {  	v13 =	vmax.f32 v13, v32;
	v23 =	vmul.f32 $1.442695020e+00, v23;
	v17 =	vshll.u32 v17, v1;
	v32 =	vld.idx.msk [tilespmem:v10+s9+$0x0], $0xffff;
	v10 =	vmovc v24  }
0x218: {  	v24 =	vmov s17;
	v17 =	vbroadcast v17, $0x0;
	v38 =	vld [tilespmem:s19+$0xFFFFFF80];
	v25 =	vmul.f32 v27, v25  }
0x219: {  	v26 =	vshrl.u32 v36, $0x3;
	v39 =	vmul.f32 $1.442695020e+00, v13;
	(erf) = vpow2.f32 v34;
	v34 =	vld [tilespmem:s19+$0xFFFFFFD0]  }
0x21a: {  	v24 =	vshrl.u32 v24, $0x3;
	v27 =	vor.u32 v2, v17;
	(erf) = vpow2.f32 v23;
	v23 =	vld [tilespmem:s19+$0x20];
	[tilespmem:s19+$0x80] =	vst v25  }
0x21b: {  	v26 =	vshll.u32 v26, v1;
	v25 =	vshrl.u32 v30, $0x3;
	(erf) = vpow2.f32 v39;
	v13 =	vpop (erf);
	v30 =	vld.idx.msk [tilespmem:v14+s9+$0x0], $0xffff  }
0x21c: {  	s14 =	sadd.s32 $0x40, s14;
	v24 =	vshll.u32 v24, v1;
	v25 =	vshll.u32 v25, v1;
	v13 =	vnsel vm0, $0x0, v13;
	v36 =	vld.idx.msk [tilespmem:v9+s9+$0x0], $0xffff;
	v9 =	vmovc v21  }
0x21d: {  	v39 =	vbroadcast v24, $0x0;
	v14 =	vmovc v22;
	v21 =	vbroadcast v26, $0x0;
	[tilespmem:s14+$0x10] =	vst v13;
	v40 =	vld.idx.msk [tilespmem:v7+s9+$0x0], $0xffff;
	v7 =	vmovc v8;
	v8 =	vmov v20  }
0x21e: {  	v20 =	vbroadcast v25, $0x0;
	[tilespmem:s10+$0x90] =	vst v13;
	v13 =	vmul.f32 v29, v28;
	v25 =	vld [tilespmem:s19+$0xFFFFFF90]  }
0x21f: {  	v42 =	vor.u32 v2, v39;
	v41 =	vor.u32 v2, v21;
	v26 =	vor.u32 v3, v21;
	v43 =	vld.idx.msk [tilespmem:v27+s9+$0x0], $0xffff  }
0x220: {  	v44 =	vor.u32 v2, v20;
	v28 =	vor.u32 v3, v20;
	v27 =	vor.u32 v3, v39;
	v45 =	vld [tilespmem:s10+$0x50];
	[tilespmem:s19+$0xFFFFFF70] =	vst v13  }
0x221: {  	v49 =	vmul.f32 v35, v31;
	v37 =	vmul.f32 v37, v33;
	v46 =	vor.u32 v4, v21;
	v47 =	vld.idx.msk [tilespmem:v18+s9+$0x0], $0xffff  }
0x222: {  	v24 =	vor.u32 v4, v39;
	v29 =	vmul.f32 v11, v32;
	v18 =	vor.u32 v4, v20;
	v22 =	vpop (erf);
	v33 =	vld [tilespmem:s19+$0xFFFFFFE0]  }
0x223: {  	v21 =	vor.u32 v5, v21;
	v32 =	vor.u32 v3, v17;
	v51 =	vnsel vm0, $0x0, v22;
	v31 =	vpop (erf);
	[tilespmem:s19+$0xFFFFFFC0] =	vst v49;
	v35 =	vld [tilespmem:s19+$0x30]  }
0x224: {  	v22 =	vor.u32 v5, v20;
	v20 =	vor.u32 v5, v39;
	[tilespmem:s14+$0xFFFFFFF0] =	vst v51;
	v48 =	vnsel vm0, $0x0, v31;
	v13 =	vpop (erf);
	v39 =	vld.idx.msk [tilespmem:v19+s9+$0x0], $0xffff  }
0x225: {  	v11 =	vmovc v23;
	v30 =	vmul.f32 v12, v30;
	v49 =	vnsel vm0, $0x0, v13;
	[tilespmem:s10+$0xFFFFFFF0] =	vst v51;
	v50 =	vld [tilespmem:s10+$0xFFFFFFB0];
	v43 =	vmul.f32 v45, v43  }
0x226: {  	v23 =	vmul.f32 v16, v36;
	v12 =	vmov v25;
	v13 =	vmul.f32 v6, v40;
	[tilespmem:s14+$0xFFFFFFE0] =	vst v49;
	v41 =	vld.idx.msk [tilespmem:v41+s9+$0x0], $0xffff  }
0x227: {  	v19 =	vmovc v46;
	v6 =	vmov v15;
	v40 =	vmul.f32 v38, v47;
	v31 =	vld [tilespmem:s10+$0xFFFFFF60];
	[tilespmem:s10+$0x50] =	vst v43;
	v16 =	vmov v33  }
.Ltmp2:
0x228: {  	[tilespmem:s10+$0xFFFFFFA0] =	vst v49;
	v32 =	vld.idx.msk [tilespmem:v32+s9+$0x0], $0xffff;
	v15 =	vmov v35;
	(pc) =	sbr.rel @p0 .LBB2_7-.Ltmp2, $4  }
0x229: {  	[tilespmem:s14+$0x0] =	vst v48;
	v35 =	vld [tilespmem:s10+$0x60]  }
0x22a: {  	v25 =	vmul.f32 v34, v39;
	v33 =	vld.idx.msk [tilespmem:v44+s9+$0x0], $0xffff;
	[tilespmem:s10+$0x40] =	vst v48  }
0x22b: {  	v34 =	vld.idx.msk [tilespmem:v42+s9+$0x0], $0xffff;
	[tilespmem:s19+$0x10] =	vst v37  }
0x22c: {  	s10 =	sadd.s32 $0x140, s10;
	v38 =	vmul.f32 v50, v41;
	v37 =	vor.u32 v4, v17;
	v36 =	vld [tilespmem:s4+$0x0];
	[tilespmem:s19+$0xFFFFFF80] =	vst v40  }
0x22d: {  	v47 =	vld [tilespmem:s4+$0x70]  }
0x22e: {  	v50 =	vld [tilespmem:s4+$0xFFFFFF70]  }
0x22f: {  	v51 =	vld [tilespmem:s4+$0xFFFFFFC0]  }
0x230: {  	v52 =	vld [tilespmem:s4+$0x10]  }
0x231: {  	v53 =	vld [tilespmem:s4+$0xFFFFFF80]  }
0x232: {  	v54 =	vld [tilespmem:s4+$0xFFFFFFD0]  }
0x233: {  	v55 =	vld [tilespmem:s4+$0xFFFFFF90];
	v31 =	vmul.f32 v31, v33  }
0x234: {  	v56 =	vld [tilespmem:s4+$0x20];
	[tilespmem:s4+$0xFFFFFFB0] =	vst v38;
	v48 =	vmul.f32 v36, v34  }
0x235: {  	v26 =	vld.idx.msk [tilespmem:v26+s9+$0x0], $0xffff;
	[tilespmem:s4+$0xFFFFFF60] =	vst v31  }
0x236: {  	v28 =	vld.idx.msk [tilespmem:v28+s9+$0x0], $0xffff;
	[tilespmem:s4+$0x0] =	vst v48  }
0x237: {  	v27 =	vld.idx.msk [tilespmem:v27+s9+$0x0], $0xffff  }
0x238: {  	v57 =	vld [tilespmem:s4+$0xFFFFFFE0]  }
0x239: {  	v58 =	vld [tilespmem:s4+$0x30];
	[tilespmem:s19+$0xFFFFFFD0] =	vst v25;
	v32 =	vmul.f32 v35, v32  }
0x23a: {  	v10 =	vld.idx.msk [tilespmem:v10+s9+$0x0], $0xffff;
	[tilespmem:s8+$0x20] =	vst v29;
	v26 =	vmul.f32 v51, v26  }
0x23b: {  	v59 =	vld [tilespmem:s4+$0x80];
	[tilespmem:s4+$0x60] =	vst v32;
	v28 =	vmul.f32 v50, v28  }
0x23c: {  	v32 =	vld.idx.msk [tilespmem:v37+s9+$0x0], $0xffff;
	[tilespmem:s4+$0xFFFFFFC0] =	vst v26;
	v27 =	vmul.f32 v52, v27  }
0x23d: {  	v19 =	vld.idx.msk [tilespmem:v19+s9+$0x0], $0xffff;
	[tilespmem:s4+$0xFFFFFF70] =	vst v28  }
0x23e: {  	v18 =	vld.idx.msk [tilespmem:v18+s9+$0x0], $0xffff;
	[tilespmem:s4+$0x10] =	vst v27  }
0x23f: {  	v17 =	vor.u32 v5, v17;
	[tilespmem:s8+$0xFFFFFF90] =	vst v30;
	v24 =	vld.idx.msk [tilespmem:v24+s9+$0x0], $0xffff  }
0x240: {  	[tilespmem:s8+$0xFFFFFFE0] =	vst v23;
	v14 =	vld.idx.msk [tilespmem:v14+s9+$0x0], $0xffff;
	v10 =	vmul.f32 v11, v10  }
0x241: {  	[tilespmem:s16+$0x30] =	vst v13;
	v9 =	vld.idx.msk [tilespmem:v9+s9+$0x0], $0xffff;
	v49 =	vmul.f32 v47, v32  }
0x242: {  	v7 =	vld.idx.msk [tilespmem:v7+s9+$0x0], $0xffff;
	[tilespmem:s19+$0x20] =	vst v10;
	v60 =	vmul.f32 v54, v19  }
0x243: {  	v8 =	vld.idx.msk [tilespmem:v8+s9+$0x0], $0xffff;
	[tilespmem:s4+$0x70] =	vst v49;
	v18 =	vmul.f32 v53, v18  }
0x244: {  	v17 =	vld.idx.msk [tilespmem:v17+s9+$0x0], $0xffff;
	[tilespmem:s4+$0xFFFFFFD0] =	vst v60;
	v62 =	vmul.f32 v56, v24  }
0x245: {  	v12 =	vmul.f32 v12, v14;
	v63 =	vld.idx.msk [tilespmem:v21+s9+$0x0], $0xffff;
	[tilespmem:s4+$0xFFFFFF80] =	vst v18  }
0x246: {  	v9 =	vmul.f32 v16, v9;
	v61 =	vld.idx.msk [tilespmem:v22+s9+$0x0], $0xffff;
	[tilespmem:s4+$0x20] =	vst v62  }
0x247: {  	v6 =	vmul.f32 v6, v7;
	[tilespmem:s19+$0xFFFFFF90] =	vst v12;
	v13 =	vld.idx.msk [tilespmem:v20+s9+$0x0], $0xffff  }
0x248: {  	[tilespmem:s19+$0xFFFFFFE0] =	vst v9;
	v8 =	vmul.f32 v15, v8  }
0x249: {  	s15 =	sadd.s32 $0x1, s15;
	[tilespmem:s8+$0x30] =	vst v6;
	v17 =	vmul.f32 v59, v17  }
0x24a: {  	p0 =	sne.s32 s15, $0x3E;
	[tilespmem:s19+$0x30] =	vst v8;
	v6 =	vmul.f32 v57, v63  }
.Ltmp3:
0x24b: {  	[tilespmem:s4+$0x80] =	vst v17;
	v7 =	vmul.f32 v55, v61;
	(pc) =	sbr.rel @p0 .LBB2_4-.Ltmp3, $4  }
0x24c: {  	[tilespmem:s4+$0xFFFFFFE0] =	vst v6;
	v6 =	vmul.f32 v58, v13  }
0x24d: {  	[tilespmem:s4+$0xFFFFFF90] =	vst v7  }
0x24e: {  	s21 =	simm.s32 $0x1A40;
	s0 =	simm.s32 $0x3D90;
	[tilespmem:s4+$0x30] =	vst v6  }
0x24f: {  	[spmem:s31] =	stream.indirect.scatter.add.f32 [tilespmem:s21], [sflag:$0x8], $0x50, s0, s24, $0xb8;
	[tilespmem:$0x132E0] =	vst v63  }
0x250: {  	_ =	swait.ge [sflag:s22], $0x1900  }
0x251: {  	[sflag:s22] =	ssyncset.done $0x0  }
0x252: {  	[sflag:s22] =	ssyncadd.s32 $0xFFFFE700  }
0x253: {  	_ =	swait.ge [sflag:s1], $0x500  }
0x254: {  	[sflag:s1] =	ssyncset.done $0x0  }
0x255: {  	[sflag:s1] =	ssyncadd.s32 $0xFFFFFB00  }
0x256: {  	v6 =	vld [tilespmem:$0xA0]  }
0x257: {  	v7 =	vld [tilespmem:$0xB0]  }
0x258: {  	v8 =	vld [tilespmem:$0xC0]  }
0x259: {  	v9 =	vld [tilespmem:$0xD0]  }
0x25a: {  	v10 =	vld [tilespmem:$0xE0]  }
0x25b: {  	[tilespmem:$0x3D40] =	vst v6  }
0x25c: {  	[tilespmem:$0x3D50] =	vst v7  }
0x25d: {  	[tilespmem:$0x3D60] =	vst v8  }
0x25e: {  	[tilespmem:$0x3D70] =	vst v9  }
0x25f: {  	s15 =	simm.s32 $0x1E0;
	[tilespmem:$0x3D80] =	vst v10  }
0x260: {  	s0 =	simm.s32 $0x3360;
	v6 =	vld [tilespmem:s15+$0x90]  }
0x261: {  	v7 =	vld [tilespmem:s0+$0x10];
	_ =	sdelay $0x1  }
0x262: {  	v8 =	vld [tilespmem:s0+$0xFFFFFFE0]  }
0x263: {  	v9 =	vld [tilespmem:s15+$0xFFFFFFF0]  }
0x264: {  	v10 =	vld [tilespmem:s0+$0xFFFFFFF0]  }
0x265: {  	v11 =	vld [tilespmem:s0+$0x0];
	v6 =	vadd.f32 v7, v6  }
0x266: {  	v7 =	vld [tilespmem:s15+$0x40]  }
0x267: {  	v13 =	vld [tilespmem:s15+$0xFFFFFFA0];
	v12 =	vmul.f32 $2.000000030e-01, v6;
	_ =	sdelay $0x1  }
0x268: {  	v6 =	vmax.f32 v6, v12  }
0x269: {  	v9 =	vadd.f32 v10, v9;
	v6 =	vmul.f32 $1.442695020e+00, v6  }
0x26a: {  	v7 =	vadd.f32 v11, v7  }
0x26b: {  	v8 =	vadd.f32 v8, v13;
	(erf) = vpow2.f32 v6;
	v6 =	vmul.f32 $2.000000030e-01, v9  }
0x26c: {  	v10 =	vmul.f32 $2.000000030e-01, v7  }
0x26d: {  	s4 =	simm.s32 $0x30;
	v6 =	vmax.f32 v9, v6;
	v9 =	vmul.f32 $2.000000030e-01, v8  }
0x26e: {  	v11 =	vmov s4;
	v7 =	vmax.f32 v7, v10;
	v6 =	vmul.f32 $1.442695020e+00, v6  }
0x26f: {  	v10 =	vshrl.u32 v11, $0x3;
	v7 =	vmul.f32 $1.442695020e+00, v7;
	v8 =	vmax.f32 v8, v9  }
0x270: {  	v10 =	vshll.u32 v10, v1;
	(erf) = vpow2.f32 v6;
	v6 =	vmul.f32 $1.442695020e+00, v8  }
0x271: {  	v9 =	vbroadcast v10, $0x0  }
0x272: {  	(erf) = vpow2.f32 v7  }
0x273: {  	v8 =	vor.u32 v2, v9;
	(erf) = vpow2.f32 v6  }
0x274: {  	v6 =	vpop (erf)  }
0x275: {  	s8 =	simm.s32 $0x10;
	s2 =	simm.s32 $0x6600;
	s16 =	simm.s32 $0x33A0;
	v6 =	vnsel vm0, $0x0, v6  }
0x276: {  	s14 =	simm.s32 $0x20;
	v19 =	vld [tilespmem:s16+$0x10];
	v7 =	vmov s8;
	[tilespmem:s2+$0x10] =	vst v6  }
0x277: {  	v11 =	vmov s14;
	v7 =	vshrl.u32 v7, $0x3;
	[tilespmem:s15+$0x90] =	vst v6;
	v10 =	vld [tilespmem:s15+$0x50]  }
0x278: {  	s10 =	simm.s32 $0x0;
	v11 =	vshrl.u32 v11, $0x3;
	v7 =	vshll.u32 v7, v1;
	v8 =	vld.idx.msk [tilespmem:v8+s9+$0x0], $0xffff  }
0x279: {  	s3 =	simm.s32 $0x33E0;
	v22 =	vld [tilespmem:s16+$0x0];
	v11 =	vshll.u32 v11, v1;
	v6 =	vbroadcast v7, $0x0;
	v7 =	vmov s10  }
0x27a: {  	v36 =	vld [tilespmem:s3+$0x10];
	v7 =	vshrl.u32 v7, $0x3;
	v13 =	vpop (erf)  }
0x27b: {  	v40 =	vld [tilespmem:s3+$0xFFFFFFF0];
	v14 =	vor.u32 v3, v9;
	v7 =	vshll.u32 v7, v1;
	v13 =	vnsel vm0, $0x0, v13;
	v15 =	vpop (erf)  }
0x27c: {  	v63 =	vld [tilespmem:s3+$0x0];
	s8 =	simm.s32 $0x320;
	v17 =	vbroadcast v7, $0x0;
	v7 =	vbroadcast v11, $0x0;
	[tilespmem:s2+$0xFFFFFFF0] =	vst v13;
	v11 =	vpop (erf)  }
0x27d: {  	v21 =	vld [tilespmem:s8+$0xFFFFFFF0];
	v12 =	vor.u32 v2, v6;
	[tilespmem:s15+$0xFFFFFFF0] =	vst v13;
	v11 =	vnsel vm0, $0x0, v11;
	v8 =	vmul.f32 v10, v8  }
0x27e: {  	v24 =	vld [tilespmem:s8+$0xFFFFFFA0];
	[tilespmem:s2+$0xFFFFFFE0] =	vst v11  }
0x27f: {  	v16 =	vld [tilespmem:s15+$0xFFFFFFB0];
	[tilespmem:s15+$0x50] =	vst v8  }
0x280: {  	v13 =	vor.u32 v2, v17;
	[tilespmem:s15+$0xFFFFFFA0] =	vst v11;
	v11 =	vld.idx.msk [tilespmem:v14+s9+$0x0], $0xffff  }
0x281: {  	v14 =	vld [tilespmem:s15+$0x60]  }
0x282: {  	v10 =	vor.u32 v2, v7;
	v12 =	vld.idx.msk [tilespmem:v12+s9+$0x0], $0xffff  }
0x283: {  	v8 =	vnsel vm0, $0x0, v15;
	v15 =	vld [tilespmem:s8+$0x90]  }
0x284: {  	v18 =	vld [tilespmem:s15+$0xFFFFFF60]  }
0x285: {  	[tilespmem:s2+$0x0] =	vst v8;
	v13 =	vld.idx.msk [tilespmem:v13+s9+$0x0], $0xffff  }
0x286: {  	[tilespmem:s15+$0x40] =	vst v8;
	v20 =	vld [tilespmem:s15+$0x0];
	v11 =	vmul.f32 v14, v11  }
0x287: {  	v8 =	vld.idx.msk [tilespmem:v10+s9+$0x0], $0xffff;
	v10 =	vor.u32 v4, v9  }
0x288: {  	v15 =	vadd.f32 v19, v15;
	[tilespmem:s15+$0x60] =	vst v11;
	v11 =	vld [tilespmem:s16+$0xFFFFFFF0]  }
0x289: {  	v19 =	vld [tilespmem:s8+$0x40]  }
0x28a: {  	v14 =	vld [tilespmem:s16+$0xFFFFFFE0];
	v23 =	vmul.f32 $2.000000030e-01, v15  }
0x28b: {  	v26 =	vld [tilespmem:s15+$0x70];
	v25 =	vor.u32 v3, v17  }
0x28c: {  	v27 =	vor.u32 v3, v7;
	s16 =	simm.s32 $0x460;
	v10 =	vld.idx.msk [tilespmem:v10+s9+$0x0], $0xffff;
	v15 =	vmax.f32 v15, v23  }
0x28d: {  	v13 =	vmul.f32 v18, v13;
	v35 =	vld [tilespmem:s16+$0x90];
	v15 =	vmul.f32 $1.442695020e+00, v15;
	v11 =	vadd.f32 v11, v21  }
0x28e: {  	v12 =	vmul.f32 v16, v12;
	v8 =	vmul.f32 v20, v8;
	v37 =	vld [tilespmem:s16+$0xFFFFFFF0];
	v16 =	vadd.f32 v22, v19  }
0x28f: {  	[tilespmem:s15+$0xFFFFFF60] =	vst v13;
	v41 =	vld [tilespmem:s16+$0x40];
	v14 =	vadd.f32 v14, v24;
	(erf) = vpow2.f32 v15;
	v13 =	vmul.f32 $2.000000030e-01, v11  }
0x290: {  	v9 =	vor.u32 v5, v9;
	[tilespmem:s15+$0xFFFFFFB0] =	vst v12;
	v12 =	vld.idx.msk [tilespmem:v25+s9+$0x0], $0xffff  }
0x291: {  	[tilespmem:s15+$0x0] =	vst v8;
	v22 =	vld [tilespmem:s15+$0x10];
	v15 =	vmul.f32 $2.000000030e-01, v16;
	v8 =	vmax.f32 v11, v13;
	v13 =	vmul.f32 $2.000000030e-01, v14  }
0x292: {  	s17 =	simm.s32 $0x70;
	v23 =	vor.u32 v3, v6;
	v19 =	vld.idx.msk [tilespmem:v27+s9+$0x0], $0xffff;
	v10 =	vmul.f32 v26, v10;
	v8 =	vmul.f32 $1.442695020e+00, v8  }
0x293: {  	v24 =	vld [tilespmem:s15+$0xFFFFFFD0];
	v15 =	vmax.f32 v16, v15;
	v11 =	vmov s17;
	v13 =	vmax.f32 v14, v13  }
0x294: {  	v21 =	vld [tilespmem:s15+$0xFFFFFFC0];
	[tilespmem:s15+$0x70] =	vst v10;
	v11 =	vshrl.u32 v11, $0x3;
	(erf) = vpow2.f32 v8;
	v8 =	vmul.f32 $1.442695020e+00, v13  }
0x295: {  	v10 =	vld.idx.msk [tilespmem:v9+s9+$0x0], $0xffff;
	v9 =	vmul.f32 $1.442695020e+00, v15;
	v15 =	vshll.u32 v11, v1  }
0x296: {  	s18 =	simm.s32 $0x50;
	v20 =	vbroadcast v15, $0x0;
	v15 =	vld [tilespmem:s15+$0xFFFFFF70]  }
0x297: {  	v18 =	vld.idx.msk [tilespmem:v23+s9+$0x0], $0xffff;
	(erf) = vpow2.f32 v9;
	v9 =	vmov s18  }
0x298: {  	v23 =	vld [tilespmem:s15+$0xFFFFFF80];
	v13 =	vor.u32 v2, v20;
	(erf) = vpow2.f32 v8;
	v9 =	vshrl.u32 v9, $0x3;
	v8 =	vpop (erf)  }
0x299: {  	s19 =	simm.s32 $0x6640;
	v11 =	vld [tilespmem:s15+$0x80];
	v9 =	vshll.u32 v9, v1;
	v8 =	vnsel vm0, $0x0, v8  }
0x29a: {  	v16 =	vor.u32 v4, v17;
	v14 =	vbroadcast v9, $0x0;
	v9 =	vld [tilespmem:s15+$0x20];
	[tilespmem:s19+$0x10] =	vst v8  }
0x29b: {  	v12 =	vmul.f32 v15, v12;
	[tilespmem:s8+$0x90] =	vst v8;
	v8 =	vld [tilespmem:s15+$0xFFFFFF90]  }
0x29c: {  	s20 =	simm.s32 $0x40;
	v26 =	vld [tilespmem:s8+$0x50]  }
0x29d: {  	s25 =	simm.s32 $0x60;
	v25 =	vld.idx.msk [tilespmem:v13+s9+$0x0], $0xffff;
	v13 =	vmov s20  }
0x29e: {  	v15 =	vmov s25;
	v27 =	vor.u32 v2, v14;
	[tilespmem:s15+$0xFFFFFF70] =	vst v12;
	v38 =	vld [tilespmem:s8+$0x70];
	v13 =	vshrl.u32 v13, $0x3  }
0x29f: {  	v30 =	vor.u32 v3, v20;
	v15 =	vshrl.u32 v15, $0x3;
	v28 =	vld.idx.msk [tilespmem:v16+s9+$0x0], $0xffff;
	v12 =	vpop (erf);
	v13 =	vshll.u32 v13, v1  }
0x2a0: {  	v15 =	vshll.u32 v15, v1;
	v29 =	vnsel vm0, $0x0, v12;
	v12 =	vld [tilespmem:s15+$0xFFFFFFE0];
	v31 =	vpop (erf);
	v16 =	vbroadcast v13, $0x0  }
0x2a1: {  	v15 =	vbroadcast v15, $0x0;
	[tilespmem:s19+$0xFFFFFFF0] =	vst v29;
	v13 =	vld [tilespmem:s15+$0x30];
	v32 =	vpop (erf)  }
0x2a2: {  	[tilespmem:s8+$0xFFFFFFF0] =	vst v29;
	v32 =	vnsel vm0, $0x0, v32;
	v33 =	vld [tilespmem:s8+$0xFFFFFFB0];
	v29 =	vor.u32 v2, v16;
	v25 =	vmul.f32 v26, v25  }
0x2a3: {  	v26 =	vor.u32 v2, v15;
	[tilespmem:s19+$0xFFFFFFE0] =	vst v32;
	v27 =	vld.idx.msk [tilespmem:v27+s9+$0x0], $0xffff  }
0x2a4: {  	[tilespmem:s8+$0x50] =	vst v25;
	v25 =	vnsel vm0, $0x0, v31;
	v31 =	vld [tilespmem:s8+$0x60]  }
0x2a5: {  	[tilespmem:s8+$0xFFFFFFA0] =	vst v32;
	v30 =	vld.idx.msk [tilespmem:v30+s9+$0x0], $0xffff  }
0x2a6: {  	v61 =	vor.u32 v4, v6;
	v34 =	vld [tilespmem:s8+$0xFFFFFF60];
	[tilespmem:s19+$0x0] =	vst v25  }
0x2a7: {  	[tilespmem:s8+$0x40] =	vst v25;
	v29 =	vld.idx.msk [tilespmem:v29+s9+$0x0], $0xffff  }
0x2a8: {  	v18 =	vmul.f32 v21, v18;
	v60 =	vor.u32 v4, v20;
	v25 =	vld.idx.msk [tilespmem:v26+s9+$0x0], $0xffff  }
0x2a9: {  	v26 =	vld [tilespmem:s8+$0x0]  }
0x2aa: {  	[tilespmem:s15+$0xFFFFFFC0] =	vst v18;
	v45 =	vld [tilespmem:s8+$0xFFFFFFC0];
	v30 =	vmul.f32 v31, v30  }
0x2ab: {  	v32 =	vld.idx.msk [tilespmem:v61+s9+$0x0], $0xffff  }
0x2ac: {  	v39 =	vor.u32 v3, v16;
	v18 =	vmul.f32 v33, v27;
	v27 =	vld [tilespmem:s16+$0xFFFFFFA0];
	[tilespmem:s8+$0x60] =	vst v30  }
0x2ad: {  	v21 =	vor.u32 v3, v15;
	v29 =	vmul.f32 v34, v29;
	v30 =	vld.idx.msk [tilespmem:v60+s9+$0x0], $0xffff  }
0x2ae: {  	s0 =	simm.s32 $0x3420;
	v35 =	vadd.f32 v36, v35;
	v62 =	vor.u32 v3, v14;
	v31 =	vld [tilespmem:s3+$0xFFFFFFE0];
	v25 =	vmul.f32 v26, v25  }
0x2af: {  	v60 =	vld [tilespmem:s0+$0xFFFFFFE0];
	[tilespmem:s8+$0xFFFFFF60] =	vst v29  }
0x2b0: {  	v42 =	vmul.f32 $2.000000030e-01, v35;
	v20 =	vor.u32 v5, v20;
	[tilespmem:s8+$0x0] =	vst v25;
	v25 =	vadd.f32 v40, v37;
	v37 =	vld [tilespmem:s8+$0x10]  }
0x2b1: {  	v29 =	vld.idx.msk [tilespmem:v39+s9+$0x0], $0xffff  }
0x2b2: {  	[tilespmem:s8+$0xFFFFFFB0] =	vst v18;
	v26 =	vmax.f32 v35, v42;
	v21 =	vld.idx.msk [tilespmem:v21+s9+$0x0], $0xffff;
	v18 =	vmul.f32 v38, v30  }
0x2b3: {  	v26 =	vmul.f32 $1.442695020e+00, v26;
	v30 =	vld.idx.msk [tilespmem:v62+s9+$0x0], $0xffff  }
0x2b4: {  	v62 =	vld [tilespmem:s0+$0xFFFFFFF0];
	[tilespmem:s8+$0x70] =	vst v18  }
0x2b5: {  	(erf) = vpow2.f32 v26;
	v18 =	vadd.f32 v63, v41;
	v41 =	vor.u32 v4, v7;
	v26 =	vld.idx.msk [tilespmem:v20+s9+$0x0], $0xffff  }
0x2b6: {  	s4 =	simm.s32 $0xB0;
	v42 =	vmul.f32 $2.000000030e-01, v25;
	v20 =	vadd.f32 v31, v27;
	v27 =	vld [tilespmem:s8+$0x80]  }
0x2b7: {  	v44 =	vmov s4;
	v19 =	vmul.f32 v22, v19;
	v31 =	vld [tilespmem:s8+$0xFFFFFF70];
	v22 =	vmul.f32 $2.000000030e-01, v18  }
0x2b8: {  	s4 =	simm.s32 $0x5A0;
	v48 =	vor.u32 v4, v14;
	v25 =	vmax.f32 v25, v42;
	v30 =	vmul.f32 v45, v30;
	v45 =	vld [tilespmem:s0+$0x10]  }
0x2b9: {  	[tilespmem:s15+$0x10] =	vst v19;
	v43 =	vmul.f32 $2.000000030e-01, v20;
	v18 =	vmax.f32 v18, v22;
	v22 =	vshrl.u32 v44, $0x3;
	v44 =	vld [tilespmem:s4+$0x90]  }
0x2ba: {  	v46 =	vor.u32 v5, v17;
	v25 =	vmul.f32 $1.442695020e+00, v25;
	v17 =	vshll.u32 v22, v1;
	v22 =	vld.idx.msk [tilespmem:v41+s9+$0x0], $0xffff  }
0x2bb: {  	v19 =	vmax.f32 v20, v43;
	v20 =	vmul.f32 v23, v28;
	v23 =	vmul.f32 v24, v32;
	v24 =	vld [tilespmem:s8+$0xFFFFFFD0]  }
0x2bc: {  	v6 =	vor.u32 v5, v6;
	[tilespmem:s8+$0xFFFFFFC0] =	vst v30;
	v33 =	vbroadcast v17, $0x0;
	v17 =	vld [tilespmem:s8+$0xFFFFFF80];
	v19 =	vmul.f32 $1.442695020e+00, v19  }
0x2bd: {  	v18 =	vmul.f32 $1.442695020e+00, v18;
	v34 =	vld.idx.msk [tilespmem:v48+s9+$0x0], $0xffff  }
0x2be: {  	(erf) = vpow2.f32 v25;
	[tilespmem:s15+$0xFFFFFF80] =	vst v20;
	v20 =	vld [tilespmem:s8+$0x20]  }
0x2bf: {  	s10 =	simm.s32 $0x90;
	(erf) = vpow2.f32 v18;
	v18 =	vld.idx.msk [tilespmem:v46+s9+$0x0], $0xffff  }
0x2c0: {  	[tilespmem:s15+$0xFFFFFFD0] =	vst v23;
	v23 =	vmov s10;
	v25 =	vor.u32 v2, v33;
	(erf) = vpow2.f32 v19;
	v46 =	vld [tilespmem:s4+$0xFFFFFFF0];
	v19 =	vpop (erf)  }
0x2c1: {  	s14 =	simm.s32 $0x6680;
	v23 =	vshrl.u32 v23, $0x3;
	v28 =	vnsel vm0, $0x0, v19;
	v19 =	vld.idx.msk [tilespmem:v6+s9+$0x0], $0xffff  }
0x2c2: {  	v47 =	vor.u32 v4, v16;
	v6 =	vshll.u32 v23, v1;
	v23 =	vld [tilespmem:s8+$0xFFFFFF90];
	[tilespmem:s14+$0x10] =	vst v28  }
0x2c3: {  	[tilespmem:s16+$0x90] =	vst v28;
	v28 =	vbroadcast v6, $0x0;
	v6 =	vmul.f32 v31, v29;
	v31 =	vld [tilespmem:s16+$0x50]  }
0x2c4: {  	s17 =	simm.s32 $0x80;
	v58 =	vld [tilespmem:s16+$0x60]  }
0x2c5: {  	v29 =	vld.idx.msk [tilespmem:v25+s9+$0x0], $0xffff;
	v25 =	vmov s17  }
0x2c6: {  	v50 =	vshrl.u32 v25, $0x3;
	[tilespmem:s8+$0xFFFFFF70] =	vst v6;
	v25 =	vld [tilespmem:s8+$0xFFFFFFE0]  }
0x2c7: {  	s18 =	simm.s32 $0xA0;
	v32 =	vld.idx.msk [tilespmem:v47+s9+$0x0], $0xffff;
	v6 =	vpop (erf)  }
0x2c8: {  	v49 =	vmov s18;
	v51 =	vor.u32 v2, v28;
	v47 =	vld [tilespmem:s16+$0x70];
	v52 =	vnsel vm0, $0x0, v6  }
0x2c9: {  	v35 =	vshrl.u32 v49, $0x3;
	v36 =	vshll.u32 v50, v1;
	v6 =	vld [tilespmem:s8+$0x30];
	[tilespmem:s14+$0xFFFFFFF0] =	vst v52  }
0x2ca: {  	v30 =	vshll.u32 v35, v1;
	v53 =	vor.u32 v3, v33;
	v35 =	vbroadcast v36, $0x0;
	v54 =	vpop (erf);
	v57 =	vld [tilespmem:s16+$0xFFFFFFB0]  }
0x2cb: {  	v30 =	vbroadcast v30, $0x0;
	v44 =	vadd.f32 v45, v44;
	v55 =	vpop (erf);
	[tilespmem:s16+$0xFFFFFFF0] =	vst v52;
	v52 =	vld [tilespmem:s4+$0x40]  }
0x2cc: {  	v56 =	vor.u32 v2, v35;
	v29 =	vmul.f32 v31, v29;
	v41 =	vnsel vm0, $0x0, v55;
	v45 =	vld [tilespmem:s16+$0xFFFFFFD0]  }
0x2cd: {  	v31 =	vor.u32 v2, v30;
	[tilespmem:s14+$0xFFFFFFE0] =	vst v41;
	v38 =	vld.idx.msk [tilespmem:v51+s9+$0x0], $0xffff  }
0x2ce: {  	[tilespmem:s16+$0x50] =	vst v29;
	v43 =	vld [tilespmem:s16+$0xFFFFFF60]  }
0x2cf: {  	v29 =	vnsel vm0, $0x0, v54;
	[tilespmem:s16+$0xFFFFFFA0] =	vst v41;
	v36 =	vld.idx.msk [tilespmem:v53+s9+$0x0], $0xffff  }
0x2d0: {  	v10 =	vmul.f32 v11, v10;
	v14 =	vor.u32 v5, v14;
	v49 =	vmul.f32 $2.000000030e-01, v44;
	[tilespmem:s14+$0x0] =	vst v29;
	v53 =	vld [tilespmem:s0+$0x0]  }
0x2d1: {  	v11 =	vor.u32 v4, v15;
	v55 =	vor.u32 v5, v7;
	[tilespmem:s16+$0x40] =	vst v29;
	v39 =	vld.idx.msk [tilespmem:v56+s9+$0x0], $0xffff  }
0x2d2: {  	v16 =	vor.u32 v5, v16;
	v26 =	vmul.f32 v27, v26;
	v54 =	vmax.f32 v44, v49;
	v29 =	vld.idx.msk [tilespmem:v31+s9+$0x0], $0xffff  }
0x2d3: {  	v59 =	vor.u32 v4, v33;
	v22 =	vmul.f32 v9, v22;
	v7 =	vmul.f32 $1.442695020e+00, v54;
	v31 =	vld [tilespmem:s16+$0x0]  }
0x2d4: {  	v48 =	vor.u32 v3, v28;
	v19 =	vmul.f32 v12, v19;
	v12 =	vld [tilespmem:s16+$0xFFFFFF90];
	v56 =	vadd.f32 v62, v46  }
0x2d5: {  	[tilespmem:s15+$0x20] =	vst v22;
	v61 =	vor.u32 v3, v35;
	v32 =	vmul.f32 v17, v32;
	(erf) = vpow2.f32 v7;
	v62 =	vld [tilespmem:s16+$0xFFFFFFC0]  }
0x2d6: {  	[tilespmem:s15+$0x80] =	vst v10;
	v7 =	vor.u32 v5, v15;
	v15 =	vmul.f32 v37, v21;
	v44 =	vld.idx.msk [tilespmem:v55+s9+$0x0], $0xffff;
	v27 =	vmul.f32 $2.000000030e-01, v56  }
0x2d7: {  	[tilespmem:s8+$0xFFFFFF80] =	vst v32;
	v38 =	vmul.f32 v57, v38;
	v36 =	vmul.f32 v58, v36;
	v57 =	vadd.f32 v53, v52;
	v58 =	vld [tilespmem:s16+$0x80]  }
0x2d8: {  	[tilespmem:s8+$0x10] =	vst v15;
	v27 =	vmax.f32 v56, v27;
	v39 =	vmul.f32 v43, v39;
	v29 =	vmul.f32 v31, v29;
	v31 =	vld [tilespmem:s4+$0xFFFFFFA0]  }
0x2d9: {  	v63 =	vor.u32 v3, v30;
	v52 =	vld.idx.msk [tilespmem:v16+s9+$0x0], $0xffff;
	[tilespmem:s16+$0x60] =	vst v36;
	v21 =	vmul.f32 $2.000000030e-01, v57;
	v15 =	vmul.f32 $1.442695020e+00, v27  }
0x2da: {  	s20 =	simm.s32 $0xD0;
	v33 =	vor.u32 v5, v33;
	[tilespmem:s8+$0x80] =	vst v26;
	v18 =	vmul.f32 v8, v18;
	v36 =	vld.idx.msk [tilespmem:v59+s9+$0x0], $0xffff  }
0x2db: {  	s19 =	simm.s32 $0xF0;
	v16 =	vmov s20;
	v59 =	vld [tilespmem:s16+$0xFFFFFF70];
	[tilespmem:s16+$0xFFFFFF60] =	vst v39;
	v21 =	vmax.f32 v57, v21;
	(erf) = vpow2.f32 v15  }
0x2dc: {  	[tilespmem:s16+$0xFFFFFFB0] =	vst v38;
	v16 =	vshrl.u32 v16, $0x3;
	v41 =	vld.idx.msk [tilespmem:v61+s9+$0x0], $0xffff;
	v61 =	vmov s19;
	v21 =	vmul.f32 $1.442695020e+00, v21  }
0x2dd: {  	v16 =	vshll.u32 v16, v1;
	[tilespmem:s16+$0x0] =	vst v29;
	v29 =	vld.idx.msk [tilespmem:v48+s9+$0x0], $0xffff;
	v27 =	vshrl.u32 v61, $0x3;
	v31 =	vadd.f32 v60, v31  }
0x2de: {  	[tilespmem:s15+$0xFFFFFF90] =	vst v18;
	v39 =	vld [tilespmem:s16+$0xFFFFFF80];
	v15 =	vmul.f32 v24, v34;
	v17 =	vshll.u32 v27, v1;
	(erf) = vpow2.f32 v21  }
0x2df: {  	[tilespmem:s15+$0xFFFFFFE0] =	vst v19;
	v42 =	vld.idx.msk [tilespmem:v63+s9+$0x0], $0xffff;
	v21 =	vor.u32 v4, v35;
	v17 =	vbroadcast v17, $0x0;
	v60 =	vmul.f32 $2.000000030e-01, v31  }
0x2e0: {  	v22 =	vbroadcast v16, $0x0;
	v63 =	vld.idx.msk [tilespmem:v11+s9+$0x0], $0xffff;
	[tilespmem:s8+$0xFFFFFFD0] =	vst v15;
	v36 =	vmul.f32 v47, v36  }
0x2e1: {  	v53 =	vld.idx.msk [tilespmem:v14+s9+$0x0], $0xffff;
	v26 =	vor.u32 v2, v17;
	v16 =	vmul.f32 v59, v41;
	v10 =	vmax.f32 v31, v60  }
0x2e2: {  	v15 =	vpop (erf);
	[tilespmem:s16+$0x70] =	vst v36;
	v36 =	vld [tilespmem:s16+$0x10];
	v24 =	vmul.f32 $1.442695020e+00, v10  }
0x2e3: {  	s14 =	simm.s32 $0x66C0;
	v15 =	vnsel vm0, $0x0, v15;
	v33 =	vld.idx.msk [tilespmem:v33+s9+$0x0], $0xffff;
	[tilespmem:s16+$0xFFFFFF70] =	vst v16  }
0x2e4: {  	v9 =	vor.u32 v5, v28;
	v27 =	vor.u32 v4, v28;
	[tilespmem:s14+$0x10] =	vst v15;
	v28 =	vpop (erf);
	v54 =	vld.idx.msk [tilespmem:v21+s9+$0x0], $0xffff;
	(erf) = vpow2.f32 v24  }
0x2e5: {  	v8 =	vor.u32 v5, v30;
	s19 =	simm.s32 $0xC0;
	v14 =	vor.u32 v5, v35;
	[tilespmem:s4+$0x90] =	vst v15;
	v24 =	vld [tilespmem:s4+$0x50];
	v21 =	vnsel vm0, $0x0, v28  }
0x2e6: {  	s25 =	simm.s32 $0xE0;
	v19 =	vmov s19;
	v18 =	vld.idx.msk [tilespmem:v26+s9+$0x0], $0xffff;
	v26 =	vmul.f32 v62, v29;
	v29 =	vor.u32 v2, v22;
	[tilespmem:s14+$0xFFFFFFF0] =	vst v21  }
0x2e7: {  	v11 =	vld [tilespmem:s16+$0x20];
	v19 =	vshrl.u32 v19, $0x3;
	v15 =	vmov s25;
	v36 =	vmul.f32 v36, v42;
	[tilespmem:s4+$0xFFFFFFF0] =	vst v21  }
0x2e8: {  	v19 =	vshll.u32 v19, v1;
	v35 =	vld [tilespmem:s4+$0x60];
	v15 =	vshrl.u32 v15, $0x3;
	v28 =	vmul.f32 v58, v33;
	[tilespmem:s16+$0xFFFFFFC0] =	vst v26  }
0x2e9: {  	v55 =	vbroadcast v19, $0x0;
	v16 =	vld [tilespmem:s16+$0xFFFFFFE0];
	v15 =	vshll.u32 v15, v1;
	[tilespmem:s16+$0x10] =	vst v36;
	v39 =	vmul.f32 v39, v54  }
0x2ea: {  	v56 =	vor.u32 v3, v17;
	v10 =	vor.u32 v4, v30;
	v30 =	vbroadcast v15, $0x0;
	v15 =	vld [tilespmem:s16+$0x30];
	v57 =	vpop (erf);
	[tilespmem:s16+$0x80] =	vst v28  }
0x2eb: {  	v24 =	vmul.f32 v24, v18;
	v62 =	vld.idx.msk [tilespmem:v29+s9+$0x0], $0xffff;
	v29 =	vmul.f32 v20, v63;
	v63 =	vnsel vm0, $0x0, v57;
	[tilespmem:s16+$0xFFFFFF80] =	vst v39  }
0x2ec: {  	v60 =	vor.u32 v2, v55;
	v59 =	vld.idx.msk [tilespmem:v27+s9+$0x0], $0xffff;
	[tilespmem:s14+$0x0] =	vst v63  }
0x2ed: {  	v13 =	vmul.f32 v13, v44;
	v37 =	vor.u32 v4, v17;
	v58 =	vor.u32 v2, v30;
	v61 =	vld [tilespmem:s4+$0xFFFFFFB0];
	[tilespmem:s4+$0x50] =	vst v24;
	v19 =	vpop (erf)  }
0x2ee: {  	v26 =	vor.u32 v3, v22;
	v28 =	vor.u32 v3, v55;
	[tilespmem:s4+$0x40] =	vst v63;
	v36 =	vld [tilespmem:s4+$0x0];
	v21 =	vnsel vm0, $0x0, v19  }
0x2ef: {  	v27 =	vor.u32 v3, v30;
	v18 =	vor.u32 v4, v55;
	v32 =	vld.idx.msk [tilespmem:v56+s9+$0x0], $0xffff;
	[tilespmem:s14+$0xFFFFFFE0] =	vst v21  }
0x2f0: {  	v20 =	vor.u32 v5, v30;
	v24 =	vor.u32 v4, v30;
	v30 =	vmul.f32 v23, v52;
	v31 =	vld [tilespmem:s4+$0xFFFFFF60];
	[tilespmem:s4+$0xFFFFFFA0] =	vst v21  }
0x2f1: {  	v23 =	vmul.f32 v25, v53;
	v25 =	vmul.f32 v45, v59;
	v19 =	vor.u32 v4, v22;
	v33 =	vld.idx.msk [tilespmem:v60+s9+$0x0], $0xffff  }
0x2f2: {  	s10 =	simm.s32 $0x6E0;
	s20 =	simm.s32 $0xC;
	v34 =	vld.idx.msk [tilespmem:v58+s9+$0x0], $0xffff;
	v38 =	vmul.f32 v61, v62;
	v21 =	vor.u32 v5, v22;
	v22 =	vor.u32 v5, v55  }
.LBB2_10:
0x2f3: {  	v39 =	vld [tilespmem:s10+$0x90];
	s0 =	sadd.s32 $0x40, s0;
	[tilespmem:s16+$0xFFFFFFD0] =	vst v25  }
0x2f4: {  	v25 =	vld [tilespmem:s0+$0x10];
	[tilespmem:s4+$0xFFFFFFB0] =	vst v38;
	v32 =	vmul.f32 v35, v32  }
0x2f5: {  	s20 =	sadd.s32 $0x4, s20;
	v35 =	vld [tilespmem:s0+$0xFFFFFFE0];
	[tilespmem:s8+$0x20] =	vst v29  }
0x2f6: {  	p0 =	slt.u32 s20, $0x4C;
	v31 =	vmul.f32 v31, v33;
	v29 =	vld [tilespmem:s10+$0xFFFFFFF0];
	[tilespmem:s4+$0x60] =	vst v32  }
0x2f7: {  	v32 =	vmul.f32 v36, v34;
	v33 =	vld.idx.msk [tilespmem:v37+s9+$0x0], $0xffff;
	[tilespmem:s8+$0xFFFFFF90] =	vst v30  }
0x2f8: {  	[tilespmem:s4+$0xFFFFFF60] =	vst v31;
	v30 =	vld [tilespmem:s4+$0x70]  }
0x2f9: {  	v31 =	vld [tilespmem:s0+$0xFFFFFFF0];
	v25 =	vadd.f32 v25, v39;
	[tilespmem:s4+$0x0] =	vst v32  }
0x2fa: {  	v32 =	vld [tilespmem:s10+$0x40];
	[tilespmem:s8+$0xFFFFFFE0] =	vst v23  }
0x2fb: {  	v17 =	vor.u32 v5, v17;
	v23 =	vld [tilespmem:s0+$0x0];
	v34 =	vmul.f32 $2.000000030e-01, v25;
	[tilespmem:s15+$0x30] =	vst v13;
	s15 =	smov.u32 s8;
	s8 =	smov.u32 s16;
	s16 =	smov.u32 s4  }
0x2fc: {  	s4 =	smov.u32 s10;
	v13 =	vld [tilespmem:s10+$0xFFFFFFA0]  }
0x2fd: {  	v25 =	vmax.f32 v25, v34;
	v28 =	vld.idx.msk [tilespmem:v28+s9+$0x0], $0xffff;
	v30 =	vmul.f32 v30, v33  }
0x2fe: {  	v29 =	vadd.f32 v31, v29;
	v25 =	vmul.f32 $1.442695020e+00, v25;
	v31 =	vld.idx.msk [tilespmem:v26+s9+$0x0], $0xffff  }
0x2ff: {  	v33 =	vld.idx.msk [tilespmem:v27+s9+$0x0], $0xffff;
	[tilespmem:s16+$0x70] =	vst v30  }
0x300: {  	v26 =	vmul.f32 $2.000000030e-01, v29;
	v23 =	vadd.f32 v23, v32;
	(erf) = vpow2.f32 v25;
	v25 =	vld.idx.msk [tilespmem:v17+s9+$0x0], $0xffff  }
0x301: {  	s19 =	sadd.s32 $0x40, s19;
	v13 =	vadd.f32 v35, v13;
	v27 =	vld [tilespmem:s16+$0x80]  }
0x302: {  	s2 =	sadd.s32 $0x10, s19;
	s17 =	sadd.s32 $0x20, s19;
	s18 =	sadd.s32 $0x30, s19;
	v30 =	vmov s19;
	v17 =	vmax.f32 v29, v26;
	v26 =	vmul.f32 $2.000000030e-01, v23;
	v29 =	vld [tilespmem:s16+$0xFFFFFF70]  }
0x303: {  	v32 =	vmul.f32 $2.000000030e-01, v13;
	v34 =	vmul.f32 $1.442695020e+00, v17;
	v17 =	vmov s18;
	v35 =	vld [tilespmem:s16+$0xFFFFFFC0]  }
0x304: {  	v36 =	vmov s2;
	v23 =	vmax.f32 v23, v26;
	v17 =	vshrl.u32 v17, $0x3;
	v37 =	vld [tilespmem:s16+$0x10]  }
0x305: {  	v13 =	vmax.f32 v13, v32;
	v23 =	vmul.f32 $1.442695020e+00, v23;
	v17 =	vshll.u32 v17, v1;
	v32 =	vld.idx.msk [tilespmem:v10+s9+$0x0], $0xffff;
	v10 =	vmovc v24  }
0x306: {  	v24 =	vmov s17;
	v17 =	vbroadcast v17, $0x0;
	v38 =	vld [tilespmem:s16+$0xFFFFFF80];
	v25 =	vmul.f32 v27, v25  }
0x307: {  	v26 =	vshrl.u32 v36, $0x3;
	v39 =	vmul.f32 $1.442695020e+00, v13;
	(erf) = vpow2.f32 v34;
	v34 =	vld [tilespmem:s16+$0xFFFFFFD0]  }
0x308: {  	v24 =	vshrl.u32 v24, $0x3;
	v27 =	vor.u32 v2, v17;
	(erf) = vpow2.f32 v23;
	v23 =	vld [tilespmem:s16+$0x20];
	[tilespmem:s16+$0x80] =	vst v25  }
0x309: {  	v26 =	vshll.u32 v26, v1;
	v25 =	vshrl.u32 v30, $0x3;
	(erf) = vpow2.f32 v39;
	v13 =	vpop (erf);
	v30 =	vld.idx.msk [tilespmem:v14+s9+$0x0], $0xffff  }
0x30a: {  	s14 =	sadd.s32 $0x40, s14;
	v24 =	vshll.u32 v24, v1;
	v25 =	vshll.u32 v25, v1;
	v13 =	vnsel vm0, $0x0, v13;
	v36 =	vld.idx.msk [tilespmem:v9+s9+$0x0], $0xffff;
	v9 =	vmovc v21  }
0x30b: {  	v39 =	vbroadcast v24, $0x0;
	v14 =	vmovc v22;
	v21 =	vbroadcast v26, $0x0;
	[tilespmem:s14+$0x10] =	vst v13;
	v40 =	vld.idx.msk [tilespmem:v7+s9+$0x0], $0xffff;
	v7 =	vmovc v8;
	v8 =	vmov v20  }
0x30c: {  	v20 =	vbroadcast v25, $0x0;
	[tilespmem:s10+$0x90] =	vst v13;
	v13 =	vmul.f32 v29, v28;
	v25 =	vld [tilespmem:s16+$0xFFFFFF90]  }
0x30d: {  	v42 =	vor.u32 v2, v39;
	v41 =	vor.u32 v2, v21;
	v26 =	vor.u32 v3, v21;
	v43 =	vld.idx.msk [tilespmem:v27+s9+$0x0], $0xffff  }
0x30e: {  	v44 =	vor.u32 v2, v20;
	v28 =	vor.u32 v3, v20;
	v27 =	vor.u32 v3, v39;
	v45 =	vld [tilespmem:s10+$0x50];
	[tilespmem:s16+$0xFFFFFF70] =	vst v13  }
0x30f: {  	v49 =	vmul.f32 v35, v31;
	v37 =	vmul.f32 v37, v33;
	v46 =	vor.u32 v4, v21;
	v47 =	vld.idx.msk [tilespmem:v18+s9+$0x0], $0xffff  }
0x310: {  	v24 =	vor.u32 v4, v39;
	v29 =	vmul.f32 v11, v32;
	v18 =	vor.u32 v4, v20;
	v22 =	vpop (erf);
	v33 =	vld [tilespmem:s16+$0xFFFFFFE0]  }
0x311: {  	v21 =	vor.u32 v5, v21;
	v32 =	vor.u32 v3, v17;
	v51 =	vnsel vm0, $0x0, v22;
	v31 =	vpop (erf);
	[tilespmem:s16+$0xFFFFFFC0] =	vst v49;
	v35 =	vld [tilespmem:s16+$0x30]  }
0x312: {  	v22 =	vor.u32 v5, v20;
	v20 =	vor.u32 v5, v39;
	[tilespmem:s14+$0xFFFFFFF0] =	vst v51;
	v48 =	vnsel vm0, $0x0, v31;
	v13 =	vpop (erf);
	v39 =	vld.idx.msk [tilespmem:v19+s9+$0x0], $0xffff  }
0x313: {  	v11 =	vmovc v23;
	v30 =	vmul.f32 v12, v30;
	v49 =	vnsel vm0, $0x0, v13;
	[tilespmem:s10+$0xFFFFFFF0] =	vst v51;
	v50 =	vld [tilespmem:s10+$0xFFFFFFB0];
	v43 =	vmul.f32 v45, v43  }
0x314: {  	v23 =	vmul.f32 v16, v36;
	v12 =	vmov v25;
	v13 =	vmul.f32 v6, v40;
	[tilespmem:s14+$0xFFFFFFE0] =	vst v49;
	v41 =	vld.idx.msk [tilespmem:v41+s9+$0x0], $0xffff  }
0x315: {  	v19 =	vmovc v46;
	v6 =	vmov v15;
	v40 =	vmul.f32 v38, v47;
	v31 =	vld [tilespmem:s10+$0xFFFFFF60];
	[tilespmem:s10+$0x50] =	vst v43;
	v16 =	vmov v33  }
.Ltmp4:
0x316: {  	[tilespmem:s10+$0xFFFFFFA0] =	vst v49;
	v32 =	vld.idx.msk [tilespmem:v32+s9+$0x0], $0xffff;
	v15 =	vmov v35;
	(pc) =	sbr.rel @p0 .LBB2_10-.Ltmp4, $4  }
0x317: {  	[tilespmem:s14+$0x0] =	vst v48;
	v35 =	vld [tilespmem:s10+$0x60]  }
0x318: {  	v25 =	vmul.f32 v34, v39;
	v33 =	vld.idx.msk [tilespmem:v44+s9+$0x0], $0xffff;
	[tilespmem:s10+$0x40] =	vst v48  }
0x319: {  	v34 =	vld.idx.msk [tilespmem:v42+s9+$0x0], $0xffff;
	[tilespmem:s16+$0x10] =	vst v37  }
0x31a: {  	s10 =	sadd.s32 $0x140, s10;
	v38 =	vmul.f32 v50, v41;
	v37 =	vor.u32 v4, v17;
	v36 =	vld [tilespmem:s4+$0x0];
	[tilespmem:s16+$0xFFFFFF80] =	vst v40  }
0x31b: {  	v47 =	vld [tilespmem:s4+$0x70]  }
0x31c: {  	v50 =	vld [tilespmem:s4+$0xFFFFFF70]  }
0x31d: {  	v51 =	vld [tilespmem:s4+$0xFFFFFFC0]  }
0x31e: {  	v52 =	vld [tilespmem:s4+$0x10]  }
0x31f: {  	v53 =	vld [tilespmem:s4+$0xFFFFFF80]  }
0x320: {  	v54 =	vld [tilespmem:s4+$0xFFFFFFD0]  }
0x321: {  	v55 =	vld [tilespmem:s4+$0xFFFFFF90];
	v31 =	vmul.f32 v31, v33  }
0x322: {  	v56 =	vld [tilespmem:s4+$0x20];
	[tilespmem:s4+$0xFFFFFFB0] =	vst v38;
	v48 =	vmul.f32 v36, v34  }
0x323: {  	v26 =	vld.idx.msk [tilespmem:v26+s9+$0x0], $0xffff;
	[tilespmem:s4+$0xFFFFFF60] =	vst v31  }
0x324: {  	v28 =	vld.idx.msk [tilespmem:v28+s9+$0x0], $0xffff;
	[tilespmem:s4+$0x0] =	vst v48  }
0x325: {  	v27 =	vld.idx.msk [tilespmem:v27+s9+$0x0], $0xffff  }
0x326: {  	v57 =	vld [tilespmem:s4+$0xFFFFFFE0]  }
0x327: {  	v58 =	vld [tilespmem:s4+$0x30];
	[tilespmem:s16+$0xFFFFFFD0] =	vst v25;
	v32 =	vmul.f32 v35, v32  }
0x328: {  	v10 =	vld.idx.msk [tilespmem:v10+s9+$0x0], $0xffff;
	[tilespmem:s8+$0x20] =	vst v29;
	v26 =	vmul.f32 v51, v26  }
0x329: {  	v59 =	vld [tilespmem:s4+$0x80];
	[tilespmem:s4+$0x60] =	vst v32;
	v28 =	vmul.f32 v50, v28  }
0x32a: {  	v32 =	vld.idx.msk [tilespmem:v37+s9+$0x0], $0xffff;
	[tilespmem:s4+$0xFFFFFFC0] =	vst v26;
	v27 =	vmul.f32 v52, v27  }
0x32b: {  	v19 =	vld.idx.msk [tilespmem:v19+s9+$0x0], $0xffff;
	[tilespmem:s4+$0xFFFFFF70] =	vst v28  }
0x32c: {  	v18 =	vld.idx.msk [tilespmem:v18+s9+$0x0], $0xffff;
	[tilespmem:s4+$0x10] =	vst v27  }
0x32d: {  	v17 =	vor.u32 v5, v17;
	[tilespmem:s8+$0xFFFFFF90] =	vst v30;
	v24 =	vld.idx.msk [tilespmem:v24+s9+$0x0], $0xffff  }
0x32e: {  	[tilespmem:s8+$0xFFFFFFE0] =	vst v23;
	v14 =	vld.idx.msk [tilespmem:v14+s9+$0x0], $0xffff;
	v10 =	vmul.f32 v11, v10  }
0x32f: {  	[tilespmem:s15+$0x30] =	vst v13;
	v9 =	vld.idx.msk [tilespmem:v9+s9+$0x0], $0xffff;
	v49 =	vmul.f32 v47, v32  }
0x330: {  	v7 =	vld.idx.msk [tilespmem:v7+s9+$0x0], $0xffff;
	[tilespmem:s16+$0x20] =	vst v10;
	v60 =	vmul.f32 v54, v19  }
0x331: {  	v8 =	vld.idx.msk [tilespmem:v8+s9+$0x0], $0xffff;
	[tilespmem:s4+$0x70] =	vst v49;
	v18 =	vmul.f32 v53, v18  }
0x332: {  	v17 =	vld.idx.msk [tilespmem:v17+s9+$0x0], $0xffff;
	[tilespmem:s4+$0xFFFFFFD0] =	vst v60;
	v62 =	vmul.f32 v56, v24  }
0x333: {  	v12 =	vmul.f32 v12, v14;
	v63 =	vld.idx.msk [tilespmem:v21+s9+$0x0], $0xffff;
	[tilespmem:s4+$0xFFFFFF80] =	vst v18  }
0x334: {  	v9 =	vmul.f32 v16, v9;
	v61 =	vld.idx.msk [tilespmem:v22+s9+$0x0], $0xffff;
	[tilespmem:s4+$0x20] =	vst v62  }
0x335: {  	v6 =	vmul.f32 v6, v7;
	[tilespmem:s16+$0xFFFFFF90] =	vst v12;
	v13 =	vld.idx.msk [tilespmem:v20+s9+$0x0], $0xffff  }
0x336: {  	[tilespmem:s16+$0xFFFFFFE0] =	vst v9;
	v8 =	vmul.f32 v15, v8  }
0x337: {  	[tilespmem:s8+$0x30] =	vst v6;
	v17 =	vmul.f32 v59, v17  }
0x338: {  	[tilespmem:s16+$0x30] =	vst v8;
	v6 =	vmul.f32 v57, v63  }
0x339: {  	[tilespmem:s4+$0x80] =	vst v17;
	v7 =	vmul.f32 v55, v61  }
0x33a: {  	[tilespmem:s4+$0xFFFFFFE0] =	vst v6;
	v6 =	vmul.f32 v58, v13  }
0x33b: {  	[tilespmem:s4+$0xFFFFFF90] =	vst v7  }
0x33c: {  	s0 =	simm.s32 $0x3D40;
	[tilespmem:s4+$0x30] =	vst v6  }
0x33d: {  	[spmem:s31] =	stream.indirect.scatter.add.f32 [tilespmem:s28], [sflag:$0x7], $0x50, s0, s24, $0xb8;
	[tilespmem:$0x132E0] =	vst v63  }
0x33e: {  	_ =	swait.ge [sflag:s11], $0x1900  }
0x33f: {  	[sflag:s11] =	ssyncset.done $0x0  }
0x340: {  	s16 =	simm.s32 $0x8;
	[sflag:s11] =	ssyncadd.s32 $0xFFFFE700  }
0x341: {  	_ =	swait.ge [sflag:s16], $0x1900  }
0x342: {  	[sflag:s16] =	ssyncset.done $0x0  }
0x343: {  	[sflag:s16] =	ssyncadd.s32 $0xFFFFE700  }
0x344: {  	s17 =	stileid.u32;
	[bflag:$0x0] =	sbarrier.arrive $0xFFFF  }
0x345: {  	s19 =	simm.s32 $0x9;
	s0 =	sshll.u32 s17, $0x6;
	s3 =	rddreg [dreg:$0x4]  }
0x346: {  	s0 =	sor.u32 $0x1C09, s0;
	s18 =	rddreg [dreg:$0xf];
	s2 =	sshrl.u32 s3, $0x3  }
0x347: {  	[hbm:s18], [sflag:s0] =	dma.local [spmem:s2], $0x1900  }
0x348: {  	_ =	swait.ge [sflag:s19], $0x1900  }
0x349: {  	s20 =	rddreg [dreg:$0x11]  }
0x34a: {  	s25 =	rddreg [dreg:$0x10];
	s4 =	sadd.s32 $0x1, s20  }
0x34b: {  	p0 =	sne.s32 s4, s25  }
.Ltmp5:
0x34c: {  	_ = 	snop;
	(pc) =	sbr.rel @p0 .LBB2_1-.Ltmp5, $3  }
0x34d: {  	_ =	sdelay $0x1  }
0x34e: {  	[sflag:s19] =	ssyncset.done $0x0  }
0x34f: {  	[sflag:s19] =	ssyncadd.s32 $0xFFFFE700  }
0x350: {  	_ =	sfence.sel $0x180000  }
0x351: {  	[bflag:$0x0] =	sbarrier.arrive $0xFFFF  }
0x352: {  	_ =	strace $0x90000047  }
0x353: {  	s0 =	stileid.u32;
	[bflag:$0x2] =	sbarrier.arrive $0xFFFF  }
0x354: {  	p0 =	sne.s32 s0, $0x0;
	s0 =	rddreg [dreg:$0x3]  }
0x355: {  	s0 =	sadd.s32 @!p0 $0x100000, s0  }
0x356: {  	[sflag:s0] =	ssyncadd.tile.s32 @!p0 $0x1;
	_ =	shalt  }
.Lfunc_end2:
_tile_overlayer_lowered:
.L_overlay_start_2:
0x357: {  	(tag) =	ssettag $0x2  }
0x358: {  	s0 =	rddreg [dreg:$0x0];
	s2 =	stileid.u32  }
0x359: {  	s1 =	rddreg [dreg:$0x1];
	p0 =	sne.s32 s2, $0x0  }
0x35a: {  	s3 =	rddreg [dreg:$0x2];
	[bflag:$0x3] =	sbarrier.arrive $0xFFFF;
	s2 =	simm.s32 @!p0 $0x1C09  }
0x35b: {  	[timem:s3], [sflag:s2] =	dma.local @!p0 [hbm:s0], s1  }
0x35c: {  	s0 =	simm.s32 @!p0 $0x9  }
0x35d: {  	_ =	swait.ge @!p0 [sflag:s0], s1  }
0x35e: {  	s1 =	ssub.s32 @!p0 $0x0, s1;
	[sflag:s0] =	ssyncset.done @!p0 $0x0  }
0x35f: {  	[sflag:s0] =	ssyncadd.s32 @!p0 s1  }
0x360: {  	[bflag:$0x3] =	sbarrier.arrive $0xFFFF  }
0x361: {  	_ =	shalt  }

</sc_bundles>
